<compile_context>
chip_gen: v7x
topology: tpu7x:2x2x1
jax: 0.10.2.dev20260603
libtpu: 0.0.44.dev20260713+nightly
codegen_flags: <defaults>
</compile_context>

<pallas_src>
import functools

import jax
import jax.numpy as jnp
from jax import lax
from jax.experimental import pallas as pl
from jax.experimental.pallas import tpu as pltpu
from jax.experimental.pallas import tpu_sc as plsc

B, T, F = 16, 512, 2048
C_OUT = 2048
NUM_CLASSES = 20
K = 64

NC = 2
BB = 2
NB = B // BB
CT = C_OUT // NC
CTH = CT // 2

_HI = jax.lax.Precision.DEFAULT


def _dot(a, b):
    return lax.dot_general(a, b, (((1,), (0,)), ((), ())),
                           precision=_HI, preferred_element_type=jnp.float32)


def _conv_body(x_ref, w_ref, b_ref, wc_ref,
               f_ref, mag_ref, ct_ref, sm_ref, idx_ref, sa_ref, sb_ref):
    c = pl.program_id(0)
    g = pl.program_id(1)
    x2d = x_ref[...].reshape(BB * T, F).astype(jnp.bfloat16)
    p0 = _dot(x2d, w_ref[0]).reshape(BB, T, CT)
    p1 = _dot(x2d, w_ref[1]).reshape(BB, T, CT)
    p2 = _dot(x2d, w_ref[2]).reshape(BB, T, CT)
    z = jnp.zeros((BB, 1, CT), jnp.float32)
    acc = (p1
           + jnp.concatenate([z, p0[:, :-1]], axis=1)
           + jnp.concatenate([p2[:, 1:], z], axis=1))
    bias = b_ref[0:1, :].reshape(1, 1, CT)
    feat3 = jnp.maximum(acc + bias, 0.0)
    f_ref[...] = feat3
    feat = feat3.reshape(BB * T, CT)

    m2 = jnp.sum(feat * feat, axis=1).reshape(BB, 1, T)
    wc = wc_ref[...]
    ct_part = jnp.stack(
        [lax.dot_general(wc, feat3[i], (((0,), (1,)), ((), ())),
                         precision=_HI, preferred_element_type=jnp.float32)
         for i in range(BB)], axis=0)
    tm_part = _dot(feat, wc).reshape(BB, T, NUM_CLASSES)

    rows = pl.ds(g * BB, BB)

    @pl.when(c == 0)
    def _init():
        mag_ref[rows] = m2
        ct_ref[rows] = ct_part
        sm_ref[rows] = tm_part

    @pl.when(c > 0)
    def _acc():
        mag_ref[rows] = mag_ref[rows] + m2
        ct_ref[rows] = ct_ref[rows] + ct_part
        sm_ref[rows] = sm_ref[rows] + tm_part

    @pl.when(c == NC - 1)
    def _final():
        mag_ref[rows] = jnp.sqrt(mag_ref[rows])
        zt = sm_ref[rows]
        m = jnp.max(zt, axis=2, keepdims=True)
        e = jnp.exp(zt - m)
        sm_ref[rows] = e / jnp.sum(e, axis=2, keepdims=True)

    @pl.when((c == NC - 1) & (g == NB - 1))
    def _select():
        _select_logic(mag_ref, ct_ref, idx_ref, sa_ref, sb_ref)


def _select_logic(mag_ref, ct_ref, idx_ref, sa_ref, sb_ref):
    mag = mag_ref[...].reshape(B, T)
    iota = lax.broadcasted_iota(jnp.int32, (B, T), 1)
    big = jnp.int32(1 << 30)
    neg = jnp.float32(-jnp.inf)

    ct = ct_ref[...]
    bits = lax.bitcast_convert_type(ct, jnp.int32)
    flip = jnp.int32(0x7FFFFFFF)
    keys = jnp.where(bits >= 0, bits, bits ^ flip)
    lo = jnp.full((B, NUM_CLASSES, 1), jnp.iinfo(jnp.int32).min, jnp.int32)
    hi = jnp.full((B, NUM_CLASSES, 1), jnp.iinfo(jnp.int32).max, jnp.int32)

    rev = jnp.max(mag, axis=1, keepdims=True) - mag
    cur_a = mag
    cur_b = rev
    idxs_a = []
    idxs_b = []
    for i in range(K):
        m_a = jnp.max(cur_a, axis=1, keepdims=True)
        m_b = jnp.max(cur_b, axis=1, keepdims=True)
        fa = jnp.min(jnp.where(cur_a == m_a, iota, big), axis=1, keepdims=True)
        fb = jnp.min(jnp.where(cur_b == m_b, iota, big), axis=1, keepdims=True)
        idxs_a.append(fa)
        idxs_b.append(fb)
        cur_a = jnp.where(iota == fa, neg, cur_a)
        cur_b = jnp.where(iota == fb, neg, cur_b)
        if i < 32:
            mid = (lo >> 1) + (hi >> 1) + (lo & hi & 1)
            cnt = jnp.sum((keys > mid).astype(jnp.int32), axis=2,
                          keepdims=True)
            pred = cnt <= K - 1
            hi = jnp.where(pred, mid, hi)
            lo = jnp.where(pred, lo, mid + 1)
    act_idx = jnp.concatenate(idxs_a, axis=1)
    bkg_idx = jnp.concatenate(idxs_b, axis=1)
    bkg_mask = cur_b == neg

    maskf = bkg_mask.astype(jnp.float32)[:, None, :]
    sbkg = jnp.sum(ct * maskf, axis=2) / jnp.float32(K)
    tau_bits = jnp.where(lo >= 0, lo, lo ^ flip)
    tau = lax.bitcast_convert_type(tau_bits, jnp.float32)
    gt = keys > lo
    cnt_gt = jnp.sum(gt.astype(jnp.float32), axis=2, keepdims=True)
    sum_gt = jnp.sum(jnp.where(gt, ct, 0.0), axis=2, keepdims=True)
    sact = ((sum_gt + (jnp.float32(K) - cnt_gt) * tau) / jnp.float32(K))[:, :, 0]

    def smax(v):
        m = jnp.max(v, axis=1, keepdims=True)
        e = jnp.exp(v - m)
        return e / jnp.sum(e, axis=1, keepdims=True)

    sa_ref[...] = smax(sact)
    sb_ref[...] = smax(sbkg)
    boff = lax.broadcasted_iota(jnp.int32, (B, 1), 0) * T
    idx_ref[...] = jnp.concatenate([act_idx + boff, bkg_idx + boff], axis=0)


_NW = 32
_RPW = (2 * B * K) // _NW
_CH = 16


@functools.cache
def _make_sc_gather():
    mesh = plsc.VectorSubcoreMesh(core_axis_name="c", subcore_axis_name="s")

    @functools.partial(
        pl.kernel, mesh=mesh,
        out_type=(
            jax.ShapeDtypeStruct((B * K, C_OUT), jnp.float32),
            jax.ShapeDtypeStruct((B * K, C_OUT), jnp.float32),
        ),
        scratch_types=[
            pltpu.VMEM((_CH,), jnp.int32),
            pltpu.VMEM((_CH, C_OUT), jnp.float32),
            pltpu.SemaphoreType.DMA,
        ],
    )
    def sc_gather(table_hbm, idx_hbm, act_hbm, bkg_hbm, idx_v, rows_v, sem):
        wid = lax.axis_index("s") * 2 + lax.axis_index("c")
        base = wid * _RPW

        def run(out_hbm, off):
            for j in range(_RPW // _CH):
                r0 = base + j * _CH
                pltpu.sync_copy(idx_hbm.at[wid, pl.ds(j * _CH, _CH)], idx_v)
                pltpu.async_copy(table_hbm.at[idx_v], rows_v, sem).wait()
                pltpu.sync_copy(rows_v, out_hbm.at[pl.ds(r0 - off, _CH)])

        @pl.when(wid < _NW // 2)
        def _act():
            run(act_hbm, 0)

        @pl.when(wid >= _NW // 2)
        def _bkg():
            run(bkg_hbm, B * K)

    return sc_gather


def kernel(x, conv_w, conv_b, cls_w):
    wt = jnp.transpose(conv_w, (2, 1, 0)).astype(jnp.bfloat16)
    wcls = jnp.transpose(cls_w[:, :, 0], (1, 0))
    bias2 = jnp.broadcast_to(conv_b[None, :], (8, C_OUT))

    (features, mag, cas_t, cas_sm,
     idxg, score_act, score_bkg) = pl.pallas_call(
        _conv_body,
        grid=(NC, NB),
        in_specs=[
            pl.BlockSpec((BB, T, F), lambda c, g: (g, 0, 0)),
            pl.BlockSpec((3, F, CT), lambda c, g: (0, 0, c)),
            pl.BlockSpec((8, CT), lambda c, g: (0, c)),
            pl.BlockSpec((CT, NUM_CLASSES), lambda c, g: (c, 0)),
        ],
        out_specs=[
            pl.BlockSpec((BB, T, CT), lambda c, g: (g, 0, c)),
            pl.BlockSpec((B, 1, T), lambda c, g: (0, 0, 0)),
            pl.BlockSpec((B, NUM_CLASSES, T), lambda c, g: (0, 0, 0)),
            pl.BlockSpec((B, T, NUM_CLASSES), lambda c, g: (0, 0, 0)),
            pl.BlockSpec((2 * B, K), lambda c, g: (0, 0)),
            pl.BlockSpec((B, NUM_CLASSES), lambda c, g: (0, 0)),
            pl.BlockSpec((B, NUM_CLASSES), lambda c, g: (0, 0)),
        ],
        out_shape=[
            jax.ShapeDtypeStruct((B, T, C_OUT), jnp.float32),
            jax.ShapeDtypeStruct((B, 1, T), jnp.float32),
            jax.ShapeDtypeStruct((B, NUM_CLASSES, T), jnp.float32),
            jax.ShapeDtypeStruct((B, T, NUM_CLASSES), jnp.float32),
            jax.ShapeDtypeStruct((2 * B, K), jnp.int32),
            jax.ShapeDtypeStruct((B, NUM_CLASSES), jnp.float32),
            jax.ShapeDtypeStruct((B, NUM_CLASSES), jnp.float32),
        ],
        compiler_params=pltpu.CompilerParams(
            dimension_semantics=("arbitrary", "arbitrary"),
            vmem_limit_bytes=128 * 1024 * 1024,
        ),
    )(x, wt, bias2, wcls)

    ga, gb = _make_sc_gather()(features.reshape(B * T, C_OUT), idxg)
    feat_act = ga.reshape(B, K, C_OUT)
    feat_bkg = gb.reshape(B, K, C_OUT)
    return score_act, score_bkg, feat_act, feat_bkg, features, cas_sm

# --- scband reference (transcript-rebuilt; emitter-appended) ---
"""Pipeline reference for scband-model-5669356836332 (READ-ONLY COPY).

The authoritative reference and input builder live on the scoring server;
editing this copy changes nothing except your own understanding.
"""

import jax, jax.numpy as jnp
import numpy as np

B, T, F = 16, 512, 2048
C_OUT = 2048
NUM_CLASSES = 20
R_ACT, R_BKG = 8, 8


def setup_inputs(seed: int = 0) -> dict:
    key = jax.random.key(seed)
    k1, k2, k3 = jax.random.split(key, 3)
    x = jax.random.normal(k1, (B, T, F), dtype=jnp.float32)
    conv_w = jax.random.normal(k2, (C_OUT, F, 3), dtype=jnp.float32) * 0.02
    conv_b = jnp.zeros((C_OUT,), dtype=jnp.float32)
    cls_w = jax.random.normal(k3, (NUM_CLASSES, C_OUT, 1), dtype=jnp.float32) * 0.02
    return {"x": x, "conv_w": conv_w, "conv_b": conv_b, "cls_w": cls_w}


def reference(x, conv_w, conv_b, cls_w):
    num_segments = x.shape[1]
    k_act = num_segments // R_ACT
    k_bkg = num_segments // R_BKG
    # CAS_Module (eval mode: dropout = identity)
    out = jnp.transpose(x, (0, 2, 1))  # [B, F, T]
    out = jax.lax.conv_general_dilated(out, conv_w, window_strides=(1,), padding=[(1, 1)], dimension_numbers=('NCH', 'OIH', 'NCH'))
    out = out + conv_b[None, :, None]
    out = jax.nn.relu(out)
    features = jnp.transpose(out, (0, 2, 1))  # [B, T, 2048]
    cas = jax.lax.conv_general_dilated(out, cls_w, window_strides=(1,), padding=[(0, 0)], dimension_numbers=('NCH', 'OIH', 'NCH'))
    cas = jnp.transpose(cas, (0, 2, 1))  # [B, T, num_classes]
    # Model forward
    feat_magnitudes = jnp.linalg.norm(features, ord=2, axis=2)  # [B, T]
    # select_idx = dropout(ones) = ones in eval mode
    feat_magnitudes_drop = feat_magnitudes
    feat_magnitudes_rev = jnp.max(feat_magnitudes, axis=1, keepdims=True) - feat_magnitudes
    feat_magnitudes_rev_drop = feat_magnitudes_rev
    sorted_idx = jnp.argsort(-feat_magnitudes_drop, axis=1)
    idx_act = sorted_idx[:, :k_act]  # [B, k_act]
    sorted_idx_b = jnp.argsort(-feat_magnitudes_rev_drop, axis=1)
    idx_bkg = sorted_idx_b[:, :k_bkg]  # [B, k_bkg]
    d = features.shape[2]
    idx_act_feat = jnp.broadcast_to(idx_act[:, :, None], (idx_act.shape[0], idx_act.shape[1], d))
    idx_bkg_feat = jnp.broadcast_to(idx_bkg[:, :, None], (idx_bkg.shape[0], idx_bkg.shape[1], d))
    idx_bkg_cas = jnp.broadcast_to(idx_bkg[:, :, None], (idx_bkg.shape[0], idx_bkg.shape[1], cas.shape[2]))
    feat_act = jnp.take_along_axis(features, idx_act_feat, axis=1)
    feat_bkg = jnp.take_along_axis(features, idx_bkg_feat, axis=1)
    sorted_scores = -jnp.sort(-cas, axis=1)
    topk_scores = sorted_scores[:, :k_act, :]
    score_act = jnp.mean(topk_scores, axis=1)
    score_bkg = jnp.mean(jnp.take_along_axis(cas, idx_bkg_cas, axis=1), axis=1)
    score_act = jax.nn.softmax(score_act, axis=1)
    score_bkg = jax.nn.softmax(score_bkg, axis=1)
    cas_softmax = jax.nn.softmax(cas, axis=2)
    return (score_act, score_bkg, feat_act, feat_bkg, features, cas_softmax)

if __name__ == "__main__":
    import jax
    _d = setup_inputs()
    print(jax.jit(kernel)(*tuple(_d.values())))

</pallas_src>

<mosaic_0001>
#map = affine_map<(d0, d1) -> (0, 0)>
module attributes {stable_mosaic.version = 14 : i64} {
  func.func @sc_gather(%arg0: i32, %arg1: i32, %arg2: memref<8192x2048xf32, #tpu.memory_space<hbm>>, %arg3: memref<32x64xi32, #tpu.memory_space<hbm>>, %arg4: memref<1024x2048xf32, #tpu.memory_space<hbm>>, %arg5: memref<1024x2048xf32, #tpu.memory_space<hbm>>, %arg6: memref<16xi32, #tpu.memory_space<vmem>>, %arg7: memref<16x2048xf32, #tpu.memory_space<vmem>>, %arg8: memref<!tpu.dma_semaphore, #tpu.memory_space<semaphore_mem>>) attributes {dimension_semantics = [#tpu.dimension_semantics<core_parallel>, #tpu.dimension_semantics<subcore_parallel>], iteration_bounds = array<i64: 2, 16>, scalar_prefetch = 0 : i64, scratch_operands = 3 : i64, tpu.core_type = #tpu.core_type<sc_vector_subcore>, window_params = [{transform_indices = #map}, {transform_indices = #map}, {transform_indices = #map}, {transform_indices = #map}]} {
    %mul3A = arith.constant 2 : i32
    %mul3A_0 = arith.muli %arg1, %mul3A : i32
    %add3A = arith.addi %mul3A_0, %arg0 : i32
    %mul3A_1 = arith.constant 64 : i32
    %mul3A_2 = arith.muli %add3A, %mul3A_1 : i32
    %lt3A = arith.constant 16 : i32
    %lt3A_3 = arith.cmpi slt, %add3A, %lt3A : i32
    %convert_element_type3A = arith.extui %lt3A_3 : i1 to i32
    %cond3A = arith.constant 0 : i32
    %cond3A_4 = arith.cmpi ne, %convert_element_type3A, %cond3A : i32
    scf.if %cond3A_4 {
      %add3A_9 = arith.constant 0 : i32
      %add3A_10 = arith.addi %mul3A_2, %add3A_9 : i32
      "tpu.region"() ({
        %run_scoped3A = tpu.sem_alloc : memref<!tpu.dma_semaphore, #tpu.memory_space<semaphore_mem>>
        %dma_start3A_46 = arith.constant 0 : i32
        %dma_start3A_47 = tpu.memref_slice %arg3[%add3A, %dma_start3A_46] : memref<32x64xi32, #tpu.memory_space<hbm>> -> memref<1x16xi32, #tpu.memory_space<hbm>>
        %dma_start3A_48 = tpu.memref_squeeze %dma_start3A_47 : memref<1x16xi32, #tpu.memory_space<hbm>> -> memref<16xi32, #tpu.memory_space<hbm>>
        %dma_start3A_49 = arith.constant 0 : i32
        %dma_start3A_50 = tpu.memref_slice %arg3[%add3A, %dma_start3A_49] : memref<32x64xi32, #tpu.memory_space<hbm>> -> memref<1x16xi32, #tpu.memory_space<hbm>>
        %dma_start3A_51 = tpu.memref_squeeze %dma_start3A_50 : memref<1x16xi32, #tpu.memory_space<hbm>> -> memref<16xi32, #tpu.memory_space<hbm>>
        tpu.enqueue_dma source(%dma_start3A_51 : memref<16xi32, #tpu.memory_space<hbm>>) target(%arg6 : memref<16xi32, #tpu.memory_space<vmem>>) target_semaphore(%run_scoped3A : memref<!tpu.dma_semaphore, #tpu.memory_space<semaphore_mem>>)
        %dma_wait3A_52 = arith.constant 0 : i32
        %dma_wait3A_53 = tpu.memref_slice %arg3[%add3A, %dma_wait3A_52] : memref<32x64xi32, #tpu.memory_space<hbm>> -> memref<1x16xi32, #tpu.memory_space<hbm>>
        %dma_wait3A_54 = tpu.memref_squeeze %dma_wait3A_53 : memref<1x16xi32, #tpu.memory_space<hbm>> -> memref<16xi32, #tpu.memory_space<hbm>>
        %dma_wait3A_55 = arith.constant 0 : i32
        %dma_wait3A_56 = tpu.memref_slice %arg3[%add3A, %dma_wait3A_55] : memref<32x64xi32, #tpu.memory_space<hbm>> -> memref<1x16xi32, #tpu.memory_space<hbm>>
        %dma_wait3A_57 = tpu.memref_squeeze %dma_wait3A_56 : memref<1x16xi32, #tpu.memory_space<hbm>> -> memref<16xi32, #tpu.memory_space<hbm>>
        tpu.wait_dma2 semaphore(%run_scoped3A : memref<!tpu.dma_semaphore, #tpu.memory_space<semaphore_mem>>) src(%dma_wait3A_57 : memref<16xi32, #tpu.memory_space<hbm>>) dst(%arg6 : memref<16xi32, #tpu.memory_space<vmem>>)
        tpu.yield
      }) : () -> ()
      %dma_start3A = arith.constant 0 : i32
      %dma_start3A_11 = arith.constant 0 : i32
      %dma_start3A_12 = tpu.memref_slice %arg2[%dma_start3A, %dma_start3A_11] : memref<8192x2048xf32, #tpu.memory_space<hbm>> -> memref<8192x2048xf32, #tpu.memory_space<hbm>>
      tpu.enqueue_indirect_dma source(%dma_start3A_12 : memref<8192x2048xf32, #tpu.memory_space<hbm>>) target(%arg7 : memref<16x2048xf32, #tpu.memory_space<vmem>>) offsets(%arg6 : memref<16xi32, #tpu.memory_space<vmem>>) semaphore(%arg8 : memref<!tpu.dma_semaphore, #tpu.memory_space<semaphore_mem>>)
      %dma_wait3A = arith.constant 0 : i32
      %dma_wait3A_13 = arith.constant 0 : i32
      %dma_wait3A_14 = tpu.memref_slice %arg2[%dma_wait3A, %dma_wait3A_13] : memref<8192x2048xf32, #tpu.memory_space<hbm>> -> memref<8192x2048xf32, #tpu.memory_space<hbm>>
      tpu.wait_indirect_dma semaphore(%arg8 : memref<!tpu.dma_semaphore, #tpu.memory_space<semaphore_mem>>) src(%dma_wait3A_14 : memref<8192x2048xf32, #tpu.memory_space<hbm>>) dst(%arg7 : memref<16x2048xf32, #tpu.memory_space<vmem>>)
      %sub3A = arith.constant 0 : i32
      %sub3A_15 = arith.subi %add3A_10, %sub3A : i32
      "tpu.region"() ({
        %run_scoped3A = tpu.sem_alloc : memref<!tpu.dma_semaphore, #tpu.memory_space<semaphore_mem>>
        %dma_start3A_46 = arith.constant 0 : i32
        %dma_start3A_47 = tpu.memref_slice %arg4[%sub3A_15, %dma_start3A_46] : memref<1024x2048xf32, #tpu.memory_space<hbm>> -> memref<16x2048xf32, #tpu.memory_space<hbm>>
        %dma_start3A_48 = arith.constant 0 : i32
        %dma_start3A_49 = tpu.memref_slice %arg4[%sub3A_15, %dma_start3A_48] : memref<1024x2048xf32, #tpu.memory_space<hbm>> -> memref<16x2048xf32, #tpu.memory_space<hbm>>
        tpu.enqueue_dma source(%arg7 : memref<16x2048xf32, #tpu.memory_space<vmem>>) target(%dma_start3A_49 : memref<16x2048xf32, #tpu.memory_space<hbm>>) target_semaphore(%run_scoped3A : memref<!tpu.dma_semaphore, #tpu.memory_space<semaphore_mem>>)
        %dma_wait3A_50 = arith.constant 0 : i32
        %dma_wait3A_51 = tpu.memref_slice %arg4[%sub3A_15, %dma_wait3A_50] : memref<1024x2048xf32, #tpu.memory_space<hbm>> -> memref<16x2048xf32, #tpu.memory_space<hbm>>
        %dma_wait3A_52 = arith.constant 0 : i32
        %dma_wait3A_53 = tpu.memref_slice %arg4[%sub3A_15, %dma_wait3A_52] : memref<1024x2048xf32, #tpu.memory_space<hbm>> -> memref<16x2048xf32, #tpu.memory_space<hbm>>
        tpu.wait_dma2 semaphore(%run_scoped3A : memref<!tpu.dma_semaphore, #tpu.memory_space<semaphore_mem>>) src(%arg7 : memref<16x2048xf32, #tpu.memory_space<vmem>>) dst(%dma_wait3A_53 : memref<16x2048xf32, #tpu.memory_space<hbm>>)
        tpu.yield
      }) : () -> ()
      %add3A_16 = arith.constant 16 : i32
      %add3A_17 = arith.addi %mul3A_2, %add3A_16 : i32
      "tpu.region"() ({
        %run_scoped3A = tpu.sem_alloc : memref<!tpu.dma_semaphore, #tpu.memory_space<semaphore_mem>>
        %dma_start3A_46 = arith.constant 16 : i32
        %dma_start3A_47 = tpu.memref_slice %arg3[%add3A, %dma_start3A_46] : memref<32x64xi32, #tpu.memory_space<hbm>> -> memref<1x16xi32, #tpu.memory_space<hbm>>
        %dma_start3A_48 = tpu.memref_squeeze %dma_start3A_47 : memref<1x16xi32, #tpu.memory_space<hbm>> -> memref<16xi32, #tpu.memory_space<hbm>>
        %dma_start3A_49 = arith.constant 16 : i32
        %dma_start3A_50 = tpu.memref_slice %arg3[%add3A, %dma_start3A_49] : memref<32x64xi32, #tpu.memory_space<hbm>> -> memref<1x16xi32, #tpu.memory_space<hbm>>
        %dma_start3A_51 = tpu.memref_squeeze %dma_start3A_50 : memref<1x16xi32, #tpu.memory_space<hbm>> -> memref<16xi32, #tpu.memory_space<hbm>>
        tpu.enqueue_dma source(%dma_start3A_51 : memref<16xi32, #tpu.memory_space<hbm>>) target(%arg6 : memref<16xi32, #tpu.memory_space<vmem>>) target_semaphore(%run_scoped3A : memref<!tpu.dma_semaphore, #tpu.memory_space<semaphore_mem>>)
        %dma_wait3A_52 = arith.constant 16 : i32
        %dma_wait3A_53 = tpu.memref_slice %arg3[%add3A, %dma_wait3A_52] : memref<32x64xi32, #tpu.memory_space<hbm>> -> memref<1x16xi32, #tpu.memory_space<hbm>>
        %dma_wait3A_54 = tpu.memref_squeeze %dma_wait3A_53 : memref<1x16xi32, #tpu.memory_space<hbm>> -> memref<16xi32, #tpu.memory_space<hbm>>
        %dma_wait3A_55 = arith.constant 16 : i32
        %dma_wait3A_56 = tpu.memref_slice %arg3[%add3A, %dma_wait3A_55] : memref<32x64xi32, #tpu.memory_space<hbm>> -> memref<1x16xi32, #tpu.memory_space<hbm>>
        %dma_wait3A_57 = tpu.memref_squeeze %dma_wait3A_56 : memref<1x16xi32, #tpu.memory_space<hbm>> -> memref<16xi32, #tpu.memory_space<hbm>>
        tpu.wait_dma2 semaphore(%run_scoped3A : memref<!tpu.dma_semaphore, #tpu.memory_space<semaphore_mem>>) src(%dma_wait3A_57 : memref<16xi32, #tpu.memory_space<hbm>>) dst(%arg6 : memref<16xi32, #tpu.memory_space<vmem>>)
        tpu.yield
      }) : () -> ()
      %dma_start3A_18 = arith.constant 0 : i32
      %dma_start3A_19 = arith.constant 0 : i32
      %dma_start3A_20 = tpu.memref_slice %arg2[%dma_start3A_18, %dma_start3A_19] : memref<8192x2048xf32, #tpu.memory_space<hbm>> -> memref<8192x2048xf32, #tpu.memory_space<hbm>>
      tpu.enqueue_indirect_dma source(%dma_start3A_20 : memref<8192x2048xf32, #tpu.memory_space<hbm>>) target(%arg7 : memref<16x2048xf32, #tpu.memory_space<vmem>>) offsets(%arg6 : memref<16xi32, #tpu.memory_space<vmem>>) semaphore(%arg8 : memref<!tpu.dma_semaphore, #tpu.memory_space<semaphore_mem>>)
      %dma_wait3A_21 = arith.constant 0 : i32
      %dma_wait3A_22 = arith.constant 0 : i32
      %dma_wait3A_23 = tpu.memref_slice %arg2[%dma_wait3A_21, %dma_wait3A_22] : memref<8192x2048xf32, #tpu.memory_space<hbm>> -> memref<8192x2048xf32, #tpu.memory_space<hbm>>
      tpu.wait_indirect_dma semaphore(%arg8 : memref<!tpu.dma_semaphore, #tpu.memory_space<semaphore_mem>>) src(%dma_wait3A_23 : memref<8192x2048xf32, #tpu.memory_space<hbm>>) dst(%arg7 : memref<16x2048xf32, #tpu.memory_space<vmem>>)
      %sub3A_24 = arith.constant 0 : i32
      %sub3A_25 = arith.subi %add3A_17, %sub3A_24 : i32
      "tpu.region"() ({
        %run_scoped3A = tpu.sem_alloc : memref<!tpu.dma_semaphore, #tpu.memory_space<semaphore_mem>>
        %dma_start3A_46 = arith.constant 0 : i32
        %dma_start3A_47 = tpu.memref_slice %arg4[%sub3A_25, %dma_start3A_46] : memref<1024x2048xf32, #tpu.memory_space<hbm>> -> memref<16x2048xf32, #tpu.memory_space<hbm>>
        %dma_start3A_48 = arith.constant 0 : i32
        %dma_start3A_49 = tpu.memref_slice %arg4[%sub3A_25, %dma_start3A_48] : memref<1024x2048xf32, #tpu.memory_space<hbm>> -> memref<16x2048xf32, #tpu.memory_space<hbm>>
        tpu.enqueue_dma source(%arg7 : memref<16x2048xf32, #tpu.memory_space<vmem>>) target(%dma_start3A_49 : memref<16x2048xf32, #tpu.memory_space<hbm>>) target_semaphore(%run_scoped3A : memref<!tpu.dma_semaphore, #tpu.memory_space<semaphore_mem>>)
        %dma_wait3A_50 = arith.constant 0 : i32
        %dma_wait3A_51 = tpu.memref_slice %arg4[%sub3A_25, %dma_wait3A_50] : memref<1024x2048xf32, #tpu.memory_space<hbm>> -> memref<16x2048xf32, #tpu.memory_space<hbm>>
        %dma_wait3A_52 = arith.constant 0 : i32
        %dma_wait3A_53 = tpu.memref_slice %arg4[%sub3A_25, %dma_wait3A_52] : memref<1024x2048xf32, #tpu.memory_space<hbm>> -> memref<16x2048xf32, #tpu.memory_space<hbm>>
        tpu.wait_dma2 semaphore(%run_scoped3A : memref<!tpu.dma_semaphore, #tpu.memory_space<semaphore_mem>>) src(%arg7 : memref<16x2048xf32, #tpu.memory_space<vmem>>) dst(%dma_wait3A_53 : memref<16x2048xf32, #tpu.memory_space<hbm>>)
        tpu.yield
      }) : () -> ()
      %add3A_26 = arith.constant 32 : i32
      %add3A_27 = arith.addi %mul3A_2, %add3A_26 : i32
      "tpu.region"() ({
        %run_scoped3A = tpu.sem_alloc : memref<!tpu.dma_semaphore, #tpu.memory_space<semaphore_mem>>
        %dma_start3A_46 = arith.constant 32 : i32
        %dma_start3A_47 = tpu.memref_slice %arg3[%add3A, %dma_start3A_46] : memref<32x64xi32, #tpu.memory_space<hbm>> -> memref<1x16xi32, #tpu.memory_space<hbm>>
        %dma_start3A_48 = tpu.memref_squeeze %dma_start3A_47 : memref<1x16xi32, #tpu.memory_space<hbm>> -> memref<16xi32, #tpu.memory_space<hbm>>
        %dma_start3A_49 = arith.constant 32 : i32
        %dma_start3A_50 = tpu.memref_slice %arg3[%add3A, %dma_start3A_49] : memref<32x64xi32, #tpu.memory_space<hbm>> -> memref<1x16xi32, #tpu.memory_space<hbm>>
        %dma_start3A_51 = tpu.memref_squeeze %dma_start3A_50 : memref<1x16xi32, #tpu.memory_space<hbm>> -> memref<16xi32, #tpu.memory_space<hbm>>
        tpu.enqueue_dma source(%dma_start3A_51 : memref<16xi32, #tpu.memory_space<hbm>>) target(%arg6 : memref<16xi32, #tpu.memory_space<vmem>>) target_semaphore(%run_scoped3A : memref<!tpu.dma_semaphore, #tpu.memory_space<semaphore_mem>>)
        %dma_wait3A_52 = arith.constant 32 : i32
        %dma_wait3A_53 = tpu.memref_slice %arg3[%add3A, %dma_wait3A_52] : memref<32x64xi32, #tpu.memory_space<hbm>> -> memref<1x16xi32, #tpu.memory_space<hbm>>
        %dma_wait3A_54 = tpu.memref_squeeze %dma_wait3A_53 : memref<1x16xi32, #tpu.memory_space<hbm>> -> memref<16xi32, #tpu.memory_space<hbm>>
        %dma_wait3A_55 = arith.constant 32 : i32
        %dma_wait3A_56 = tpu.memref_slice %arg3[%add3A, %dma_wait3A_55] : memref<32x64xi32, #tpu.memory_space<hbm>> -> memref<1x16xi32, #tpu.memory_space<hbm>>
        %dma_wait3A_57 = tpu.memref_squeeze %dma_wait3A_56 : memref<1x16xi32, #tpu.memory_space<hbm>> -> memref<16xi32, #tpu.memory_space<hbm>>
        tpu.wait_dma2 semaphore(%run_scoped3A : memref<!tpu.dma_semaphore, #tpu.memory_space<semaphore_mem>>) src(%dma_wait3A_57 : memref<16xi32, #tpu.memory_space<hbm>>) dst(%arg6 : memref<16xi32, #tpu.memory_space<vmem>>)
        tpu.yield
      }) : () -> ()
      %dma_start3A_28 = arith.constant 0 : i32
      %dma_start3A_29 = arith.constant 0 : i32
      %dma_start3A_30 = tpu.memref_slice %arg2[%dma_start3A_28, %dma_start3A_29] : memref<8192x2048xf32, #tpu.memory_space<hbm>> -> memref<8192x2048xf32, #tpu.memory_space<hbm>>
      tpu.enqueue_indirect_dma source(%dma_start3A_30 : memref<8192x2048xf32, #tpu.memory_space<hbm>>) target(%arg7 : memref<16x2048xf32, #tpu.memory_space<vmem>>) offsets(%arg6 : memref<16xi32, #tpu.memory_space<vmem>>) semaphore(%arg8 : memref<!tpu.dma_semaphore, #tpu.memory_space<semaphore_mem>>)
      %dma_wait3A_31 = arith.constant 0 : i32
      %dma_wait3A_32 = arith.constant 0 : i32
      %dma_wait3A_33 = tpu.memref_slice %arg2[%dma_wait3A_31, %dma_wait3A_32] : memref<8192x2048xf32, #tpu.memory_space<hbm>> -> memref<8192x2048xf32, #tpu.memory_space<hbm>>
      tpu.wait_indirect_dma semaphore(%arg8 : memref<!tpu.dma_semaphore, #tpu.memory_space<semaphore_mem>>) src(%dma_wait3A_33 : memref<8192x2048xf32, #tpu.memory_space<hbm>>) dst(%arg7 : memref<16x2048xf32, #tpu.memory_space<vmem>>)
      %sub3A_34 = arith.constant 0 : i32
      %sub3A_35 = arith.subi %add3A_27, %sub3A_34 : i32
      "tpu.region"() ({
        %run_scoped3A = tpu.sem_alloc : memref<!tpu.dma_semaphore, #tpu.memory_space<semaphore_mem>>
        %dma_start3A_46 = arith.constant 0 : i32
        %dma_start3A_47 = tpu.memref_slice %arg4[%sub3A_35, %dma_start3A_46] : memref<1024x2048xf32, #tpu.memory_space<hbm>> -> memref<16x2048xf32, #tpu.memory_space<hbm>>
        %dma_start3A_48 = arith.constant 0 : i32
        %dma_start3A_49 = tpu.memref_slice %arg4[%sub3A_35, %dma_start3A_48] : memref<1024x2048xf32, #tpu.memory_space<hbm>> -> memref<16x2048xf32, #tpu.memory_space<hbm>>
        tpu.enqueue_dma source(%arg7 : memref<16x2048xf32, #tpu.memory_space<vmem>>) target(%dma_start3A_49 : memref<16x2048xf32, #tpu.memory_space<hbm>>) target_semaphore(%run_scoped3A : memref<!tpu.dma_semaphore, #tpu.memory_space<semaphore_mem>>)
        %dma_wait3A_50 = arith.constant 0 : i32
        %dma_wait3A_51 = tpu.memref_slice %arg4[%sub3A_35, %dma_wait3A_50] : memref<1024x2048xf32, #tpu.memory_space<hbm>> -> memref<16x2048xf32, #tpu.memory_space<hbm>>
        %dma_wait3A_52 = arith.constant 0 : i32
        %dma_wait3A_53 = tpu.memref_slice %arg4[%sub3A_35, %dma_wait3A_52] : memref<1024x2048xf32, #tpu.memory_space<hbm>> -> memref<16x2048xf32, #tpu.memory_space<hbm>>
        tpu.wait_dma2 semaphore(%run_scoped3A : memref<!tpu.dma_semaphore, #tpu.memory_space<semaphore_mem>>) src(%arg7 : memref<16x2048xf32, #tpu.memory_space<vmem>>) dst(%dma_wait3A_53 : memref<16x2048xf32, #tpu.memory_space<hbm>>)
        tpu.yield
      }) : () -> ()
      %add3A_36 = arith.constant 48 : i32
      %add3A_37 = arith.addi %mul3A_2, %add3A_36 : i32
      "tpu.region"() ({
        %run_scoped3A = tpu.sem_alloc : memref<!tpu.dma_semaphore, #tpu.memory_space<semaphore_mem>>
        %dma_start3A_46 = arith.constant 48 : i32
        %dma_start3A_47 = tpu.memref_slice %arg3[%add3A, %dma_start3A_46] : memref<32x64xi32, #tpu.memory_space<hbm>> -> memref<1x16xi32, #tpu.memory_space<hbm>>
        %dma_start3A_48 = tpu.memref_squeeze %dma_start3A_47 : memref<1x16xi32, #tpu.memory_space<hbm>> -> memref<16xi32, #tpu.memory_space<hbm>>
        %dma_start3A_49 = arith.constant 48 : i32
        %dma_start3A_50 = tpu.memref_slice %arg3[%add3A, %dma_start3A_49] : memref<32x64xi32, #tpu.memory_space<hbm>> -> memref<1x16xi32, #tpu.memory_space<hbm>>
        %dma_start3A_51 = tpu.memref_squeeze %dma_start3A_50 : memref<1x16xi32, #tpu.memory_space<hbm>> -> memref<16xi32, #tpu.memory_space<hbm>>
        tpu.enqueue_dma source(%dma_start3A_51 : memref<16xi32, #tpu.memory_space<hbm>>) target(%arg6 : memref<16xi32, #tpu.memory_space<vmem>>) target_semaphore(%run_scoped3A : memref<!tpu.dma_semaphore, #tpu.memory_space<semaphore_mem>>)
        %dma_wait3A_52 = arith.constant 48 : i32
        %dma_wait3A_53 = tpu.memref_slice %arg3[%add3A, %dma_wait3A_52] : memref<32x64xi32, #tpu.memory_space<hbm>> -> memref<1x16xi32, #tpu.memory_space<hbm>>
        %dma_wait3A_54 = tpu.memref_squeeze %dma_wait3A_53 : memref<1x16xi32, #tpu.memory_space<hbm>> -> memref<16xi32, #tpu.memory_space<hbm>>
        %dma_wait3A_55 = arith.constant 48 : i32
        %dma_wait3A_56 = tpu.memref_slice %arg3[%add3A, %dma_wait3A_55] : memref<32x64xi32, #tpu.memory_space<hbm>> -> memref<1x16xi32, #tpu.memory_space<hbm>>
        %dma_wait3A_57 = tpu.memref_squeeze %dma_wait3A_56 : memref<1x16xi32, #tpu.memory_space<hbm>> -> memref<16xi32, #tpu.memory_space<hbm>>
        tpu.wait_dma2 semaphore(%run_scoped3A : memref<!tpu.dma_semaphore, #tpu.memory_space<semaphore_mem>>) src(%dma_wait3A_57 : memref<16xi32, #tpu.memory_space<hbm>>) dst(%arg6 : memref<16xi32, #tpu.memory_space<vmem>>)
        tpu.yield
      }) : () -> ()
      %dma_start3A_38 = arith.constant 0 : i32
      %dma_start3A_39 = arith.constant 0 : i32
      %dma_start3A_40 = tpu.memref_slice %arg2[%dma_start3A_38, %dma_start3A_39] : memref<8192x2048xf32, #tpu.memory_space<hbm>> -> memref<8192x2048xf32, #tpu.memory_space<hbm>>
      tpu.enqueue_indirect_dma source(%dma_start3A_40 : memref<8192x2048xf32, #tpu.memory_space<hbm>>) target(%arg7 : memref<16x2048xf32, #tpu.memory_space<vmem>>) offsets(%arg6 : memref<16xi32, #tpu.memory_space<vmem>>) semaphore(%arg8 : memref<!tpu.dma_semaphore, #tpu.memory_space<semaphore_mem>>)
      %dma_wait3A_41 = arith.constant 0 : i32
      %dma_wait3A_42 = arith.constant 0 : i32
      %dma_wait3A_43 = tpu.memref_slice %arg2[%dma_wait3A_41, %dma_wait3A_42] : memref<8192x2048xf32, #tpu.memory_space<hbm>> -> memref<8192x2048xf32, #tpu.memory_space<hbm>>
      tpu.wait_indirect_dma semaphore(%arg8 : memref<!tpu.dma_semaphore, #tpu.memory_space<semaphore_mem>>) src(%dma_wait3A_43 : memref<8192x2048xf32, #tpu.memory_space<hbm>>) dst(%arg7 : memref<16x2048xf32, #tpu.memory_space<vmem>>)
      %sub3A_44 = arith.constant 0 : i32
      %sub3A_45 = arith.subi %add3A_37, %sub3A_44 : i32
      "tpu.region"() ({
        %run_scoped3A = tpu.sem_alloc : memref<!tpu.dma_semaphore, #tpu.memory_space<semaphore_mem>>
        %dma_start3A_46 = arith.constant 0 : i32
        %dma_start3A_47 = tpu.memref_slice %arg4[%sub3A_45, %dma_start3A_46] : memref<1024x2048xf32, #tpu.memory_space<hbm>> -> memref<16x2048xf32, #tpu.memory_space<hbm>>
        %dma_start3A_48 = arith.constant 0 : i32
        %dma_start3A_49 = tpu.memref_slice %arg4[%sub3A_45, %dma_start3A_48] : memref<1024x2048xf32, #tpu.memory_space<hbm>> -> memref<16x2048xf32, #tpu.memory_space<hbm>>
        tpu.enqueue_dma source(%arg7 : memref<16x2048xf32, #tpu.memory_space<vmem>>) target(%dma_start3A_49 : memref<16x2048xf32, #tpu.memory_space<hbm>>) target_semaphore(%run_scoped3A : memref<!tpu.dma_semaphore, #tpu.memory_space<semaphore_mem>>)
        %dma_wait3A_50 = arith.constant 0 : i32
        %dma_wait3A_51 = tpu.memref_slice %arg4[%sub3A_45, %dma_wait3A_50] : memref<1024x2048xf32, #tpu.memory_space<hbm>> -> memref<16x2048xf32, #tpu.memory_space<hbm>>
        %dma_wait3A_52 = arith.constant 0 : i32
        %dma_wait3A_53 = tpu.memref_slice %arg4[%sub3A_45, %dma_wait3A_52] : memref<1024x2048xf32, #tpu.memory_space<hbm>> -> memref<16x2048xf32, #tpu.memory_space<hbm>>
        tpu.wait_dma2 semaphore(%run_scoped3A : memref<!tpu.dma_semaphore, #tpu.memory_space<semaphore_mem>>) src(%arg7 : memref<16x2048xf32, #tpu.memory_space<vmem>>) dst(%dma_wait3A_53 : memref<16x2048xf32, #tpu.memory_space<hbm>>)
        tpu.yield
      }) : () -> ()
    } else {
    }
    %ge3A = arith.constant 16 : i32
    %ge3A_5 = arith.cmpi sge, %add3A, %ge3A : i32
    %convert_element_type3A_6 = arith.extui %ge3A_5 : i1 to i32
    %cond3A_7 = arith.constant 0 : i32
    %cond3A_8 = arith.cmpi ne, %convert_element_type3A_6, %cond3A_7 : i32
    scf.if %cond3A_8 {
      %add3A_9 = arith.constant 0 : i32
      %add3A_10 = arith.addi %mul3A_2, %add3A_9 : i32
      "tpu.region"() ({
        %run_scoped3A = tpu.sem_alloc : memref<!tpu.dma_semaphore, #tpu.memory_space<semaphore_mem>>
        %dma_start3A_46 = arith.constant 0 : i32
        %dma_start3A_47 = tpu.memref_slice %arg3[%add3A, %dma_start3A_46] : memref<32x64xi32, #tpu.memory_space<hbm>> -> memref<1x16xi32, #tpu.memory_space<hbm>>
        %dma_start3A_48 = tpu.memref_squeeze %dma_start3A_47 : memref<1x16xi32, #tpu.memory_space<hbm>> -> memref<16xi32, #tpu.memory_space<hbm>>
        %dma_start3A_49 = arith.constant 0 : i32
        %dma_start3A_50 = tpu.memref_slice %arg3[%add3A, %dma_start3A_49] : memref<32x64xi32, #tpu.memory_space<hbm>> -> memref<1x16xi32, #tpu.memory_space<hbm>>
        %dma_start3A_51 = tpu.memref_squeeze %dma_start3A_50 : memref<1x16xi32, #tpu.memory_space<hbm>> -> memref<16xi32, #tpu.memory_space<hbm>>
        tpu.enqueue_dma source(%dma_start3A_51 : memref<16xi32, #tpu.memory_space<hbm>>) target(%arg6 : memref<16xi32, #tpu.memory_space<vmem>>) target_semaphore(%run_scoped3A : memref<!tpu.dma_semaphore, #tpu.memory_space<semaphore_mem>>)
        %dma_wait3A_52 = arith.constant 0 : i32
        %dma_wait3A_53 = tpu.memref_slice %arg3[%add3A, %dma_wait3A_52] : memref<32x64xi32, #tpu.memory_space<hbm>> -> memref<1x16xi32, #tpu.memory_space<hbm>>
        %dma_wait3A_54 = tpu.memref_squeeze %dma_wait3A_53 : memref<1x16xi32, #tpu.memory_space<hbm>> -> memref<16xi32, #tpu.memory_space<hbm>>
        %dma_wait3A_55 = arith.constant 0 : i32
        %dma_wait3A_56 = tpu.memref_slice %arg3[%add3A, %dma_wait3A_55] : memref<32x64xi32, #tpu.memory_space<hbm>> -> memref<1x16xi32, #tpu.memory_space<hbm>>
        %dma_wait3A_57 = tpu.memref_squeeze %dma_wait3A_56 : memref<1x16xi32, #tpu.memory_space<hbm>> -> memref<16xi32, #tpu.memory_space<hbm>>
        tpu.wait_dma2 semaphore(%run_scoped3A : memref<!tpu.dma_semaphore, #tpu.memory_space<semaphore_mem>>) src(%dma_wait3A_57 : memref<16xi32, #tpu.memory_space<hbm>>) dst(%arg6 : memref<16xi32, #tpu.memory_space<vmem>>)
        tpu.yield
      }) : () -> ()
      %dma_start3A = arith.constant 0 : i32
      %dma_start3A_11 = arith.constant 0 : i32
      %dma_start3A_12 = tpu.memref_slice %arg2[%dma_start3A, %dma_start3A_11] : memref<8192x2048xf32, #tpu.memory_space<hbm>> -> memref<8192x2048xf32, #tpu.memory_space<hbm>>
      tpu.enqueue_indirect_dma source(%dma_start3A_12 : memref<8192x2048xf32, #tpu.memory_space<hbm>>) target(%arg7 : memref<16x2048xf32, #tpu.memory_space<vmem>>) offsets(%arg6 : memref<16xi32, #tpu.memory_space<vmem>>) semaphore(%arg8 : memref<!tpu.dma_semaphore, #tpu.memory_space<semaphore_mem>>)
      %dma_wait3A = arith.constant 0 : i32
      %dma_wait3A_13 = arith.constant 0 : i32
      %dma_wait3A_14 = tpu.memref_slice %arg2[%dma_wait3A, %dma_wait3A_13] : memref<8192x2048xf32, #tpu.memory_space<hbm>> -> memref<8192x2048xf32, #tpu.memory_space<hbm>>
      tpu.wait_indirect_dma semaphore(%arg8 : memref<!tpu.dma_semaphore, #tpu.memory_space<semaphore_mem>>) src(%dma_wait3A_14 : memref<8192x2048xf32, #tpu.memory_space<hbm>>) dst(%arg7 : memref<16x2048xf32, #tpu.memory_space<vmem>>)
      %sub3A = arith.constant 1024 : i32
      %sub3A_15 = arith.subi %add3A_10, %sub3A : i32
      "tpu.region"() ({
        %run_scoped3A = tpu.sem_alloc : memref<!tpu.dma_semaphore, #tpu.memory_space<semaphore_mem>>
        %dma_start3A_46 = arith.constant 0 : i32
        %dma_start3A_47 = tpu.memref_slice %arg5[%sub3A_15, %dma_start3A_46] : memref<1024x2048xf32, #tpu.memory_space<hbm>> -> memref<16x2048xf32, #tpu.memory_space<hbm>>
        %dma_start3A_48 = arith.constant 0 : i32
        %dma_start3A_49 = tpu.memref_slice %arg5[%sub3A_15, %dma_start3A_48] : memref<1024x2048xf32, #tpu.memory_space<hbm>> -> memref<16x2048xf32, #tpu.memory_space<hbm>>
        tpu.enqueue_dma source(%arg7 : memref<16x2048xf32, #tpu.memory_space<vmem>>) target(%dma_start3A_49 : memref<16x2048xf32, #tpu.memory_space<hbm>>) target_semaphore(%run_scoped3A : memref<!tpu.dma_semaphore, #tpu.memory_space<semaphore_mem>>)
        %dma_wait3A_50 = arith.constant 0 : i32
        %dma_wait3A_51 = tpu.memref_slice %arg5[%sub3A_15, %dma_wait3A_50] : memref<1024x2048xf32, #tpu.memory_space<hbm>> -> memref<16x2048xf32, #tpu.memory_space<hbm>>
        %dma_wait3A_52 = arith.constant 0 : i32
        %dma_wait3A_53 = tpu.memref_slice %arg5[%sub3A_15, %dma_wait3A_52] : memref<1024x2048xf32, #tpu.memory_space<hbm>> -> memref<16x2048xf32, #tpu.memory_space<hbm>>
        tpu.wait_dma2 semaphore(%run_scoped3A : memref<!tpu.dma_semaphore, #tpu.memory_space<semaphore_mem>>) src(%arg7 : memref<16x2048xf32, #tpu.memory_space<vmem>>) dst(%dma_wait3A_53 : memref<16x2048xf32, #tpu.memory_space<hbm>>)
        tpu.yield
      }) : () -> ()
      %add3A_16 = arith.constant 16 : i32
      %add3A_17 = arith.addi %mul3A_2, %add3A_16 : i32
      "tpu.region"() ({
        %run_scoped3A = tpu.sem_alloc : memref<!tpu.dma_semaphore, #tpu.memory_space<semaphore_mem>>
        %dma_start3A_46 = arith.constant 16 : i32
        %dma_start3A_47 = tpu.memref_slice %arg3[%add3A, %dma_start3A_46] : memref<32x64xi32, #tpu.memory_space<hbm>> -> memref<1x16xi32, #tpu.memory_space<hbm>>
        %dma_start3A_48 = tpu.memref_squeeze %dma_start3A_47 : memref<1x16xi32, #tpu.memory_space<hbm>> -> memref<16xi32, #tpu.memory_space<hbm>>
        %dma_start3A_49 = arith.constant 16 : i32
        %dma_start3A_50 = tpu.memref_slice %arg3[%add3A, %dma_start3A_49] : memref<32x64xi32, #tpu.memory_space<hbm>> -> memref<1x16xi32, #tpu.memory_space<hbm>>
        %dma_start3A_51 = tpu.memref_squeeze %dma_start3A_50 : memref<1x16xi32, #tpu.memory_space<hbm>> -> memref<16xi32, #tpu.memory_space<hbm>>
        tpu.enqueue_dma source(%dma_start3A_51 : memref<16xi32, #tpu.memory_space<hbm>>) target(%arg6 : memref<16xi32, #tpu.memory_space<vmem>>) target_semaphore(%run_scoped3A : memref<!tpu.dma_semaphore, #tpu.memory_space<semaphore_mem>>)
        %dma_wait3A_52 = arith.constant 16 : i32
        %dma_wait3A_53 = tpu.memref_slice %arg3[%add3A, %dma_wait3A_52] : memref<32x64xi32, #tpu.memory_space<hbm>> -> memref<1x16xi32, #tpu.memory_space<hbm>>
        %dma_wait3A_54 = tpu.memref_squeeze %dma_wait3A_53 : memref<1x16xi32, #tpu.memory_space<hbm>> -> memref<16xi32, #tpu.memory_space<hbm>>
        %dma_wait3A_55 = arith.constant 16 : i32
        %dma_wait3A_56 = tpu.memref_slice %arg3[%add3A, %dma_wait3A_55] : memref<32x64xi32, #tpu.memory_space<hbm>> -> memref<1x16xi32, #tpu.memory_space<hbm>>
        %dma_wait3A_57 = tpu.memref_squeeze %dma_wait3A_56 : memref<1x16xi32, #tpu.memory_space<hbm>> -> memref<16xi32, #tpu.memory_space<hbm>>
        tpu.wait_dma2 semaphore(%run_scoped3A : memref<!tpu.dma_semaphore, #tpu.memory_space<semaphore_mem>>) src(%dma_wait3A_57 : memref<16xi32, #tpu.memory_space<hbm>>) dst(%arg6 : memref<16xi32, #tpu.memory_space<vmem>>)
        tpu.yield
      }) : () -> ()
      %dma_start3A_18 = arith.constant 0 : i32
      %dma_start3A_19 = arith.constant 0 : i32
      %dma_start3A_20 = tpu.memref_slice %arg2[%dma_start3A_18, %dma_start3A_19] : memref<8192x2048xf32, #tpu.memory_space<hbm>> -> memref<8192x2048xf32, #tpu.memory_space<hbm>>
      tpu.enqueue_indirect_dma source(%dma_start3A_20 : memref<8192x2048xf32, #tpu.memory_space<hbm>>) target(%arg7 : memref<16x2048xf32, #tpu.memory_space<vmem>>) offsets(%arg6 : memref<16xi32, #tpu.memory_space<vmem>>) semaphore(%arg8 : memref<!tpu.dma_semaphore, #tpu.memory_space<semaphore_mem>>)
      %dma_wait3A_21 = arith.constant 0 : i32
      %dma_wait3A_22 = arith.constant 0 : i32
      %dma_wait3A_23 = tpu.memref_slice %arg2[%dma_wait3A_21, %dma_wait3A_22] : memref<8192x2048xf32, #tpu.memory_space<hbm>> -> memref<8192x2048xf32, #tpu.memory_space<hbm>>
      tpu.wait_indirect_dma semaphore(%arg8 : memref<!tpu.dma_semaphore, #tpu.memory_space<semaphore_mem>>) src(%dma_wait3A_23 : memref<8192x2048xf32, #tpu.memory_space<hbm>>) dst(%arg7 : memref<16x2048xf32, #tpu.memory_space<vmem>>)
      %sub3A_24 = arith.constant 1024 : i32
      %sub3A_25 = arith.subi %add3A_17, %sub3A_24 : i32
      "tpu.region"() ({
        %run_scoped3A = tpu.sem_alloc : memref<!tpu.dma_semaphore, #tpu.memory_space<semaphore_mem>>
        %dma_start3A_46 = arith.constant 0 : i32
        %dma_start3A_47 = tpu.memref_slice %arg5[%sub3A_25, %dma_start3A_46] : memref<1024x2048xf32, #tpu.memory_space<hbm>> -> memref<16x2048xf32, #tpu.memory_space<hbm>>
        %dma_start3A_48 = arith.constant 0 : i32
        %dma_start3A_49 = tpu.memref_slice %arg5[%sub3A_25, %dma_start3A_48] : memref<1024x2048xf32, #tpu.memory_space<hbm>> -> memref<16x2048xf32, #tpu.memory_space<hbm>>
        tpu.enqueue_dma source(%arg7 : memref<16x2048xf32, #tpu.memory_space<vmem>>) target(%dma_start3A_49 : memref<16x2048xf32, #tpu.memory_space<hbm>>) target_semaphore(%run_scoped3A : memref<!tpu.dma_semaphore, #tpu.memory_space<semaphore_mem>>)
        %dma_wait3A_50 = arith.constant 0 : i32
        %dma_wait3A_51 = tpu.memref_slice %arg5[%sub3A_25, %dma_wait3A_50] : memref<1024x2048xf32, #tpu.memory_space<hbm>> -> memref<16x2048xf32, #tpu.memory_space<hbm>>
        %dma_wait3A_52 = arith.constant 0 : i32
        %dma_wait3A_53 = tpu.memref_slice %arg5[%sub3A_25, %dma_wait3A_52] : memref<1024x2048xf32, #tpu.memory_space<hbm>> -> memref<16x2048xf32, #tpu.memory_space<hbm>>
        tpu.wait_dma2 semaphore(%run_scoped3A : memref<!tpu.dma_semaphore, #tpu.memory_space<semaphore_mem>>) src(%arg7 : memref<16x2048xf32, #tpu.memory_space<vmem>>) dst(%dma_wait3A_53 : memref<16x2048xf32, #tpu.memory_space<hbm>>)
        tpu.yield
      }) : () -> ()
      %add3A_26 = arith.constant 32 : i32
      %add3A_27 = arith.addi %mul3A_2, %add3A_26 : i32
      "tpu.region"() ({
        %run_scoped3A = tpu.sem_alloc : memref<!tpu.dma_semaphore, #tpu.memory_space<semaphore_mem>>
        %dma_start3A_46 = arith.constant 32 : i32
        %dma_start3A_47 = tpu.memref_slice %arg3[%add3A, %dma_start3A_46] : memref<32x64xi32, #tpu.memory_space<hbm>> -> memref<1x16xi32, #tpu.memory_space<hbm>>
        %dma_start3A_48 = tpu.memref_squeeze %dma_start3A_47 : memref<1x16xi32, #tpu.memory_space<hbm>> -> memref<16xi32, #tpu.memory_space<hbm>>
        %dma_start3A_49 = arith.constant 32 : i32
        %dma_start3A_50 = tpu.memref_slice %arg3[%add3A, %dma_start3A_49] : memref<32x64xi32, #tpu.memory_space<hbm>> -> memref<1x16xi32, #tpu.memory_space<hbm>>
        %dma_start3A_51 = tpu.memref_squeeze %dma_start3A_50 : memref<1x16xi32, #tpu.memory_space<hbm>> -> memref<16xi32, #tpu.memory_space<hbm>>
        tpu.enqueue_dma source(%dma_start3A_51 : memref<16xi32, #tpu.memory_space<hbm>>) target(%arg6 : memref<16xi32, #tpu.memory_space<vmem>>) target_semaphore(%run_scoped3A : memref<!tpu.dma_semaphore, #tpu.memory_space<semaphore_mem>>)
        %dma_wait3A_52 = arith.constant 32 : i32
        %dma_wait3A_53 = tpu.memref_slice %arg3[%add3A, %dma_wait3A_52] : memref<32x64xi32, #tpu.memory_space<hbm>> -> memref<1x16xi32, #tpu.memory_space<hbm>>
        %dma_wait3A_54 = tpu.memref_squeeze %dma_wait3A_53 : memref<1x16xi32, #tpu.memory_space<hbm>> -> memref<16xi32, #tpu.memory_space<hbm>>
        %dma_wait3A_55 = arith.constant 32 : i32
        %dma_wait3A_56 = tpu.memref_slice %arg3[%add3A, %dma_wait3A_55] : memref<32x64xi32, #tpu.memory_space<hbm>> -> memref<1x16xi32, #tpu.memory_space<hbm>>
        %dma_wait3A_57 = tpu.memref_squeeze %dma_wait3A_56 : memref<1x16xi32, #tpu.memory_space<hbm>> -> memref<16xi32, #tpu.memory_space<hbm>>
        tpu.wait_dma2 semaphore(%run_scoped3A : memref<!tpu.dma_semaphore, #tpu.memory_space<semaphore_mem>>) src(%dma_wait3A_57 : memref<16xi32, #tpu.memory_space<hbm>>) dst(%arg6 : memref<16xi32, #tpu.memory_space<vmem>>)
        tpu.yield
      }) : () -> ()
      %dma_start3A_28 = arith.constant 0 : i32
      %dma_start3A_29 = arith.constant 0 : i32
      %dma_start3A_30 = tpu.memref_slice %arg2[%dma_start3A_28, %dma_start3A_29] : memref<8192x2048xf32, #tpu.memory_space<hbm>> -> memref<8192x2048xf32, #tpu.memory_space<hbm>>
      tpu.enqueue_indirect_dma source(%dma_start3A_30 : memref<8192x2048xf32, #tpu.memory_space<hbm>>) target(%arg7 : memref<16x2048xf32, #tpu.memory_space<vmem>>) offsets(%arg6 : memref<16xi32, #tpu.memory_space<vmem>>) semaphore(%arg8 : memref<!tpu.dma_semaphore, #tpu.memory_space<semaphore_mem>>)
      %dma_wait3A_31 = arith.constant 0 : i32
      %dma_wait3A_32 = arith.constant 0 : i32
      %dma_wait3A_33 = tpu.memref_slice %arg2[%dma_wait3A_31, %dma_wait3A_32] : memref<8192x2048xf32, #tpu.memory_space<hbm>> -> memref<8192x2048xf32, #tpu.memory_space<hbm>>
      tpu.wait_indirect_dma semaphore(%arg8 : memref<!tpu.dma_semaphore, #tpu.memory_space<semaphore_mem>>) src(%dma_wait3A_33 : memref<8192x2048xf32, #tpu.memory_space<hbm>>) dst(%arg7 : memref<16x2048xf32, #tpu.memory_space<vmem>>)
      %sub3A_34 = arith.constant 1024 : i32
      %sub3A_35 = arith.subi %add3A_27, %sub3A_34 : i32
      "tpu.region"() ({
        %run_scoped3A = tpu.sem_alloc : memref<!tpu.dma_semaphore, #tpu.memory_space<semaphore_mem>>
        %dma_start3A_46 = arith.constant 0 : i32
        %dma_start3A_47 = tpu.memref_slice %arg5[%sub3A_35, %dma_start3A_46] : memref<1024x2048xf32, #tpu.memory_space<hbm>> -> memref<16x2048xf32, #tpu.memory_space<hbm>>
        %dma_start3A_48 = arith.constant 0 : i32
        %dma_start3A_49 = tpu.memref_slice %arg5[%sub3A_35, %dma_start3A_48] : memref<1024x2048xf32, #tpu.memory_space<hbm>> -> memref<16x2048xf32, #tpu.memory_space<hbm>>
        tpu.enqueue_dma source(%arg7 : memref<16x2048xf32, #tpu.memory_space<vmem>>) target(%dma_start3A_49 : memref<16x2048xf32, #tpu.memory_space<hbm>>) target_semaphore(%run_scoped3A : memref<!tpu.dma_semaphore, #tpu.memory_space<semaphore_mem>>)
        %dma_wait3A_50 = arith.constant 0 : i32
        %dma_wait3A_51 = tpu.memref_slice %arg5[%sub3A_35, %dma_wait3A_50] : memref<1024x2048xf32, #tpu.memory_space<hbm>> -> memref<16x2048xf32, #tpu.memory_space<hbm>>
        %dma_wait3A_52 = arith.constant 0 : i32
        %dma_wait3A_53 = tpu.memref_slice %arg5[%sub3A_35, %dma_wait3A_52] : memref<1024x2048xf32, #tpu.memory_space<hbm>> -> memref<16x2048xf32, #tpu.memory_space<hbm>>
        tpu.wait_dma2 semaphore(%run_scoped3A : memref<!tpu.dma_semaphore, #tpu.memory_space<semaphore_mem>>) src(%arg7 : memref<16x2048xf32, #tpu.memory_space<vmem>>) dst(%dma_wait3A_53 : memref<16x2048xf32, #tpu.memory_space<hbm>>)
        tpu.yield
      }) : () -> ()
      %add3A_36 = arith.constant 48 : i32
      %add3A_37 = arith.addi %mul3A_2, %add3A_36 : i32
      "tpu.region"() ({
        %run_scoped3A = tpu.sem_alloc : memref<!tpu.dma_semaphore, #tpu.memory_space<semaphore_mem>>
        %dma_start3A_46 = arith.constant 48 : i32
        %dma_start3A_47 = tpu.memref_slice %arg3[%add3A, %dma_start3A_46] : memref<32x64xi32, #tpu.memory_space<hbm>> -> memref<1x16xi32, #tpu.memory_space<hbm>>
        %dma_start3A_48 = tpu.memref_squeeze %dma_start3A_47 : memref<1x16xi32, #tpu.memory_space<hbm>> -> memref<16xi32, #tpu.memory_space<hbm>>
        %dma_start3A_49 = arith.constant 48 : i32
        %dma_start3A_50 = tpu.memref_slice %arg3[%add3A, %dma_start3A_49] : memref<32x64xi32, #tpu.memory_space<hbm>> -> memref<1x16xi32, #tpu.memory_space<hbm>>
        %dma_start3A_51 = tpu.memref_squeeze %dma_start3A_50 : memref<1x16xi32, #tpu.memory_space<hbm>> -> memref<16xi32, #tpu.memory_space<hbm>>
        tpu.enqueue_dma source(%dma_start3A_51 : memref<16xi32, #tpu.memory_space<hbm>>) target(%arg6 : memref<16xi32, #tpu.memory_space<vmem>>) target_semaphore(%run_scoped3A : memref<!tpu.dma_semaphore, #tpu.memory_space<semaphore_mem>>)
        %dma_wait3A_52 = arith.constant 48 : i32
        %dma_wait3A_53 = tpu.memref_slice %arg3[%add3A, %dma_wait3A_52] : memref<32x64xi32, #tpu.memory_space<hbm>> -> memref<1x16xi32, #tpu.memory_space<hbm>>
        %dma_wait3A_54 = tpu.memref_squeeze %dma_wait3A_53 : memref<1x16xi32, #tpu.memory_space<hbm>> -> memref<16xi32, #tpu.memory_space<hbm>>
        %dma_wait3A_55 = arith.constant 48 : i32
        %dma_wait3A_56 = tpu.memref_slice %arg3[%add3A, %dma_wait3A_55] : memref<32x64xi32, #tpu.memory_space<hbm>> -> memref<1x16xi32, #tpu.memory_space<hbm>>
        %dma_wait3A_57 = tpu.memref_squeeze %dma_wait3A_56 : memref<1x16xi32, #tpu.memory_space<hbm>> -> memref<16xi32, #tpu.memory_space<hbm>>
        tpu.wait_dma2 semaphore(%run_scoped3A : memref<!tpu.dma_semaphore, #tpu.memory_space<semaphore_mem>>) src(%dma_wait3A_57 : memref<16xi32, #tpu.memory_space<hbm>>) dst(%arg6 : memref<16xi32, #tpu.memory_space<vmem>>)
        tpu.yield
      }) : () -> ()
      %dma_start3A_38 = arith.constant 0 : i32
      %dma_start3A_39 = arith.constant 0 : i32
      %dma_start3A_40 = tpu.memref_slice %arg2[%dma_start3A_38, %dma_start3A_39] : memref<8192x2048xf32, #tpu.memory_space<hbm>> -> memref<8192x2048xf32, #tpu.memory_space<hbm>>
      tpu.enqueue_indirect_dma source(%dma_start3A_40 : memref<8192x2048xf32, #tpu.memory_space<hbm>>) target(%arg7 : memref<16x2048xf32, #tpu.memory_space<vmem>>) offsets(%arg6 : memref<16xi32, #tpu.memory_space<vmem>>) semaphore(%arg8 : memref<!tpu.dma_semaphore, #tpu.memory_space<semaphore_mem>>)
      %dma_wait3A_41 = arith.constant 0 : i32
      %dma_wait3A_42 = arith.constant 0 : i32
      %dma_wait3A_43 = tpu.memref_slice %arg2[%dma_wait3A_41, %dma_wait3A_42] : memref<8192x2048xf32, #tpu.memory_space<hbm>> -> memref<8192x2048xf32, #tpu.memory_space<hbm>>
      tpu.wait_indirect_dma semaphore(%arg8 : memref<!tpu.dma_semaphore, #tpu.memory_space<semaphore_mem>>) src(%dma_wait3A_43 : memref<8192x2048xf32, #tpu.memory_space<hbm>>) dst(%arg7 : memref<16x2048xf32, #tpu.memory_space<vmem>>)
      %sub3A_44 = arith.constant 1024 : i32
      %sub3A_45 = arith.subi %add3A_37, %sub3A_44 : i32
      "tpu.region"() ({
        %run_scoped3A = tpu.sem_alloc : memref<!tpu.dma_semaphore, #tpu.memory_space<semaphore_mem>>
        %dma_start3A_46 = arith.constant 0 : i32
        %dma_start3A_47 = tpu.memref_slice %arg5[%sub3A_45, %dma_start3A_46] : memref<1024x2048xf32, #tpu.memory_space<hbm>> -> memref<16x2048xf32, #tpu.memory_space<hbm>>
        %dma_start3A_48 = arith.constant 0 : i32
        %dma_start3A_49 = tpu.memref_slice %arg5[%sub3A_45, %dma_start3A_48] : memref<1024x2048xf32, #tpu.memory_space<hbm>> -> memref<16x2048xf32, #tpu.memory_space<hbm>>
        tpu.enqueue_dma source(%arg7 : memref<16x2048xf32, #tpu.memory_space<vmem>>) target(%dma_start3A_49 : memref<16x2048xf32, #tpu.memory_space<hbm>>) target_semaphore(%run_scoped3A : memref<!tpu.dma_semaphore, #tpu.memory_space<semaphore_mem>>)
        %dma_wait3A_50 = arith.constant 0 : i32
        %dma_wait3A_51 = tpu.memref_slice %arg5[%sub3A_45, %dma_wait3A_50] : memref<1024x2048xf32, #tpu.memory_space<hbm>> -> memref<16x2048xf32, #tpu.memory_space<hbm>>
        %dma_wait3A_52 = arith.constant 0 : i32
        %dma_wait3A_53 = tpu.memref_slice %arg5[%sub3A_45, %dma_wait3A_52] : memref<1024x2048xf32, #tpu.memory_space<hbm>> -> memref<16x2048xf32, #tpu.memory_space<hbm>>
        tpu.wait_dma2 semaphore(%run_scoped3A : memref<!tpu.dma_semaphore, #tpu.memory_space<semaphore_mem>>) src(%arg7 : memref<16x2048xf32, #tpu.memory_space<vmem>>) dst(%dma_wait3A_53 : memref<16x2048xf32, #tpu.memory_space<hbm>>)
        tpu.yield
      }) : () -> ()
    } else {
    }
    return
  }
}

module attributes {stable_mosaic.version = 14 : i64} {
  func.func @_conv_body(%arg0: i32, %arg1: i32, %arg2: memref<2x512x2048xf32, #tpu.memory_space<vmem>>, %arg3: memref<3x2048x1024xbf16, #tpu.memory_space<vmem>>, %arg4: memref<8x1024xf32, #tpu.memory_space<vmem>>, %arg5: memref<1024x20xf32, #tpu.memory_space<vmem>>, %arg6: memref<2x512x1024xf32, #tpu.memory_space<vmem>>, %arg7: memref<16x1x512xf32, #tpu.memory_space<vmem>>, %arg8: memref<16x20x512xf32, #tpu.memory_space<vmem>>, %arg9: memref<16x512x20xf32, #tpu.memory_space<vmem>>, %arg10: memref<32x64xi32, #tpu.memory_space<vmem>>, %arg11: memref<16x20xf32, #tpu.memory_space<vmem>>, %arg12: memref<16x20xf32, #tpu.memory_space<vmem>>) attributes {dimension_semantics = [#tpu.dimension_semantics<arbitrary>, #tpu.dimension_semantics<arbitrary>], iteration_bounds = array<i64: 2, 8>, scalar_prefetch = 0 : i64, scratch_operands = 0 : i64, tpu.core_type = #tpu.core_type<tc>, window_params = [{transform_indices = @transform_0, window_bounds = array<i64: 2, 512, 2048>}, {transform_indices = @transform_1, window_bounds = array<i64: 3, 2048, 1024>}, {transform_indices = @transform_2, window_bounds = array<i64: 8, 1024>}, {transform_indices = @transform_3, window_bounds = array<i64: 1024, 20>}, {transform_indices = @transform_4, window_bounds = array<i64: 2, 512, 1024>}, {pipeline_mode = #tpu.pipeline_mode<synchronous>, transform_indices = @transform_5, window_bounds = array<i64: 16, 1, 512>}, {pipeline_mode = #tpu.pipeline_mode<synchronous>, transform_indices = @transform_6, window_bounds = array<i64: 16, 20, 512>}, {pipeline_mode = #tpu.pipeline_mode<synchronous>, transform_indices = @transform_7, window_bounds = array<i64: 16, 512, 20>}, {pipeline_mode = #tpu.pipeline_mode<synchronous>, transform_indices = @transform_8, window_bounds = array<i64: 32, 64>}, {pipeline_mode = #tpu.pipeline_mode<synchronous>, transform_indices = @transform_9, window_bounds = array<i64: 16, 20>}, {pipeline_mode = #tpu.pipeline_mode<synchronous>, transform_indices = @transform_10, window_bounds = array<i64: 16, 20>}]} {
    %get3A = arith.constant 0 : index
    %get3A_0 = arith.constant 0 : index
    %get3A_1 = arith.constant 0 : index
    %get3A_2 = vector.load %arg2[%get3A, %get3A_0, %get3A_1] : memref<2x512x2048xf32, #tpu.memory_space<vmem>>, vector<2x512x2048xf32>
    %reshape3A = vector.shape_cast %get3A_2 : vector<2x512x2048xf32> to vector<1024x2048xf32>
    %convert_element_type3A = arith.truncf %reshape3A : vector<1024x2048xf32> to vector<1024x2048xbf16>
    %get3A_3 = arith.constant 0 : index
    %get3A_4 = arith.constant 0 : index
    %get3A_5 = arith.constant 0 : index
    %get3A_6 = vector.load %arg3[%get3A_3, %get3A_4, %get3A_5] : memref<3x2048x1024xbf16, #tpu.memory_space<vmem>>, vector<1x2048x1024xbf16>
    %get3A_7 = vector.shape_cast %get3A_6 : vector<1x2048x1024xbf16> to vector<2048x1024xbf16>
    %dot_general3A = arith.constant dense<0.000000e+00> : vector<1024x1024xf32>
    %dot_general3A_8 = tpu.matmul %convert_element_type3A, %get3A_7, %dot_general3A {dimension_numbers = #tpu.dot_dimension_numbers<[1], [0], [0], [1], [0, 0, 1, 1], [], []>, transpose_lhs_hint = false} : vector<1024x2048xbf16>, vector<2048x1024xbf16>, vector<1024x1024xf32> -> vector<1024x1024xf32>
    %reshape3A_9 = vector.shape_cast %dot_general3A_8 : vector<1024x1024xf32> to vector<2x512x1024xf32>
    %get3A_10 = arith.constant 1 : index
    %get3A_11 = arith.constant 0 : index
    %get3A_12 = arith.constant 0 : index
    %get3A_13 = vector.load %arg3[%get3A_10, %get3A_11, %get3A_12] : memref<3x2048x1024xbf16, #tpu.memory_space<vmem>>, vector<1x2048x1024xbf16>
    %get3A_14 = vector.shape_cast %get3A_13 : vector<1x2048x1024xbf16> to vector<2048x1024xbf16>
    %dot_general3A_15 = arith.constant dense<0.000000e+00> : vector<1024x1024xf32>
    %dot_general3A_16 = tpu.matmul %convert_element_type3A, %get3A_14, %dot_general3A_15 {dimension_numbers = #tpu.dot_dimension_numbers<[1], [0], [0], [1], [0, 0, 1, 1], [], []>, transpose_lhs_hint = false} : vector<1024x2048xbf16>, vector<2048x1024xbf16>, vector<1024x1024xf32> -> vector<1024x1024xf32>
    %reshape3A_17 = vector.shape_cast %dot_general3A_16 : vector<1024x1024xf32> to vector<2x512x1024xf32>
    %get3A_18 = arith.constant 2 : index
    %get3A_19 = arith.constant 0 : index
    %get3A_20 = arith.constant 0 : index
    %get3A_21 = vector.load %arg3[%get3A_18, %get3A_19, %get3A_20] : memref<3x2048x1024xbf16, #tpu.memory_space<vmem>>, vector<1x2048x1024xbf16>
    %get3A_22 = vector.shape_cast %get3A_21 : vector<1x2048x1024xbf16> to vector<2048x1024xbf16>
    %dot_general3A_23 = arith.constant dense<0.000000e+00> : vector<1024x1024xf32>
    %dot_general3A_24 = tpu.matmul %convert_element_type3A, %get3A_22, %dot_general3A_23 {dimension_numbers = #tpu.dot_dimension_numbers<[1], [0], [0], [1], [0, 0, 1, 1], [], []>, transpose_lhs_hint = false} : vector<1024x2048xbf16>, vector<2048x1024xbf16>, vector<1024x1024xf32> -> vector<1024x1024xf32>
    %reshape3A_25 = vector.shape_cast %dot_general3A_24 : vector<1024x1024xf32> to vector<2x512x1024xf32>
    %broadcast_in_dim3A = arith.constant 0.000000e+00 : f32
    %broadcast_in_dim3A_26 = vector.broadcast %broadcast_in_dim3A : f32 to vector<2x1x1024xf32>
    %slice3A = vector.extract_strided_slice %reshape3A_9 {offsets = [0, 0, 0], sizes = [2, 511, 1024], strides = [1, 1, 1]} : vector<2x512x1024xf32> to vector<2x511x1024xf32>
    %concatenate3A = tpu.concatenate %broadcast_in_dim3A_26, %slice3A in 1 : vector<2x1x1024xf32>, vector<2x511x1024xf32> -> vector<2x512x1024xf32>
    %add3A = arith.addf %reshape3A_17, %concatenate3A : vector<2x512x1024xf32>
    %slice3A_27 = vector.extract_strided_slice %reshape3A_25 {offsets = [0, 1, 0], sizes = [2, 511, 1024], strides = [1, 1, 1]} : vector<2x512x1024xf32> to vector<2x511x1024xf32>
    %concatenate3A_28 = tpu.concatenate %slice3A_27, %broadcast_in_dim3A_26 in 1 : vector<2x511x1024xf32>, vector<2x1x1024xf32> -> vector<2x512x1024xf32>
    %add3A_29 = arith.addf %add3A, %concatenate3A_28 : vector<2x512x1024xf32>
    %get3A_30 = arith.constant 0 : index
    %get3A_31 = arith.constant 0 : index
    %get3A_32 = vector.load %arg4[%get3A_30, %get3A_31] : memref<8x1024xf32, #tpu.memory_space<vmem>>, vector<1x1024xf32>
    %reshape3A_33 = vector.shape_cast %get3A_32 : vector<1x1024xf32> to vector<1x1x1024xf32>
    %add3A_34 = vector.broadcast %reshape3A_33 : vector<1x1x1024xf32> to vector<2x512x1024xf32>
    %add3A_35 = arith.addf %add3A_29, %add3A_34 : vector<2x512x1024xf32>
    %max3A = arith.constant 0.000000e+00 : f32
    %max3A_36 = vector.broadcast %max3A : f32 to vector<2x512x1024xf32>
    %max3A_37 = arith.maximumf %add3A_35, %max3A_36 : vector<2x512x1024xf32>
    %swap3A = arith.constant 0 : index
    %swap3A_38 = arith.constant 0 : index
    %swap3A_39 = arith.constant 0 : index
    %swap3A_40 = vector.load %arg6[%swap3A, %swap3A_38, %swap3A_39] : memref<2x512x1024xf32, #tpu.memory_space<vmem>>, vector<2x512x1024xf32>
    tpu.vector_store %arg6[%swap3A, %swap3A_38, %swap3A_39], %max3A_37 {strides = array<i32>} : memref<2x512x1024xf32, #tpu.memory_space<vmem>>, vector<2x512x1024xf32>,
    %reshape3A_41 = vector.shape_cast %max3A_37 : vector<2x512x1024xf32> to vector<1024x1024xf32>
    %mul3A = arith.mulf %reshape3A_41, %reshape3A_41 : vector<1024x1024xf32>
    %reduce_sum3A = arith.constant dense<0.000000e+00> : vector<1024xf32>
    %reduce_sum3A_42 = vector.multi_reduction <add>, %mul3A, %reduce_sum3A [1] : vector<1024x1024xf32> to vector<1024xf32>
    %reshape3A_43 = vector.shape_cast %reduce_sum3A_42 : vector<1024xf32> to vector<2x1x512xf32>
    %get3A_44 = arith.constant 0 : index
    %get3A_45 = arith.constant 0 : index
    %get3A_46 = vector.load %arg5[%get3A_44, %get3A_45] : memref<1024x20xf32, #tpu.memory_space<vmem>>, vector<1024x20xf32>
    %slice3A_47 = vector.extract_strided_slice %max3A_37 {offsets = [0, 0, 0], sizes = [1, 512, 1024], strides = [1, 1, 1]} : vector<2x512x1024xf32> to vector<1x512x1024xf32>
    %squeeze3A = vector.shape_cast %slice3A_47 : vector<1x512x1024xf32> to vector<512x1024xf32>
    %dot_general3A_48 = arith.constant dense<0.000000e+00> : vector<20x512xf32>
    %dot_general3A_49 = tpu.matmul %get3A_46, %squeeze3A, %dot_general3A_48 {dimension_numbers = #tpu.dot_dimension_numbers<[0], [1], [1], [0], [0, 1, 1, 0], [], []>, transpose_lhs_hint = false} : vector<1024x20xf32>, vector<512x1024xf32>, vector<20x512xf32> -> vector<20x512xf32>
    %slice3A_50 = vector.extract_strided_slice %max3A_37 {offsets = [1, 0, 0], sizes = [1, 512, 1024], strides = [1, 1, 1]} : vector<2x512x1024xf32> to vector<1x512x1024xf32>
    %squeeze3A_51 = vector.shape_cast %slice3A_50 : vector<1x512x1024xf32> to vector<512x1024xf32>
    %dot_general3A_52 = arith.constant dense<0.000000e+00> : vector<20x512xf32>
    %dot_general3A_53 = tpu.matmul %get3A_46, %squeeze3A_51, %dot_general3A_52 {dimension_numbers = #tpu.dot_dimension_numbers<[0], [1], [1], [0], [0, 1, 1, 0], [], []>, transpose_lhs_hint = false} : vector<1024x20xf32>, vector<512x1024xf32>, vector<20x512xf32> -> vector<20x512xf32>
    %stack3A = vector.shape_cast %dot_general3A_49 : vector<20x512xf32> to vector<1x20x512xf32>
    %stack3A_54 = vector.shape_cast %dot_general3A_53 : vector<20x512xf32> to vector<1x20x512xf32>
    %stack3A_55 = tpu.concatenate %stack3A, %stack3A_54 in 0 : vector<1x20x512xf32>, vector<1x20x512xf32> -> vector<2x20x512xf32>
    %dot_general3A_56 = arith.constant dense<0.000000e+00> : vector<1024x20xf32>
    %dot_general3A_57 = tpu.matmul %reshape3A_41, %get3A_46, %dot_general3A_56 {dimension_numbers = #tpu.dot_dimension_numbers<[1], [0], [0], [1], [0, 0, 1, 1], [], []>, transpose_lhs_hint = false} : vector<1024x1024xf32>, vector<1024x20xf32>, vector<1024x20xf32> -> vector<1024x20xf32>
    %reshape3A_58 = vector.shape_cast %dot_general3A_57 : vector<1024x20xf32> to vector<2x512x20xf32>
    %mul3A_59 = arith.constant 2 : i32
    %mul3A_60 = arith.muli %arg1, %mul3A_59 : i32
    %eq3A = arith.constant 0 : i32
    %eq3A_61 = arith.cmpi eq, %arg0, %eq3A : i32
    %convert_element_type3A_62 = arith.extui %eq3A_61 : i1 to i32
    %cond3A = arith.constant 0 : i32
    %cond3A_63 = arith.cmpi ne, %convert_element_type3A_62, %cond3A : i32
    scf.if %cond3A_63 {
      %swap3A_80 = arith.index_cast %mul3A_60 : i32 to index
      %swap3A_81 = arith.constant 0 : index
      %swap3A_82 = arith.constant 0 : index
      %swap3A_83 = vector.load %arg7[%swap3A_80, %swap3A_81, %swap3A_82] : memref<16x1x512xf32, #tpu.memory_space<vmem>>, vector<2x1x512xf32>
      tpu.vector_store %arg7[%swap3A_80, %swap3A_81, %swap3A_82], %reshape3A_43 {strides = array<i32>} : memref<16x1x512xf32, #tpu.memory_space<vmem>>, vector<2x1x512xf32>,
      %swap3A_84 = arith.index_cast %mul3A_60 : i32 to index
      %swap3A_85 = arith.constant 0 : index
      %swap3A_86 = arith.constant 0 : index
      %swap3A_87 = vector.load %arg8[%swap3A_84, %swap3A_85, %swap3A_86] : memref<16x20x512xf32, #tpu.memory_space<vmem>>, vector<2x20x512xf32>
      tpu.vector_store %arg8[%swap3A_84, %swap3A_85, %swap3A_86], %stack3A_55 {strides = array<i32>} : memref<16x20x512xf32, #tpu.memory_space<vmem>>, vector<2x20x512xf32>,
      %swap3A_88 = arith.index_cast %mul3A_60 : i32 to index
      %swap3A_89 = arith.constant 0 : index
      %swap3A_90 = arith.constant 0 : index
      %swap3A_91 = vector.load %arg9[%swap3A_88, %swap3A_89, %swap3A_90] : memref<16x512x20xf32, #tpu.memory_space<vmem>>, vector<2x512x20xf32>
      tpu.vector_store %arg9[%swap3A_88, %swap3A_89, %swap3A_90], %reshape3A_58 {strides = array<i32>} : memref<16x512x20xf32, #tpu.memory_space<vmem>>, vector<2x512x20xf32>,
    } else {
    }
    %gt3A = arith.constant 0 : i32
    %gt3A_64 = arith.cmpi sgt, %arg0, %gt3A : i32
    %convert_element_type3A_65 = arith.extui %gt3A_64 : i1 to i32
    %cond3A_66 = arith.constant 0 : i32
    %cond3A_67 = arith.cmpi ne, %convert_element_type3A_65, %cond3A_66 : i32
    scf.if %cond3A_67 {
      %get3A_80 = arith.index_cast %mul3A_60 : i32 to index
      %get3A_81 = arith.constant 0 : index
      %get3A_82 = arith.constant 0 : index
      %get3A_83 = vector.load %arg7[%get3A_80, %get3A_81, %get3A_82] : memref<16x1x512xf32, #tpu.memory_space<vmem>>, vector<2x1x512xf32>
      %add3A_84 = arith.addf %get3A_83, %reshape3A_43 : vector<2x1x512xf32>
      %swap3A_85 = arith.index_cast %mul3A_60 : i32 to index
      %swap3A_86 = arith.constant 0 : index
      %swap3A_87 = arith.constant 0 : index
      %swap3A_88 = vector.load %arg7[%swap3A_85, %swap3A_86, %swap3A_87] : memref<16x1x512xf32, #tpu.memory_space<vmem>>, vector<2x1x512xf32>
      tpu.vector_store %arg7[%swap3A_85, %swap3A_86, %swap3A_87], %add3A_84 {strides = array<i32>} : memref<16x1x512xf32, #tpu.memory_space<vmem>>, vector<2x1x512xf32>,
      %get3A_89 = arith.index_cast %mul3A_60 : i32 to index
      %get3A_90 = arith.constant 0 : index
      %get3A_91 = arith.constant 0 : index
      %get3A_92 = vector.load %arg8[%get3A_89, %get3A_90, %get3A_91] : memref<16x20x512xf32, #tpu.memory_space<vmem>>, vector<2x20x512xf32>
      %add3A_93 = arith.addf %get3A_92, %stack3A_55 : vector<2x20x512xf32>
      %swap3A_94 = arith.index_cast %mul3A_60 : i32 to index
      %swap3A_95 = arith.constant 0 : index
      %swap3A_96 = arith.constant 0 : index
      %swap3A_97 = vector.load %arg8[%swap3A_94, %swap3A_95, %swap3A_96] : memref<16x20x512xf32, #tpu.memory_space<vmem>>, vector<2x20x512xf32>
      tpu.vector_store %arg8[%swap3A_94, %swap3A_95, %swap3A_96], %add3A_93 {strides = array<i32>} : memref<16x20x512xf32, #tpu.memory_space<vmem>>, vector<2x20x512xf32>,
      %get3A_98 = arith.index_cast %mul3A_60 : i32 to index
      %get3A_99 = arith.constant 0 : index
      %get3A_100 = arith.constant 0 : index
      %get3A_101 = vector.load %arg9[%get3A_98, %get3A_99, %get3A_100] : memref<16x512x20xf32, #tpu.memory_space<vmem>>, vector<2x512x20xf32>
      %add3A_102 = arith.addf %get3A_101, %reshape3A_58 : vector<2x512x20xf32>
      %swap3A_103 = arith.index_cast %mul3A_60 : i32 to index
      %swap3A_104 = arith.constant 0 : index
      %swap3A_105 = arith.constant 0 : index
      %swap3A_106 = vector.load %arg9[%swap3A_103, %swap3A_104, %swap3A_105] : memref<16x512x20xf32, #tpu.memory_space<vmem>>, vector<2x512x20xf32>
      tpu.vector_store %arg9[%swap3A_103, %swap3A_104, %swap3A_105], %add3A_102 {strides = array<i32>} : memref<16x512x20xf32, #tpu.memory_space<vmem>>, vector<2x512x20xf32>,
    } else {
    }
    %eq3A_68 = arith.constant 1 : i32
    %eq3A_69 = arith.cmpi eq, %arg0, %eq3A_68 : i32
    %convert_element_type3A_70 = arith.extui %eq3A_69 : i1 to i32
    %cond3A_71 = arith.constant 0 : i32
    %cond3A_72 = arith.cmpi ne, %convert_element_type3A_70, %cond3A_71 : i32
    scf.if %cond3A_72 {
      %get3A_80 = arith.index_cast %mul3A_60 : i32 to index
      %get3A_81 = arith.constant 0 : index
      %get3A_82 = arith.constant 0 : index
      %get3A_83 = vector.load %arg7[%get3A_80, %get3A_81, %get3A_82] : memref<16x1x512xf32, #tpu.memory_space<vmem>>, vector<2x1x512xf32>
      %sqrt3A = math.sqrt %get3A_83 : vector<2x1x512xf32>
      %swap3A_84 = arith.index_cast %mul3A_60 : i32 to index
      %swap3A_85 = arith.constant 0 : index
      %swap3A_86 = arith.constant 0 : index
      %swap3A_87 = vector.load %arg7[%swap3A_84, %swap3A_85, %swap3A_86] : memref<16x1x512xf32, #tpu.memory_space<vmem>>, vector<2x1x512xf32>
      tpu.vector_store %arg7[%swap3A_84, %swap3A_85, %swap3A_86], %sqrt3A {strides = array<i32>} : memref<16x1x512xf32, #tpu.memory_space<vmem>>, vector<2x1x512xf32>,
      %get3A_88 = arith.index_cast %mul3A_60 : i32 to index
      %get3A_89 = arith.constant 0 : index
      %get3A_90 = arith.constant 0 : index
      %get3A_91 = vector.load %arg9[%get3A_88, %get3A_89, %get3A_90] : memref<16x512x20xf32, #tpu.memory_space<vmem>>, vector<2x512x20xf32>
      %reduce_max3A = arith.constant dense<0xFF800000> : vector<2x512xf32>
      %reduce_max3A_92 = vector.multi_reduction <maximumf>, %get3A_91, %reduce_max3A [2] : vector<2x512x20xf32> to vector<2x512xf32>
      %broadcast_in_dim3A_93 = vector.shape_cast %reduce_max3A_92 : vector<2x512xf32> to vector<2x512x1xf32>
      %sub3A = vector.broadcast %broadcast_in_dim3A_93 : vector<2x512x1xf32> to vector<2x512x20xf32>
      %sub3A_94 = arith.subf %get3A_91, %sub3A : vector<2x512x20xf32>
      %exp3A = math.exp %sub3A_94 : vector<2x512x20xf32>
      %reduce_sum3A_95 = arith.constant dense<0.000000e+00> : vector<2x512xf32>
      %reduce_sum3A_96 = vector.multi_reduction <add>, %exp3A, %reduce_sum3A_95 [2] : vector<2x512x20xf32> to vector<2x512xf32>
      %broadcast_in_dim3A_97 = vector.shape_cast %reduce_sum3A_96 : vector<2x512xf32> to vector<2x512x1xf32>
      %div3A = vector.broadcast %broadcast_in_dim3A_97 : vector<2x512x1xf32> to vector<2x512x20xf32>
      %div3A_98 = arith.divf %exp3A, %div3A : vector<2x512x20xf32>
      %swap3A_99 = arith.index_cast %mul3A_60 : i32 to index
      %swap3A_100 = arith.constant 0 : index
      %swap3A_101 = arith.constant 0 : index
      %swap3A_102 = vector.load %arg9[%swap3A_99, %swap3A_100, %swap3A_101] : memref<16x512x20xf32, #tpu.memory_space<vmem>>, vector<2x512x20xf32>
      tpu.vector_store %arg9[%swap3A_99, %swap3A_100, %swap3A_101], %div3A_98 {strides = array<i32>} : memref<16x512x20xf32, #tpu.memory_space<vmem>>, vector<2x512x20xf32>,
    } else {
    }
    %eq3A_73 = arith.constant 1 : i32
    %eq3A_74 = arith.cmpi eq, %arg0, %eq3A_73 : i32
    %eq3A_75 = arith.constant 7 : i32
    %eq3A_76 = arith.cmpi eq, %arg1, %eq3A_75 : i32
    %and3A = arith.andi %eq3A_74, %eq3A_76 : i1
    %convert_element_type3A_77 = arith.extui %and3A : i1 to i32
    %cond3A_78 = arith.constant 0 : i32
    %cond3A_79 = arith.cmpi ne, %convert_element_type3A_77, %cond3A_78 : i32
    scf.if %cond3A_79 {
      %get3A_80 = arith.constant 0 : index
      %get3A_81 = arith.constant 0 : index
      %get3A_82 = arith.constant 0 : index
      %get3A_83 = vector.load %arg7[%get3A_80, %get3A_81, %get3A_82] : memref<16x1x512xf32, #tpu.memory_space<vmem>>, vector<16x1x512xf32>
      %reshape3A_84 = vector.shape_cast %get3A_83 : vector<16x1x512xf32> to vector<16x512xf32>
      %iota3A = tpu.iota {dimensions = array<i32: 1>} : vector<16x512xi32>
      %get3A_85 = arith.constant 0 : index
      %get3A_86 = arith.constant 0 : index
      %get3A_87 = arith.constant 0 : index
      %get3A_88 = vector.load %arg8[%get3A_85, %get3A_86, %get3A_87] : memref<16x20x512xf32, #tpu.memory_space<vmem>>, vector<16x20x512xf32>
      %bitcast_convert_type3A = tpu.bitcast %get3A_88 : vector<16x20x512xf32> -> vector<16x20x512xi32>
      %ge3A = arith.constant 0 : i32
      %ge3A_89 = vector.broadcast %ge3A : i32 to vector<16x20x512xi32>
      %ge3A_90 = arith.cmpi sge, %bitcast_convert_type3A, %ge3A_89 : vector<16x20x512xi32>
      %xor3A = arith.constant 2147483647 : i32
      %xor3A_91 = vector.broadcast %xor3A : i32 to vector<16x20x512xi32>
      %xor3A_92 = arith.xori %bitcast_convert_type3A, %xor3A_91 : vector<16x20x512xi32>
      %select_n3A = arith.select %ge3A_90, %bitcast_convert_type3A, %xor3A_92 : vector<16x20x512xi1>, vector<16x20x512xi32>
      %broadcast_in_dim3A_93 = arith.constant -2147483648 : i32
      %broadcast_in_dim3A_94 = vector.broadcast %broadcast_in_dim3A_93 : i32 to vector<16x20x1xi32>
      %broadcast_in_dim3A_95 = arith.constant 2147483647 : i32
      %broadcast_in_dim3A_96 = vector.broadcast %broadcast_in_dim3A_95 : i32 to vector<16x20x1xi32>
      %reduce_max3A = arith.constant dense<0xFF800000> : vector<16xf32>
      %reduce_max3A_97 = vector.multi_reduction <maximumf>, %reshape3A_84, %reduce_max3A [1] : vector<16x512xf32> to vector<16xf32>
      %broadcast_in_dim3A_98 = vector.shape_cast %reduce_max3A_97 : vector<16xf32> to vector<16x1xf32>
      %sub3A = vector.broadcast %broadcast_in_dim3A_98 : vector<16x1xf32> to vector<16x512xf32>
      %sub3A_99 = arith.subf %sub3A, %reshape3A_84 : vector<16x512xf32>
      %reduce_max3A_100 = arith.constant dense<0xFF800000> : vector<16xf32>
      %reduce_max3A_101 = vector.multi_reduction <maximumf>, %reshape3A_84, %reduce_max3A_100 [1] : vector<16x512xf32> to vector<16xf32>
      %broadcast_in_dim3A_102 = vector.shape_cast %reduce_max3A_101 : vector<16xf32> to vector<16x1xf32>
      %reduce_max3A_103 = arith.constant dense<0xFF800000> : vector<16xf32>
      %reduce_max3A_104 = vector.multi_reduction <maximumf>, %sub3A_99, %reduce_max3A_103 [1] : vector<16x512xf32> to vector<16xf32>
      %broadcast_in_dim3A_105 = vector.shape_cast %reduce_max3A_104 : vector<16xf32> to vector<16x1xf32>
      %eq3A_106 = vector.broadcast %broadcast_in_dim3A_102 : vector<16x1xf32> to vector<16x512xf32>
      %eq3A_107 = arith.cmpf oeq, %reshape3A_84, %eq3A_106 : vector<16x512xf32>
      %jit3A = arith.constant 1073741824 : i32
      %broadcast_in_dim3A_108 = vector.broadcast %jit3A : i32 to vector<16x512xi32>
      %select_n3A_109 = arith.select %eq3A_107, %iota3A, %broadcast_in_dim3A_108 : vector<16x512xi1>, vector<16x512xi32>
      %reduce_min3A = arith.constant dense<2147483647> : vector<16xi32>
      %reduce_min3A_110 = vector.multi_reduction <minsi>, %select_n3A_109, %reduce_min3A [1] : vector<16x512xi32> to vector<16xi32>
      %broadcast_in_dim3A_111 = vector.shape_cast %reduce_min3A_110 : vector<16xi32> to vector<16x1xi32>
      %eq3A_112 = vector.broadcast %broadcast_in_dim3A_105 : vector<16x1xf32> to vector<16x512xf32>
      %eq3A_113 = arith.cmpf oeq, %sub3A_99, %eq3A_112 : vector<16x512xf32>
      %jit3A_114 = arith.constant 1073741824 : i32
      %broadcast_in_dim3A_115 = vector.broadcast %jit3A_114 : i32 to vector<16x512xi32>
      %select_n3A_116 = arith.select %eq3A_113, %iota3A, %broadcast_in_dim3A_115 : vector<16x512xi1>, vector<16x512xi32>
      %reduce_min3A_117 = arith.constant dense<2147483647> : vector<16xi32>
      %reduce_min3A_118 = vector.multi_reduction <minsi>, %select_n3A_116, %reduce_min3A_117 [1] : vector<16x512xi32> to vector<16xi32>
      %broadcast_in_dim3A_119 = vector.shape_cast %reduce_min3A_118 : vector<16xi32> to vector<16x1xi32>
      %eq3A_120 = vector.broadcast %broadcast_in_dim3A_111 : vector<16x1xi32> to vector<16x512xi32>
      %eq3A_121 = arith.cmpi eq, %iota3A, %eq3A_120 : vector<16x512xi32>
      %jit3A_122 = arith.constant 0xFF800000 : f32
      %broadcast_in_dim3A_123 = vector.broadcast %jit3A_122 : f32 to vector<16x512xf32>
      %select_n3A_124 = arith.select %eq3A_121, %broadcast_in_dim3A_123, %reshape3A_84 : vector<16x512xi1>, vector<16x512xf32>
      %eq3A_125 = vector.broadcast %broadcast_in_dim3A_119 : vector<16x1xi32> to vector<16x512xi32>
      %eq3A_126 = arith.cmpi eq, %iota3A, %eq3A_125 : vector<16x512xi32>
      %jit3A_127 = arith.constant 0xFF800000 : f32
      %broadcast_in_dim3A_128 = vector.broadcast %jit3A_127 : f32 to vector<16x512xf32>
      %select_n3A_129 = arith.select %eq3A_126, %broadcast_in_dim3A_128, %sub3A_99 : vector<16x512xi1>, vector<16x512xf32>
      %shift_right_arithmetic3A = arith.constant 1 : i32
      %shift_right_arithmetic3A_130 = vector.broadcast %shift_right_arithmetic3A : i32 to vector<16x20x1xi32>
      %shift_right_arithmetic3A_131 = arith.shrsi %broadcast_in_dim3A_94, %shift_right_arithmetic3A_130 : vector<16x20x1xi32>
      %shift_right_arithmetic3A_132 = arith.constant 1 : i32
      %shift_right_arithmetic3A_133 = vector.broadcast %shift_right_arithmetic3A_132 : i32 to vector<16x20x1xi32>
      %shift_right_arithmetic3A_134 = arith.shrsi %broadcast_in_dim3A_96, %shift_right_arithmetic3A_133 : vector<16x20x1xi32>
      %add3A_135 = arith.addi %shift_right_arithmetic3A_131, %shift_right_arithmetic3A_134 : vector<16x20x1xi32>
      %and3A_136 = arith.andi %broadcast_in_dim3A_94, %broadcast_in_dim3A_96 : vector<16x20x1xi32>
      %and3A_137 = arith.constant 1 : i32
      %and3A_138 = vector.broadcast %and3A_137 : i32 to vector<16x20x1xi32>
      %and3A_139 = arith.andi %and3A_136, %and3A_138 : vector<16x20x1xi32>
      %add3A_140 = arith.addi %add3A_135, %and3A_139 : vector<16x20x1xi32>
      %gt3A_141 = vector.broadcast %add3A_140 : vector<16x20x1xi32> to vector<16x20x512xi32>
      %gt3A_142 = arith.cmpi sgt, %select_n3A, %gt3A_141 : vector<16x20x512xi32>
      %convert_element_type3A_143 = arith.extui %gt3A_142 : vector<16x20x512xi1> to vector<16x20x512xi32>
      %reduce_sum3A_144 = arith.constant dense<0> : vector<16x20xi32>
      %reduce_sum3A_145 = vector.multi_reduction <add>, %convert_element_type3A_143, %reduce_sum3A_144 [2] : vector<16x20x512xi32> to vector<16x20xi32>
      %broadcast_in_dim3A_146 = vector.shape_cast %reduce_sum3A_145 : vector<16x20xi32> to vector<16x20x1xi32>
      %le3A = arith.constant 63 : i32
      %le3A_147 = vector.broadcast %le3A : i32 to vector<16x20x1xi32>
      %le3A_148 = arith.cmpi sle, %broadcast_in_dim3A_146, %le3A_147 : vector<16x20x1xi32>
      %select_n3A_149 = arith.select %le3A_148, %add3A_140, %broadcast_in_dim3A_96 : vector<16x20x1xi1>, vector<16x20x1xi32>
      %add3A_150 = arith.constant 1 : i32
      %add3A_151 = vector.broadcast %add3A_150 : i32 to vector<16x20x1xi32>
      %add3A_152 = arith.addi %add3A_140, %add3A_151 : vector<16x20x1xi32>
      %select_n3A_153 = arith.select %le3A_148, %broadcast_in_dim3A_94, %add3A_152 : vector<16x20x1xi1>, vector<16x20x1xi32>
      %reduce_max3A_154 = arith.constant dense<0xFF800000> : vector<16xf32>
      %reduce_max3A_155 = vector.multi_reduction <maximumf>, %select_n3A_124, %reduce_max3A_154 [1] : vector<16x512xf32> to vector<16xf32>
      %broadcast_in_dim3A_156 = vector.shape_cast %reduce_max3A_155 : vector<16xf32> to vector<16x1xf32>
      %reduce_max3A_157 = arith.constant dense<0xFF800000> : vector<16xf32>
      %reduce_max3A_158 = vector.multi_reduction <maximumf>, %select_n3A_129, %reduce_max3A_157 [1] : vector<16x512xf32> to vector<16xf32>
      %broadcast_in_dim3A_159 = vector.shape_cast %reduce_max3A_158 : vector<16xf32> to vector<16x1xf32>
      %eq3A_160 = vector.broadcast %broadcast_in_dim3A_156 : vector<16x1xf32> to vector<16x512xf32>
      %eq3A_161 = arith.cmpf oeq, %select_n3A_124, %eq3A_160 : vector<16x512xf32>
      %jit3A_162 = arith.constant 1073741824 : i32
      %broadcast_in_dim3A_163 = vector.broadcast %jit3A_162 : i32 to vector<16x512xi32>
      %select_n3A_164 = arith.select %eq3A_161, %iota3A, %broadcast_in_dim3A_163 : vector<16x512xi1>, vector<16x512xi32>
      %reduce_min3A_165 = arith.constant dense<2147483647> : vector<16xi32>
      %reduce_min3A_166 = vector.multi_reduction <minsi>, %select_n3A_164, %reduce_min3A_165 [1] : vector<16x512xi32> to vector<16xi32>
      %broadcast_in_dim3A_167 = vector.shape_cast %reduce_min3A_166 : vector<16xi32> to vector<16x1xi32>
      %eq3A_168 = vector.broadcast %broadcast_in_dim3A_159 : vector<16x1xf32> to vector<16x512xf32>
      %eq3A_169 = arith.cmpf oeq, %select_n3A_129, %eq3A_168 : vector<16x512xf32>
      %jit3A_170 = arith.constant 1073741824 : i32
      %broadcast_in_dim3A_171 = vector.broadcast %jit3A_170 : i32 to vector<16x512xi32>
      %select_n3A_172 = arith.select %eq3A_169, %iota3A, %broadcast_in_dim3A_171 : vector<16x512xi1>, vector<16x512xi32>
      %reduce_min3A_173 = arith.constant dense<2147483647> : vector<16xi32>
      %reduce_min3A_174 = vector.multi_reduction <minsi>, %select_n3A_172, %reduce_min3A_173 [1] : vector<16x512xi32> to vector<16xi32>
      %broadcast_in_dim3A_175 = vector.shape_cast %reduce_min3A_174 : vector<16xi32> to vector<16x1xi32>
      %eq3A_176 = vector.broadcast %broadcast_in_dim3A_167 : vector<16x1xi32> to vector<16x512xi32>
      %eq3A_177 = arith.cmpi eq, %iota3A, %eq3A_176 : vector<16x512xi32>
      %jit3A_178 = arith.constant 0xFF800000 : f32
      %broadcast_in_dim3A_179 = vector.broadcast %jit3A_178 : f32 to vector<16x512xf32>
      %select_n3A_180 = arith.select %eq3A_177, %broadcast_in_dim3A_179, %select_n3A_124 : vector<16x512xi1>, vector<16x512xf32>
      %eq3A_181 = vector.broadcast %broadcast_in_dim3A_175 : vector<16x1xi32> to vector<16x512xi32>
      %eq3A_182 = arith.cmpi eq, %iota3A, %eq3A_181 : vector<16x512xi32>
      %jit3A_183 = arith.constant 0xFF800000 : f32
      %broadcast_in_dim3A_184 = vector.broadcast %jit3A_183 : f32 to vector<16x512xf32>
      %select_n3A_185 = arith.select %eq3A_182, %broadcast_in_dim3A_184, %select_n3A_129 : vector<16x512xi1>, vector<16x512xf32>
      %shift_right_arithmetic3A_186 = arith.constant 1 : i32
      %shift_right_arithmetic3A_187 = vector.broadcast %shift_right_arithmetic3A_186 : i32 to vector<16x20x1xi32>
      %shift_right_arithmetic3A_188 = arith.shrsi %select_n3A_153, %shift_right_arithmetic3A_187 : vector<16x20x1xi32>
      %shift_right_arithmetic3A_189 = arith.constant 1 : i32
      %shift_right_arithmetic3A_190 = vector.broadcast %shift_right_arithmetic3A_189 : i32 to vector<16x20x1xi32>
      %shift_right_arithmetic3A_191 = arith.shrsi %select_n3A_149, %shift_right_arithmetic3A_190 : vector<16x20x1xi32>
      %add3A_192 = arith.addi %shift_right_arithmetic3A_188, %shift_right_arithmetic3A_191 : vector<16x20x1xi32>
      %and3A_193 = arith.andi %select_n3A_153, %select_n3A_149 : vector<16x20x1xi32>
      %and3A_194 = arith.constant 1 : i32
      %and3A_195 = vector.broadcast %and3A_194 : i32 to vector<16x20x1xi32>
      %and3A_196 = arith.andi %and3A_193, %and3A_195 : vector<16x20x1xi32>
      %add3A_197 = arith.addi %add3A_192, %and3A_196 : vector<16x20x1xi32>
      %gt3A_198 = vector.broadcast %add3A_197 : vector<16x20x1xi32> to vector<16x20x512xi32>
      %gt3A_199 = arith.cmpi sgt, %select_n3A, %gt3A_198 : vector<16x20x512xi32>
      %convert_element_type3A_200 = arith.extui %gt3A_199 : vector<16x20x512xi1> to vector<16x20x512xi32>
      %reduce_sum3A_201 = arith.constant dense<0> : vector<16x20xi32>
      %reduce_sum3A_202 = vector.multi_reduction <add>, %convert_element_type3A_200, %reduce_sum3A_201 [2] : vector<16x20x512xi32> to vector<16x20xi32>
      %broadcast_in_dim3A_203 = vector.shape_cast %reduce_sum3A_202 : vector<16x20xi32> to vector<16x20x1xi32>
      %le3A_204 = arith.constant 63 : i32
      %le3A_205 = vector.broadcast %le3A_204 : i32 to vector<16x20x1xi32>
      %le3A_206 = arith.cmpi sle, %broadcast_in_dim3A_203, %le3A_205 : vector<16x20x1xi32>
      %select_n3A_207 = arith.select %le3A_206, %add3A_197, %select_n3A_149 : vector<16x20x1xi1>, vector<16x20x1xi32>
      %add3A_208 = arith.constant 1 : i32
      %add3A_209 = vector.broadcast %add3A_208 : i32 to vector<16x20x1xi32>
      %add3A_210 = arith.addi %add3A_197, %add3A_209 : vector<16x20x1xi32>
      %select_n3A_211 = arith.select %le3A_206, %select_n3A_153, %add3A_210 : vector<16x20x1xi1>, vector<16x20x1xi32>
      %reduce_max3A_212 = arith.constant dense<0xFF800000> : vector<16xf32>
      %reduce_max3A_213 = vector.multi_reduction <maximumf>, %select_n3A_180, %reduce_max3A_212 [1] : vector<16x512xf32> to vector<16xf32>
      %broadcast_in_dim3A_214 = vector.shape_cast %reduce_max3A_213 : vector<16xf32> to vector<16x1xf32>
      %reduce_max3A_215 = arith.constant dense<0xFF800000> : vector<16xf32>
      %reduce_max3A_216 = vector.multi_reduction <maximumf>, %select_n3A_185, %reduce_max3A_215 [1] : vector<16x512xf32> to vector<16xf32>
      %broadcast_in_dim3A_217 = vector.shape_cast %reduce_max3A_216 : vector<16xf32> to vector<16x1xf32>
      %eq3A_218 = vector.broadcast %broadcast_in_dim3A_214 : vector<16x1xf32> to vector<16x512xf32>
      %eq3A_219 = arith.cmpf oeq, %select_n3A_180, %eq3A_218 : vector<16x512xf32>
      %jit3A_220 = arith.constant 1073741824 : i32
      %broadcast_in_dim3A_221 = vector.broadcast %jit3A_220 : i32 to vector<16x512xi32>
      %select_n3A_222 = arith.select %eq3A_219, %iota3A, %broadcast_in_dim3A_221 : vector<16x512xi1>, vector<16x512xi32>
      %reduce_min3A_223 = arith.constant dense<2147483647> : vector<16xi32>
      %reduce_min3A_224 = vector.multi_reduction <minsi>, %select_n3A_222, %reduce_min3A_223 [1] : vector<16x512xi32> to vector<16xi32>
      %broadcast_in_dim3A_225 = vector.shape_cast %reduce_min3A_224 : vector<16xi32> to vector<16x1xi32>
      %eq3A_226 = vector.broadcast %broadcast_in_dim3A_217 : vector<16x1xf32> to vector<16x512xf32>
      %eq3A_227 = arith.cmpf oeq, %select_n3A_185, %eq3A_226 : vector<16x512xf32>
      %jit3A_228 = arith.constant 1073741824 : i32
      %broadcast_in_dim3A_229 = vector.broadcast %jit3A_228 : i32 to vector<16x512xi32>
      %select_n3A_230 = arith.select %eq3A_227, %iota3A, %broadcast_in_dim3A_229 : vector<16x512xi1>, vector<16x512xi32>
      %reduce_min3A_231 = arith.constant dense<2147483647> : vector<16xi32>
      %reduce_min3A_232 = vector.multi_reduction <minsi>, %select_n3A_230, %reduce_min3A_231 [1] : vector<16x512xi32> to vector<16xi32>
      %broadcast_in_dim3A_233 = vector.shape_cast %reduce_min3A_232 : vector<16xi32> to vector<16x1xi32>
      %eq3A_234 = vector.broadcast %broadcast_in_dim3A_225 : vector<16x1xi32> to vector<16x512xi32>
      %eq3A_235 = arith.cmpi eq, %iota3A, %eq3A_234 : vector<16x512xi32>
      %jit3A_236 = arith.constant 0xFF800000 : f32
      %broadcast_in_dim3A_237 = vector.broadcast %jit3A_236 : f32 to vector<16x512xf32>
      %select_n3A_238 = arith.select %eq3A_235, %broadcast_in_dim3A_237, %select_n3A_180 : vector<16x512xi1>, vector<16x512xf32>
      %eq3A_239 = vector.broadcast %broadcast_in_dim3A_233 : vector<16x1xi32> to vector<16x512xi32>
      %eq3A_240 = arith.cmpi eq, %iota3A, %eq3A_239 : vector<16x512xi32>
      %jit3A_241 = arith.constant 0xFF800000 : f32
      %broadcast_in_dim3A_242 = vector.broadcast %jit3A_241 : f32 to vector<16x512xf32>
      %select_n3A_243 = arith.select %eq3A_240, %broadcast_in_dim3A_242, %select_n3A_185 : vector<16x512xi1>, vector<16x512xf32>
      %shift_right_arithmetic3A_244 = arith.constant 1 : i32
      %shift_right_arithmetic3A_245 = vector.broadcast %shift_right_arithmetic3A_244 : i32 to vector<16x20x1xi32>
      %shift_right_arithmetic3A_246 = arith.shrsi %select_n3A_211, %shift_right_arithmetic3A_245 : vector<16x20x1xi32>
      %shift_right_arithmetic3A_247 = arith.constant 1 : i32
      %shift_right_arithmetic3A_248 = vector.broadcast %shift_right_arithmetic3A_247 : i32 to vector<16x20x1xi32>
      %shift_right_arithmetic3A_249 = arith.shrsi %select_n3A_207, %shift_right_arithmetic3A_248 : vector<16x20x1xi32>
      %add3A_250 = arith.addi %shift_right_arithmetic3A_246, %shift_right_arithmetic3A_249 : vector<16x20x1xi32>
      %and3A_251 = arith.andi %select_n3A_211, %select_n3A_207 : vector<16x20x1xi32>
      %and3A_252 = arith.constant 1 : i32
      %and3A_253 = vector.broadcast %and3A_252 : i32 to vector<16x20x1xi32>
      %and3A_254 = arith.andi %and3A_251, %and3A_253 : vector<16x20x1xi32>
      %add3A_255 = arith.addi %add3A_250, %and3A_254 : vector<16x20x1xi32>
      %gt3A_256 = vector.broadcast %add3A_255 : vector<16x20x1xi32> to vector<16x20x512xi32>
      %gt3A_257 = arith.cmpi sgt, %select_n3A, %gt3A_256 : vector<16x20x512xi32>
      %convert_element_type3A_258 = arith.extui %gt3A_257 : vector<16x20x512xi1> to vector<16x20x512xi32>
      %reduce_sum3A_259 = arith.constant dense<0> : vector<16x20xi32>
      %reduce_sum3A_260 = vector.multi_reduction <add>, %convert_element_type3A_258, %reduce_sum3A_259 [2] : vector<16x20x512xi32> to vector<16x20xi32>
      %broadcast_in_dim3A_261 = vector.shape_cast %reduce_sum3A_260 : vector<16x20xi32> to vector<16x20x1xi32>
      %le3A_262 = arith.constant 63 : i32
      %le3A_263 = vector.broadcast %le3A_262 : i32 to vector<16x20x1xi32>
      %le3A_264 = arith.cmpi sle, %broadcast_in_dim3A_261, %le3A_263 : vector<16x20x1xi32>
      %select_n3A_265 = arith.select %le3A_264, %add3A_255, %select_n3A_207 : vector<16x20x1xi1>, vector<16x20x1xi32>
      %add3A_266 = arith.constant 1 : i32
      %add3A_267 = vector.broadcast %add3A_266 : i32 to vector<16x20x1xi32>
      %add3A_268 = arith.addi %add3A_255, %add3A_267 : vector<16x20x1xi32>
      %select_n3A_269 = arith.select %le3A_264, %select_n3A_211, %add3A_268 : vector<16x20x1xi1>, vector<16x20x1xi32>
      %reduce_max3A_270 = arith.constant dense<0xFF800000> : vector<16xf32>
      %reduce_max3A_271 = vector.multi_reduction <maximumf>, %select_n3A_238, %reduce_max3A_270 [1] : vector<16x512xf32> to vector<16xf32>
      %broadcast_in_dim3A_272 = vector.shape_cast %reduce_max3A_271 : vector<16xf32> to vector<16x1xf32>
      %reduce_max3A_273 = arith.constant dense<0xFF800000> : vector<16xf32>
      %reduce_max3A_274 = vector.multi_reduction <maximumf>, %select_n3A_243, %reduce_max3A_273 [1] : vector<16x512xf32> to vector<16xf32>
      %broadcast_in_dim3A_275 = vector.shape_cast %reduce_max3A_274 : vector<16xf32> to vector<16x1xf32>
      %eq3A_276 = vector.broadcast %broadcast_in_dim3A_272 : vector<16x1xf32> to vector<16x512xf32>
      %eq3A_277 = arith.cmpf oeq, %select_n3A_238, %eq3A_276 : vector<16x512xf32>
      %jit3A_278 = arith.constant 1073741824 : i32
      %broadcast_in_dim3A_279 = vector.broadcast %jit3A_278 : i32 to vector<16x512xi32>
      %select_n3A_280 = arith.select %eq3A_277, %iota3A, %broadcast_in_dim3A_279 : vector<16x512xi1>, vector<16x512xi32>
      %reduce_min3A_281 = arith.constant dense<2147483647> : vector<16xi32>
      %reduce_min3A_282 = vector.multi_reduction <minsi>, %select_n3A_280, %reduce_min3A_281 [1] : vector<16x512xi32> to vector<16xi32>
      %broadcast_in_dim3A_283 = vector.shape_cast %reduce_min3A_282 : vector<16xi32> to vector<16x1xi32>
      %eq3A_284 = vector.broadcast %broadcast_in_dim3A_275 : vector<16x1xf32> to vector<16x512xf32>
      %eq3A_285 = arith.cmpf oeq, %select_n3A_243, %eq3A_284 : vector<16x512xf32>
      %jit3A_286 = arith.constant 1073741824 : i32
      %broadcast_in_dim3A_287 = vector.broadcast %jit3A_286 : i32 to vector<16x512xi32>
      %select_n3A_288 = arith.select %eq3A_285, %iota3A, %broadcast_in_dim3A_287 : vector<16x512xi1>, vector<16x512xi32>
      %reduce_min3A_289 = arith.constant dense<2147483647> : vector<16xi32>
      %reduce_min3A_290 = vector.multi_reduction <minsi>, %select_n3A_288, %reduce_min3A_289 [1] : vector<16x512xi32> to vector<16xi32>
      %broadcast_in_dim3A_291 = vector.shape_cast %reduce_min3A_290 : vector<16xi32> to vector<16x1xi32>
      %eq3A_292 = vector.broadcast %broadcast_in_dim3A_283 : vector<16x1xi32> to vector<16x512xi32>
      %eq3A_293 = arith.cmpi eq, %iota3A, %eq3A_292 : vector<16x512xi32>
      %jit3A_294 = arith.constant 0xFF800000 : f32
      %broadcast_in_dim3A_295 = vector.broadcast %jit3A_294 : f32 to vector<16x512xf32>
      %select_n3A_296 = arith.select %eq3A_293, %broadcast_in_dim3A_295, %select_n3A_238 : vector<16x512xi1>, vector<16x512xf32>
      %eq3A_297 = vector.broadcast %broadcast_in_dim3A_291 : vector<16x1xi32> to vector<16x512xi32>
      %eq3A_298 = arith.cmpi eq, %iota3A, %eq3A_297 : vector<16x512xi32>
      %jit3A_299 = arith.constant 0xFF800000 : f32
      %broadcast_in_dim3A_300 = vector.broadcast %jit3A_299 : f32 to vector<16x512xf32>
      %select_n3A_301 = arith.select %eq3A_298, %broadcast_in_dim3A_300, %select_n3A_243 : vector<16x512xi1>, vector<16x512xf32>
      %shift_right_arithmetic3A_302 = arith.constant 1 : i32
      %shift_right_arithmetic3A_303 = vector.broadcast %shift_right_arithmetic3A_302 : i32 to vector<16x20x1xi32>
      %shift_right_arithmetic3A_304 = arith.shrsi %select_n3A_269, %shift_right_arithmetic3A_303 : vector<16x20x1xi32>
      %shift_right_arithmetic3A_305 = arith.constant 1 : i32
      %shift_right_arithmetic3A_306 = vector.broadcast %shift_right_arithmetic3A_305 : i32 to vector<16x20x1xi32>
      %shift_right_arithmetic3A_307 = arith.shrsi %select_n3A_265, %shift_right_arithmetic3A_306 : vector<16x20x1xi32>
      %add3A_308 = arith.addi %shift_right_arithmetic3A_304, %shift_right_arithmetic3A_307 : vector<16x20x1xi32>
      %and3A_309 = arith.andi %select_n3A_269, %select_n3A_265 : vector<16x20x1xi32>
      %and3A_310 = arith.constant 1 : i32
      %and3A_311 = vector.broadcast %and3A_310 : i32 to vector<16x20x1xi32>
      %and3A_312 = arith.andi %and3A_309, %and3A_311 : vector<16x20x1xi32>
      %add3A_313 = arith.addi %add3A_308, %and3A_312 : vector<16x20x1xi32>
      %gt3A_314 = vector.broadcast %add3A_313 : vector<16x20x1xi32> to vector<16x20x512xi32>
      %gt3A_315 = arith.cmpi sgt, %select_n3A, %gt3A_314 : vector<16x20x512xi32>
      %convert_element_type3A_316 = arith.extui %gt3A_315 : vector<16x20x512xi1> to vector<16x20x512xi32>
      %reduce_sum3A_317 = arith.constant dense<0> : vector<16x20xi32>
      %reduce_sum3A_318 = vector.multi_reduction <add>, %convert_element_type3A_316, %reduce_sum3A_317 [2] : vector<16x20x512xi32> to vector<16x20xi32>
      %broadcast_in_dim3A_319 = vector.shape_cast %reduce_sum3A_318 : vector<16x20xi32> to vector<16x20x1xi32>
      %le3A_320 = arith.constant 63 : i32
      %le3A_321 = vector.broadcast %le3A_320 : i32 to vector<16x20x1xi32>
      %le3A_322 = arith.cmpi sle, %broadcast_in_dim3A_319, %le3A_321 : vector<16x20x1xi32>
      %select_n3A_323 = arith.select %le3A_322, %add3A_313, %select_n3A_265 : vector<16x20x1xi1>, vector<16x20x1xi32>
      %add3A_324 = arith.constant 1 : i32
      %add3A_325 = vector.broadcast %add3A_324 : i32 to vector<16x20x1xi32>
      %add3A_326 = arith.addi %add3A_313, %add3A_325 : vector<16x20x1xi32>
      %select_n3A_327 = arith.select %le3A_322, %select_n3A_269, %add3A_326 : vector<16x20x1xi1>, vector<16x20x1xi32>
      %reduce_max3A_328 = arith.constant dense<0xFF800000> : vector<16xf32>
      %reduce_max3A_329 = vector.multi_reduction <maximumf>, %select_n3A_296, %reduce_max3A_328 [1] : vector<16x512xf32> to vector<16xf32>
      %broadcast_in_dim3A_330 = vector.shape_cast %reduce_max3A_329 : vector<16xf32> to vector<16x1xf32>
      %reduce_max3A_331 = arith.constant dense<0xFF800000> : vector<16xf32>
      %reduce_max3A_332 = vector.multi_reduction <maximumf>, %select_n3A_301, %reduce_max3A_331 [1] : vector<16x512xf32> to vector<16xf32>
      %broadcast_in_dim3A_333 = vector.shape_cast %reduce_max3A_332 : vector<16xf32> to vector<16x1xf32>
      %eq3A_334 = vector.broadcast %broadcast_in_dim3A_330 : vector<16x1xf32> to vector<16x512xf32>
      %eq3A_335 = arith.cmpf oeq, %select_n3A_296, %eq3A_334 : vector<16x512xf32>
      %jit3A_336 = arith.constant 1073741824 : i32
      %broadcast_in_dim3A_337 = vector.broadcast %jit3A_336 : i32 to vector<16x512xi32>
      %select_n3A_338 = arith.select %eq3A_335, %iota3A, %broadcast_in_dim3A_337 : vector<16x512xi1>, vector<16x512xi32>
      %reduce_min3A_339 = arith.constant dense<2147483647> : vector<16xi32>
      %reduce_min3A_340 = vector.multi_reduction <minsi>, %select_n3A_338, %reduce_min3A_339 [1] : vector<16x512xi32> to vector<16xi32>
      %broadcast_in_dim3A_341 = vector.shape_cast %reduce_min3A_340 : vector<16xi32> to vector<16x1xi32>
      %eq3A_342 = vector.broadcast %broadcast_in_dim3A_333 : vector<16x1xf32> to vector<16x512xf32>
      %eq3A_343 = arith.cmpf oeq, %select_n3A_301, %eq3A_342 : vector<16x512xf32>
      %jit3A_344 = arith.constant 1073741824 : i32
      %broadcast_in_dim3A_345 = vector.broadcast %jit3A_344 : i32 to vector<16x512xi32>
      %select_n3A_346 = arith.select %eq3A_343, %iota3A, %broadcast_in_dim3A_345 : vector<16x512xi1>, vector<16x512xi32>
      %reduce_min3A_347 = arith.constant dense<2147483647> : vector<16xi32>
      %reduce_min3A_348 = vector.multi_reduction <minsi>, %select_n3A_346, %reduce_min3A_347 [1] : vector<16x512xi32> to vector<16xi32>
      %broadcast_in_dim3A_349 = vector.shape_cast %reduce_min3A_348 : vector<16xi32> to vector<16x1xi32>
      %eq3A_350 = vector.broadcast %broadcast_in_dim3A_341 : vector<16x1xi32> to vector<16x512xi32>
      %eq3A_351 = arith.cmpi eq, %iota3A, %eq3A_350 : vector<16x512xi32>
      %jit3A_352 = arith.constant 0xFF800000 : f32
      %broadcast_in_dim3A_353 = vector.broadcast %jit3A_352 : f32 to vector<16x512xf32>
      %select_n3A_354 = arith.select %eq3A_351, %broadcast_in_dim3A_353, %select_n3A_296 : vector<16x512xi1>, vector<16x512xf32>
      %eq3A_355 = vector.broadcast %broadcast_in_dim3A_349 : vector<16x1xi32> to vector<16x512xi32>
      %eq3A_356 = arith.cmpi eq, %iota3A, %eq3A_355 : vector<16x512xi32>
      %jit3A_357 = arith.constant 0xFF800000 : f32
      %broadcast_in_dim3A_358 = vector.broadcast %jit3A_357 : f32 to vector<16x512xf32>
      %select_n3A_359 = arith.select %eq3A_356, %broadcast_in_dim3A_358, %select_n3A_301 : vector<16x512xi1>, vector<16x512xf32>
      %shift_right_arithmetic3A_360 = arith.constant 1 : i32
      %shift_right_arithmetic3A_361 = vector.broadcast %shift_right_arithmetic3A_360 : i32 to vector<16x20x1xi32>
      %shift_right_arithmetic3A_362 = arith.shrsi %select_n3A_327, %shift_right_arithmetic3A_361 : vector<16x20x1xi32>
      %shift_right_arithmetic3A_363 = arith.constant 1 : i32
      %shift_right_arithmetic3A_364 = vector.broadcast %shift_right_arithmetic3A_363 : i32 to vector<16x20x1xi32>
      %shift_right_arithmetic3A_365 = arith.shrsi %select_n3A_323, %shift_right_arithmetic3A_364 : vector<16x20x1xi32>
      %add3A_366 = arith.addi %shift_right_arithmetic3A_362, %shift_right_arithmetic3A_365 : vector<16x20x1xi32>
      %and3A_367 = arith.andi %select_n3A_327, %select_n3A_323 : vector<16x20x1xi32>
      %and3A_368 = arith.constant 1 : i32
      %and3A_369 = vector.broadcast %and3A_368 : i32 to vector<16x20x1xi32>
      %and3A_370 = arith.andi %and3A_367, %and3A_369 : vector<16x20x1xi32>
      %add3A_371 = arith.addi %add3A_366, %and3A_370 : vector<16x20x1xi32>
      %gt3A_372 = vector.broadcast %add3A_371 : vector<16x20x1xi32> to vector<16x20x512xi32>
      %gt3A_373 = arith.cmpi sgt, %select_n3A, %gt3A_372 : vector<16x20x512xi32>
      %convert_element_type3A_374 = arith.extui %gt3A_373 : vector<16x20x512xi1> to vector<16x20x512xi32>
      %reduce_sum3A_375 = arith.constant dense<0> : vector<16x20xi32>
      %reduce_sum3A_376 = vector.multi_reduction <add>, %convert_element_type3A_374, %reduce_sum3A_375 [2] : vector<16x20x512xi32> to vector<16x20xi32>
      %broadcast_in_dim3A_377 = vector.shape_cast %reduce_sum3A_376 : vector<16x20xi32> to vector<16x20x1xi32>
      %le3A_378 = arith.constant 63 : i32
      %le3A_379 = vector.broadcast %le3A_378 : i32 to vector<16x20x1xi32>
      %le3A_380 = arith.cmpi sle, %broadcast_in_dim3A_377, %le3A_379 : vector<16x20x1xi32>
      %select_n3A_381 = arith.select %le3A_380, %add3A_371, %select_n3A_323 : vector<16x20x1xi1>, vector<16x20x1xi32>
      %add3A_382 = arith.constant 1 : i32
      %add3A_383 = vector.broadcast %add3A_382 : i32 to vector<16x20x1xi32>
      %add3A_384 = arith.addi %add3A_371, %add3A_383 : vector<16x20x1xi32>
      %select_n3A_385 = arith.select %le3A_380, %select_n3A_327, %add3A_384 : vector<16x20x1xi1>, vector<16x20x1xi32>
      %reduce_max3A_386 = arith.constant dense<0xFF800000> : vector<16xf32>
      %reduce_max3A_387 = vector.multi_reduction <maximumf>, %select_n3A_354, %reduce_max3A_386 [1] : vector<16x512xf32> to vector<16xf32>
      %broadcast_in_dim3A_388 = vector.shape_cast %reduce_max3A_387 : vector<16xf32> to vector<16x1xf32>
      %reduce_max3A_389 = arith.constant dense<0xFF800000> : vector<16xf32>
      %reduce_max3A_390 = vector.multi_reduction <maximumf>, %select_n3A_359, %reduce_max3A_389 [1] : vector<16x512xf32> to vector<16xf32>
      %broadcast_in_dim3A_391 = vector.shape_cast %reduce_max3A_390 : vector<16xf32> to vector<16x1xf32>
      %eq3A_392 = vector.broadcast %broadcast_in_dim3A_388 : vector<16x1xf32> to vector<16x512xf32>
      %eq3A_393 = arith.cmpf oeq, %select_n3A_354, %eq3A_392 : vector<16x512xf32>
      %jit3A_394 = arith.constant 1073741824 : i32
      %broadcast_in_dim3A_395 = vector.broadcast %jit3A_394 : i32 to vector<16x512xi32>
      %select_n3A_396 = arith.select %eq3A_393, %iota3A, %broadcast_in_dim3A_395 : vector<16x512xi1>, vector<16x512xi32>
      %reduce_min3A_397 = arith.constant dense<2147483647> : vector<16xi32>
      %reduce_min3A_398 = vector.multi_reduction <minsi>, %select_n3A_396, %reduce_min3A_397 [1] : vector<16x512xi32> to vector<16xi32>
      %broadcast_in_dim3A_399 = vector.shape_cast %reduce_min3A_398 : vector<16xi32> to vector<16x1xi32>
      %eq3A_400 = vector.broadcast %broadcast_in_dim3A_391 : vector<16x1xf32> to vector<16x512xf32>
      %eq3A_401 = arith.cmpf oeq, %select_n3A_359, %eq3A_400 : vector<16x512xf32>
      %jit3A_402 = arith.constant 1073741824 : i32
      %broadcast_in_dim3A_403 = vector.broadcast %jit3A_402 : i32 to vector<16x512xi32>
      %select_n3A_404 = arith.select %eq3A_401, %iota3A, %broadcast_in_dim3A_403 : vector<16x512xi1>, vector<16x512xi32>
      %reduce_min3A_405 = arith.constant dense<2147483647> : vector<16xi32>
      %reduce_min3A_406 = vector.multi_reduction <minsi>, %select_n3A_404, %reduce_min3A_405 [1] : vector<16x512xi32> to vector<16xi32>
      %broadcast_in_dim3A_407 = vector.shape_cast %reduce_min3A_406 : vector<16xi32> to vector<16x1xi32>
      %eq3A_408 = vector.broadcast %broadcast_in_dim3A_399 : vector<16x1xi32> to vector<16x512xi32>
      %eq3A_409 = arith.cmpi eq, %iota3A, %eq3A_408 : vector<16x512xi32>
      %jit3A_410 = arith.constant 0xFF800000 : f32
      %broadcast_in_dim3A_411 = vector.broadcast %jit3A_410 : f32 to vector<16x512xf32>
      %select_n3A_412 = arith.select %eq3A_409, %broadcast_in_dim3A_411, %select_n3A_354 : vector<16x512xi1>, vector<16x512xf32>
      %eq3A_413 = vector.broadcast %broadcast_in_dim3A_407 : vector<16x1xi32> to vector<16x512xi32>
      %eq3A_414 = arith.cmpi eq, %iota3A, %eq3A_413 : vector<16x512xi32>
      %jit3A_415 = arith.constant 0xFF800000 : f32
      %broadcast_in_dim3A_416 = vector.broadcast %jit3A_415 : f32 to vector<16x512xf32>
      %select_n3A_417 = arith.select %eq3A_414, %broadcast_in_dim3A_416, %select_n3A_359 : vector<16x512xi1>, vector<16x512xf32>
      %shift_right_arithmetic3A_418 = arith.constant 1 : i32
      %shift_right_arithmetic3A_419 = vector.broadcast %shift_right_arithmetic3A_418 : i32 to vector<16x20x1xi32>
      %shift_right_arithmetic3A_420 = arith.shrsi %select_n3A_385, %shift_right_arithmetic3A_419 : vector<16x20x1xi32>
      %shift_right_arithmetic3A_421 = arith.constant 1 : i32
      %shift_right_arithmetic3A_422 = vector.broadcast %shift_right_arithmetic3A_421 : i32 to vector<16x20x1xi32>
      %shift_right_arithmetic3A_423 = arith.shrsi %select_n3A_381, %shift_right_arithmetic3A_422 : vector<16x20x1xi32>
      %add3A_424 = arith.addi %shift_right_arithmetic3A_420, %shift_right_arithmetic3A_423 : vector<16x20x1xi32>
      %and3A_425 = arith.andi %select_n3A_385, %select_n3A_381 : vector<16x20x1xi32>
      %and3A_426 = arith.constant 1 : i32
      %and3A_427 = vector.broadcast %and3A_426 : i32 to vector<16x20x1xi32>
      %and3A_428 = arith.andi %and3A_425, %and3A_427 : vector<16x20x1xi32>
      %add3A_429 = arith.addi %add3A_424, %and3A_428 : vector<16x20x1xi32>
      %gt3A_430 = vector.broadcast %add3A_429 : vector<16x20x1xi32> to vector<16x20x512xi32>
      %gt3A_431 = arith.cmpi sgt, %select_n3A, %gt3A_430 : vector<16x20x512xi32>
      %convert_element_type3A_432 = arith.extui %gt3A_431 : vector<16x20x512xi1> to vector<16x20x512xi32>
      %reduce_sum3A_433 = arith.constant dense<0> : vector<16x20xi32>
      %reduce_sum3A_434 = vector.multi_reduction <add>, %convert_element_type3A_432, %reduce_sum3A_433 [2] : vector<16x20x512xi32> to vector<16x20xi32>
      %broadcast_in_dim3A_435 = vector.shape_cast %reduce_sum3A_434 : vector<16x20xi32> to vector<16x20x1xi32>
      %le3A_436 = arith.constant 63 : i32
      %le3A_437 = vector.broadcast %le3A_436 : i32 to vector<16x20x1xi32>
      %le3A_438 = arith.cmpi sle, %broadcast_in_dim3A_435, %le3A_437 : vector<16x20x1xi32>
      %select_n3A_439 = arith.select %le3A_438, %add3A_429, %select_n3A_381 : vector<16x20x1xi1>, vector<16x20x1xi32>
      %add3A_440 = arith.constant 1 : i32
      %add3A_441 = vector.broadcast %add3A_440 : i32 to vector<16x20x1xi32>
      %add3A_442 = arith.addi %add3A_429, %add3A_441 : vector<16x20x1xi32>
      %select_n3A_443 = arith.select %le3A_438, %select_n3A_385, %add3A_442 : vector<16x20x1xi1>, vector<16x20x1xi32>
      %reduce_max3A_444 = arith.constant dense<0xFF800000> : vector<16xf32>
      %reduce_max3A_445 = vector.multi_reduction <maximumf>, %select_n3A_412, %reduce_max3A_444 [1] : vector<16x512xf32> to vector<16xf32>
      %broadcast_in_dim3A_446 = vector.shape_cast %reduce_max3A_445 : vector<16xf32> to vector<16x1xf32>
      %reduce_max3A_447 = arith.constant dense<0xFF800000> : vector<16xf32>
      %reduce_max3A_448 = vector.multi_reduction <maximumf>, %select_n3A_417, %reduce_max3A_447 [1] : vector<16x512xf32> to vector<16xf32>
      %broadcast_in_dim3A_449 = vector.shape_cast %reduce_max3A_448 : vector<16xf32> to vector<16x1xf32>
      %eq3A_450 = vector.broadcast %broadcast_in_dim3A_446 : vector<16x1xf32> to vector<16x512xf32>
      %eq3A_451 = arith.cmpf oeq, %select_n3A_412, %eq3A_450 : vector<16x512xf32>
      %jit3A_452 = arith.constant 1073741824 : i32
      %broadcast_in_dim3A_453 = vector.broadcast %jit3A_452 : i32 to vector<16x512xi32>
      %select_n3A_454 = arith.select %eq3A_451, %iota3A, %broadcast_in_dim3A_453 : vector<16x512xi1>, vector<16x512xi32>
      %reduce_min3A_455 = arith.constant dense<2147483647> : vector<16xi32>
      %reduce_min3A_456 = vector.multi_reduction <minsi>, %select_n3A_454, %reduce_min3A_455 [1] : vector<16x512xi32> to vector<16xi32>
      %broadcast_in_dim3A_457 = vector.shape_cast %reduce_min3A_456 : vector<16xi32> to vector<16x1xi32>
      %eq3A_458 = vector.broadcast %broadcast_in_dim3A_449 : vector<16x1xf32> to vector<16x512xf32>
      %eq3A_459 = arith.cmpf oeq, %select_n3A_417, %eq3A_458 : vector<16x512xf32>
      %jit3A_460 = arith.constant 1073741824 : i32
      %broadcast_in_dim3A_461 = vector.broadcast %jit3A_460 : i32 to vector<16x512xi32>
      %select_n3A_462 = arith.select %eq3A_459, %iota3A, %broadcast_in_dim3A_461 : vector<16x512xi1>, vector<16x512xi32>
      %reduce_min3A_463 = arith.constant dense<2147483647> : vector<16xi32>
      %reduce_min3A_464 = vector.multi_reduction <minsi>, %select_n3A_462, %reduce_min3A_463 [1] : vector<16x512xi32> to vector<16xi32>
      %broadcast_in_dim3A_465 = vector.shape_cast %reduce_min3A_464 : vector<16xi32> to vector<16x1xi32>
      %eq3A_466 = vector.broadcast %broadcast_in_dim3A_457 : vector<16x1xi32> to vector<16x512xi32>
      %eq3A_467 = arith.cmpi eq, %iota3A, %eq3A_466 : vector<16x512xi32>
      %jit3A_468 = arith.constant 0xFF800000 : f32
      %broadcast_in_dim3A_469 = vector.broadcast %jit3A_468 : f32 to vector<16x512xf32>
      %select_n3A_470 = arith.select %eq3A_467, %broadcast_in_dim3A_469, %select_n3A_412 : vector<16x512xi1>, vector<16x512xf32>
      %eq3A_471 = vector.broadcast %broadcast_in_dim3A_465 : vector<16x1xi32> to vector<16x512xi32>
      %eq3A_472 = arith.cmpi eq, %iota3A, %eq3A_471 : vector<16x512xi32>
      %jit3A_473 = arith.constant 0xFF800000 : f32
      %broadcast_in_dim3A_474 = vector.broadcast %jit3A_473 : f32 to vector<16x512xf32>
      %select_n3A_475 = arith.select %eq3A_472, %broadcast_in_dim3A_474, %select_n3A_417 : vector<16x512xi1>, vector<16x512xf32>
      %shift_right_arithmetic3A_476 = arith.constant 1 : i32
      %shift_right_arithmetic3A_477 = vector.broadcast %shift_right_arithmetic3A_476 : i32 to vector<16x20x1xi32>
      %shift_right_arithmetic3A_478 = arith.shrsi %select_n3A_443, %shift_right_arithmetic3A_477 : vector<16x20x1xi32>
      %shift_right_arithmetic3A_479 = arith.constant 1 : i32
      %shift_right_arithmetic3A_480 = vector.broadcast %shift_right_arithmetic3A_479 : i32 to vector<16x20x1xi32>
      %shift_right_arithmetic3A_481 = arith.shrsi %select_n3A_439, %shift_right_arithmetic3A_480 : vector<16x20x1xi32>
      %add3A_482 = arith.addi %shift_right_arithmetic3A_478, %shift_right_arithmetic3A_481 : vector<16x20x1xi32>
      %and3A_483 = arith.andi %select_n3A_443, %select_n3A_439 : vector<16x20x1xi32>
      %and3A_484 = arith.constant 1 : i32
      %and3A_485 = vector.broadcast %and3A_484 : i32 to vector<16x20x1xi32>
      %and3A_486 = arith.andi %and3A_483, %and3A_485 : vector<16x20x1xi32>
      %add3A_487 = arith.addi %add3A_482, %and3A_486 : vector<16x20x1xi32>
      %gt3A_488 = vector.broadcast %add3A_487 : vector<16x20x1xi32> to vector<16x20x512xi32>
      %gt3A_489 = arith.cmpi sgt, %select_n3A, %gt3A_488 : vector<16x20x512xi32>
      %convert_element_type3A_490 = arith.extui %gt3A_489 : vector<16x20x512xi1> to vector<16x20x512xi32>
      %reduce_sum3A_491 = arith.constant dense<0> : vector<16x20xi32>
      %reduce_sum3A_492 = vector.multi_reduction <add>, %convert_element_type3A_490, %reduce_sum3A_491 [2] : vector<16x20x512xi32> to vector<16x20xi32>
      %broadcast_in_dim3A_493 = vector.shape_cast %reduce_sum3A_492 : vector<16x20xi32> to vector<16x20x1xi32>
      %le3A_494 = arith.constant 63 : i32
      %le3A_495 = vector.broadcast %le3A_494 : i32 to vector<16x20x1xi32>
      %le3A_496 = arith.cmpi sle, %broadcast_in_dim3A_493, %le3A_495 : vector<16x20x1xi32>
      %select_n3A_497 = arith.select %le3A_496, %add3A_487, %select_n3A_439 : vector<16x20x1xi1>, vector<16x20x1xi32>
      %add3A_498 = arith.constant 1 : i32
      %add3A_499 = vector.broadcast %add3A_498 : i32 to vector<16x20x1xi32>
      %add3A_500 = arith.addi %add3A_487, %add3A_499 : vector<16x20x1xi32>
      %select_n3A_501 = arith.select %le3A_496, %select_n3A_443, %add3A_500 : vector<16x20x1xi1>, vector<16x20x1xi32>
      %reduce_max3A_502 = arith.constant dense<0xFF800000> : vector<16xf32>
      %reduce_max3A_503 = vector.multi_reduction <maximumf>, %select_n3A_470, %reduce_max3A_502 [1] : vector<16x512xf32> to vector<16xf32>
      %broadcast_in_dim3A_504 = vector.shape_cast %reduce_max3A_503 : vector<16xf32> to vector<16x1xf32>
      %reduce_max3A_505 = arith.constant dense<0xFF800000> : vector<16xf32>
      %reduce_max3A_506 = vector.multi_reduction <maximumf>, %select_n3A_475, %reduce_max3A_505 [1] : vector<16x512xf32> to vector<16xf32>
      %broadcast_in_dim3A_507 = vector.shape_cast %reduce_max3A_506 : vector<16xf32> to vector<16x1xf32>
      %eq3A_508 = vector.broadcast %broadcast_in_dim3A_504 : vector<16x1xf32> to vector<16x512xf32>
      %eq3A_509 = arith.cmpf oeq, %select_n3A_470, %eq3A_508 : vector<16x512xf32>
      %jit3A_510 = arith.constant 1073741824 : i32
      %broadcast_in_dim3A_511 = vector.broadcast %jit3A_510 : i32 to vector<16x512xi32>
      %select_n3A_512 = arith.select %eq3A_509, %iota3A, %broadcast_in_dim3A_511 : vector<16x512xi1>, vector<16x512xi32>
      %reduce_min3A_513 = arith.constant dense<2147483647> : vector<16xi32>
      %reduce_min3A_514 = vector.multi_reduction <minsi>, %select_n3A_512, %reduce_min3A_513 [1] : vector<16x512xi32> to vector<16xi32>
      %broadcast_in_dim3A_515 = vector.shape_cast %reduce_min3A_514 : vector<16xi32> to vector<16x1xi32>
      %eq3A_516 = vector.broadcast %broadcast_in_dim3A_507 : vector<16x1xf32> to vector<16x512xf32>
      %eq3A_517 = arith.cmpf oeq, %select_n3A_475, %eq3A_516 : vector<16x512xf32>
      %jit3A_518 = arith.constant 1073741824 : i32
      %broadcast_in_dim3A_519 = vector.broadcast %jit3A_518 : i32 to vector<16x512xi32>
      %select_n3A_520 = arith.select %eq3A_517, %iota3A, %broadcast_in_dim3A_519 : vector<16x512xi1>, vector<16x512xi32>
      %reduce_min3A_521 = arith.constant dense<2147483647> : vector<16xi32>
      %reduce_min3A_522 = vector.multi_reduction <minsi>, %select_n3A_520, %reduce_min3A_521 [1] : vector<16x512xi32> to vector<16xi32>
      %broadcast_in_dim3A_523 = vector.shape_cast %reduce_min3A_522 : vector<16xi32> to vector<16x1xi32>
      %eq3A_524 = vector.broadcast %broadcast_in_dim3A_515 : vector<16x1xi32> to vector<16x512xi32>
      %eq3A_525 = arith.cmpi eq, %iota3A, %eq3A_524 : vector<16x512xi32>
      %jit3A_526 = arith.constant 0xFF800000 : f32
      %broadcast_in_dim3A_527 = vector.broadcast %jit3A_526 : f32 to vector<16x512xf32>
      %select_n3A_528 = arith.select %eq3A_525, %broadcast_in_dim3A_527, %select_n3A_470 : vector<16x512xi1>, vector<16x512xf32>
      %eq3A_529 = vector.broadcast %broadcast_in_dim3A_523 : vector<16x1xi32> to vector<16x512xi32>
      %eq3A_530 = arith.cmpi eq, %iota3A, %eq3A_529 : vector<16x512xi32>
      %jit3A_531 = arith.constant 0xFF800000 : f32
      %broadcast_in_dim3A_532 = vector.broadcast %jit3A_531 : f32 to vector<16x512xf32>
      %select_n3A_533 = arith.select %eq3A_530, %broadcast_in_dim3A_532, %select_n3A_475 : vector<16x512xi1>, vector<16x512xf32>
      %shift_right_arithmetic3A_534 = arith.constant 1 : i32
      %shift_right_arithmetic3A_535 = vector.broadcast %shift_right_arithmetic3A_534 : i32 to vector<16x20x1xi32>
      %shift_right_arithmetic3A_536 = arith.shrsi %select_n3A_501, %shift_right_arithmetic3A_535 : vector<16x20x1xi32>
      %shift_right_arithmetic3A_537 = arith.constant 1 : i32
      %shift_right_arithmetic3A_538 = vector.broadcast %shift_right_arithmetic3A_537 : i32 to vector<16x20x1xi32>
      %shift_right_arithmetic3A_539 = arith.shrsi %select_n3A_497, %shift_right_arithmetic3A_538 : vector<16x20x1xi32>
      %add3A_540 = arith.addi %shift_right_arithmetic3A_536, %shift_right_arithmetic3A_539 : vector<16x20x1xi32>
      %and3A_541 = arith.andi %select_n3A_501, %select_n3A_497 : vector<16x20x1xi32>
      %and3A_542 = arith.constant 1 : i32
      %and3A_543 = vector.broadcast %and3A_542 : i32 to vector<16x20x1xi32>
      %and3A_544 = arith.andi %and3A_541, %and3A_543 : vector<16x20x1xi32>
      %add3A_545 = arith.addi %add3A_540, %and3A_544 : vector<16x20x1xi32>
      %gt3A_546 = vector.broadcast %add3A_545 : vector<16x20x1xi32> to vector<16x20x512xi32>
      %gt3A_547 = arith.cmpi sgt, %select_n3A, %gt3A_546 : vector<16x20x512xi32>
      %convert_element_type3A_548 = arith.extui %gt3A_547 : vector<16x20x512xi1> to vector<16x20x512xi32>
      %reduce_sum3A_549 = arith.constant dense<0> : vector<16x20xi32>
      %reduce_sum3A_550 = vector.multi_reduction <add>, %convert_element_type3A_548, %reduce_sum3A_549 [2] : vector<16x20x512xi32> to vector<16x20xi32>
      %broadcast_in_dim3A_551 = vector.shape_cast %reduce_sum3A_550 : vector<16x20xi32> to vector<16x20x1xi32>
      %le3A_552 = arith.constant 63 : i32
      %le3A_553 = vector.broadcast %le3A_552 : i32 to vector<16x20x1xi32>
      %le3A_554 = arith.cmpi sle, %broadcast_in_dim3A_551, %le3A_553 : vector<16x20x1xi32>
      %select_n3A_555 = arith.select %le3A_554, %add3A_545, %select_n3A_497 : vector<16x20x1xi1>, vector<16x20x1xi32>
      %add3A_556 = arith.constant 1 : i32
      %add3A_557 = vector.broadcast %add3A_556 : i32 to vector<16x20x1xi32>
      %add3A_558 = arith.addi %add3A_545, %add3A_557 : vector<16x20x1xi32>
      %select_n3A_559 = arith.select %le3A_554, %select_n3A_501, %add3A_558 : vector<16x20x1xi1>, vector<16x20x1xi32>
      %reduce_max3A_560 = arith.constant dense<0xFF800000> : vector<16xf32>
      %reduce_max3A_561 = vector.multi_reduction <maximumf>, %select_n3A_528, %reduce_max3A_560 [1] : vector<16x512xf32> to vector<16xf32>
      %broadcast_in_dim3A_562 = vector.shape_cast %reduce_max3A_561 : vector<16xf32> to vector<16x1xf32>
      %reduce_max3A_563 = arith.constant dense<0xFF800000> : vector<16xf32>
      %reduce_max3A_564 = vector.multi_reduction <maximumf>, %select_n3A_533, %reduce_max3A_563 [1] : vector<16x512xf32> to vector<16xf32>
      %broadcast_in_dim3A_565 = vector.shape_cast %reduce_max3A_564 : vector<16xf32> to vector<16x1xf32>
      %eq3A_566 = vector.broadcast %broadcast_in_dim3A_562 : vector<16x1xf32> to vector<16x512xf32>
      %eq3A_567 = arith.cmpf oeq, %select_n3A_528, %eq3A_566 : vector<16x512xf32>
      %jit3A_568 = arith.constant 1073741824 : i32
      %broadcast_in_dim3A_569 = vector.broadcast %jit3A_568 : i32 to vector<16x512xi32>
      %select_n3A_570 = arith.select %eq3A_567, %iota3A, %broadcast_in_dim3A_569 : vector<16x512xi1>, vector<16x512xi32>
      %reduce_min3A_571 = arith.constant dense<2147483647> : vector<16xi32>
      %reduce_min3A_572 = vector.multi_reduction <minsi>, %select_n3A_570, %reduce_min3A_571 [1] : vector<16x512xi32> to vector<16xi32>
      %broadcast_in_dim3A_573 = vector.shape_cast %reduce_min3A_572 : vector<16xi32> to vector<16x1xi32>
      %eq3A_574 = vector.broadcast %broadcast_in_dim3A_565 : vector<16x1xf32> to vector<16x512xf32>
      %eq3A_575 = arith.cmpf oeq, %select_n3A_533, %eq3A_574 : vector<16x512xf32>
      %jit3A_576 = arith.constant 1073741824 : i32
      %broadcast_in_dim3A_577 = vector.broadcast %jit3A_576 : i32 to vector<16x512xi32>
      %select_n3A_578 = arith.select %eq3A_575, %iota3A, %broadcast_in_dim3A_577 : vector<16x512xi1>, vector<16x512xi32>
      %reduce_min3A_579 = arith.constant dense<2147483647> : vector<16xi32>
      %reduce_min3A_580 = vector.multi_reduction <minsi>, %select_n3A_578, %reduce_min3A_579 [1] : vector<16x512xi32> to vector<16xi32>
      %broadcast_in_dim3A_581 = vector.shape_cast %reduce_min3A_580 : vector<16xi32> to vector<16x1xi32>
      %eq3A_582 = vector.broadcast %broadcast_in_dim3A_573 : vector<16x1xi32> to vector<16x512xi32>
      %eq3A_583 = arith.cmpi eq, %iota3A, %eq3A_582 : vector<16x512xi32>
      %jit3A_584 = arith.constant 0xFF800000 : f32
      %broadcast_in_dim3A_585 = vector.broadcast %jit3A_584 : f32 to vector<16x512xf32>
      %select_n3A_586 = arith.select %eq3A_583, %broadcast_in_dim3A_585, %select_n3A_528 : vector<16x512xi1>, vector<16x512xf32>
      %eq3A_587 = vector.broadcast %broadcast_in_dim3A_581 : vector<16x1xi32> to vector<16x512xi32>
      %eq3A_588 = arith.cmpi eq, %iota3A, %eq3A_587 : vector<16x512xi32>
      %jit3A_589 = arith.constant 0xFF800000 : f32
      %broadcast_in_dim3A_590 = vector.broadcast %jit3A_589 : f32 to vector<16x512xf32>
      %select_n3A_591 = arith.select %eq3A_588, %broadcast_in_dim3A_590, %select_n3A_533 : vector<16x512xi1>, vector<16x512xf32>
      %shift_right_arithmetic3A_592 = arith.constant 1 : i32
      %shift_right_arithmetic3A_593 = vector.broadcast %shift_right_arithmetic3A_592 : i32 to vector<16x20x1xi32>
      %shift_right_arithmetic3A_594 = arith.shrsi %select_n3A_559, %shift_right_arithmetic3A_593 : vector<16x20x1xi32>
      %shift_right_arithmetic3A_595 = arith.constant 1 : i32
      %shift_right_arithmetic3A_596 = vector.broadcast %shift_right_arithmetic3A_595 : i32 to vector<16x20x1xi32>
      %shift_right_arithmetic3A_597 = arith.shrsi %select_n3A_555, %shift_right_arithmetic3A_596 : vector<16x20x1xi32>
      %add3A_598 = arith.addi %shift_right_arithmetic3A_594, %shift_right_arithmetic3A_597 : vector<16x20x1xi32>
      %and3A_599 = arith.andi %select_n3A_559, %select_n3A_555 : vector<16x20x1xi32>
      %and3A_600 = arith.constant 1 : i32
      %and3A_601 = vector.broadcast %and3A_600 : i32 to vector<16x20x1xi32>
      %and3A_602 = arith.andi %and3A_599, %and3A_601 : vector<16x20x1xi32>
      %add3A_603 = arith.addi %add3A_598, %and3A_602 : vector<16x20x1xi32>
      %gt3A_604 = vector.broadcast %add3A_603 : vector<16x20x1xi32> to vector<16x20x512xi32>
      %gt3A_605 = arith.cmpi sgt, %select_n3A, %gt3A_604 : vector<16x20x512xi32>
      %convert_element_type3A_606 = arith.extui %gt3A_605 : vector<16x20x512xi1> to vector<16x20x512xi32>
      %reduce_sum3A_607 = arith.constant dense<0> : vector<16x20xi32>
      %reduce_sum3A_608 = vector.multi_reduction <add>, %convert_element_type3A_606, %reduce_sum3A_607 [2] : vector<16x20x512xi32> to vector<16x20xi32>
      %broadcast_in_dim3A_609 = vector.shape_cast %reduce_sum3A_608 : vector<16x20xi32> to vector<16x20x1xi32>
      %le3A_610 = arith.constant 63 : i32
      %le3A_611 = vector.broadcast %le3A_610 : i32 to vector<16x20x1xi32>
      %le3A_612 = arith.cmpi sle, %broadcast_in_dim3A_609, %le3A_611 : vector<16x20x1xi32>
      %select_n3A_613 = arith.select %le3A_612, %add3A_603, %select_n3A_555 : vector<16x20x1xi1>, vector<16x20x1xi32>
      %add3A_614 = arith.constant 1 : i32
      %add3A_615 = vector.broadcast %add3A_614 : i32 to vector<16x20x1xi32>
      %add3A_616 = arith.addi %add3A_603, %add3A_615 : vector<16x20x1xi32>
      %select_n3A_617 = arith.select %le3A_612, %select_n3A_559, %add3A_616 : vector<16x20x1xi1>, vector<16x20x1xi32>
      %reduce_max3A_618 = arith.constant dense<0xFF800000> : vector<16xf32>
      %reduce_max3A_619 = vector.multi_reduction <maximumf>, %select_n3A_586, %reduce_max3A_618 [1] : vector<16x512xf32> to vector<16xf32>
      %broadcast_in_dim3A_620 = vector.shape_cast %reduce_max3A_619 : vector<16xf32> to vector<16x1xf32>
      %reduce_max3A_621 = arith.constant dense<0xFF800000> : vector<16xf32>
      %reduce_max3A_622 = vector.multi_reduction <maximumf>, %select_n3A_591, %reduce_max3A_621 [1] : vector<16x512xf32> to vector<16xf32>
      %broadcast_in_dim3A_623 = vector.shape_cast %reduce_max3A_622 : vector<16xf32> to vector<16x1xf32>
      %eq3A_624 = vector.broadcast %broadcast_in_dim3A_620 : vector<16x1xf32> to vector<16x512xf32>
      %eq3A_625 = arith.cmpf oeq, %select_n3A_586, %eq3A_624 : vector<16x512xf32>
      %jit3A_626 = arith.constant 1073741824 : i32
      %broadcast_in_dim3A_627 = vector.broadcast %jit3A_626 : i32 to vector<16x512xi32>
      %select_n3A_628 = arith.select %eq3A_625, %iota3A, %broadcast_in_dim3A_627 : vector<16x512xi1>, vector<16x512xi32>
      %reduce_min3A_629 = arith.constant dense<2147483647> : vector<16xi32>
      %reduce_min3A_630 = vector.multi_reduction <minsi>, %select_n3A_628, %reduce_min3A_629 [1] : vector<16x512xi32> to vector<16xi32>
      %broadcast_in_dim3A_631 = vector.shape_cast %reduce_min3A_630 : vector<16xi32> to vector<16x1xi32>
      %eq3A_632 = vector.broadcast %broadcast_in_dim3A_623 : vector<16x1xf32> to vector<16x512xf32>
      %eq3A_633 = arith.cmpf oeq, %select_n3A_591, %eq3A_632 : vector<16x512xf32>
      %jit3A_634 = arith.constant 1073741824 : i32
      %broadcast_in_dim3A_635 = vector.broadcast %jit3A_634 : i32 to vector<16x512xi32>
      %select_n3A_636 = arith.select %eq3A_633, %iota3A, %broadcast_in_dim3A_635 : vector<16x512xi1>, vector<16x512xi32>
      %reduce_min3A_637 = arith.constant dense<2147483647> : vector<16xi32>
      %reduce_min3A_638 = vector.multi_reduction <minsi>, %select_n3A_636, %reduce_min3A_637 [1] : vector<16x512xi32> to vector<16xi32>
      %broadcast_in_dim3A_639 = vector.shape_cast %reduce_min3A_638 : vector<16xi32> to vector<16x1xi32>
      %eq3A_640 = vector.broadcast %broadcast_in_dim3A_631 : vector<16x1xi32> to vector<16x512xi32>
      %eq3A_641 = arith.cmpi eq, %iota3A, %eq3A_640 : vector<16x512xi32>
      %jit3A_642 = arith.constant 0xFF800000 : f32
      %broadcast_in_dim3A_643 = vector.broadcast %jit3A_642 : f32 to vector<16x512xf32>
      %select_n3A_644 = arith.select %eq3A_641, %broadcast_in_dim3A_643, %select_n3A_586 : vector<16x512xi1>, vector<16x512xf32>
      %eq3A_645 = vector.broadcast %broadcast_in_dim3A_639 : vector<16x1xi32> to vector<16x512xi32>
      %eq3A_646 = arith.cmpi eq, %iota3A, %eq3A_645 : vector<16x512xi32>
      %jit3A_647 = arith.constant 0xFF800000 : f32
      %broadcast_in_dim3A_648 = vector.broadcast %jit3A_647 : f32 to vector<16x512xf32>
      %select_n3A_649 = arith.select %eq3A_646, %broadcast_in_dim3A_648, %select_n3A_591 : vector<16x512xi1>, vector<16x512xf32>
      %shift_right_arithmetic3A_650 = arith.constant 1 : i32
      %shift_right_arithmetic3A_651 = vector.broadcast %shift_right_arithmetic3A_650 : i32 to vector<16x20x1xi32>
      %shift_right_arithmetic3A_652 = arith.shrsi %select_n3A_617, %shift_right_arithmetic3A_651 : vector<16x20x1xi32>
      %shift_right_arithmetic3A_653 = arith.constant 1 : i32
      %shift_right_arithmetic3A_654 = vector.broadcast %shift_right_arithmetic3A_653 : i32 to vector<16x20x1xi32>
      %shift_right_arithmetic3A_655 = arith.shrsi %select_n3A_613, %shift_right_arithmetic3A_654 : vector<16x20x1xi32>
      %add3A_656 = arith.addi %shift_right_arithmetic3A_652, %shift_right_arithmetic3A_655 : vector<16x20x1xi32>
      %and3A_657 = arith.andi %select_n3A_617, %select_n3A_613 : vector<16x20x1xi32>
      %and3A_658 = arith.constant 1 : i32
      %and3A_659 = vector.broadcast %and3A_658 : i32 to vector<16x20x1xi32>
      %and3A_660 = arith.andi %and3A_657, %and3A_659 : vector<16x20x1xi32>
      %add3A_661 = arith.addi %add3A_656, %and3A_660 : vector<16x20x1xi32>
      %gt3A_662 = vector.broadcast %add3A_661 : vector<16x20x1xi32> to vector<16x20x512xi32>
      %gt3A_663 = arith.cmpi sgt, %select_n3A, %gt3A_662 : vector<16x20x512xi32>
      %convert_element_type3A_664 = arith.extui %gt3A_663 : vector<16x20x512xi1> to vector<16x20x512xi32>
      %reduce_sum3A_665 = arith.constant dense<0> : vector<16x20xi32>
      %reduce_sum3A_666 = vector.multi_reduction <add>, %convert_element_type3A_664, %reduce_sum3A_665 [2] : vector<16x20x512xi32> to vector<16x20xi32>
      %broadcast_in_dim3A_667 = vector.shape_cast %reduce_sum3A_666 : vector<16x20xi32> to vector<16x20x1xi32>
      %le3A_668 = arith.constant 63 : i32
      %le3A_669 = vector.broadcast %le3A_668 : i32 to vector<16x20x1xi32>
      %le3A_670 = arith.cmpi sle, %broadcast_in_dim3A_667, %le3A_669 : vector<16x20x1xi32>
      %select_n3A_671 = arith.select %le3A_670, %add3A_661, %select_n3A_613 : vector<16x20x1xi1>, vector<16x20x1xi32>
      %add3A_672 = arith.constant 1 : i32
      %add3A_673 = vector.broadcast %add3A_672 : i32 to vector<16x20x1xi32>
      %add3A_674 = arith.addi %add3A_661, %add3A_673 : vector<16x20x1xi32>
      %select_n3A_675 = arith.select %le3A_670, %select_n3A_617, %add3A_674 : vector<16x20x1xi1>, vector<16x20x1xi32>
      %reduce_max3A_676 = arith.constant dense<0xFF800000> : vector<16xf32>
      %reduce_max3A_677 = vector.multi_reduction <maximumf>, %select_n3A_644, %reduce_max3A_676 [1] : vector<16x512xf32> to vector<16xf32>
      %broadcast_in_dim3A_678 = vector.shape_cast %reduce_max3A_677 : vector<16xf32> to vector<16x1xf32>
      %reduce_max3A_679 = arith.constant dense<0xFF800000> : vector<16xf32>
      %reduce_max3A_680 = vector.multi_reduction <maximumf>, %select_n3A_649, %reduce_max3A_679 [1] : vector<16x512xf32> to vector<16xf32>
      %broadcast_in_dim3A_681 = vector.shape_cast %reduce_max3A_680 : vector<16xf32> to vector<16x1xf32>
      %eq3A_682 = vector.broadcast %broadcast_in_dim3A_678 : vector<16x1xf32> to vector<16x512xf32>
      %eq3A_683 = arith.cmpf oeq, %select_n3A_644, %eq3A_682 : vector<16x512xf32>
      %jit3A_684 = arith.constant 1073741824 : i32
      %broadcast_in_dim3A_685 = vector.broadcast %jit3A_684 : i32 to vector<16x512xi32>
      %select_n3A_686 = arith.select %eq3A_683, %iota3A, %broadcast_in_dim3A_685 : vector<16x512xi1>, vector<16x512xi32>
      %reduce_min3A_687 = arith.constant dense<2147483647> : vector<16xi32>
      %reduce_min3A_688 = vector.multi_reduction <minsi>, %select_n3A_686, %reduce_min3A_687 [1] : vector<16x512xi32> to vector<16xi32>
      %broadcast_in_dim3A_689 = vector.shape_cast %reduce_min3A_688 : vector<16xi32> to vector<16x1xi32>
      %eq3A_690 = vector.broadcast %broadcast_in_dim3A_681 : vector<16x1xf32> to vector<16x512xf32>
      %eq3A_691 = arith.cmpf oeq, %select_n3A_649, %eq3A_690 : vector<16x512xf32>
      %jit3A_692 = arith.constant 1073741824 : i32
      %broadcast_in_dim3A_693 = vector.broadcast %jit3A_692 : i32 to vector<16x512xi32>
      %select_n3A_694 = arith.select %eq3A_691, %iota3A, %broadcast_in_dim3A_693 : vector<16x512xi1>, vector<16x512xi32>
      %reduce_min3A_695 = arith.constant dense<2147483647> : vector<16xi32>
      %reduce_min3A_696 = vector.multi_reduction <minsi>, %select_n3A_694, %reduce_min3A_695 [1] : vector<16x512xi32> to vector<16xi32>
      %broadcast_in_dim3A_697 = vector.shape_cast %reduce_min3A_696 : vector<16xi32> to vector<16x1xi32>
      %eq3A_698 = vector.broadcast %broadcast_in_dim3A_689 : vector<16x1xi32> to vector<16x512xi32>
      %eq3A_699 = arith.cmpi eq, %iota3A, %eq3A_698 : vector<16x512xi32>
      %jit3A_700 = arith.constant 0xFF800000 : f32
      %broadcast_in_dim3A_701 = vector.broadcast %jit3A_700 : f32 to vector<16x512xf32>
      %select_n3A_702 = arith.select %eq3A_699, %broadcast_in_dim3A_701, %select_n3A_644 : vector<16x512xi1>, vector<16x512xf32>
      %eq3A_703 = vector.broadcast %broadcast_in_dim3A_697 : vector<16x1xi32> to vector<16x512xi32>
      %eq3A_704 = arith.cmpi eq, %iota3A, %eq3A_703 : vector<16x512xi32>
      %jit3A_705 = arith.constant 0xFF800000 : f32
      %broadcast_in_dim3A_706 = vector.broadcast %jit3A_705 : f32 to vector<16x512xf32>
      %select_n3A_707 = arith.select %eq3A_704, %broadcast_in_dim3A_706, %select_n3A_649 : vector<16x512xi1>, vector<16x512xf32>
      %shift_right_arithmetic3A_708 = arith.constant 1 : i32
      %shift_right_arithmetic3A_709 = vector.broadcast %shift_right_arithmetic3A_708 : i32 to vector<16x20x1xi32>
      %shift_right_arithmetic3A_710 = arith.shrsi %select_n3A_675, %shift_right_arithmetic3A_709 : vector<16x20x1xi32>
      %shift_right_arithmetic3A_711 = arith.constant 1 : i32
      %shift_right_arithmetic3A_712 = vector.broadcast %shift_right_arithmetic3A_711 : i32 to vector<16x20x1xi32>
      %shift_right_arithmetic3A_713 = arith.shrsi %select_n3A_671, %shift_right_arithmetic3A_712 : vector<16x20x1xi32>
      %add3A_714 = arith.addi %shift_right_arithmetic3A_710, %shift_right_arithmetic3A_713 : vector<16x20x1xi32>
      %and3A_715 = arith.andi %select_n3A_675, %select_n3A_671 : vector<16x20x1xi32>
      %and3A_716 = arith.constant 1 : i32
      %and3A_717 = vector.broadcast %and3A_716 : i32 to vector<16x20x1xi32>
      %and3A_718 = arith.andi %and3A_715, %and3A_717 : vector<16x20x1xi32>
      %add3A_719 = arith.addi %add3A_714, %and3A_718 : vector<16x20x1xi32>
      %gt3A_720 = vector.broadcast %add3A_719 : vector<16x20x1xi32> to vector<16x20x512xi32>
      %gt3A_721 = arith.cmpi sgt, %select_n3A, %gt3A_720 : vector<16x20x512xi32>
      %convert_element_type3A_722 = arith.extui %gt3A_721 : vector<16x20x512xi1> to vector<16x20x512xi32>
      %reduce_sum3A_723 = arith.constant dense<0> : vector<16x20xi32>
      %reduce_sum3A_724 = vector.multi_reduction <add>, %convert_element_type3A_722, %reduce_sum3A_723 [2] : vector<16x20x512xi32> to vector<16x20xi32>
      %broadcast_in_dim3A_725 = vector.shape_cast %reduce_sum3A_724 : vector<16x20xi32> to vector<16x20x1xi32>
      %le3A_726 = arith.constant 63 : i32
      %le3A_727 = vector.broadcast %le3A_726 : i32 to vector<16x20x1xi32>
      %le3A_728 = arith.cmpi sle, %broadcast_in_dim3A_725, %le3A_727 : vector<16x20x1xi32>
      %select_n3A_729 = arith.select %le3A_728, %add3A_719, %select_n3A_671 : vector<16x20x1xi1>, vector<16x20x1xi32>
      %add3A_730 = arith.constant 1 : i32
      %add3A_731 = vector.broadcast %add3A_730 : i32 to vector<16x20x1xi32>
      %add3A_732 = arith.addi %add3A_719, %add3A_731 : vector<16x20x1xi32>
      %select_n3A_733 = arith.select %le3A_728, %select_n3A_675, %add3A_732 : vector<16x20x1xi1>, vector<16x20x1xi32>
      %reduce_max3A_734 = arith.constant dense<0xFF800000> : vector<16xf32>
      %reduce_max3A_735 = vector.multi_reduction <maximumf>, %select_n3A_702, %reduce_max3A_734 [1] : vector<16x512xf32> to vector<16xf32>
      %broadcast_in_dim3A_736 = vector.shape_cast %reduce_max3A_735 : vector<16xf32> to vector<16x1xf32>
      %reduce_max3A_737 = arith.constant dense<0xFF800000> : vector<16xf32>
      %reduce_max3A_738 = vector.multi_reduction <maximumf>, %select_n3A_707, %reduce_max3A_737 [1] : vector<16x512xf32> to vector<16xf32>
      %broadcast_in_dim3A_739 = vector.shape_cast %reduce_max3A_738 : vector<16xf32> to vector<16x1xf32>
      %eq3A_740 = vector.broadcast %broadcast_in_dim3A_736 : vector<16x1xf32> to vector<16x512xf32>
      %eq3A_741 = arith.cmpf oeq, %select_n3A_702, %eq3A_740 : vector<16x512xf32>
      %jit3A_742 = arith.constant 1073741824 : i32
      %broadcast_in_dim3A_743 = vector.broadcast %jit3A_742 : i32 to vector<16x512xi32>
      %select_n3A_744 = arith.select %eq3A_741, %iota3A, %broadcast_in_dim3A_743 : vector<16x512xi1>, vector<16x512xi32>
      %reduce_min3A_745 = arith.constant dense<2147483647> : vector<16xi32>
      %reduce_min3A_746 = vector.multi_reduction <minsi>, %select_n3A_744, %reduce_min3A_745 [1] : vector<16x512xi32> to vector<16xi32>
      %broadcast_in_dim3A_747 = vector.shape_cast %reduce_min3A_746 : vector<16xi32> to vector<16x1xi32>
      %eq3A_748 = vector.broadcast %broadcast_in_dim3A_739 : vector<16x1xf32> to vector<16x512xf32>
      %eq3A_749 = arith.cmpf oeq, %select_n3A_707, %eq3A_748 : vector<16x512xf32>
      %jit3A_750 = arith.constant 1073741824 : i32
      %broadcast_in_dim3A_751 = vector.broadcast %jit3A_750 : i32 to vector<16x512xi32>
      %select_n3A_752 = arith.select %eq3A_749, %iota3A, %broadcast_in_dim3A_751 : vector<16x512xi1>, vector<16x512xi32>
      %reduce_min3A_753 = arith.constant dense<2147483647> : vector<16xi32>
      %reduce_min3A_754 = vector.multi_reduction <minsi>, %select_n3A_752, %reduce_min3A_753 [1] : vector<16x512xi32> to vector<16xi32>
      %broadcast_in_dim3A_755 = vector.shape_cast %reduce_min3A_754 : vector<16xi32> to vector<16x1xi32>
      %eq3A_756 = vector.broadcast %broadcast_in_dim3A_747 : vector<16x1xi32> to vector<16x512xi32>
      %eq3A_757 = arith.cmpi eq, %iota3A, %eq3A_756 : vector<16x512xi32>
      %jit3A_758 = arith.constant 0xFF800000 : f32
      %broadcast_in_dim3A_759 = vector.broadcast %jit3A_758 : f32 to vector<16x512xf32>
      %select_n3A_760 = arith.select %eq3A_757, %broadcast_in_dim3A_759, %select_n3A_702 : vector<16x512xi1>, vector<16x512xf32>
      %eq3A_761 = vector.broadcast %broadcast_in_dim3A_755 : vector<16x1xi32> to vector<16x512xi32>
      %eq3A_762 = arith.cmpi eq, %iota3A, %eq3A_761 : vector<16x512xi32>
      %jit3A_763 = arith.constant 0xFF800000 : f32
      %broadcast_in_dim3A_764 = vector.broadcast %jit3A_763 : f32 to vector<16x512xf32>
      %select_n3A_765 = arith.select %eq3A_762, %broadcast_in_dim3A_764, %select_n3A_707 : vector<16x512xi1>, vector<16x512xf32>
      %shift_right_arithmetic3A_766 = arith.constant 1 : i32
      %shift_right_arithmetic3A_767 = vector.broadcast %shift_right_arithmetic3A_766 : i32 to vector<16x20x1xi32>
      %shift_right_arithmetic3A_768 = arith.shrsi %select_n3A_733, %shift_right_arithmetic3A_767 : vector<16x20x1xi32>
      %shift_right_arithmetic3A_769 = arith.constant 1 : i32
      %shift_right_arithmetic3A_770 = vector.broadcast %shift_right_arithmetic3A_769 : i32 to vector<16x20x1xi32>
      %shift_right_arithmetic3A_771 = arith.shrsi %select_n3A_729, %shift_right_arithmetic3A_770 : vector<16x20x1xi32>
      %add3A_772 = arith.addi %shift_right_arithmetic3A_768, %shift_right_arithmetic3A_771 : vector<16x20x1xi32>
      %and3A_773 = arith.andi %select_n3A_733, %select_n3A_729 : vector<16x20x1xi32>
      %and3A_774 = arith.constant 1 : i32
      %and3A_775 = vector.broadcast %and3A_774 : i32 to vector<16x20x1xi32>
      %and3A_776 = arith.andi %and3A_773, %and3A_775 : vector<16x20x1xi32>
      %add3A_777 = arith.addi %add3A_772, %and3A_776 : vector<16x20x1xi32>
      %gt3A_778 = vector.broadcast %add3A_777 : vector<16x20x1xi32> to vector<16x20x512xi32>
      %gt3A_779 = arith.cmpi sgt, %select_n3A, %gt3A_778 : vector<16x20x512xi32>
      %convert_element_type3A_780 = arith.extui %gt3A_779 : vector<16x20x512xi1> to vector<16x20x512xi32>
      %reduce_sum3A_781 = arith.constant dense<0> : vector<16x20xi32>
      %reduce_sum3A_782 = vector.multi_reduction <add>, %convert_element_type3A_780, %reduce_sum3A_781 [2] : vector<16x20x512xi32> to vector<16x20xi32>
      %broadcast_in_dim3A_783 = vector.shape_cast %reduce_sum3A_782 : vector<16x20xi32> to vector<16x20x1xi32>
      %le3A_784 = arith.constant 63 : i32
      %le3A_785 = vector.broadcast %le3A_784 : i32 to vector<16x20x1xi32>
      %le3A_786 = arith.cmpi sle, %broadcast_in_dim3A_783, %le3A_785 : vector<16x20x1xi32>
      %select_n3A_787 = arith.select %le3A_786, %add3A_777, %select_n3A_729 : vector<16x20x1xi1>, vector<16x20x1xi32>
      %add3A_788 = arith.constant 1 : i32
      %add3A_789 = vector.broadcast %add3A_788 : i32 to vector<16x20x1xi32>
      %add3A_790 = arith.addi %add3A_777, %add3A_789 : vector<16x20x1xi32>
      %select_n3A_791 = arith.select %le3A_786, %select_n3A_733, %add3A_790 : vector<16x20x1xi1>, vector<16x20x1xi32>
      %reduce_max3A_792 = arith.constant dense<0xFF800000> : vector<16xf32>
      %reduce_max3A_793 = vector.multi_reduction <maximumf>, %select_n3A_760, %reduce_max3A_792 [1] : vector<16x512xf32> to vector<16xf32>
      %broadcast_in_dim3A_794 = vector.shape_cast %reduce_max3A_793 : vector<16xf32> to vector<16x1xf32>
      %reduce_max3A_795 = arith.constant dense<0xFF800000> : vector<16xf32>
      %reduce_max3A_796 = vector.multi_reduction <maximumf>, %select_n3A_765, %reduce_max3A_795 [1] : vector<16x512xf32> to vector<16xf32>
      %broadcast_in_dim3A_797 = vector.shape_cast %reduce_max3A_796 : vector<16xf32> to vector<16x1xf32>
      %eq3A_798 = vector.broadcast %broadcast_in_dim3A_794 : vector<16x1xf32> to vector<16x512xf32>
      %eq3A_799 = arith.cmpf oeq, %select_n3A_760, %eq3A_798 : vector<16x512xf32>
      %jit3A_800 = arith.constant 1073741824 : i32
      %broadcast_in_dim3A_801 = vector.broadcast %jit3A_800 : i32 to vector<16x512xi32>
      %select_n3A_802 = arith.select %eq3A_799, %iota3A, %broadcast_in_dim3A_801 : vector<16x512xi1>, vector<16x512xi32>
      %reduce_min3A_803 = arith.constant dense<2147483647> : vector<16xi32>
      %reduce_min3A_804 = vector.multi_reduction <minsi>, %select_n3A_802, %reduce_min3A_803 [1] : vector<16x512xi32> to vector<16xi32>
      %broadcast_in_dim3A_805 = vector.shape_cast %reduce_min3A_804 : vector<16xi32> to vector<16x1xi32>
      %eq3A_806 = vector.broadcast %broadcast_in_dim3A_797 : vector<16x1xf32> to vector<16x512xf32>
      %eq3A_807 = arith.cmpf oeq, %select_n3A_765, %eq3A_806 : vector<16x512xf32>
      %jit3A_808 = arith.constant 1073741824 : i32
      %broadcast_in_dim3A_809 = vector.broadcast %jit3A_808 : i32 to vector<16x512xi32>
      %select_n3A_810 = arith.select %eq3A_807, %iota3A, %broadcast_in_dim3A_809 : vector<16x512xi1>, vector<16x512xi32>
      %reduce_min3A_811 = arith.constant dense<2147483647> : vector<16xi32>
      %reduce_min3A_812 = vector.multi_reduction <minsi>, %select_n3A_810, %reduce_min3A_811 [1] : vector<16x512xi32> to vector<16xi32>
      %broadcast_in_dim3A_813 = vector.shape_cast %reduce_min3A_812 : vector<16xi32> to vector<16x1xi32>
      %eq3A_814 = vector.broadcast %broadcast_in_dim3A_805 : vector<16x1xi32> to vector<16x512xi32>
      %eq3A_815 = arith.cmpi eq, %iota3A, %eq3A_814 : vector<16x512xi32>
      %jit3A_816 = arith.constant 0xFF800000 : f32
      %broadcast_in_dim3A_817 = vector.broadcast %jit3A_816 : f32 to vector<16x512xf32>
      %select_n3A_818 = arith.select %eq3A_815, %broadcast_in_dim3A_817, %select_n3A_760 : vector<16x512xi1>, vector<16x512xf32>
      %eq3A_819 = vector.broadcast %broadcast_in_dim3A_813 : vector<16x1xi32> to vector<16x512xi32>
      %eq3A_820 = arith.cmpi eq, %iota3A, %eq3A_819 : vector<16x512xi32>
      %jit3A_821 = arith.constant 0xFF800000 : f32
      %broadcast_in_dim3A_822 = vector.broadcast %jit3A_821 : f32 to vector<16x512xf32>
      %select_n3A_823 = arith.select %eq3A_820, %broadcast_in_dim3A_822, %select_n3A_765 : vector<16x512xi1>, vector<16x512xf32>
      %shift_right_arithmetic3A_824 = arith.constant 1 : i32
      %shift_right_arithmetic3A_825 = vector.broadcast %shift_right_arithmetic3A_824 : i32 to vector<16x20x1xi32>
      %shift_right_arithmetic3A_826 = arith.shrsi %select_n3A_791, %shift_right_arithmetic3A_825 : vector<16x20x1xi32>
      %shift_right_arithmetic3A_827 = arith.constant 1 : i32
      %shift_right_arithmetic3A_828 = vector.broadcast %shift_right_arithmetic3A_827 : i32 to vector<16x20x1xi32>
      %shift_right_arithmetic3A_829 = arith.shrsi %select_n3A_787, %shift_right_arithmetic3A_828 : vector<16x20x1xi32>
      %add3A_830 = arith.addi %shift_right_arithmetic3A_826, %shift_right_arithmetic3A_829 : vector<16x20x1xi32>
      %and3A_831 = arith.andi %select_n3A_791, %select_n3A_787 : vector<16x20x1xi32>
      %and3A_832 = arith.constant 1 : i32
      %and3A_833 = vector.broadcast %and3A_832 : i32 to vector<16x20x1xi32>
      %and3A_834 = arith.andi %and3A_831, %and3A_833 : vector<16x20x1xi32>
      %add3A_835 = arith.addi %add3A_830, %and3A_834 : vector<16x20x1xi32>
      %gt3A_836 = vector.broadcast %add3A_835 : vector<16x20x1xi32> to vector<16x20x512xi32>
      %gt3A_837 = arith.cmpi sgt, %select_n3A, %gt3A_836 : vector<16x20x512xi32>
      %convert_element_type3A_838 = arith.extui %gt3A_837 : vector<16x20x512xi1> to vector<16x20x512xi32>
      %reduce_sum3A_839 = arith.constant dense<0> : vector<16x20xi32>
      %reduce_sum3A_840 = vector.multi_reduction <add>, %convert_element_type3A_838, %reduce_sum3A_839 [2] : vector<16x20x512xi32> to vector<16x20xi32>
      %broadcast_in_dim3A_841 = vector.shape_cast %reduce_sum3A_840 : vector<16x20xi32> to vector<16x20x1xi32>
      %le3A_842 = arith.constant 63 : i32
      %le3A_843 = vector.broadcast %le3A_842 : i32 to vector<16x20x1xi32>
      %le3A_844 = arith.cmpi sle, %broadcast_in_dim3A_841, %le3A_843 : vector<16x20x1xi32>
      %select_n3A_845 = arith.select %le3A_844, %add3A_835, %select_n3A_787 : vector<16x20x1xi1>, vector<16x20x1xi32>
      %add3A_846 = arith.constant 1 : i32
      %add3A_847 = vector.broadcast %add3A_846 : i32 to vector<16x20x1xi32>
      %add3A_848 = arith.addi %add3A_835, %add3A_847 : vector<16x20x1xi32>
      %select_n3A_849 = arith.select %le3A_844, %select_n3A_791, %add3A_848 : vector<16x20x1xi1>, vector<16x20x1xi32>
      %reduce_max3A_850 = arith.constant dense<0xFF800000> : vector<16xf32>
      %reduce_max3A_851 = vector.multi_reduction <maximumf>, %select_n3A_818, %reduce_max3A_850 [1] : vector<16x512xf32> to vector<16xf32>
      %broadcast_in_dim3A_852 = vector.shape_cast %reduce_max3A_851 : vector<16xf32> to vector<16x1xf32>
      %reduce_max3A_853 = arith.constant dense<0xFF800000> : vector<16xf32>
      %reduce_max3A_854 = vector.multi_reduction <maximumf>, %select_n3A_823, %reduce_max3A_853 [1] : vector<16x512xf32> to vector<16xf32>
      %broadcast_in_dim3A_855 = vector.shape_cast %reduce_max3A_854 : vector<16xf32> to vector<16x1xf32>
      %eq3A_856 = vector.broadcast %broadcast_in_dim3A_852 : vector<16x1xf32> to vector<16x512xf32>
      %eq3A_857 = arith.cmpf oeq, %select_n3A_818, %eq3A_856 : vector<16x512xf32>
      %jit3A_858 = arith.constant 1073741824 : i32
      %broadcast_in_dim3A_859 = vector.broadcast %jit3A_858 : i32 to vector<16x512xi32>
      %select_n3A_860 = arith.select %eq3A_857, %iota3A, %broadcast_in_dim3A_859 : vector<16x512xi1>, vector<16x512xi32>
      %reduce_min3A_861 = arith.constant dense<2147483647> : vector<16xi32>
      %reduce_min3A_862 = vector.multi_reduction <minsi>, %select_n3A_860, %reduce_min3A_861 [1] : vector<16x512xi32> to vector<16xi32>
      %broadcast_in_dim3A_863 = vector.shape_cast %reduce_min3A_862 : vector<16xi32> to vector<16x1xi32>
      %eq3A_864 = vector.broadcast %broadcast_in_dim3A_855 : vector<16x1xf32> to vector<16x512xf32>
      %eq3A_865 = arith.cmpf oeq, %select_n3A_823, %eq3A_864 : vector<16x512xf32>
      %jit3A_866 = arith.constant 1073741824 : i32
      %broadcast_in_dim3A_867 = vector.broadcast %jit3A_866 : i32 to vector<16x512xi32>
      %select_n3A_868 = arith.select %eq3A_865, %iota3A, %broadcast_in_dim3A_867 : vector<16x512xi1>, vector<16x512xi32>
      %reduce_min3A_869 = arith.constant dense<2147483647> : vector<16xi32>
      %reduce_min3A_870 = vector.multi_reduction <minsi>, %select_n3A_868, %reduce_min3A_869 [1] : vector<16x512xi32> to vector<16xi32>
      %broadcast_in_dim3A_871 = vector.shape_cast %reduce_min3A_870 : vector<16xi32> to vector<16x1xi32>
      %eq3A_872 = vector.broadcast %broadcast_in_dim3A_863 : vector<16x1xi32> to vector<16x512xi32>
      %eq3A_873 = arith.cmpi eq, %iota3A, %eq3A_872 : vector<16x512xi32>
      %jit3A_874 = arith.constant 0xFF800000 : f32
      %broadcast_in_dim3A_875 = vector.broadcast %jit3A_874 : f32 to vector<16x512xf32>
      %select_n3A_876 = arith.select %eq3A_873, %broadcast_in_dim3A_875, %select_n3A_818 : vector<16x512xi1>, vector<16x512xf32>
      %eq3A_877 = vector.broadcast %broadcast_in_dim3A_871 : vector<16x1xi32> to vector<16x512xi32>
      %eq3A_878 = arith.cmpi eq, %iota3A, %eq3A_877 : vector<16x512xi32>
      %jit3A_879 = arith.constant 0xFF800000 : f32
      %broadcast_in_dim3A_880 = vector.broadcast %jit3A_879 : f32 to vector<16x512xf32>
      %select_n3A_881 = arith.select %eq3A_878, %broadcast_in_dim3A_880, %select_n3A_823 : vector<16x512xi1>, vector<16x512xf32>
      %shift_right_arithmetic3A_882 = arith.constant 1 : i32
      %shift_right_arithmetic3A_883 = vector.broadcast %shift_right_arithmetic3A_882 : i32 to vector<16x20x1xi32>
      %shift_right_arithmetic3A_884 = arith.shrsi %select_n3A_849, %shift_right_arithmetic3A_883 : vector<16x20x1xi32>
      %shift_right_arithmetic3A_885 = arith.constant 1 : i32
      %shift_right_arithmetic3A_886 = vector.broadcast %shift_right_arithmetic3A_885 : i32 to vector<16x20x1xi32>
      %shift_right_arithmetic3A_887 = arith.shrsi %select_n3A_845, %shift_right_arithmetic3A_886 : vector<16x20x1xi32>
      %add3A_888 = arith.addi %shift_right_arithmetic3A_884, %shift_right_arithmetic3A_887 : vector<16x20x1xi32>
      %and3A_889 = arith.andi %select_n3A_849, %select_n3A_845 : vector<16x20x1xi32>
      %and3A_890 = arith.constant 1 : i32
      %and3A_891 = vector.broadcast %and3A_890 : i32 to vector<16x20x1xi32>
      %and3A_892 = arith.andi %and3A_889, %and3A_891 : vector<16x20x1xi32>
      %add3A_893 = arith.addi %add3A_888, %and3A_892 : vector<16x20x1xi32>
      %gt3A_894 = vector.broadcast %add3A_893 : vector<16x20x1xi32> to vector<16x20x512xi32>
      %gt3A_895 = arith.cmpi sgt, %select_n3A, %gt3A_894 : vector<16x20x512xi32>
      %convert_element_type3A_896 = arith.extui %gt3A_895 : vector<16x20x512xi1> to vector<16x20x512xi32>
      %reduce_sum3A_897 = arith.constant dense<0> : vector<16x20xi32>
      %reduce_sum3A_898 = vector.multi_reduction <add>, %convert_element_type3A_896, %reduce_sum3A_897 [2] : vector<16x20x512xi32> to vector<16x20xi32>
      %broadcast_in_dim3A_899 = vector.shape_cast %reduce_sum3A_898 : vector<16x20xi32> to vector<16x20x1xi32>
      %le3A_900 = arith.constant 63 : i32
      %le3A_901 = vector.broadcast %le3A_900 : i32 to vector<16x20x1xi32>
      %le3A_902 = arith.cmpi sle, %broadcast_in_dim3A_899, %le3A_901 : vector<16x20x1xi32>
      %select_n3A_903 = arith.select %le3A_902, %add3A_893, %select_n3A_845 : vector<16x20x1xi1>, vector<16x20x1xi32>
      %add3A_904 = arith.constant 1 : i32
      %add3A_905 = vector.broadcast %add3A_904 : i32 to vector<16x20x1xi32>
      %add3A_906 = arith.addi %add3A_893, %add3A_905 : vector<16x20x1xi32>
      %select_n3A_907 = arith.select %le3A_902, %select_n3A_849, %add3A_906 : vector<16x20x1xi1>, vector<16x20x1xi32>
      %reduce_max3A_908 = arith.constant dense<0xFF800000> : vector<16xf32>
      %reduce_max3A_909 = vector.multi_reduction <maximumf>, %select_n3A_876, %reduce_max3A_908 [1] : vector<16x512xf32> to vector<16xf32>
      %broadcast_in_dim3A_910 = vector.shape_cast %reduce_max3A_909 : vector<16xf32> to vector<16x1xf32>
      %reduce_max3A_911 = arith.constant dense<0xFF800000> : vector<16xf32>
      %reduce_max3A_912 = vector.multi_reduction <maximumf>, %select_n3A_881, %reduce_max3A_911 [1] : vector<16x512xf32> to vector<16xf32>
      %broadcast_in_dim3A_913 = vector.shape_cast %reduce_max3A_912 : vector<16xf32> to vector<16x1xf32>
      %eq3A_914 = vector.broadcast %broadcast_in_dim3A_910 : vector<16x1xf32> to vector<16x512xf32>
      %eq3A_915 = arith.cmpf oeq, %select_n3A_876, %eq3A_914 : vector<16x512xf32>
      %jit3A_916 = arith.constant 1073741824 : i32
      %broadcast_in_dim3A_917 = vector.broadcast %jit3A_916 : i32 to vector<16x512xi32>
      %select_n3A_918 = arith.select %eq3A_915, %iota3A, %broadcast_in_dim3A_917 : vector<16x512xi1>, vector<16x512xi32>
      %reduce_min3A_919 = arith.constant dense<2147483647> : vector<16xi32>
      %reduce_min3A_920 = vector.multi_reduction <minsi>, %select_n3A_918, %reduce_min3A_919 [1] : vector<16x512xi32> to vector<16xi32>
      %broadcast_in_dim3A_921 = vector.shape_cast %reduce_min3A_920 : vector<16xi32> to vector<16x1xi32>
      %eq3A_922 = vector.broadcast %broadcast_in_dim3A_913 : vector<16x1xf32> to vector<16x512xf32>
      %eq3A_923 = arith.cmpf oeq, %select_n3A_881, %eq3A_922 : vector<16x512xf32>
      %jit3A_924 = arith.constant 1073741824 : i32
      %broadcast_in_dim3A_925 = vector.broadcast %jit3A_924 : i32 to vector<16x512xi32>
      %select_n3A_926 = arith.select %eq3A_923, %iota3A, %broadcast_in_dim3A_925 : vector<16x512xi1>, vector<16x512xi32>
      %reduce_min3A_927 = arith.constant dense<2147483647> : vector<16xi32>
      %reduce_min3A_928 = vector.multi_reduction <minsi>, %select_n3A_926, %reduce_min3A_927 [1] : vector<16x512xi32> to vector<16xi32>
      %broadcast_in_dim3A_929 = vector.shape_cast %reduce_min3A_928 : vector<16xi32> to vector<16x1xi32>
      %eq3A_930 = vector.broadcast %broadcast_in_dim3A_921 : vector<16x1xi32> to vector<16x512xi32>
      %eq3A_931 = arith.cmpi eq, %iota3A, %eq3A_930 : vector<16x512xi32>
      %jit3A_932 = arith.constant 0xFF800000 : f32
      %broadcast_in_dim3A_933 = vector.broadcast %jit3A_932 : f32 to vector<16x512xf32>
      %select_n3A_934 = arith.select %eq3A_931, %broadcast_in_dim3A_933, %select_n3A_876 : vector<16x512xi1>, vector<16x512xf32>
      %eq3A_935 = vector.broadcast %broadcast_in_dim3A_929 : vector<16x1xi32> to vector<16x512xi32>
      %eq3A_936 = arith.cmpi eq, %iota3A, %eq3A_935 : vector<16x512xi32>
      %jit3A_937 = arith.constant 0xFF800000 : f32
      %broadcast_in_dim3A_938 = vector.broadcast %jit3A_937 : f32 to vector<16x512xf32>
      %select_n3A_939 = arith.select %eq3A_936, %broadcast_in_dim3A_938, %select_n3A_881 : vector<16x512xi1>, vector<16x512xf32>
      %shift_right_arithmetic3A_940 = arith.constant 1 : i32
      %shift_right_arithmetic3A_941 = vector.broadcast %shift_right_arithmetic3A_940 : i32 to vector<16x20x1xi32>
      %shift_right_arithmetic3A_942 = arith.shrsi %select_n3A_907, %shift_right_arithmetic3A_941 : vector<16x20x1xi32>
      %shift_right_arithmetic3A_943 = arith.constant 1 : i32
      %shift_right_arithmetic3A_944 = vector.broadcast %shift_right_arithmetic3A_943 : i32 to vector<16x20x1xi32>
      %shift_right_arithmetic3A_945 = arith.shrsi %select_n3A_903, %shift_right_arithmetic3A_944 : vector<16x20x1xi32>
      %add3A_946 = arith.addi %shift_right_arithmetic3A_942, %shift_right_arithmetic3A_945 : vector<16x20x1xi32>
      %and3A_947 = arith.andi %select_n3A_907, %select_n3A_903 : vector<16x20x1xi32>
      %and3A_948 = arith.constant 1 : i32
      %and3A_949 = vector.broadcast %and3A_948 : i32 to vector<16x20x1xi32>
      %and3A_950 = arith.andi %and3A_947, %and3A_949 : vector<16x20x1xi32>
      %add3A_951 = arith.addi %add3A_946, %and3A_950 : vector<16x20x1xi32>
      %gt3A_952 = vector.broadcast %add3A_951 : vector<16x20x1xi32> to vector<16x20x512xi32>
      %gt3A_953 = arith.cmpi sgt, %select_n3A, %gt3A_952 : vector<16x20x512xi32>
      %convert_element_type3A_954 = arith.extui %gt3A_953 : vector<16x20x512xi1> to vector<16x20x512xi32>
      %reduce_sum3A_955 = arith.constant dense<0> : vector<16x20xi32>
      %reduce_sum3A_956 = vector.multi_reduction <add>, %convert_element_type3A_954, %reduce_sum3A_955 [2] : vector<16x20x512xi32> to vector<16x20xi32>
      %broadcast_in_dim3A_957 = vector.shape_cast %reduce_sum3A_956 : vector<16x20xi32> to vector<16x20x1xi32>
      %le3A_958 = arith.constant 63 : i32
      %le3A_959 = vector.broadcast %le3A_958 : i32 to vector<16x20x1xi32>
      %le3A_960 = arith.cmpi sle, %broadcast_in_dim3A_957, %le3A_959 : vector<16x20x1xi32>
      %select_n3A_961 = arith.select %le3A_960, %add3A_951, %select_n3A_903 : vector<16x20x1xi1>, vector<16x20x1xi32>
      %add3A_962 = arith.constant 1 : i32
      %add3A_963 = vector.broadcast %add3A_962 : i32 to vector<16x20x1xi32>
      %add3A_964 = arith.addi %add3A_951, %add3A_963 : vector<16x20x1xi32>
      %select_n3A_965 = arith.select %le3A_960, %select_n3A_907, %add3A_964 : vector<16x20x1xi1>, vector<16x20x1xi32>
      %reduce_max3A_966 = arith.constant dense<0xFF800000> : vector<16xf32>
      %reduce_max3A_967 = vector.multi_reduction <maximumf>, %select_n3A_934, %reduce_max3A_966 [1] : vector<16x512xf32> to vector<16xf32>
      %broadcast_in_dim3A_968 = vector.shape_cast %reduce_max3A_967 : vector<16xf32> to vector<16x1xf32>
      %reduce_max3A_969 = arith.constant dense<0xFF800000> : vector<16xf32>
      %reduce_max3A_970 = vector.multi_reduction <maximumf>, %select_n3A_939, %reduce_max3A_969 [1] : vector<16x512xf32> to vector<16xf32>
      %broadcast_in_dim3A_971 = vector.shape_cast %reduce_max3A_970 : vector<16xf32> to vector<16x1xf32>
      %eq3A_972 = vector.broadcast %broadcast_in_dim3A_968 : vector<16x1xf32> to vector<16x512xf32>
      %eq3A_973 = arith.cmpf oeq, %select_n3A_934, %eq3A_972 : vector<16x512xf32>
      %jit3A_974 = arith.constant 1073741824 : i32
      %broadcast_in_dim3A_975 = vector.broadcast %jit3A_974 : i32 to vector<16x512xi32>
      %select_n3A_976 = arith.select %eq3A_973, %iota3A, %broadcast_in_dim3A_975 : vector<16x512xi1>, vector<16x512xi32>
      %reduce_min3A_977 = arith.constant dense<2147483647> : vector<16xi32>
      %reduce_min3A_978 = vector.multi_reduction <minsi>, %select_n3A_976, %reduce_min3A_977 [1] : vector<16x512xi32> to vector<16xi32>
      %broadcast_in_dim3A_979 = vector.shape_cast %reduce_min3A_978 : vector<16xi32> to vector<16x1xi32>
      %eq3A_980 = vector.broadcast %broadcast_in_dim3A_971 : vector<16x1xf32> to vector<16x512xf32>
      %eq3A_981 = arith.cmpf oeq, %select_n3A_939, %eq3A_980 : vector<16x512xf32>
      %jit3A_982 = arith.constant 1073741824 : i32
      %broadcast_in_dim3A_983 = vector.broadcast %jit3A_982 : i32 to vector<16x512xi32>
      %select_n3A_984 = arith.select %eq3A_981, %iota3A, %broadcast_in_dim3A_983 : vector<16x512xi1>, vector<16x512xi32>
      %reduce_min3A_985 = arith.constant dense<2147483647> : vector<16xi32>
      %reduce_min3A_986 = vector.multi_reduction <minsi>, %select_n3A_984, %reduce_min3A_985 [1] : vector<16x512xi32> to vector<16xi32>
      %broadcast_in_dim3A_987 = vector.shape_cast %reduce_min3A_986 : vector<16xi32> to vector<16x1xi32>
      %eq3A_988 = vector.broadcast %broadcast_in_dim3A_979 : vector<16x1xi32> to vector<16x512xi32>
      %eq3A_989 = arith.cmpi eq, %iota3A, %eq3A_988 : vector<16x512xi32>
      %jit3A_990 = arith.constant 0xFF800000 : f32
      %broadcast_in_dim3A_991 = vector.broadcast %jit3A_990 : f32 to vector<16x512xf32>
      %select_n3A_992 = arith.select %eq3A_989, %broadcast_in_dim3A_991, %select_n3A_934 : vector<16x512xi1>, vector<16x512xf32>
      %eq3A_993 = vector.broadcast %broadcast_in_dim3A_987 : vector<16x1xi32> to vector<16x512xi32>
      %eq3A_994 = arith.cmpi eq, %iota3A, %eq3A_993 : vector<16x512xi32>
      %jit3A_995 = arith.constant 0xFF800000 : f32
      %broadcast_in_dim3A_996 = vector.broadcast %jit3A_995 : f32 to vector<16x512xf32>
      %select_n3A_997 = arith.select %eq3A_994, %broadcast_in_dim3A_996, %select_n3A_939 : vector<16x512xi1>, vector<16x512xf32>
      %shift_right_arithmetic3A_998 = arith.constant 1 : i32
      %shift_right_arithmetic3A_999 = vector.broadcast %shift_right_arithmetic3A_998 : i32 to vector<16x20x1xi32>
      %shift_right_arithmetic3A_1000 = arith.shrsi %select_n3A_965, %shift_right_arithmetic3A_999 : vector<16x20x1xi32>
      %shift_right_arithmetic3A_1001 = arith.constant 1 : i32
      %shift_right_arithmetic3A_1002 = vector.broadcast %shift_right_arithmetic3A_1001 : i32 to vector<16x20x1xi32>
      %shift_right_arithmetic3A_1003 = arith.shrsi %select_n3A_961, %shift_right_arithmetic3A_1002 : vector<16x20x1xi32>
      %add3A_1004 = arith.addi %shift_right_arithmetic3A_1000, %shift_right_arithmetic3A_1003 : vector<16x20x1xi32>
      %and3A_1005 = arith.andi %select_n3A_965, %select_n3A_961 : vector<16x20x1xi32>
      %and3A_1006 = arith.constant 1 : i32
      %and3A_1007 = vector.broadcast %and3A_1006 : i32 to vector<16x20x1xi32>
      %and3A_1008 = arith.andi %and3A_1005, %and3A_1007 : vector<16x20x1xi32>
      %add3A_1009 = arith.addi %add3A_1004, %and3A_1008 : vector<16x20x1xi32>
      %gt3A_1010 = vector.broadcast %add3A_1009 : vector<16x20x1xi32> to vector<16x20x512xi32>
      %gt3A_1011 = arith.cmpi sgt, %select_n3A, %gt3A_1010 : vector<16x20x512xi32>
      %convert_element_type3A_1012 = arith.extui %gt3A_1011 : vector<16x20x512xi1> to vector<16x20x512xi32>
      %reduce_sum3A_1013 = arith.constant dense<0> : vector<16x20xi32>
      %reduce_sum3A_1014 = vector.multi_reduction <add>, %convert_element_type3A_1012, %reduce_sum3A_1013 [2] : vector<16x20x512xi32> to vector<16x20xi32>
      %broadcast_in_dim3A_1015 = vector.shape_cast %reduce_sum3A_1014 : vector<16x20xi32> to vector<16x20x1xi32>
      %le3A_1016 = arith.constant 63 : i32
      %le3A_1017 = vector.broadcast %le3A_1016 : i32 to vector<16x20x1xi32>
      %le3A_1018 = arith.cmpi sle, %broadcast_in_dim3A_1015, %le3A_1017 : vector<16x20x1xi32>
      %select_n3A_1019 = arith.select %le3A_1018, %add3A_1009, %select_n3A_961 : vector<16x20x1xi1>, vector<16x20x1xi32>
      %add3A_1020 = arith.constant 1 : i32
      %add3A_1021 = vector.broadcast %add3A_1020 : i32 to vector<16x20x1xi32>
      %add3A_1022 = arith.addi %add3A_1009, %add3A_1021 : vector<16x20x1xi32>
      %select_n3A_1023 = arith.select %le3A_1018, %select_n3A_965, %add3A_1022 : vector<16x20x1xi1>, vector<16x20x1xi32>
      %reduce_max3A_1024 = arith.constant dense<0xFF800000> : vector<16xf32>
      %reduce_max3A_1025 = vector.multi_reduction <maximumf>, %select_n3A_992, %reduce_max3A_1024 [1] : vector<16x512xf32> to vector<16xf32>
      %broadcast_in_dim3A_1026 = vector.shape_cast %reduce_max3A_1025 : vector<16xf32> to vector<16x1xf32>
      %reduce_max3A_1027 = arith.constant dense<0xFF800000> : vector<16xf32>
      %reduce_max3A_1028 = vector.multi_reduction <maximumf>, %select_n3A_997, %reduce_max3A_1027 [1] : vector<16x512xf32> to vector<16xf32>
      %broadcast_in_dim3A_1029 = vector.shape_cast %reduce_max3A_1028 : vector<16xf32> to vector<16x1xf32>
      %eq3A_1030 = vector.broadcast %broadcast_in_dim3A_1026 : vector<16x1xf32> to vector<16x512xf32>
      %eq3A_1031 = arith.cmpf oeq, %select_n3A_992, %eq3A_1030 : vector<16x512xf32>
      %jit3A_1032 = arith.constant 1073741824 : i32
      %broadcast_in_dim3A_1033 = vector.broadcast %jit3A_1032 : i32 to vector<16x512xi32>
      %select_n3A_1034 = arith.select %eq3A_1031, %iota3A, %broadcast_in_dim3A_1033 : vector<16x512xi1>, vector<16x512xi32>
      %reduce_min3A_1035 = arith.constant dense<2147483647> : vector<16xi32>
      %reduce_min3A_1036 = vector.multi_reduction <minsi>, %select_n3A_1034, %reduce_min3A_1035 [1] : vector<16x512xi32> to vector<16xi32>
      %broadcast_in_dim3A_1037 = vector.shape_cast %reduce_min3A_1036 : vector<16xi32> to vector<16x1xi32>
      %eq3A_1038 = vector.broadcast %broadcast_in_dim3A_1029 : vector<16x1xf32> to vector<16x512xf32>
      %eq3A_1039 = arith.cmpf oeq, %select_n3A_997, %eq3A_1038 : vector<16x512xf32>
      %jit3A_1040 = arith.constant 1073741824 : i32
      %broadcast_in_dim3A_1041 = vector.broadcast %jit3A_1040 : i32 to vector<16x512xi32>
      %select_n3A_1042 = arith.select %eq3A_1039, %iota3A, %broadcast_in_dim3A_1041 : vector<16x512xi1>, vector<16x512xi32>
      %reduce_min3A_1043 = arith.constant dense<2147483647> : vector<16xi32>
      %reduce_min3A_1044 = vector.multi_reduction <minsi>, %select_n3A_1042, %reduce_min3A_1043 [1] : vector<16x512xi32> to vector<16xi32>
      %broadcast_in_dim3A_1045 = vector.shape_cast %reduce_min3A_1044 : vector<16xi32> to vector<16x1xi32>
      %eq3A_1046 = vector.broadcast %broadcast_in_dim3A_1037 : vector<16x1xi32> to vector<16x512xi32>
      %eq3A_1047 = arith.cmpi eq, %iota3A, %eq3A_1046 : vector<16x512xi32>
      %jit3A_1048 = arith.constant 0xFF800000 : f32
      %broadcast_in_dim3A_1049 = vector.broadcast %jit3A_1048 : f32 to vector<16x512xf32>
      %select_n3A_1050 = arith.select %eq3A_1047, %broadcast_in_dim3A_1049, %select_n3A_992 : vector<16x512xi1>, vector<16x512xf32>
      %eq3A_1051 = vector.broadcast %broadcast_in_dim3A_1045 : vector<16x1xi32> to vector<16x512xi32>
      %eq3A_1052 = arith.cmpi eq, %iota3A, %eq3A_1051 : vector<16x512xi32>
      %jit3A_1053 = arith.constant 0xFF800000 : f32
      %broadcast_in_dim3A_1054 = vector.broadcast %jit3A_1053 : f32 to vector<16x512xf32>
      %select_n3A_1055 = arith.select %eq3A_1052, %broadcast_in_dim3A_1054, %select_n3A_997 : vector<16x512xi1>, vector<16x512xf32>
      %shift_right_arithmetic3A_1056 = arith.constant 1 : i32
      %shift_right_arithmetic3A_1057 = vector.broadcast %shift_right_arithmetic3A_1056 : i32 to vector<16x20x1xi32>
      %shift_right_arithmetic3A_1058 = arith.shrsi %select_n3A_1023, %shift_right_arithmetic3A_1057 : vector<16x20x1xi32>
      %shift_right_arithmetic3A_1059 = arith.constant 1 : i32
      %shift_right_arithmetic3A_1060 = vector.broadcast %shift_right_arithmetic3A_1059 : i32 to vector<16x20x1xi32>
      %shift_right_arithmetic3A_1061 = arith.shrsi %select_n3A_1019, %shift_right_arithmetic3A_1060 : vector<16x20x1xi32>
      %add3A_1062 = arith.addi %shift_right_arithmetic3A_1058, %shift_right_arithmetic3A_1061 : vector<16x20x1xi32>
      %and3A_1063 = arith.andi %select_n3A_1023, %select_n3A_1019 : vector<16x20x1xi32>
      %and3A_1064 = arith.constant 1 : i32
      %and3A_1065 = vector.broadcast %and3A_1064 : i32 to vector<16x20x1xi32>
      %and3A_1066 = arith.andi %and3A_1063, %and3A_1065 : vector<16x20x1xi32>
      %add3A_1067 = arith.addi %add3A_1062, %and3A_1066 : vector<16x20x1xi32>
      %gt3A_1068 = vector.broadcast %add3A_1067 : vector<16x20x1xi32> to vector<16x20x512xi32>
      %gt3A_1069 = arith.cmpi sgt, %select_n3A, %gt3A_1068 : vector<16x20x512xi32>
      %convert_element_type3A_1070 = arith.extui %gt3A_1069 : vector<16x20x512xi1> to vector<16x20x512xi32>
      %reduce_sum3A_1071 = arith.constant dense<0> : vector<16x20xi32>
      %reduce_sum3A_1072 = vector.multi_reduction <add>, %convert_element_type3A_1070, %reduce_sum3A_1071 [2] : vector<16x20x512xi32> to vector<16x20xi32>
      %broadcast_in_dim3A_1073 = vector.shape_cast %reduce_sum3A_1072 : vector<16x20xi32> to vector<16x20x1xi32>
      %le3A_1074 = arith.constant 63 : i32
      %le3A_1075 = vector.broadcast %le3A_1074 : i32 to vector<16x20x1xi32>
      %le3A_1076 = arith.cmpi sle, %broadcast_in_dim3A_1073, %le3A_1075 : vector<16x20x1xi32>
      %select_n3A_1077 = arith.select %le3A_1076, %add3A_1067, %select_n3A_1019 : vector<16x20x1xi1>, vector<16x20x1xi32>
      %add3A_1078 = arith.constant 1 : i32
      %add3A_1079 = vector.broadcast %add3A_1078 : i32 to vector<16x20x1xi32>
      %add3A_1080 = arith.addi %add3A_1067, %add3A_1079 : vector<16x20x1xi32>
      %select_n3A_1081 = arith.select %le3A_1076, %select_n3A_1023, %add3A_1080 : vector<16x20x1xi1>, vector<16x20x1xi32>
      %reduce_max3A_1082 = arith.constant dense<0xFF800000> : vector<16xf32>
      %reduce_max3A_1083 = vector.multi_reduction <maximumf>, %select_n3A_1050, %reduce_max3A_1082 [1] : vector<16x512xf32> to vector<16xf32>
      %broadcast_in_dim3A_1084 = vector.shape_cast %reduce_max3A_1083 : vector<16xf32> to vector<16x1xf32>
      %reduce_max3A_1085 = arith.constant dense<0xFF800000> : vector<16xf32>
      %reduce_max3A_1086 = vector.multi_reduction <maximumf>, %select_n3A_1055, %reduce_max3A_1085 [1] : vector<16x512xf32> to vector<16xf32>
      %broadcast_in_dim3A_1087 = vector.shape_cast %reduce_max3A_1086 : vector<16xf32> to vector<16x1xf32>
      %eq3A_1088 = vector.broadcast %broadcast_in_dim3A_1084 : vector<16x1xf32> to vector<16x512xf32>
      %eq3A_1089 = arith.cmpf oeq, %select_n3A_1050, %eq3A_1088 : vector<16x512xf32>
      %jit3A_1090 = arith.constant 1073741824 : i32
      %broadcast_in_dim3A_1091 = vector.broadcast %jit3A_1090 : i32 to vector<16x512xi32>
      %select_n3A_1092 = arith.select %eq3A_1089, %iota3A, %broadcast_in_dim3A_1091 : vector<16x512xi1>, vector<16x512xi32>
      %reduce_min3A_1093 = arith.constant dense<2147483647> : vector<16xi32>
      %reduce_min3A_1094 = vector.multi_reduction <minsi>, %select_n3A_1092, %reduce_min3A_1093 [1] : vector<16x512xi32> to vector<16xi32>
      %broadcast_in_dim3A_1095 = vector.shape_cast %reduce_min3A_1094 : vector<16xi32> to vector<16x1xi32>
      %eq3A_1096 = vector.broadcast %broadcast_in_dim3A_1087 : vector<16x1xf32> to vector<16x512xf32>
      %eq3A_1097 = arith.cmpf oeq, %select_n3A_1055, %eq3A_1096 : vector<16x512xf32>
      %jit3A_1098 = arith.constant 1073741824 : i32
      %broadcast_in_dim3A_1099 = vector.broadcast %jit3A_1098 : i32 to vector<16x512xi32>
      %select_n3A_1100 = arith.select %eq3A_1097, %iota3A, %broadcast_in_dim3A_1099 : vector<16x512xi1>, vector<16x512xi32>
      %reduce_min3A_1101 = arith.constant dense<2147483647> : vector<16xi32>
      %reduce_min3A_1102 = vector.multi_reduction <minsi>, %select_n3A_1100, %reduce_min3A_1101 [1] : vector<16x512xi32> to vector<16xi32>
      %broadcast_in_dim3A_1103 = vector.shape_cast %reduce_min3A_1102 : vector<16xi32> to vector<16x1xi32>
      %eq3A_1104 = vector.broadcast %broadcast_in_dim3A_1095 : vector<16x1xi32> to vector<16x512xi32>
      %eq3A_1105 = arith.cmpi eq, %iota3A, %eq3A_1104 : vector<16x512xi32>
      %jit3A_1106 = arith.constant 0xFF800000 : f32
      %broadcast_in_dim3A_1107 = vector.broadcast %jit3A_1106 : f32 to vector<16x512xf32>
      %select_n3A_1108 = arith.select %eq3A_1105, %broadcast_in_dim3A_1107, %select_n3A_1050 : vector<16x512xi1>, vector<16x512xf32>
      %eq3A_1109 = vector.broadcast %broadcast_in_dim3A_1103 : vector<16x1xi32> to vector<16x512xi32>
      %eq3A_1110 = arith.cmpi eq, %iota3A, %eq3A_1109 : vector<16x512xi32>
      %jit3A_1111 = arith.constant 0xFF800000 : f32
      %broadcast_in_dim3A_1112 = vector.broadcast %jit3A_1111 : f32 to vector<16x512xf32>
      %select_n3A_1113 = arith.select %eq3A_1110, %broadcast_in_dim3A_1112, %select_n3A_1055 : vector<16x512xi1>, vector<16x512xf32>
      %shift_right_arithmetic3A_1114 = arith.constant 1 : i32
      %shift_right_arithmetic3A_1115 = vector.broadcast %shift_right_arithmetic3A_1114 : i32 to vector<16x20x1xi32>
      %shift_right_arithmetic3A_1116 = arith.shrsi %select_n3A_1081, %shift_right_arithmetic3A_1115 : vector<16x20x1xi32>
      %shift_right_arithmetic3A_1117 = arith.constant 1 : i32
      %shift_right_arithmetic3A_1118 = vector.broadcast %shift_right_arithmetic3A_1117 : i32 to vector<16x20x1xi32>
      %shift_right_arithmetic3A_1119 = arith.shrsi %select_n3A_1077, %shift_right_arithmetic3A_1118 : vector<16x20x1xi32>
      %add3A_1120 = arith.addi %shift_right_arithmetic3A_1116, %shift_right_arithmetic3A_1119 : vector<16x20x1xi32>
      %and3A_1121 = arith.andi %select_n3A_1081, %select_n3A_1077 : vector<16x20x1xi32>
      %and3A_1122 = arith.constant 1 : i32
      %and3A_1123 = vector.broadcast %and3A_1122 : i32 to vector<16x20x1xi32>
      %and3A_1124 = arith.andi %and3A_1121, %and3A_1123 : vector<16x20x1xi32>
      %add3A_1125 = arith.addi %add3A_1120, %and3A_1124 : vector<16x20x1xi32>
      %gt3A_1126 = vector.broadcast %add3A_1125 : vector<16x20x1xi32> to vector<16x20x512xi32>
      %gt3A_1127 = arith.cmpi sgt, %select_n3A, %gt3A_1126 : vector<16x20x512xi32>
      %convert_element_type3A_1128 = arith.extui %gt3A_1127 : vector<16x20x512xi1> to vector<16x20x512xi32>
      %reduce_sum3A_1129 = arith.constant dense<0> : vector<16x20xi32>
      %reduce_sum3A_1130 = vector.multi_reduction <add>, %convert_element_type3A_1128, %reduce_sum3A_1129 [2] : vector<16x20x512xi32> to vector<16x20xi32>
      %broadcast_in_dim3A_1131 = vector.shape_cast %reduce_sum3A_1130 : vector<16x20xi32> to vector<16x20x1xi32>
      %le3A_1132 = arith.constant 63 : i32
      %le3A_1133 = vector.broadcast %le3A_1132 : i32 to vector<16x20x1xi32>
      %le3A_1134 = arith.cmpi sle, %broadcast_in_dim3A_1131, %le3A_1133 : vector<16x20x1xi32>
      %select_n3A_1135 = arith.select %le3A_1134, %add3A_1125, %select_n3A_1077 : vector<16x20x1xi1>, vector<16x20x1xi32>
      %add3A_1136 = arith.constant 1 : i32
      %add3A_1137 = vector.broadcast %add3A_1136 : i32 to vector<16x20x1xi32>
      %add3A_1138 = arith.addi %add3A_1125, %add3A_1137 : vector<16x20x1xi32>
      %select_n3A_1139 = arith.select %le3A_1134, %select_n3A_1081, %add3A_1138 : vector<16x20x1xi1>, vector<16x20x1xi32>
      %reduce_max3A_1140 = arith.constant dense<0xFF800000> : vector<16xf32>
      %reduce_max3A_1141 = vector.multi_reduction <maximumf>, %select_n3A_1108, %reduce_max3A_1140 [1] : vector<16x512xf32> to vector<16xf32>
      %broadcast_in_dim3A_1142 = vector.shape_cast %reduce_max3A_1141 : vector<16xf32> to vector<16x1xf32>
      %reduce_max3A_1143 = arith.constant dense<0xFF800000> : vector<16xf32>
      %reduce_max3A_1144 = vector.multi_reduction <maximumf>, %select_n3A_1113, %reduce_max3A_1143 [1] : vector<16x512xf32> to vector<16xf32>
      %broadcast_in_dim3A_1145 = vector.shape_cast %reduce_max3A_1144 : vector<16xf32> to vector<16x1xf32>
      %eq3A_1146 = vector.broadcast %broadcast_in_dim3A_1142 : vector<16x1xf32> to vector<16x512xf32>
      %eq3A_1147 = arith.cmpf oeq, %select_n3A_1108, %eq3A_1146 : vector<16x512xf32>
      %jit3A_1148 = arith.constant 1073741824 : i32
      %broadcast_in_dim3A_1149 = vector.broadcast %jit3A_1148 : i32 to vector<16x512xi32>
      %select_n3A_1150 = arith.select %eq3A_1147, %iota3A, %broadcast_in_dim3A_1149 : vector<16x512xi1>, vector<16x512xi32>
      %reduce_min3A_1151 = arith.constant dense<2147483647> : vector<16xi32>
      %reduce_min3A_1152 = vector.multi_reduction <minsi>, %select_n3A_1150, %reduce_min3A_1151 [1] : vector<16x512xi32> to vector<16xi32>
      %broadcast_in_dim3A_1153 = vector.shape_cast %reduce_min3A_1152 : vector<16xi32> to vector<16x1xi32>
      %eq3A_1154 = vector.broadcast %broadcast_in_dim3A_1145 : vector<16x1xf32> to vector<16x512xf32>
      %eq3A_1155 = arith.cmpf oeq, %select_n3A_1113, %eq3A_1154 : vector<16x512xf32>
      %jit3A_1156 = arith.constant 1073741824 : i32
      %broadcast_in_dim3A_1157 = vector.broadcast %jit3A_1156 : i32 to vector<16x512xi32>
      %select_n3A_1158 = arith.select %eq3A_1155, %iota3A, %broadcast_in_dim3A_1157 : vector<16x512xi1>, vector<16x512xi32>
      %reduce_min3A_1159 = arith.constant dense<2147483647> : vector<16xi32>
      %reduce_min3A_1160 = vector.multi_reduction <minsi>, %select_n3A_1158, %reduce_min3A_1159 [1] : vector<16x512xi32> to vector<16xi32>
      %broadcast_in_dim3A_1161 = vector.shape_cast %reduce_min3A_1160 : vector<16xi32> to vector<16x1xi32>
      %eq3A_1162 = vector.broadcast %broadcast_in_dim3A_1153 : vector<16x1xi32> to vector<16x512xi32>
      %eq3A_1163 = arith.cmpi eq, %iota3A, %eq3A_1162 : vector<16x512xi32>
      %jit3A_1164 = arith.constant 0xFF800000 : f32
      %broadcast_in_dim3A_1165 = vector.broadcast %jit3A_1164 : f32 to vector<16x512xf32>
      %select_n3A_1166 = arith.select %eq3A_1163, %broadcast_in_dim3A_1165, %select_n3A_1108 : vector<16x512xi1>, vector<16x512xf32>
      %eq3A_1167 = vector.broadcast %broadcast_in_dim3A_1161 : vector<16x1xi32> to vector<16x512xi32>
      %eq3A_1168 = arith.cmpi eq, %iota3A, %eq3A_1167 : vector<16x512xi32>
      %jit3A_1169 = arith.constant 0xFF800000 : f32
      %broadcast_in_dim3A_1170 = vector.broadcast %jit3A_1169 : f32 to vector<16x512xf32>
      %select_n3A_1171 = arith.select %eq3A_1168, %broadcast_in_dim3A_1170, %select_n3A_1113 : vector<16x512xi1>, vector<16x512xf32>
      %shift_right_arithmetic3A_1172 = arith.constant 1 : i32
      %shift_right_arithmetic3A_1173 = vector.broadcast %shift_right_arithmetic3A_1172 : i32 to vector<16x20x1xi32>
      %shift_right_arithmetic3A_1174 = arith.shrsi %select_n3A_1139, %shift_right_arithmetic3A_1173 : vector<16x20x1xi32>
      %shift_right_arithmetic3A_1175 = arith.constant 1 : i32
      %shift_right_arithmetic3A_1176 = vector.broadcast %shift_right_arithmetic3A_1175 : i32 to vector<16x20x1xi32>
      %shift_right_arithmetic3A_1177 = arith.shrsi %select_n3A_1135, %shift_right_arithmetic3A_1176 : vector<16x20x1xi32>
      %add3A_1178 = arith.addi %shift_right_arithmetic3A_1174, %shift_right_arithmetic3A_1177 : vector<16x20x1xi32>
      %and3A_1179 = arith.andi %select_n3A_1139, %select_n3A_1135 : vector<16x20x1xi32>
      %and3A_1180 = arith.constant 1 : i32
      %and3A_1181 = vector.broadcast %and3A_1180 : i32 to vector<16x20x1xi32>
      %and3A_1182 = arith.andi %and3A_1179, %and3A_1181 : vector<16x20x1xi32>
      %add3A_1183 = arith.addi %add3A_1178, %and3A_1182 : vector<16x20x1xi32>
      %gt3A_1184 = vector.broadcast %add3A_1183 : vector<16x20x1xi32> to vector<16x20x512xi32>
      %gt3A_1185 = arith.cmpi sgt, %select_n3A, %gt3A_1184 : vector<16x20x512xi32>
      %convert_element_type3A_1186 = arith.extui %gt3A_1185 : vector<16x20x512xi1> to vector<16x20x512xi32>
      %reduce_sum3A_1187 = arith.constant dense<0> : vector<16x20xi32>
      %reduce_sum3A_1188 = vector.multi_reduction <add>, %convert_element_type3A_1186, %reduce_sum3A_1187 [2] : vector<16x20x512xi32> to vector<16x20xi32>
      %broadcast_in_dim3A_1189 = vector.shape_cast %reduce_sum3A_1188 : vector<16x20xi32> to vector<16x20x1xi32>
      %le3A_1190 = arith.constant 63 : i32
      %le3A_1191 = vector.broadcast %le3A_1190 : i32 to vector<16x20x1xi32>
      %le3A_1192 = arith.cmpi sle, %broadcast_in_dim3A_1189, %le3A_1191 : vector<16x20x1xi32>
      %select_n3A_1193 = arith.select %le3A_1192, %add3A_1183, %select_n3A_1135 : vector<16x20x1xi1>, vector<16x20x1xi32>
      %add3A_1194 = arith.constant 1 : i32
      %add3A_1195 = vector.broadcast %add3A_1194 : i32 to vector<16x20x1xi32>
      %add3A_1196 = arith.addi %add3A_1183, %add3A_1195 : vector<16x20x1xi32>
      %select_n3A_1197 = arith.select %le3A_1192, %select_n3A_1139, %add3A_1196 : vector<16x20x1xi1>, vector<16x20x1xi32>
      %reduce_max3A_1198 = arith.constant dense<0xFF800000> : vector<16xf32>
      %reduce_max3A_1199 = vector.multi_reduction <maximumf>, %select_n3A_1166, %reduce_max3A_1198 [1] : vector<16x512xf32> to vector<16xf32>
      %broadcast_in_dim3A_1200 = vector.shape_cast %reduce_max3A_1199 : vector<16xf32> to vector<16x1xf32>
      %reduce_max3A_1201 = arith.constant dense<0xFF800000> : vector<16xf32>
      %reduce_max3A_1202 = vector.multi_reduction <maximumf>, %select_n3A_1171, %reduce_max3A_1201 [1] : vector<16x512xf32> to vector<16xf32>
      %broadcast_in_dim3A_1203 = vector.shape_cast %reduce_max3A_1202 : vector<16xf32> to vector<16x1xf32>
      %eq3A_1204 = vector.broadcast %broadcast_in_dim3A_1200 : vector<16x1xf32> to vector<16x512xf32>
      %eq3A_1205 = arith.cmpf oeq, %select_n3A_1166, %eq3A_1204 : vector<16x512xf32>
      %jit3A_1206 = arith.constant 1073741824 : i32
      %broadcast_in_dim3A_1207 = vector.broadcast %jit3A_1206 : i32 to vector<16x512xi32>
      %select_n3A_1208 = arith.select %eq3A_1205, %iota3A, %broadcast_in_dim3A_1207 : vector<16x512xi1>, vector<16x512xi32>
      %reduce_min3A_1209 = arith.constant dense<2147483647> : vector<16xi32>
      %reduce_min3A_1210 = vector.multi_reduction <minsi>, %select_n3A_1208, %reduce_min3A_1209 [1] : vector<16x512xi32> to vector<16xi32>
      %broadcast_in_dim3A_1211 = vector.shape_cast %reduce_min3A_1210 : vector<16xi32> to vector<16x1xi32>
      %eq3A_1212 = vector.broadcast %broadcast_in_dim3A_1203 : vector<16x1xf32> to vector<16x512xf32>
      %eq3A_1213 = arith.cmpf oeq, %select_n3A_1171, %eq3A_1212 : vector<16x512xf32>
      %jit3A_1214 = arith.constant 1073741824 : i32
      %broadcast_in_dim3A_1215 = vector.broadcast %jit3A_1214 : i32 to vector<16x512xi32>
      %select_n3A_1216 = arith.select %eq3A_1213, %iota3A, %broadcast_in_dim3A_1215 : vector<16x512xi1>, vector<16x512xi32>
      %reduce_min3A_1217 = arith.constant dense<2147483647> : vector<16xi32>
      %reduce_min3A_1218 = vector.multi_reduction <minsi>, %select_n3A_1216, %reduce_min3A_1217 [1] : vector<16x512xi32> to vector<16xi32>
      %broadcast_in_dim3A_1219 = vector.shape_cast %reduce_min3A_1218 : vector<16xi32> to vector<16x1xi32>
      %eq3A_1220 = vector.broadcast %broadcast_in_dim3A_1211 : vector<16x1xi32> to vector<16x512xi32>
      %eq3A_1221 = arith.cmpi eq, %iota3A, %eq3A_1220 : vector<16x512xi32>
      %jit3A_1222 = arith.constant 0xFF800000 : f32
      %broadcast_in_dim3A_1223 = vector.broadcast %jit3A_1222 : f32 to vector<16x512xf32>
      %select_n3A_1224 = arith.select %eq3A_1221, %broadcast_in_dim3A_1223, %select_n3A_1166 : vector<16x512xi1>, vector<16x512xf32>
      %eq3A_1225 = vector.broadcast %broadcast_in_dim3A_1219 : vector<16x1xi32> to vector<16x512xi32>
      %eq3A_1226 = arith.cmpi eq, %iota3A, %eq3A_1225 : vector<16x512xi32>
      %jit3A_1227 = arith.constant 0xFF800000 : f32
      %broadcast_in_dim3A_1228 = vector.broadcast %jit3A_1227 : f32 to vector<16x512xf32>
      %select_n3A_1229 = arith.select %eq3A_1226, %broadcast_in_dim3A_1228, %select_n3A_1171 : vector<16x512xi1>, vector<16x512xf32>
      %shift_right_arithmetic3A_1230 = arith.constant 1 : i32
      %shift_right_arithmetic3A_1231 = vector.broadcast %shift_right_arithmetic3A_1230 : i32 to vector<16x20x1xi32>
      %shift_right_arithmetic3A_1232 = arith.shrsi %select_n3A_1197, %shift_right_arithmetic3A_1231 : vector<16x20x1xi32>
      %shift_right_arithmetic3A_1233 = arith.constant 1 : i32
      %shift_right_arithmetic3A_1234 = vector.broadcast %shift_right_arithmetic3A_1233 : i32 to vector<16x20x1xi32>
      %shift_right_arithmetic3A_1235 = arith.shrsi %select_n3A_1193, %shift_right_arithmetic3A_1234 : vector<16x20x1xi32>
      %add3A_1236 = arith.addi %shift_right_arithmetic3A_1232, %shift_right_arithmetic3A_1235 : vector<16x20x1xi32>
      %and3A_1237 = arith.andi %select_n3A_1197, %select_n3A_1193 : vector<16x20x1xi32>
      %and3A_1238 = arith.constant 1 : i32
      %and3A_1239 = vector.broadcast %and3A_1238 : i32 to vector<16x20x1xi32>
      %and3A_1240 = arith.andi %and3A_1237, %and3A_1239 : vector<16x20x1xi32>
      %add3A_1241 = arith.addi %add3A_1236, %and3A_1240 : vector<16x20x1xi32>
      %gt3A_1242 = vector.broadcast %add3A_1241 : vector<16x20x1xi32> to vector<16x20x512xi32>
      %gt3A_1243 = arith.cmpi sgt, %select_n3A, %gt3A_1242 : vector<16x20x512xi32>
      %convert_element_type3A_1244 = arith.extui %gt3A_1243 : vector<16x20x512xi1> to vector<16x20x512xi32>
      %reduce_sum3A_1245 = arith.constant dense<0> : vector<16x20xi32>
      %reduce_sum3A_1246 = vector.multi_reduction <add>, %convert_element_type3A_1244, %reduce_sum3A_1245 [2] : vector<16x20x512xi32> to vector<16x20xi32>
      %broadcast_in_dim3A_1247 = vector.shape_cast %reduce_sum3A_1246 : vector<16x20xi32> to vector<16x20x1xi32>
      %le3A_1248 = arith.constant 63 : i32
      %le3A_1249 = vector.broadcast %le3A_1248 : i32 to vector<16x20x1xi32>
      %le3A_1250 = arith.cmpi sle, %broadcast_in_dim3A_1247, %le3A_1249 : vector<16x20x1xi32>
      %select_n3A_1251 = arith.select %le3A_1250, %add3A_1241, %select_n3A_1193 : vector<16x20x1xi1>, vector<16x20x1xi32>
      %add3A_1252 = arith.constant 1 : i32
      %add3A_1253 = vector.broadcast %add3A_1252 : i32 to vector<16x20x1xi32>
      %add3A_1254 = arith.addi %add3A_1241, %add3A_1253 : vector<16x20x1xi32>
      %select_n3A_1255 = arith.select %le3A_1250, %select_n3A_1197, %add3A_1254 : vector<16x20x1xi1>, vector<16x20x1xi32>
      %reduce_max3A_1256 = arith.constant dense<0xFF800000> : vector<16xf32>
      %reduce_max3A_1257 = vector.multi_reduction <maximumf>, %select_n3A_1224, %reduce_max3A_1256 [1] : vector<16x512xf32> to vector<16xf32>
      %broadcast_in_dim3A_1258 = vector.shape_cast %reduce_max3A_1257 : vector<16xf32> to vector<16x1xf32>
      %reduce_max3A_1259 = arith.constant dense<0xFF800000> : vector<16xf32>
      %reduce_max3A_1260 = vector.multi_reduction <maximumf>, %select_n3A_1229, %reduce_max3A_1259 [1] : vector<16x512xf32> to vector<16xf32>
      %broadcast_in_dim3A_1261 = vector.shape_cast %reduce_max3A_1260 : vector<16xf32> to vector<16x1xf32>
      %eq3A_1262 = vector.broadcast %broadcast_in_dim3A_1258 : vector<16x1xf32> to vector<16x512xf32>
      %eq3A_1263 = arith.cmpf oeq, %select_n3A_1224, %eq3A_1262 : vector<16x512xf32>
      %jit3A_1264 = arith.constant 1073741824 : i32
      %broadcast_in_dim3A_1265 = vector.broadcast %jit3A_1264 : i32 to vector<16x512xi32>
      %select_n3A_1266 = arith.select %eq3A_1263, %iota3A, %broadcast_in_dim3A_1265 : vector<16x512xi1>, vector<16x512xi32>
      %reduce_min3A_1267 = arith.constant dense<2147483647> : vector<16xi32>
      %reduce_min3A_1268 = vector.multi_reduction <minsi>, %select_n3A_1266, %reduce_min3A_1267 [1] : vector<16x512xi32> to vector<16xi32>
      %broadcast_in_dim3A_1269 = vector.shape_cast %reduce_min3A_1268 : vector<16xi32> to vector<16x1xi32>
      %eq3A_1270 = vector.broadcast %broadcast_in_dim3A_1261 : vector<16x1xf32> to vector<16x512xf32>
      %eq3A_1271 = arith.cmpf oeq, %select_n3A_1229, %eq3A_1270 : vector<16x512xf32>
      %jit3A_1272 = arith.constant 1073741824 : i32
      %broadcast_in_dim3A_1273 = vector.broadcast %jit3A_1272 : i32 to vector<16x512xi32>
      %select_n3A_1274 = arith.select %eq3A_1271, %iota3A, %broadcast_in_dim3A_1273 : vector<16x512xi1>, vector<16x512xi32>
      %reduce_min3A_1275 = arith.constant dense<2147483647> : vector<16xi32>
      %reduce_min3A_1276 = vector.multi_reduction <minsi>, %select_n3A_1274, %reduce_min3A_1275 [1] : vector<16x512xi32> to vector<16xi32>
      %broadcast_in_dim3A_1277 = vector.shape_cast %reduce_min3A_1276 : vector<16xi32> to vector<16x1xi32>
      %eq3A_1278 = vector.broadcast %broadcast_in_dim3A_1269 : vector<16x1xi32> to vector<16x512xi32>
      %eq3A_1279 = arith.cmpi eq, %iota3A, %eq3A_1278 : vector<16x512xi32>
      %jit3A_1280 = arith.constant 0xFF800000 : f32
      %broadcast_in_dim3A_1281 = vector.broadcast %jit3A_1280 : f32 to vector<16x512xf32>
      %select_n3A_1282 = arith.select %eq3A_1279, %broadcast_in_dim3A_1281, %select_n3A_1224 : vector<16x512xi1>, vector<16x512xf32>
      %eq3A_1283 = vector.broadcast %broadcast_in_dim3A_1277 : vector<16x1xi32> to vector<16x512xi32>
      %eq3A_1284 = arith.cmpi eq, %iota3A, %eq3A_1283 : vector<16x512xi32>
      %jit3A_1285 = arith.constant 0xFF800000 : f32
      %broadcast_in_dim3A_1286 = vector.broadcast %jit3A_1285 : f32 to vector<16x512xf32>
      %select_n3A_1287 = arith.select %eq3A_1284, %broadcast_in_dim3A_1286, %select_n3A_1229 : vector<16x512xi1>, vector<16x512xf32>
      %shift_right_arithmetic3A_1288 = arith.constant 1 : i32
      %shift_right_arithmetic3A_1289 = vector.broadcast %shift_right_arithmetic3A_1288 : i32 to vector<16x20x1xi32>
      %shift_right_arithmetic3A_1290 = arith.shrsi %select_n3A_1255, %shift_right_arithmetic3A_1289 : vector<16x20x1xi32>
      %shift_right_arithmetic3A_1291 = arith.constant 1 : i32
      %shift_right_arithmetic3A_1292 = vector.broadcast %shift_right_arithmetic3A_1291 : i32 to vector<16x20x1xi32>
      %shift_right_arithmetic3A_1293 = arith.shrsi %select_n3A_1251, %shift_right_arithmetic3A_1292 : vector<16x20x1xi32>
      %add3A_1294 = arith.addi %shift_right_arithmetic3A_1290, %shift_right_arithmetic3A_1293 : vector<16x20x1xi32>
      %and3A_1295 = arith.andi %select_n3A_1255, %select_n3A_1251 : vector<16x20x1xi32>
      %and3A_1296 = arith.constant 1 : i32
      %and3A_1297 = vector.broadcast %and3A_1296 : i32 to vector<16x20x1xi32>
      %and3A_1298 = arith.andi %and3A_1295, %and3A_1297 : vector<16x20x1xi32>
      %add3A_1299 = arith.addi %add3A_1294, %and3A_1298 : vector<16x20x1xi32>
      %gt3A_1300 = vector.broadcast %add3A_1299 : vector<16x20x1xi32> to vector<16x20x512xi32>
      %gt3A_1301 = arith.cmpi sgt, %select_n3A, %gt3A_1300 : vector<16x20x512xi32>
      %convert_element_type3A_1302 = arith.extui %gt3A_1301 : vector<16x20x512xi1> to vector<16x20x512xi32>
      %reduce_sum3A_1303 = arith.constant dense<0> : vector<16x20xi32>
      %reduce_sum3A_1304 = vector.multi_reduction <add>, %convert_element_type3A_1302, %reduce_sum3A_1303 [2] : vector<16x20x512xi32> to vector<16x20xi32>
      %broadcast_in_dim3A_1305 = vector.shape_cast %reduce_sum3A_1304 : vector<16x20xi32> to vector<16x20x1xi32>
      %le3A_1306 = arith.constant 63 : i32
      %le3A_1307 = vector.broadcast %le3A_1306 : i32 to vector<16x20x1xi32>
      %le3A_1308 = arith.cmpi sle, %broadcast_in_dim3A_1305, %le3A_1307 : vector<16x20x1xi32>
      %select_n3A_1309 = arith.select %le3A_1308, %add3A_1299, %select_n3A_1251 : vector<16x20x1xi1>, vector<16x20x1xi32>
      %add3A_1310 = arith.constant 1 : i32
      %add3A_1311 = vector.broadcast %add3A_1310 : i32 to vector<16x20x1xi32>
      %add3A_1312 = arith.addi %add3A_1299, %add3A_1311 : vector<16x20x1xi32>
      %select_n3A_1313 = arith.select %le3A_1308, %select_n3A_1255, %add3A_1312 : vector<16x20x1xi1>, vector<16x20x1xi32>
      %reduce_max3A_1314 = arith.constant dense<0xFF800000> : vector<16xf32>
      %reduce_max3A_1315 = vector.multi_reduction <maximumf>, %select_n3A_1282, %reduce_max3A_1314 [1] : vector<16x512xf32> to vector<16xf32>
      %broadcast_in_dim3A_1316 = vector.shape_cast %reduce_max3A_1315 : vector<16xf32> to vector<16x1xf32>
      %reduce_max3A_1317 = arith.constant dense<0xFF800000> : vector<16xf32>
      %reduce_max3A_1318 = vector.multi_reduction <maximumf>, %select_n3A_1287, %reduce_max3A_1317 [1] : vector<16x512xf32> to vector<16xf32>
      %broadcast_in_dim3A_1319 = vector.shape_cast %reduce_max3A_1318 : vector<16xf32> to vector<16x1xf32>
      %eq3A_1320 = vector.broadcast %broadcast_in_dim3A_1316 : vector<16x1xf32> to vector<16x512xf32>
      %eq3A_1321 = arith.cmpf oeq, %select_n3A_1282, %eq3A_1320 : vector<16x512xf32>
      %jit3A_1322 = arith.constant 1073741824 : i32
      %broadcast_in_dim3A_1323 = vector.broadcast %jit3A_1322 : i32 to vector<16x512xi32>
      %select_n3A_1324 = arith.select %eq3A_1321, %iota3A, %broadcast_in_dim3A_1323 : vector<16x512xi1>, vector<16x512xi32>
      %reduce_min3A_1325 = arith.constant dense<2147483647> : vector<16xi32>
      %reduce_min3A_1326 = vector.multi_reduction <minsi>, %select_n3A_1324, %reduce_min3A_1325 [1] : vector<16x512xi32> to vector<16xi32>
      %broadcast_in_dim3A_1327 = vector.shape_cast %reduce_min3A_1326 : vector<16xi32> to vector<16x1xi32>
      %eq3A_1328 = vector.broadcast %broadcast_in_dim3A_1319 : vector<16x1xf32> to vector<16x512xf32>
      %eq3A_1329 = arith.cmpf oeq, %select_n3A_1287, %eq3A_1328 : vector<16x512xf32>
      %jit3A_1330 = arith.constant 1073741824 : i32
      %broadcast_in_dim3A_1331 = vector.broadcast %jit3A_1330 : i32 to vector<16x512xi32>
      %select_n3A_1332 = arith.select %eq3A_1329, %iota3A, %broadcast_in_dim3A_1331 : vector<16x512xi1>, vector<16x512xi32>
      %reduce_min3A_1333 = arith.constant dense<2147483647> : vector<16xi32>
      %reduce_min3A_1334 = vector.multi_reduction <minsi>, %select_n3A_1332, %reduce_min3A_1333 [1] : vector<16x512xi32> to vector<16xi32>
      %broadcast_in_dim3A_1335 = vector.shape_cast %reduce_min3A_1334 : vector<16xi32> to vector<16x1xi32>
      %eq3A_1336 = vector.broadcast %broadcast_in_dim3A_1327 : vector<16x1xi32> to vector<16x512xi32>
      %eq3A_1337 = arith.cmpi eq, %iota3A, %eq3A_1336 : vector<16x512xi32>
      %jit3A_1338 = arith.constant 0xFF800000 : f32
      %broadcast_in_dim3A_1339 = vector.broadcast %jit3A_1338 : f32 to vector<16x512xf32>
      %select_n3A_1340 = arith.select %eq3A_1337, %broadcast_in_dim3A_1339, %select_n3A_1282 : vector<16x512xi1>, vector<16x512xf32>
      %eq3A_1341 = vector.broadcast %broadcast_in_dim3A_1335 : vector<16x1xi32> to vector<16x512xi32>
      %eq3A_1342 = arith.cmpi eq, %iota3A, %eq3A_1341 : vector<16x512xi32>
      %jit3A_1343 = arith.constant 0xFF800000 : f32
      %broadcast_in_dim3A_1344 = vector.broadcast %jit3A_1343 : f32 to vector<16x512xf32>
      %select_n3A_1345 = arith.select %eq3A_1342, %broadcast_in_dim3A_1344, %select_n3A_1287 : vector<16x512xi1>, vector<16x512xf32>
      %shift_right_arithmetic3A_1346 = arith.constant 1 : i32
      %shift_right_arithmetic3A_1347 = vector.broadcast %shift_right_arithmetic3A_1346 : i32 to vector<16x20x1xi32>
      %shift_right_arithmetic3A_1348 = arith.shrsi %select_n3A_1313, %shift_right_arithmetic3A_1347 : vector<16x20x1xi32>
      %shift_right_arithmetic3A_1349 = arith.constant 1 : i32
      %shift_right_arithmetic3A_1350 = vector.broadcast %shift_right_arithmetic3A_1349 : i32 to vector<16x20x1xi32>
      %shift_right_arithmetic3A_1351 = arith.shrsi %select_n3A_1309, %shift_right_arithmetic3A_1350 : vector<16x20x1xi32>
      %add3A_1352 = arith.addi %shift_right_arithmetic3A_1348, %shift_right_arithmetic3A_1351 : vector<16x20x1xi32>
      %and3A_1353 = arith.andi %select_n3A_1313, %select_n3A_1309 : vector<16x20x1xi32>
      %and3A_1354 = arith.constant 1 : i32
      %and3A_1355 = vector.broadcast %and3A_1354 : i32 to vector<16x20x1xi32>
      %and3A_1356 = arith.andi %and3A_1353, %and3A_1355 : vector<16x20x1xi32>
      %add3A_1357 = arith.addi %add3A_1352, %and3A_1356 : vector<16x20x1xi32>
      %gt3A_1358 = vector.broadcast %add3A_1357 : vector<16x20x1xi32> to vector<16x20x512xi32>
      %gt3A_1359 = arith.cmpi sgt, %select_n3A, %gt3A_1358 : vector<16x20x512xi32>
      %convert_element_type3A_1360 = arith.extui %gt3A_1359 : vector<16x20x512xi1> to vector<16x20x512xi32>
      %reduce_sum3A_1361 = arith.constant dense<0> : vector<16x20xi32>
      %reduce_sum3A_1362 = vector.multi_reduction <add>, %convert_element_type3A_1360, %reduce_sum3A_1361 [2] : vector<16x20x512xi32> to vector<16x20xi32>
      %broadcast_in_dim3A_1363 = vector.shape_cast %reduce_sum3A_1362 : vector<16x20xi32> to vector<16x20x1xi32>
      %le3A_1364 = arith.constant 63 : i32
      %le3A_1365 = vector.broadcast %le3A_1364 : i32 to vector<16x20x1xi32>
      %le3A_1366 = arith.cmpi sle, %broadcast_in_dim3A_1363, %le3A_1365 : vector<16x20x1xi32>
      %select_n3A_1367 = arith.select %le3A_1366, %add3A_1357, %select_n3A_1309 : vector<16x20x1xi1>, vector<16x20x1xi32>
      %add3A_1368 = arith.constant 1 : i32
      %add3A_1369 = vector.broadcast %add3A_1368 : i32 to vector<16x20x1xi32>
      %add3A_1370 = arith.addi %add3A_1357, %add3A_1369 : vector<16x20x1xi32>
      %select_n3A_1371 = arith.select %le3A_1366, %select_n3A_1313, %add3A_1370 : vector<16x20x1xi1>, vector<16x20x1xi32>
      %reduce_max3A_1372 = arith.constant dense<0xFF800000> : vector<16xf32>
      %reduce_max3A_1373 = vector.multi_reduction <maximumf>, %select_n3A_1340, %reduce_max3A_1372 [1] : vector<16x512xf32> to vector<16xf32>
      %broadcast_in_dim3A_1374 = vector.shape_cast %reduce_max3A_1373 : vector<16xf32> to vector<16x1xf32>
      %reduce_max3A_1375 = arith.constant dense<0xFF800000> : vector<16xf32>
      %reduce_max3A_1376 = vector.multi_reduction <maximumf>, %select_n3A_1345, %reduce_max3A_1375 [1] : vector<16x512xf32> to vector<16xf32>
      %broadcast_in_dim3A_1377 = vector.shape_cast %reduce_max3A_1376 : vector<16xf32> to vector<16x1xf32>
      %eq3A_1378 = vector.broadcast %broadcast_in_dim3A_1374 : vector<16x1xf32> to vector<16x512xf32>
      %eq3A_1379 = arith.cmpf oeq, %select_n3A_1340, %eq3A_1378 : vector<16x512xf32>
      %jit3A_1380 = arith.constant 1073741824 : i32
      %broadcast_in_dim3A_1381 = vector.broadcast %jit3A_1380 : i32 to vector<16x512xi32>
      %select_n3A_1382 = arith.select %eq3A_1379, %iota3A, %broadcast_in_dim3A_1381 : vector<16x512xi1>, vector<16x512xi32>
      %reduce_min3A_1383 = arith.constant dense<2147483647> : vector<16xi32>
      %reduce_min3A_1384 = vector.multi_reduction <minsi>, %select_n3A_1382, %reduce_min3A_1383 [1] : vector<16x512xi32> to vector<16xi32>
      %broadcast_in_dim3A_1385 = vector.shape_cast %reduce_min3A_1384 : vector<16xi32> to vector<16x1xi32>
      %eq3A_1386 = vector.broadcast %broadcast_in_dim3A_1377 : vector<16x1xf32> to vector<16x512xf32>
      %eq3A_1387 = arith.cmpf oeq, %select_n3A_1345, %eq3A_1386 : vector<16x512xf32>
      %jit3A_1388 = arith.constant 1073741824 : i32
      %broadcast_in_dim3A_1389 = vector.broadcast %jit3A_1388 : i32 to vector<16x512xi32>
      %select_n3A_1390 = arith.select %eq3A_1387, %iota3A, %broadcast_in_dim3A_1389 : vector<16x512xi1>, vector<16x512xi32>
      %reduce_min3A_1391 = arith.constant dense<2147483647> : vector<16xi32>
      %reduce_min3A_1392 = vector.multi_reduction <minsi>, %select_n3A_1390, %reduce_min3A_1391 [1] : vector<16x512xi32> to vector<16xi32>
      %broadcast_in_dim3A_1393 = vector.shape_cast %reduce_min3A_1392 : vector<16xi32> to vector<16x1xi32>
      %eq3A_1394 = vector.broadcast %broadcast_in_dim3A_1385 : vector<16x1xi32> to vector<16x512xi32>
      %eq3A_1395 = arith.cmpi eq, %iota3A, %eq3A_1394 : vector<16x512xi32>
      %jit3A_1396 = arith.constant 0xFF800000 : f32
      %broadcast_in_dim3A_1397 = vector.broadcast %jit3A_1396 : f32 to vector<16x512xf32>
      %select_n3A_1398 = arith.select %eq3A_1395, %broadcast_in_dim3A_1397, %select_n3A_1340 : vector<16x512xi1>, vector<16x512xf32>
      %eq3A_1399 = vector.broadcast %broadcast_in_dim3A_1393 : vector<16x1xi32> to vector<16x512xi32>
      %eq3A_1400 = arith.cmpi eq, %iota3A, %eq3A_1399 : vector<16x512xi32>
      %jit3A_1401 = arith.constant 0xFF800000 : f32
      %broadcast_in_dim3A_1402 = vector.broadcast %jit3A_1401 : f32 to vector<16x512xf32>
      %select_n3A_1403 = arith.select %eq3A_1400, %broadcast_in_dim3A_1402, %select_n3A_1345 : vector<16x512xi1>, vector<16x512xf32>
      %shift_right_arithmetic3A_1404 = arith.constant 1 : i32
      %shift_right_arithmetic3A_1405 = vector.broadcast %shift_right_arithmetic3A_1404 : i32 to vector<16x20x1xi32>
      %shift_right_arithmetic3A_1406 = arith.shrsi %select_n3A_1371, %shift_right_arithmetic3A_1405 : vector<16x20x1xi32>
      %shift_right_arithmetic3A_1407 = arith.constant 1 : i32
      %shift_right_arithmetic3A_1408 = vector.broadcast %shift_right_arithmetic3A_1407 : i32 to vector<16x20x1xi32>
      %shift_right_arithmetic3A_1409 = arith.shrsi %select_n3A_1367, %shift_right_arithmetic3A_1408 : vector<16x20x1xi32>
      %add3A_1410 = arith.addi %shift_right_arithmetic3A_1406, %shift_right_arithmetic3A_1409 : vector<16x20x1xi32>
      %and3A_1411 = arith.andi %select_n3A_1371, %select_n3A_1367 : vector<16x20x1xi32>
      %and3A_1412 = arith.constant 1 : i32
      %and3A_1413 = vector.broadcast %and3A_1412 : i32 to vector<16x20x1xi32>
      %and3A_1414 = arith.andi %and3A_1411, %and3A_1413 : vector<16x20x1xi32>
      %add3A_1415 = arith.addi %add3A_1410, %and3A_1414 : vector<16x20x1xi32>
      %gt3A_1416 = vector.broadcast %add3A_1415 : vector<16x20x1xi32> to vector<16x20x512xi32>
      %gt3A_1417 = arith.cmpi sgt, %select_n3A, %gt3A_1416 : vector<16x20x512xi32>
      %convert_element_type3A_1418 = arith.extui %gt3A_1417 : vector<16x20x512xi1> to vector<16x20x512xi32>
      %reduce_sum3A_1419 = arith.constant dense<0> : vector<16x20xi32>
      %reduce_sum3A_1420 = vector.multi_reduction <add>, %convert_element_type3A_1418, %reduce_sum3A_1419 [2] : vector<16x20x512xi32> to vector<16x20xi32>
      %broadcast_in_dim3A_1421 = vector.shape_cast %reduce_sum3A_1420 : vector<16x20xi32> to vector<16x20x1xi32>
      %le3A_1422 = arith.constant 63 : i32
      %le3A_1423 = vector.broadcast %le3A_1422 : i32 to vector<16x20x1xi32>
      %le3A_1424 = arith.cmpi sle, %broadcast_in_dim3A_1421, %le3A_1423 : vector<16x20x1xi32>
      %select_n3A_1425 = arith.select %le3A_1424, %add3A_1415, %select_n3A_1367 : vector<16x20x1xi1>, vector<16x20x1xi32>
      %add3A_1426 = arith.constant 1 : i32
      %add3A_1427 = vector.broadcast %add3A_1426 : i32 to vector<16x20x1xi32>
      %add3A_1428 = arith.addi %add3A_1415, %add3A_1427 : vector<16x20x1xi32>
      %select_n3A_1429 = arith.select %le3A_1424, %select_n3A_1371, %add3A_1428 : vector<16x20x1xi1>, vector<16x20x1xi32>
      %reduce_max3A_1430 = arith.constant dense<0xFF800000> : vector<16xf32>
      %reduce_max3A_1431 = vector.multi_reduction <maximumf>, %select_n3A_1398, %reduce_max3A_1430 [1] : vector<16x512xf32> to vector<16xf32>
      %broadcast_in_dim3A_1432 = vector.shape_cast %reduce_max3A_1431 : vector<16xf32> to vector<16x1xf32>
      %reduce_max3A_1433 = arith.constant dense<0xFF800000> : vector<16xf32>
      %reduce_max3A_1434 = vector.multi_reduction <maximumf>, %select_n3A_1403, %reduce_max3A_1433 [1] : vector<16x512xf32> to vector<16xf32>
      %broadcast_in_dim3A_1435 = vector.shape_cast %reduce_max3A_1434 : vector<16xf32> to vector<16x1xf32>
      %eq3A_1436 = vector.broadcast %broadcast_in_dim3A_1432 : vector<16x1xf32> to vector<16x512xf32>
      %eq3A_1437 = arith.cmpf oeq, %select_n3A_1398, %eq3A_1436 : vector<16x512xf32>
      %jit3A_1438 = arith.constant 1073741824 : i32
      %broadcast_in_dim3A_1439 = vector.broadcast %jit3A_1438 : i32 to vector<16x512xi32>
      %select_n3A_1440 = arith.select %eq3A_1437, %iota3A, %broadcast_in_dim3A_1439 : vector<16x512xi1>, vector<16x512xi32>
      %reduce_min3A_1441 = arith.constant dense<2147483647> : vector<16xi32>
      %reduce_min3A_1442 = vector.multi_reduction <minsi>, %select_n3A_1440, %reduce_min3A_1441 [1] : vector<16x512xi32> to vector<16xi32>
      %broadcast_in_dim3A_1443 = vector.shape_cast %reduce_min3A_1442 : vector<16xi32> to vector<16x1xi32>
      %eq3A_1444 = vector.broadcast %broadcast_in_dim3A_1435 : vector<16x1xf32> to vector<16x512xf32>
      %eq3A_1445 = arith.cmpf oeq, %select_n3A_1403, %eq3A_1444 : vector<16x512xf32>
      %jit3A_1446 = arith.constant 1073741824 : i32
      %broadcast_in_dim3A_1447 = vector.broadcast %jit3A_1446 : i32 to vector<16x512xi32>
      %select_n3A_1448 = arith.select %eq3A_1445, %iota3A, %broadcast_in_dim3A_1447 : vector<16x512xi1>, vector<16x512xi32>
      %reduce_min3A_1449 = arith.constant dense<2147483647> : vector<16xi32>
      %reduce_min3A_1450 = vector.multi_reduction <minsi>, %select_n3A_1448, %reduce_min3A_1449 [1] : vector<16x512xi32> to vector<16xi32>
      %broadcast_in_dim3A_1451 = vector.shape_cast %reduce_min3A_1450 : vector<16xi32> to vector<16x1xi32>
      %eq3A_1452 = vector.broadcast %broadcast_in_dim3A_1443 : vector<16x1xi32> to vector<16x512xi32>
      %eq3A_1453 = arith.cmpi eq, %iota3A, %eq3A_1452 : vector<16x512xi32>
      %jit3A_1454 = arith.constant 0xFF800000 : f32
      %broadcast_in_dim3A_1455 = vector.broadcast %jit3A_1454 : f32 to vector<16x512xf32>
      %select_n3A_1456 = arith.select %eq3A_1453, %broadcast_in_dim3A_1455, %select_n3A_1398 : vector<16x512xi1>, vector<16x512xf32>
      %eq3A_1457 = vector.broadcast %broadcast_in_dim3A_1451 : vector<16x1xi32> to vector<16x512xi32>
      %eq3A_1458 = arith.cmpi eq, %iota3A, %eq3A_1457 : vector<16x512xi32>
      %jit3A_1459 = arith.constant 0xFF800000 : f32
      %broadcast_in_dim3A_1460 = vector.broadcast %jit3A_1459 : f32 to vector<16x512xf32>
      %select_n3A_1461 = arith.select %eq3A_1458, %broadcast_in_dim3A_1460, %select_n3A_1403 : vector<16x512xi1>, vector<16x512xf32>
      %shift_right_arithmetic3A_1462 = arith.constant 1 : i32
      %shift_right_arithmetic3A_1463 = vector.broadcast %shift_right_arithmetic3A_1462 : i32 to vector<16x20x1xi32>
      %shift_right_arithmetic3A_1464 = arith.shrsi %select_n3A_1429, %shift_right_arithmetic3A_1463 : vector<16x20x1xi32>
      %shift_right_arithmetic3A_1465 = arith.constant 1 : i32
      %shift_right_arithmetic3A_1466 = vector.broadcast %shift_right_arithmetic3A_1465 : i32 to vector<16x20x1xi32>
      %shift_right_arithmetic3A_1467 = arith.shrsi %select_n3A_1425, %shift_right_arithmetic3A_1466 : vector<16x20x1xi32>
      %add3A_1468 = arith.addi %shift_right_arithmetic3A_1464, %shift_right_arithmetic3A_1467 : vector<16x20x1xi32>
      %and3A_1469 = arith.andi %select_n3A_1429, %select_n3A_1425 : vector<16x20x1xi32>
      %and3A_1470 = arith.constant 1 : i32
      %and3A_1471 = vector.broadcast %and3A_1470 : i32 to vector<16x20x1xi32>
      %and3A_1472 = arith.andi %and3A_1469, %and3A_1471 : vector<16x20x1xi32>
      %add3A_1473 = arith.addi %add3A_1468, %and3A_1472 : vector<16x20x1xi32>
      %gt3A_1474 = vector.broadcast %add3A_1473 : vector<16x20x1xi32> to vector<16x20x512xi32>
      %gt3A_1475 = arith.cmpi sgt, %select_n3A, %gt3A_1474 : vector<16x20x512xi32>
      %convert_element_type3A_1476 = arith.extui %gt3A_1475 : vector<16x20x512xi1> to vector<16x20x512xi32>
      %reduce_sum3A_1477 = arith.constant dense<0> : vector<16x20xi32>
      %reduce_sum3A_1478 = vector.multi_reduction <add>, %convert_element_type3A_1476, %reduce_sum3A_1477 [2] : vector<16x20x512xi32> to vector<16x20xi32>
      %broadcast_in_dim3A_1479 = vector.shape_cast %reduce_sum3A_1478 : vector<16x20xi32> to vector<16x20x1xi32>
      %le3A_1480 = arith.constant 63 : i32
      %le3A_1481 = vector.broadcast %le3A_1480 : i32 to vector<16x20x1xi32>
      %le3A_1482 = arith.cmpi sle, %broadcast_in_dim3A_1479, %le3A_1481 : vector<16x20x1xi32>
      %select_n3A_1483 = arith.select %le3A_1482, %add3A_1473, %select_n3A_1425 : vector<16x20x1xi1>, vector<16x20x1xi32>
      %add3A_1484 = arith.constant 1 : i32
      %add3A_1485 = vector.broadcast %add3A_1484 : i32 to vector<16x20x1xi32>
      %add3A_1486 = arith.addi %add3A_1473, %add3A_1485 : vector<16x20x1xi32>
      %select_n3A_1487 = arith.select %le3A_1482, %select_n3A_1429, %add3A_1486 : vector<16x20x1xi1>, vector<16x20x1xi32>
      %reduce_max3A_1488 = arith.constant dense<0xFF800000> : vector<16xf32>
      %reduce_max3A_1489 = vector.multi_reduction <maximumf>, %select_n3A_1456, %reduce_max3A_1488 [1] : vector<16x512xf32> to vector<16xf32>
      %broadcast_in_dim3A_1490 = vector.shape_cast %reduce_max3A_1489 : vector<16xf32> to vector<16x1xf32>
      %reduce_max3A_1491 = arith.constant dense<0xFF800000> : vector<16xf32>
      %reduce_max3A_1492 = vector.multi_reduction <maximumf>, %select_n3A_1461, %reduce_max3A_1491 [1] : vector<16x512xf32> to vector<16xf32>
      %broadcast_in_dim3A_1493 = vector.shape_cast %reduce_max3A_1492 : vector<16xf32> to vector<16x1xf32>
      %eq3A_1494 = vector.broadcast %broadcast_in_dim3A_1490 : vector<16x1xf32> to vector<16x512xf32>
      %eq3A_1495 = arith.cmpf oeq, %select_n3A_1456, %eq3A_1494 : vector<16x512xf32>
      %jit3A_1496 = arith.constant 1073741824 : i32
      %broadcast_in_dim3A_1497 = vector.broadcast %jit3A_1496 : i32 to vector<16x512xi32>
      %select_n3A_1498 = arith.select %eq3A_1495, %iota3A, %broadcast_in_dim3A_1497 : vector<16x512xi1>, vector<16x512xi32>
      %reduce_min3A_1499 = arith.constant dense<2147483647> : vector<16xi32>
      %reduce_min3A_1500 = vector.multi_reduction <minsi>, %select_n3A_1498, %reduce_min3A_1499 [1] : vector<16x512xi32> to vector<16xi32>
      %broadcast_in_dim3A_1501 = vector.shape_cast %reduce_min3A_1500 : vector<16xi32> to vector<16x1xi32>
      %eq3A_1502 = vector.broadcast %broadcast_in_dim3A_1493 : vector<16x1xf32> to vector<16x512xf32>
      %eq3A_1503 = arith.cmpf oeq, %select_n3A_1461, %eq3A_1502 : vector<16x512xf32>
      %jit3A_1504 = arith.constant 1073741824 : i32
      %broadcast_in_dim3A_1505 = vector.broadcast %jit3A_1504 : i32 to vector<16x512xi32>
      %select_n3A_1506 = arith.select %eq3A_1503, %iota3A, %broadcast_in_dim3A_1505 : vector<16x512xi1>, vector<16x512xi32>
      %reduce_min3A_1507 = arith.constant dense<2147483647> : vector<16xi32>
      %reduce_min3A_1508 = vector.multi_reduction <minsi>, %select_n3A_1506, %reduce_min3A_1507 [1] : vector<16x512xi32> to vector<16xi32>
      %broadcast_in_dim3A_1509 = vector.shape_cast %reduce_min3A_1508 : vector<16xi32> to vector<16x1xi32>
      %eq3A_1510 = vector.broadcast %broadcast_in_dim3A_1501 : vector<16x1xi32> to vector<16x512xi32>
      %eq3A_1511 = arith.cmpi eq, %iota3A, %eq3A_1510 : vector<16x512xi32>
      %jit3A_1512 = arith.constant 0xFF800000 : f32
      %broadcast_in_dim3A_1513 = vector.broadcast %jit3A_1512 : f32 to vector<16x512xf32>
      %select_n3A_1514 = arith.select %eq3A_1511, %broadcast_in_dim3A_1513, %select_n3A_1456 : vector<16x512xi1>, vector<16x512xf32>
      %eq3A_1515 = vector.broadcast %broadcast_in_dim3A_1509 : vector<16x1xi32> to vector<16x512xi32>
      %eq3A_1516 = arith.cmpi eq, %iota3A, %eq3A_1515 : vector<16x512xi32>
      %jit3A_1517 = arith.constant 0xFF800000 : f32
      %broadcast_in_dim3A_1518 = vector.broadcast %jit3A_1517 : f32 to vector<16x512xf32>
      %select_n3A_1519 = arith.select %eq3A_1516, %broadcast_in_dim3A_1518, %select_n3A_1461 : vector<16x512xi1>, vector<16x512xf32>
      %shift_right_arithmetic3A_1520 = arith.constant 1 : i32
      %shift_right_arithmetic3A_1521 = vector.broadcast %shift_right_arithmetic3A_1520 : i32 to vector<16x20x1xi32>
      %shift_right_arithmetic3A_1522 = arith.shrsi %select_n3A_1487, %shift_right_arithmetic3A_1521 : vector<16x20x1xi32>
      %shift_right_arithmetic3A_1523 = arith.constant 1 : i32
      %shift_right_arithmetic3A_1524 = vector.broadcast %shift_right_arithmetic3A_1523 : i32 to vector<16x20x1xi32>
      %shift_right_arithmetic3A_1525 = arith.shrsi %select_n3A_1483, %shift_right_arithmetic3A_1524 : vector<16x20x1xi32>
      %add3A_1526 = arith.addi %shift_right_arithmetic3A_1522, %shift_right_arithmetic3A_1525 : vector<16x20x1xi32>
      %and3A_1527 = arith.andi %select_n3A_1487, %select_n3A_1483 : vector<16x20x1xi32>
      %and3A_1528 = arith.constant 1 : i32
      %and3A_1529 = vector.broadcast %and3A_1528 : i32 to vector<16x20x1xi32>
      %and3A_1530 = arith.andi %and3A_1527, %and3A_1529 : vector<16x20x1xi32>
      %add3A_1531 = arith.addi %add3A_1526, %and3A_1530 : vector<16x20x1xi32>
      %gt3A_1532 = vector.broadcast %add3A_1531 : vector<16x20x1xi32> to vector<16x20x512xi32>
      %gt3A_1533 = arith.cmpi sgt, %select_n3A, %gt3A_1532 : vector<16x20x512xi32>
      %convert_element_type3A_1534 = arith.extui %gt3A_1533 : vector<16x20x512xi1> to vector<16x20x512xi32>
      %reduce_sum3A_1535 = arith.constant dense<0> : vector<16x20xi32>
      %reduce_sum3A_1536 = vector.multi_reduction <add>, %convert_element_type3A_1534, %reduce_sum3A_1535 [2] : vector<16x20x512xi32> to vector<16x20xi32>
      %broadcast_in_dim3A_1537 = vector.shape_cast %reduce_sum3A_1536 : vector<16x20xi32> to vector<16x20x1xi32>
      %le3A_1538 = arith.constant 63 : i32
      %le3A_1539 = vector.broadcast %le3A_1538 : i32 to vector<16x20x1xi32>
      %le3A_1540 = arith.cmpi sle, %broadcast_in_dim3A_1537, %le3A_1539 : vector<16x20x1xi32>
      %select_n3A_1541 = arith.select %le3A_1540, %add3A_1531, %select_n3A_1483 : vector<16x20x1xi1>, vector<16x20x1xi32>
      %add3A_1542 = arith.constant 1 : i32
      %add3A_1543 = vector.broadcast %add3A_1542 : i32 to vector<16x20x1xi32>
      %add3A_1544 = arith.addi %add3A_1531, %add3A_1543 : vector<16x20x1xi32>
      %select_n3A_1545 = arith.select %le3A_1540, %select_n3A_1487, %add3A_1544 : vector<16x20x1xi1>, vector<16x20x1xi32>
      %reduce_max3A_1546 = arith.constant dense<0xFF800000> : vector<16xf32>
      %reduce_max3A_1547 = vector.multi_reduction <maximumf>, %select_n3A_1514, %reduce_max3A_1546 [1] : vector<16x512xf32> to vector<16xf32>
      %broadcast_in_dim3A_1548 = vector.shape_cast %reduce_max3A_1547 : vector<16xf32> to vector<16x1xf32>
      %reduce_max3A_1549 = arith.constant dense<0xFF800000> : vector<16xf32>
      %reduce_max3A_1550 = vector.multi_reduction <maximumf>, %select_n3A_1519, %reduce_max3A_1549 [1] : vector<16x512xf32> to vector<16xf32>
      %broadcast_in_dim3A_1551 = vector.shape_cast %reduce_max3A_1550 : vector<16xf32> to vector<16x1xf32>
      %eq3A_1552 = vector.broadcast %broadcast_in_dim3A_1548 : vector<16x1xf32> to vector<16x512xf32>
      %eq3A_1553 = arith.cmpf oeq, %select_n3A_1514, %eq3A_1552 : vector<16x512xf32>
      %jit3A_1554 = arith.constant 1073741824 : i32
      %broadcast_in_dim3A_1555 = vector.broadcast %jit3A_1554 : i32 to vector<16x512xi32>
      %select_n3A_1556 = arith.select %eq3A_1553, %iota3A, %broadcast_in_dim3A_1555 : vector<16x512xi1>, vector<16x512xi32>
      %reduce_min3A_1557 = arith.constant dense<2147483647> : vector<16xi32>
      %reduce_min3A_1558 = vector.multi_reduction <minsi>, %select_n3A_1556, %reduce_min3A_1557 [1] : vector<16x512xi32> to vector<16xi32>
      %broadcast_in_dim3A_1559 = vector.shape_cast %reduce_min3A_1558 : vector<16xi32> to vector<16x1xi32>
      %eq3A_1560 = vector.broadcast %broadcast_in_dim3A_1551 : vector<16x1xf32> to vector<16x512xf32>
      %eq3A_1561 = arith.cmpf oeq, %select_n3A_1519, %eq3A_1560 : vector<16x512xf32>
      %jit3A_1562 = arith.constant 1073741824 : i32
      %broadcast_in_dim3A_1563 = vector.broadcast %jit3A_1562 : i32 to vector<16x512xi32>
      %select_n3A_1564 = arith.select %eq3A_1561, %iota3A, %broadcast_in_dim3A_1563 : vector<16x512xi1>, vector<16x512xi32>
      %reduce_min3A_1565 = arith.constant dense<2147483647> : vector<16xi32>
      %reduce_min3A_1566 = vector.multi_reduction <minsi>, %select_n3A_1564, %reduce_min3A_1565 [1] : vector<16x512xi32> to vector<16xi32>
      %broadcast_in_dim3A_1567 = vector.shape_cast %reduce_min3A_1566 : vector<16xi32> to vector<16x1xi32>
      %eq3A_1568 = vector.broadcast %broadcast_in_dim3A_1559 : vector<16x1xi32> to vector<16x512xi32>
      %eq3A_1569 = arith.cmpi eq, %iota3A, %eq3A_1568 : vector<16x512xi32>
      %jit3A_1570 = arith.constant 0xFF800000 : f32
      %broadcast_in_dim3A_1571 = vector.broadcast %jit3A_1570 : f32 to vector<16x512xf32>
      %select_n3A_1572 = arith.select %eq3A_1569, %broadcast_in_dim3A_1571, %select_n3A_1514 : vector<16x512xi1>, vector<16x512xf32>
      %eq3A_1573 = vector.broadcast %broadcast_in_dim3A_1567 : vector<16x1xi32> to vector<16x512xi32>
      %eq3A_1574 = arith.cmpi eq, %iota3A, %eq3A_1573 : vector<16x512xi32>
      %jit3A_1575 = arith.constant 0xFF800000 : f32
      %broadcast_in_dim3A_1576 = vector.broadcast %jit3A_1575 : f32 to vector<16x512xf32>
      %select_n3A_1577 = arith.select %eq3A_1574, %broadcast_in_dim3A_1576, %select_n3A_1519 : vector<16x512xi1>, vector<16x512xf32>
      %shift_right_arithmetic3A_1578 = arith.constant 1 : i32
      %shift_right_arithmetic3A_1579 = vector.broadcast %shift_right_arithmetic3A_1578 : i32 to vector<16x20x1xi32>
      %shift_right_arithmetic3A_1580 = arith.shrsi %select_n3A_1545, %shift_right_arithmetic3A_1579 : vector<16x20x1xi32>
      %shift_right_arithmetic3A_1581 = arith.constant 1 : i32
      %shift_right_arithmetic3A_1582 = vector.broadcast %shift_right_arithmetic3A_1581 : i32 to vector<16x20x1xi32>
      %shift_right_arithmetic3A_1583 = arith.shrsi %select_n3A_1541, %shift_right_arithmetic3A_1582 : vector<16x20x1xi32>
      %add3A_1584 = arith.addi %shift_right_arithmetic3A_1580, %shift_right_arithmetic3A_1583 : vector<16x20x1xi32>
      %and3A_1585 = arith.andi %select_n3A_1545, %select_n3A_1541 : vector<16x20x1xi32>
      %and3A_1586 = arith.constant 1 : i32
      %and3A_1587 = vector.broadcast %and3A_1586 : i32 to vector<16x20x1xi32>
      %and3A_1588 = arith.andi %and3A_1585, %and3A_1587 : vector<16x20x1xi32>
      %add3A_1589 = arith.addi %add3A_1584, %and3A_1588 : vector<16x20x1xi32>
      %gt3A_1590 = vector.broadcast %add3A_1589 : vector<16x20x1xi32> to vector<16x20x512xi32>
      %gt3A_1591 = arith.cmpi sgt, %select_n3A, %gt3A_1590 : vector<16x20x512xi32>
      %convert_element_type3A_1592 = arith.extui %gt3A_1591 : vector<16x20x512xi1> to vector<16x20x512xi32>
      %reduce_sum3A_1593 = arith.constant dense<0> : vector<16x20xi32>
      %reduce_sum3A_1594 = vector.multi_reduction <add>, %convert_element_type3A_1592, %reduce_sum3A_1593 [2] : vector<16x20x512xi32> to vector<16x20xi32>
      %broadcast_in_dim3A_1595 = vector.shape_cast %reduce_sum3A_1594 : vector<16x20xi32> to vector<16x20x1xi32>
      %le3A_1596 = arith.constant 63 : i32
      %le3A_1597 = vector.broadcast %le3A_1596 : i32 to vector<16x20x1xi32>
      %le3A_1598 = arith.cmpi sle, %broadcast_in_dim3A_1595, %le3A_1597 : vector<16x20x1xi32>
      %select_n3A_1599 = arith.select %le3A_1598, %add3A_1589, %select_n3A_1541 : vector<16x20x1xi1>, vector<16x20x1xi32>
      %add3A_1600 = arith.constant 1 : i32
      %add3A_1601 = vector.broadcast %add3A_1600 : i32 to vector<16x20x1xi32>
      %add3A_1602 = arith.addi %add3A_1589, %add3A_1601 : vector<16x20x1xi32>
      %select_n3A_1603 = arith.select %le3A_1598, %select_n3A_1545, %add3A_1602 : vector<16x20x1xi1>, vector<16x20x1xi32>
      %reduce_max3A_1604 = arith.constant dense<0xFF800000> : vector<16xf32>
      %reduce_max3A_1605 = vector.multi_reduction <maximumf>, %select_n3A_1572, %reduce_max3A_1604 [1] : vector<16x512xf32> to vector<16xf32>
      %broadcast_in_dim3A_1606 = vector.shape_cast %reduce_max3A_1605 : vector<16xf32> to vector<16x1xf32>
      %reduce_max3A_1607 = arith.constant dense<0xFF800000> : vector<16xf32>
      %reduce_max3A_1608 = vector.multi_reduction <maximumf>, %select_n3A_1577, %reduce_max3A_1607 [1] : vector<16x512xf32> to vector<16xf32>
      %broadcast_in_dim3A_1609 = vector.shape_cast %reduce_max3A_1608 : vector<16xf32> to vector<16x1xf32>
      %eq3A_1610 = vector.broadcast %broadcast_in_dim3A_1606 : vector<16x1xf32> to vector<16x512xf32>
      %eq3A_1611 = arith.cmpf oeq, %select_n3A_1572, %eq3A_1610 : vector<16x512xf32>
      %jit3A_1612 = arith.constant 1073741824 : i32
      %broadcast_in_dim3A_1613 = vector.broadcast %jit3A_1612 : i32 to vector<16x512xi32>
      %select_n3A_1614 = arith.select %eq3A_1611, %iota3A, %broadcast_in_dim3A_1613 : vector<16x512xi1>, vector<16x512xi32>
      %reduce_min3A_1615 = arith.constant dense<2147483647> : vector<16xi32>
      %reduce_min3A_1616 = vector.multi_reduction <minsi>, %select_n3A_1614, %reduce_min3A_1615 [1] : vector<16x512xi32> to vector<16xi32>
      %broadcast_in_dim3A_1617 = vector.shape_cast %reduce_min3A_1616 : vector<16xi32> to vector<16x1xi32>
      %eq3A_1618 = vector.broadcast %broadcast_in_dim3A_1609 : vector<16x1xf32> to vector<16x512xf32>
      %eq3A_1619 = arith.cmpf oeq, %select_n3A_1577, %eq3A_1618 : vector<16x512xf32>
      %jit3A_1620 = arith.constant 1073741824 : i32
      %broadcast_in_dim3A_1621 = vector.broadcast %jit3A_1620 : i32 to vector<16x512xi32>
      %select_n3A_1622 = arith.select %eq3A_1619, %iota3A, %broadcast_in_dim3A_1621 : vector<16x512xi1>, vector<16x512xi32>
      %reduce_min3A_1623 = arith.constant dense<2147483647> : vector<16xi32>
      %reduce_min3A_1624 = vector.multi_reduction <minsi>, %select_n3A_1622, %reduce_min3A_1623 [1] : vector<16x512xi32> to vector<16xi32>
      %broadcast_in_dim3A_1625 = vector.shape_cast %reduce_min3A_1624 : vector<16xi32> to vector<16x1xi32>
      %eq3A_1626 = vector.broadcast %broadcast_in_dim3A_1617 : vector<16x1xi32> to vector<16x512xi32>
      %eq3A_1627 = arith.cmpi eq, %iota3A, %eq3A_1626 : vector<16x512xi32>
      %jit3A_1628 = arith.constant 0xFF800000 : f32
      %broadcast_in_dim3A_1629 = vector.broadcast %jit3A_1628 : f32 to vector<16x512xf32>
      %select_n3A_1630 = arith.select %eq3A_1627, %broadcast_in_dim3A_1629, %select_n3A_1572 : vector<16x512xi1>, vector<16x512xf32>
      %eq3A_1631 = vector.broadcast %broadcast_in_dim3A_1625 : vector<16x1xi32> to vector<16x512xi32>
      %eq3A_1632 = arith.cmpi eq, %iota3A, %eq3A_1631 : vector<16x512xi32>
      %jit3A_1633 = arith.constant 0xFF800000 : f32
      %broadcast_in_dim3A_1634 = vector.broadcast %jit3A_1633 : f32 to vector<16x512xf32>
      %select_n3A_1635 = arith.select %eq3A_1632, %broadcast_in_dim3A_1634, %select_n3A_1577 : vector<16x512xi1>, vector<16x512xf32>
      %shift_right_arithmetic3A_1636 = arith.constant 1 : i32
      %shift_right_arithmetic3A_1637 = vector.broadcast %shift_right_arithmetic3A_1636 : i32 to vector<16x20x1xi32>
      %shift_right_arithmetic3A_1638 = arith.shrsi %select_n3A_1603, %shift_right_arithmetic3A_1637 : vector<16x20x1xi32>
      %shift_right_arithmetic3A_1639 = arith.constant 1 : i32
      %shift_right_arithmetic3A_1640 = vector.broadcast %shift_right_arithmetic3A_1639 : i32 to vector<16x20x1xi32>
      %shift_right_arithmetic3A_1641 = arith.shrsi %select_n3A_1599, %shift_right_arithmetic3A_1640 : vector<16x20x1xi32>
      %add3A_1642 = arith.addi %shift_right_arithmetic3A_1638, %shift_right_arithmetic3A_1641 : vector<16x20x1xi32>
      %and3A_1643 = arith.andi %select_n3A_1603, %select_n3A_1599 : vector<16x20x1xi32>
      %and3A_1644 = arith.constant 1 : i32
      %and3A_1645 = vector.broadcast %and3A_1644 : i32 to vector<16x20x1xi32>
      %and3A_1646 = arith.andi %and3A_1643, %and3A_1645 : vector<16x20x1xi32>
      %add3A_1647 = arith.addi %add3A_1642, %and3A_1646 : vector<16x20x1xi32>
      %gt3A_1648 = vector.broadcast %add3A_1647 : vector<16x20x1xi32> to vector<16x20x512xi32>
      %gt3A_1649 = arith.cmpi sgt, %select_n3A, %gt3A_1648 : vector<16x20x512xi32>
      %convert_element_type3A_1650 = arith.extui %gt3A_1649 : vector<16x20x512xi1> to vector<16x20x512xi32>
      %reduce_sum3A_1651 = arith.constant dense<0> : vector<16x20xi32>
      %reduce_sum3A_1652 = vector.multi_reduction <add>, %convert_element_type3A_1650, %reduce_sum3A_1651 [2] : vector<16x20x512xi32> to vector<16x20xi32>
      %broadcast_in_dim3A_1653 = vector.shape_cast %reduce_sum3A_1652 : vector<16x20xi32> to vector<16x20x1xi32>
      %le3A_1654 = arith.constant 63 : i32
      %le3A_1655 = vector.broadcast %le3A_1654 : i32 to vector<16x20x1xi32>
      %le3A_1656 = arith.cmpi sle, %broadcast_in_dim3A_1653, %le3A_1655 : vector<16x20x1xi32>
      %select_n3A_1657 = arith.select %le3A_1656, %add3A_1647, %select_n3A_1599 : vector<16x20x1xi1>, vector<16x20x1xi32>
      %add3A_1658 = arith.constant 1 : i32
      %add3A_1659 = vector.broadcast %add3A_1658 : i32 to vector<16x20x1xi32>
      %add3A_1660 = arith.addi %add3A_1647, %add3A_1659 : vector<16x20x1xi32>
      %select_n3A_1661 = arith.select %le3A_1656, %select_n3A_1603, %add3A_1660 : vector<16x20x1xi1>, vector<16x20x1xi32>
      %reduce_max3A_1662 = arith.constant dense<0xFF800000> : vector<16xf32>
      %reduce_max3A_1663 = vector.multi_reduction <maximumf>, %select_n3A_1630, %reduce_max3A_1662 [1] : vector<16x512xf32> to vector<16xf32>
      %broadcast_in_dim3A_1664 = vector.shape_cast %reduce_max3A_1663 : vector<16xf32> to vector<16x1xf32>
      %reduce_max3A_1665 = arith.constant dense<0xFF800000> : vector<16xf32>
      %reduce_max3A_1666 = vector.multi_reduction <maximumf>, %select_n3A_1635, %reduce_max3A_1665 [1] : vector<16x512xf32> to vector<16xf32>
      %broadcast_in_dim3A_1667 = vector.shape_cast %reduce_max3A_1666 : vector<16xf32> to vector<16x1xf32>
      %eq3A_1668 = vector.broadcast %broadcast_in_dim3A_1664 : vector<16x1xf32> to vector<16x512xf32>
      %eq3A_1669 = arith.cmpf oeq, %select_n3A_1630, %eq3A_1668 : vector<16x512xf32>
      %jit3A_1670 = arith.constant 1073741824 : i32
      %broadcast_in_dim3A_1671 = vector.broadcast %jit3A_1670 : i32 to vector<16x512xi32>
      %select_n3A_1672 = arith.select %eq3A_1669, %iota3A, %broadcast_in_dim3A_1671 : vector<16x512xi1>, vector<16x512xi32>
      %reduce_min3A_1673 = arith.constant dense<2147483647> : vector<16xi32>
      %reduce_min3A_1674 = vector.multi_reduction <minsi>, %select_n3A_1672, %reduce_min3A_1673 [1] : vector<16x512xi32> to vector<16xi32>
      %broadcast_in_dim3A_1675 = vector.shape_cast %reduce_min3A_1674 : vector<16xi32> to vector<16x1xi32>
      %eq3A_1676 = vector.broadcast %broadcast_in_dim3A_1667 : vector<16x1xf32> to vector<16x512xf32>
      %eq3A_1677 = arith.cmpf oeq, %select_n3A_1635, %eq3A_1676 : vector<16x512xf32>
      %jit3A_1678 = arith.constant 1073741824 : i32
      %broadcast_in_dim3A_1679 = vector.broadcast %jit3A_1678 : i32 to vector<16x512xi32>
      %select_n3A_1680 = arith.select %eq3A_1677, %iota3A, %broadcast_in_dim3A_1679 : vector<16x512xi1>, vector<16x512xi32>
      %reduce_min3A_1681 = arith.constant dense<2147483647> : vector<16xi32>
      %reduce_min3A_1682 = vector.multi_reduction <minsi>, %select_n3A_1680, %reduce_min3A_1681 [1] : vector<16x512xi32> to vector<16xi32>
      %broadcast_in_dim3A_1683 = vector.shape_cast %reduce_min3A_1682 : vector<16xi32> to vector<16x1xi32>
      %eq3A_1684 = vector.broadcast %broadcast_in_dim3A_1675 : vector<16x1xi32> to vector<16x512xi32>
      %eq3A_1685 = arith.cmpi eq, %iota3A, %eq3A_1684 : vector<16x512xi32>
      %jit3A_1686 = arith.constant 0xFF800000 : f32
      %broadcast_in_dim3A_1687 = vector.broadcast %jit3A_1686 : f32 to vector<16x512xf32>
      %select_n3A_1688 = arith.select %eq3A_1685, %broadcast_in_dim3A_1687, %select_n3A_1630 : vector<16x512xi1>, vector<16x512xf32>
      %eq3A_1689 = vector.broadcast %broadcast_in_dim3A_1683 : vector<16x1xi32> to vector<16x512xi32>
      %eq3A_1690 = arith.cmpi eq, %iota3A, %eq3A_1689 : vector<16x512xi32>
      %jit3A_1691 = arith.constant 0xFF800000 : f32
      %broadcast_in_dim3A_1692 = vector.broadcast %jit3A_1691 : f32 to vector<16x512xf32>
      %select_n3A_1693 = arith.select %eq3A_1690, %broadcast_in_dim3A_1692, %select_n3A_1635 : vector<16x512xi1>, vector<16x512xf32>
      %shift_right_arithmetic3A_1694 = arith.constant 1 : i32
      %shift_right_arithmetic3A_1695 = vector.broadcast %shift_right_arithmetic3A_1694 : i32 to vector<16x20x1xi32>
      %shift_right_arithmetic3A_1696 = arith.shrsi %select_n3A_1661, %shift_right_arithmetic3A_1695 : vector<16x20x1xi32>
      %shift_right_arithmetic3A_1697 = arith.constant 1 : i32
      %shift_right_arithmetic3A_1698 = vector.broadcast %shift_right_arithmetic3A_1697 : i32 to vector<16x20x1xi32>
      %shift_right_arithmetic3A_1699 = arith.shrsi %select_n3A_1657, %shift_right_arithmetic3A_1698 : vector<16x20x1xi32>
      %add3A_1700 = arith.addi %shift_right_arithmetic3A_1696, %shift_right_arithmetic3A_1699 : vector<16x20x1xi32>
      %and3A_1701 = arith.andi %select_n3A_1661, %select_n3A_1657 : vector<16x20x1xi32>
      %and3A_1702 = arith.constant 1 : i32
      %and3A_1703 = vector.broadcast %and3A_1702 : i32 to vector<16x20x1xi32>
      %and3A_1704 = arith.andi %and3A_1701, %and3A_1703 : vector<16x20x1xi32>
      %add3A_1705 = arith.addi %add3A_1700, %and3A_1704 : vector<16x20x1xi32>
      %gt3A_1706 = vector.broadcast %add3A_1705 : vector<16x20x1xi32> to vector<16x20x512xi32>
      %gt3A_1707 = arith.cmpi sgt, %select_n3A, %gt3A_1706 : vector<16x20x512xi32>
      %convert_element_type3A_1708 = arith.extui %gt3A_1707 : vector<16x20x512xi1> to vector<16x20x512xi32>
      %reduce_sum3A_1709 = arith.constant dense<0> : vector<16x20xi32>
      %reduce_sum3A_1710 = vector.multi_reduction <add>, %convert_element_type3A_1708, %reduce_sum3A_1709 [2] : vector<16x20x512xi32> to vector<16x20xi32>
      %broadcast_in_dim3A_1711 = vector.shape_cast %reduce_sum3A_1710 : vector<16x20xi32> to vector<16x20x1xi32>
      %le3A_1712 = arith.constant 63 : i32
      %le3A_1713 = vector.broadcast %le3A_1712 : i32 to vector<16x20x1xi32>
      %le3A_1714 = arith.cmpi sle, %broadcast_in_dim3A_1711, %le3A_1713 : vector<16x20x1xi32>
      %select_n3A_1715 = arith.select %le3A_1714, %add3A_1705, %select_n3A_1657 : vector<16x20x1xi1>, vector<16x20x1xi32>
      %add3A_1716 = arith.constant 1 : i32
      %add3A_1717 = vector.broadcast %add3A_1716 : i32 to vector<16x20x1xi32>
      %add3A_1718 = arith.addi %add3A_1705, %add3A_1717 : vector<16x20x1xi32>
      %select_n3A_1719 = arith.select %le3A_1714, %select_n3A_1661, %add3A_1718 : vector<16x20x1xi1>, vector<16x20x1xi32>
      %reduce_max3A_1720 = arith.constant dense<0xFF800000> : vector<16xf32>
      %reduce_max3A_1721 = vector.multi_reduction <maximumf>, %select_n3A_1688, %reduce_max3A_1720 [1] : vector<16x512xf32> to vector<16xf32>
      %broadcast_in_dim3A_1722 = vector.shape_cast %reduce_max3A_1721 : vector<16xf32> to vector<16x1xf32>
      %reduce_max3A_1723 = arith.constant dense<0xFF800000> : vector<16xf32>
      %reduce_max3A_1724 = vector.multi_reduction <maximumf>, %select_n3A_1693, %reduce_max3A_1723 [1] : vector<16x512xf32> to vector<16xf32>
      %broadcast_in_dim3A_1725 = vector.shape_cast %reduce_max3A_1724 : vector<16xf32> to vector<16x1xf32>
      %eq3A_1726 = vector.broadcast %broadcast_in_dim3A_1722 : vector<16x1xf32> to vector<16x512xf32>
      %eq3A_1727 = arith.cmpf oeq, %select_n3A_1688, %eq3A_1726 : vector<16x512xf32>
      %jit3A_1728 = arith.constant 1073741824 : i32
      %broadcast_in_dim3A_1729 = vector.broadcast %jit3A_1728 : i32 to vector<16x512xi32>
      %select_n3A_1730 = arith.select %eq3A_1727, %iota3A, %broadcast_in_dim3A_1729 : vector<16x512xi1>, vector<16x512xi32>
      %reduce_min3A_1731 = arith.constant dense<2147483647> : vector<16xi32>
      %reduce_min3A_1732 = vector.multi_reduction <minsi>, %select_n3A_1730, %reduce_min3A_1731 [1] : vector<16x512xi32> to vector<16xi32>
      %broadcast_in_dim3A_1733 = vector.shape_cast %reduce_min3A_1732 : vector<16xi32> to vector<16x1xi32>
      %eq3A_1734 = vector.broadcast %broadcast_in_dim3A_1725 : vector<16x1xf32> to vector<16x512xf32>
      %eq3A_1735 = arith.cmpf oeq, %select_n3A_1693, %eq3A_1734 : vector<16x512xf32>
      %jit3A_1736 = arith.constant 1073741824 : i32
      %broadcast_in_dim3A_1737 = vector.broadcast %jit3A_1736 : i32 to vector<16x512xi32>
      %select_n3A_1738 = arith.select %eq3A_1735, %iota3A, %broadcast_in_dim3A_1737 : vector<16x512xi1>, vector<16x512xi32>
      %reduce_min3A_1739 = arith.constant dense<2147483647> : vector<16xi32>
      %reduce_min3A_1740 = vector.multi_reduction <minsi>, %select_n3A_1738, %reduce_min3A_1739 [1] : vector<16x512xi32> to vector<16xi32>
      %broadcast_in_dim3A_1741 = vector.shape_cast %reduce_min3A_1740 : vector<16xi32> to vector<16x1xi32>
      %eq3A_1742 = vector.broadcast %broadcast_in_dim3A_1733 : vector<16x1xi32> to vector<16x512xi32>
      %eq3A_1743 = arith.cmpi eq, %iota3A, %eq3A_1742 : vector<16x512xi32>
      %jit3A_1744 = arith.constant 0xFF800000 : f32
      %broadcast_in_dim3A_1745 = vector.broadcast %jit3A_1744 : f32 to vector<16x512xf32>
      %select_n3A_1746 = arith.select %eq3A_1743, %broadcast_in_dim3A_1745, %select_n3A_1688 : vector<16x512xi1>, vector<16x512xf32>
      %eq3A_1747 = vector.broadcast %broadcast_in_dim3A_1741 : vector<16x1xi32> to vector<16x512xi32>
      %eq3A_1748 = arith.cmpi eq, %iota3A, %eq3A_1747 : vector<16x512xi32>
      %jit3A_1749 = arith.constant 0xFF800000 : f32
      %broadcast_in_dim3A_1750 = vector.broadcast %jit3A_1749 : f32 to vector<16x512xf32>
      %select_n3A_1751 = arith.select %eq3A_1748, %broadcast_in_dim3A_1750, %select_n3A_1693 : vector<16x512xi1>, vector<16x512xf32>
      %shift_right_arithmetic3A_1752 = arith.constant 1 : i32
      %shift_right_arithmetic3A_1753 = vector.broadcast %shift_right_arithmetic3A_1752 : i32 to vector<16x20x1xi32>
      %shift_right_arithmetic3A_1754 = arith.shrsi %select_n3A_1719, %shift_right_arithmetic3A_1753 : vector<16x20x1xi32>
      %shift_right_arithmetic3A_1755 = arith.constant 1 : i32
      %shift_right_arithmetic3A_1756 = vector.broadcast %shift_right_arithmetic3A_1755 : i32 to vector<16x20x1xi32>
      %shift_right_arithmetic3A_1757 = arith.shrsi %select_n3A_1715, %shift_right_arithmetic3A_1756 : vector<16x20x1xi32>
      %add3A_1758 = arith.addi %shift_right_arithmetic3A_1754, %shift_right_arithmetic3A_1757 : vector<16x20x1xi32>
      %and3A_1759 = arith.andi %select_n3A_1719, %select_n3A_1715 : vector<16x20x1xi32>
      %and3A_1760 = arith.constant 1 : i32
      %and3A_1761 = vector.broadcast %and3A_1760 : i32 to vector<16x20x1xi32>
      %and3A_1762 = arith.andi %and3A_1759, %and3A_1761 : vector<16x20x1xi32>
      %add3A_1763 = arith.addi %add3A_1758, %and3A_1762 : vector<16x20x1xi32>
      %gt3A_1764 = vector.broadcast %add3A_1763 : vector<16x20x1xi32> to vector<16x20x512xi32>
      %gt3A_1765 = arith.cmpi sgt, %select_n3A, %gt3A_1764 : vector<16x20x512xi32>
      %convert_element_type3A_1766 = arith.extui %gt3A_1765 : vector<16x20x512xi1> to vector<16x20x512xi32>
      %reduce_sum3A_1767 = arith.constant dense<0> : vector<16x20xi32>
      %reduce_sum3A_1768 = vector.multi_reduction <add>, %convert_element_type3A_1766, %reduce_sum3A_1767 [2] : vector<16x20x512xi32> to vector<16x20xi32>
      %broadcast_in_dim3A_1769 = vector.shape_cast %reduce_sum3A_1768 : vector<16x20xi32> to vector<16x20x1xi32>
      %le3A_1770 = arith.constant 63 : i32
      %le3A_1771 = vector.broadcast %le3A_1770 : i32 to vector<16x20x1xi32>
      %le3A_1772 = arith.cmpi sle, %broadcast_in_dim3A_1769, %le3A_1771 : vector<16x20x1xi32>
      %select_n3A_1773 = arith.select %le3A_1772, %add3A_1763, %select_n3A_1715 : vector<16x20x1xi1>, vector<16x20x1xi32>
      %add3A_1774 = arith.constant 1 : i32
      %add3A_1775 = vector.broadcast %add3A_1774 : i32 to vector<16x20x1xi32>
      %add3A_1776 = arith.addi %add3A_1763, %add3A_1775 : vector<16x20x1xi32>
      %select_n3A_1777 = arith.select %le3A_1772, %select_n3A_1719, %add3A_1776 : vector<16x20x1xi1>, vector<16x20x1xi32>
      %reduce_max3A_1778 = arith.constant dense<0xFF800000> : vector<16xf32>
      %reduce_max3A_1779 = vector.multi_reduction <maximumf>, %select_n3A_1746, %reduce_max3A_1778 [1] : vector<16x512xf32> to vector<16xf32>
      %broadcast_in_dim3A_1780 = vector.shape_cast %reduce_max3A_1779 : vector<16xf32> to vector<16x1xf32>
      %reduce_max3A_1781 = arith.constant dense<0xFF800000> : vector<16xf32>
      %reduce_max3A_1782 = vector.multi_reduction <maximumf>, %select_n3A_1751, %reduce_max3A_1781 [1] : vector<16x512xf32> to vector<16xf32>
      %broadcast_in_dim3A_1783 = vector.shape_cast %reduce_max3A_1782 : vector<16xf32> to vector<16x1xf32>
      %eq3A_1784 = vector.broadcast %broadcast_in_dim3A_1780 : vector<16x1xf32> to vector<16x512xf32>
      %eq3A_1785 = arith.cmpf oeq, %select_n3A_1746, %eq3A_1784 : vector<16x512xf32>
      %jit3A_1786 = arith.constant 1073741824 : i32
      %broadcast_in_dim3A_1787 = vector.broadcast %jit3A_1786 : i32 to vector<16x512xi32>
      %select_n3A_1788 = arith.select %eq3A_1785, %iota3A, %broadcast_in_dim3A_1787 : vector<16x512xi1>, vector<16x512xi32>
      %reduce_min3A_1789 = arith.constant dense<2147483647> : vector<16xi32>
      %reduce_min3A_1790 = vector.multi_reduction <minsi>, %select_n3A_1788, %reduce_min3A_1789 [1] : vector<16x512xi32> to vector<16xi32>
      %broadcast_in_dim3A_1791 = vector.shape_cast %reduce_min3A_1790 : vector<16xi32> to vector<16x1xi32>
      %eq3A_1792 = vector.broadcast %broadcast_in_dim3A_1783 : vector<16x1xf32> to vector<16x512xf32>
      %eq3A_1793 = arith.cmpf oeq, %select_n3A_1751, %eq3A_1792 : vector<16x512xf32>
      %jit3A_1794 = arith.constant 1073741824 : i32
      %broadcast_in_dim3A_1795 = vector.broadcast %jit3A_1794 : i32 to vector<16x512xi32>
      %select_n3A_1796 = arith.select %eq3A_1793, %iota3A, %broadcast_in_dim3A_1795 : vector<16x512xi1>, vector<16x512xi32>
      %reduce_min3A_1797 = arith.constant dense<2147483647> : vector<16xi32>
      %reduce_min3A_1798 = vector.multi_reduction <minsi>, %select_n3A_1796, %reduce_min3A_1797 [1] : vector<16x512xi32> to vector<16xi32>
      %broadcast_in_dim3A_1799 = vector.shape_cast %reduce_min3A_1798 : vector<16xi32> to vector<16x1xi32>
      %eq3A_1800 = vector.broadcast %broadcast_in_dim3A_1791 : vector<16x1xi32> to vector<16x512xi32>
      %eq3A_1801 = arith.cmpi eq, %iota3A, %eq3A_1800 : vector<16x512xi32>
      %jit3A_1802 = arith.constant 0xFF800000 : f32
      %broadcast_in_dim3A_1803 = vector.broadcast %jit3A_1802 : f32 to vector<16x512xf32>
      %select_n3A_1804 = arith.select %eq3A_1801, %broadcast_in_dim3A_1803, %select_n3A_1746 : vector<16x512xi1>, vector<16x512xf32>
      %eq3A_1805 = vector.broadcast %broadcast_in_dim3A_1799 : vector<16x1xi32> to vector<16x512xi32>
      %eq3A_1806 = arith.cmpi eq, %iota3A, %eq3A_1805 : vector<16x512xi32>
      %jit3A_1807 = arith.constant 0xFF800000 : f32
      %broadcast_in_dim3A_1808 = vector.broadcast %jit3A_1807 : f32 to vector<16x512xf32>
      %select_n3A_1809 = arith.select %eq3A_1806, %broadcast_in_dim3A_1808, %select_n3A_1751 : vector<16x512xi1>, vector<16x512xf32>
      %shift_right_arithmetic3A_1810 = arith.constant 1 : i32
      %shift_right_arithmetic3A_1811 = vector.broadcast %shift_right_arithmetic3A_1810 : i32 to vector<16x20x1xi32>
      %shift_right_arithmetic3A_1812 = arith.shrsi %select_n3A_1777, %shift_right_arithmetic3A_1811 : vector<16x20x1xi32>
      %shift_right_arithmetic3A_1813 = arith.constant 1 : i32
      %shift_right_arithmetic3A_1814 = vector.broadcast %shift_right_arithmetic3A_1813 : i32 to vector<16x20x1xi32>
      %shift_right_arithmetic3A_1815 = arith.shrsi %select_n3A_1773, %shift_right_arithmetic3A_1814 : vector<16x20x1xi32>
      %add3A_1816 = arith.addi %shift_right_arithmetic3A_1812, %shift_right_arithmetic3A_1815 : vector<16x20x1xi32>
      %and3A_1817 = arith.andi %select_n3A_1777, %select_n3A_1773 : vector<16x20x1xi32>
      %and3A_1818 = arith.constant 1 : i32
      %and3A_1819 = vector.broadcast %and3A_1818 : i32 to vector<16x20x1xi32>
      %and3A_1820 = arith.andi %and3A_1817, %and3A_1819 : vector<16x20x1xi32>
      %add3A_1821 = arith.addi %add3A_1816, %and3A_1820 : vector<16x20x1xi32>
      %gt3A_1822 = vector.broadcast %add3A_1821 : vector<16x20x1xi32> to vector<16x20x512xi32>
      %gt3A_1823 = arith.cmpi sgt, %select_n3A, %gt3A_1822 : vector<16x20x512xi32>
      %convert_element_type3A_1824 = arith.extui %gt3A_1823 : vector<16x20x512xi1> to vector<16x20x512xi32>
      %reduce_sum3A_1825 = arith.constant dense<0> : vector<16x20xi32>
      %reduce_sum3A_1826 = vector.multi_reduction <add>, %convert_element_type3A_1824, %reduce_sum3A_1825 [2] : vector<16x20x512xi32> to vector<16x20xi32>
      %broadcast_in_dim3A_1827 = vector.shape_cast %reduce_sum3A_1826 : vector<16x20xi32> to vector<16x20x1xi32>
      %le3A_1828 = arith.constant 63 : i32
      %le3A_1829 = vector.broadcast %le3A_1828 : i32 to vector<16x20x1xi32>
      %le3A_1830 = arith.cmpi sle, %broadcast_in_dim3A_1827, %le3A_1829 : vector<16x20x1xi32>
      %select_n3A_1831 = arith.select %le3A_1830, %add3A_1821, %select_n3A_1773 : vector<16x20x1xi1>, vector<16x20x1xi32>
      %add3A_1832 = arith.constant 1 : i32
      %add3A_1833 = vector.broadcast %add3A_1832 : i32 to vector<16x20x1xi32>
      %add3A_1834 = arith.addi %add3A_1821, %add3A_1833 : vector<16x20x1xi32>
      %select_n3A_1835 = arith.select %le3A_1830, %select_n3A_1777, %add3A_1834 : vector<16x20x1xi1>, vector<16x20x1xi32>
      %reduce_max3A_1836 = arith.constant dense<0xFF800000> : vector<16xf32>
      %reduce_max3A_1837 = vector.multi_reduction <maximumf>, %select_n3A_1804, %reduce_max3A_1836 [1] : vector<16x512xf32> to vector<16xf32>
      %broadcast_in_dim3A_1838 = vector.shape_cast %reduce_max3A_1837 : vector<16xf32> to vector<16x1xf32>
      %reduce_max3A_1839 = arith.constant dense<0xFF800000> : vector<16xf32>
      %reduce_max3A_1840 = vector.multi_reduction <maximumf>, %select_n3A_1809, %reduce_max3A_1839 [1] : vector<16x512xf32> to vector<16xf32>
      %broadcast_in_dim3A_1841 = vector.shape_cast %reduce_max3A_1840 : vector<16xf32> to vector<16x1xf32>
      %eq3A_1842 = vector.broadcast %broadcast_in_dim3A_1838 : vector<16x1xf32> to vector<16x512xf32>
      %eq3A_1843 = arith.cmpf oeq, %select_n3A_1804, %eq3A_1842 : vector<16x512xf32>
      %jit3A_1844 = arith.constant 1073741824 : i32
      %broadcast_in_dim3A_1845 = vector.broadcast %jit3A_1844 : i32 to vector<16x512xi32>
      %select_n3A_1846 = arith.select %eq3A_1843, %iota3A, %broadcast_in_dim3A_1845 : vector<16x512xi1>, vector<16x512xi32>
      %reduce_min3A_1847 = arith.constant dense<2147483647> : vector<16xi32>
      %reduce_min3A_1848 = vector.multi_reduction <minsi>, %select_n3A_1846, %reduce_min3A_1847 [1] : vector<16x512xi32> to vector<16xi32>
      %broadcast_in_dim3A_1849 = vector.shape_cast %reduce_min3A_1848 : vector<16xi32> to vector<16x1xi32>
      %eq3A_1850 = vector.broadcast %broadcast_in_dim3A_1841 : vector<16x1xf32> to vector<16x512xf32>
      %eq3A_1851 = arith.cmpf oeq, %select_n3A_1809, %eq3A_1850 : vector<16x512xf32>
      %jit3A_1852 = arith.constant 1073741824 : i32
      %broadcast_in_dim3A_1853 = vector.broadcast %jit3A_1852 : i32 to vector<16x512xi32>
      %select_n3A_1854 = arith.select %eq3A_1851, %iota3A, %broadcast_in_dim3A_1853 : vector<16x512xi1>, vector<16x512xi32>
      %reduce_min3A_1855 = arith.constant dense<2147483647> : vector<16xi32>
      %reduce_min3A_1856 = vector.multi_reduction <minsi>, %select_n3A_1854, %reduce_min3A_1855 [1] : vector<16x512xi32> to vector<16xi32>
      %broadcast_in_dim3A_1857 = vector.shape_cast %reduce_min3A_1856 : vector<16xi32> to vector<16x1xi32>
      %eq3A_1858 = vector.broadcast %broadcast_in_dim3A_1849 : vector<16x1xi32> to vector<16x512xi32>
      %eq3A_1859 = arith.cmpi eq, %iota3A, %eq3A_1858 : vector<16x512xi32>
      %jit3A_1860 = arith.constant 0xFF800000 : f32
      %broadcast_in_dim3A_1861 = vector.broadcast %jit3A_1860 : f32 to vector<16x512xf32>
      %select_n3A_1862 = arith.select %eq3A_1859, %broadcast_in_dim3A_1861, %select_n3A_1804 : vector<16x512xi1>, vector<16x512xf32>
      %eq3A_1863 = vector.broadcast %broadcast_in_dim3A_1857 : vector<16x1xi32> to vector<16x512xi32>
      %eq3A_1864 = arith.cmpi eq, %iota3A, %eq3A_1863 : vector<16x512xi32>
      %jit3A_1865 = arith.constant 0xFF800000 : f32
      %broadcast_in_dim3A_1866 = vector.broadcast %jit3A_1865 : f32 to vector<16x512xf32>
      %select_n3A_1867 = arith.select %eq3A_1864, %broadcast_in_dim3A_1866, %select_n3A_1809 : vector<16x512xi1>, vector<16x512xf32>
      %shift_right_arithmetic3A_1868 = arith.constant 1 : i32
      %shift_right_arithmetic3A_1869 = vector.broadcast %shift_right_arithmetic3A_1868 : i32 to vector<16x20x1xi32>
      %shift_right_arithmetic3A_1870 = arith.shrsi %select_n3A_1835, %shift_right_arithmetic3A_1869 : vector<16x20x1xi32>
      %shift_right_arithmetic3A_1871 = arith.constant 1 : i32
      %shift_right_arithmetic3A_1872 = vector.broadcast %shift_right_arithmetic3A_1871 : i32 to vector<16x20x1xi32>
      %shift_right_arithmetic3A_1873 = arith.shrsi %select_n3A_1831, %shift_right_arithmetic3A_1872 : vector<16x20x1xi32>
      %add3A_1874 = arith.addi %shift_right_arithmetic3A_1870, %shift_right_arithmetic3A_1873 : vector<16x20x1xi32>
      %and3A_1875 = arith.andi %select_n3A_1835, %select_n3A_1831 : vector<16x20x1xi32>
      %and3A_1876 = arith.constant 1 : i32
      %and3A_1877 = vector.broadcast %and3A_1876 : i32 to vector<16x20x1xi32>
      %and3A_1878 = arith.andi %and3A_1875, %and3A_1877 : vector<16x20x1xi32>
      %add3A_1879 = arith.addi %add3A_1874, %and3A_1878 : vector<16x20x1xi32>
      %gt3A_1880 = vector.broadcast %add3A_1879 : vector<16x20x1xi32> to vector<16x20x512xi32>
      %gt3A_1881 = arith.cmpi sgt, %select_n3A, %gt3A_1880 : vector<16x20x512xi32>
      %convert_element_type3A_1882 = arith.extui %gt3A_1881 : vector<16x20x512xi1> to vector<16x20x512xi32>
      %reduce_sum3A_1883 = arith.constant dense<0> : vector<16x20xi32>
      %reduce_sum3A_1884 = vector.multi_reduction <add>, %convert_element_type3A_1882, %reduce_sum3A_1883 [2] : vector<16x20x512xi32> to vector<16x20xi32>
      %broadcast_in_dim3A_1885 = vector.shape_cast %reduce_sum3A_1884 : vector<16x20xi32> to vector<16x20x1xi32>
      %le3A_1886 = arith.constant 63 : i32
      %le3A_1887 = vector.broadcast %le3A_1886 : i32 to vector<16x20x1xi32>
      %le3A_1888 = arith.cmpi sle, %broadcast_in_dim3A_1885, %le3A_1887 : vector<16x20x1xi32>
      %select_n3A_1889 = arith.select %le3A_1888, %add3A_1879, %select_n3A_1831 : vector<16x20x1xi1>, vector<16x20x1xi32>
      %add3A_1890 = arith.constant 1 : i32
      %add3A_1891 = vector.broadcast %add3A_1890 : i32 to vector<16x20x1xi32>
      %add3A_1892 = arith.addi %add3A_1879, %add3A_1891 : vector<16x20x1xi32>
      %select_n3A_1893 = arith.select %le3A_1888, %select_n3A_1835, %add3A_1892 : vector<16x20x1xi1>, vector<16x20x1xi32>
      %reduce_max3A_1894 = arith.constant dense<0xFF800000> : vector<16xf32>
      %reduce_max3A_1895 = vector.multi_reduction <maximumf>, %select_n3A_1862, %reduce_max3A_1894 [1] : vector<16x512xf32> to vector<16xf32>
      %broadcast_in_dim3A_1896 = vector.shape_cast %reduce_max3A_1895 : vector<16xf32> to vector<16x1xf32>
      %reduce_max3A_1897 = arith.constant dense<0xFF800000> : vector<16xf32>
      %reduce_max3A_1898 = vector.multi_reduction <maximumf>, %select_n3A_1867, %reduce_max3A_1897 [1] : vector<16x512xf32> to vector<16xf32>
      %broadcast_in_dim3A_1899 = vector.shape_cast %reduce_max3A_1898 : vector<16xf32> to vector<16x1xf32>
      %eq3A_1900 = vector.broadcast %broadcast_in_dim3A_1896 : vector<16x1xf32> to vector<16x512xf32>
      %eq3A_1901 = arith.cmpf oeq, %select_n3A_1862, %eq3A_1900 : vector<16x512xf32>
      %jit3A_1902 = arith.constant 1073741824 : i32
      %broadcast_in_dim3A_1903 = vector.broadcast %jit3A_1902 : i32 to vector<16x512xi32>
      %select_n3A_1904 = arith.select %eq3A_1901, %iota3A, %broadcast_in_dim3A_1903 : vector<16x512xi1>, vector<16x512xi32>
      %reduce_min3A_1905 = arith.constant dense<2147483647> : vector<16xi32>
      %reduce_min3A_1906 = vector.multi_reduction <minsi>, %select_n3A_1904, %reduce_min3A_1905 [1] : vector<16x512xi32> to vector<16xi32>
      %broadcast_in_dim3A_1907 = vector.shape_cast %reduce_min3A_1906 : vector<16xi32> to vector<16x1xi32>
      %eq3A_1908 = vector.broadcast %broadcast_in_dim3A_1899 : vector<16x1xf32> to vector<16x512xf32>
      %eq3A_1909 = arith.cmpf oeq, %select_n3A_1867, %eq3A_1908 : vector<16x512xf32>
      %jit3A_1910 = arith.constant 1073741824 : i32
      %broadcast_in_dim3A_1911 = vector.broadcast %jit3A_1910 : i32 to vector<16x512xi32>
      %select_n3A_1912 = arith.select %eq3A_1909, %iota3A, %broadcast_in_dim3A_1911 : vector<16x512xi1>, vector<16x512xi32>
      %reduce_min3A_1913 = arith.constant dense<2147483647> : vector<16xi32>
      %reduce_min3A_1914 = vector.multi_reduction <minsi>, %select_n3A_1912, %reduce_min3A_1913 [1] : vector<16x512xi32> to vector<16xi32>
      %broadcast_in_dim3A_1915 = vector.shape_cast %reduce_min3A_1914 : vector<16xi32> to vector<16x1xi32>
      %eq3A_1916 = vector.broadcast %broadcast_in_dim3A_1907 : vector<16x1xi32> to vector<16x512xi32>
      %eq3A_1917 = arith.cmpi eq, %iota3A, %eq3A_1916 : vector<16x512xi32>
      %jit3A_1918 = arith.constant 0xFF800000 : f32
      %broadcast_in_dim3A_1919 = vector.broadcast %jit3A_1918 : f32 to vector<16x512xf32>
      %select_n3A_1920 = arith.select %eq3A_1917, %broadcast_in_dim3A_1919, %select_n3A_1862 : vector<16x512xi1>, vector<16x512xf32>
      %eq3A_1921 = vector.broadcast %broadcast_in_dim3A_1915 : vector<16x1xi32> to vector<16x512xi32>
      %eq3A_1922 = arith.cmpi eq, %iota3A, %eq3A_1921 : vector<16x512xi32>
      %jit3A_1923 = arith.constant 0xFF800000 : f32
      %broadcast_in_dim3A_1924 = vector.broadcast %jit3A_1923 : f32 to vector<16x512xf32>
      %select_n3A_1925 = arith.select %eq3A_1922, %broadcast_in_dim3A_1924, %select_n3A_1867 : vector<16x512xi1>, vector<16x512xf32>
      %shift_right_arithmetic3A_1926 = arith.constant 1 : i32
      %shift_right_arithmetic3A_1927 = vector.broadcast %shift_right_arithmetic3A_1926 : i32 to vector<16x20x1xi32>
      %shift_right_arithmetic3A_1928 = arith.shrsi %select_n3A_1893, %shift_right_arithmetic3A_1927 : vector<16x20x1xi32>
      %shift_right_arithmetic3A_1929 = arith.constant 1 : i32
      %shift_right_arithmetic3A_1930 = vector.broadcast %shift_right_arithmetic3A_1929 : i32 to vector<16x20x1xi32>
      %shift_right_arithmetic3A_1931 = arith.shrsi %select_n3A_1889, %shift_right_arithmetic3A_1930 : vector<16x20x1xi32>
      %add3A_1932 = arith.addi %shift_right_arithmetic3A_1928, %shift_right_arithmetic3A_1931 : vector<16x20x1xi32>
      %and3A_1933 = arith.andi %select_n3A_1893, %select_n3A_1889 : vector<16x20x1xi32>
      %and3A_1934 = arith.constant 1 : i32
      %and3A_1935 = vector.broadcast %and3A_1934 : i32 to vector<16x20x1xi32>
      %and3A_1936 = arith.andi %and3A_1933, %and3A_1935 : vector<16x20x1xi32>
      %add3A_1937 = arith.addi %add3A_1932, %and3A_1936 : vector<16x20x1xi32>
      %gt3A_1938 = vector.broadcast %add3A_1937 : vector<16x20x1xi32> to vector<16x20x512xi32>
      %gt3A_1939 = arith.cmpi sgt, %select_n3A, %gt3A_1938 : vector<16x20x512xi32>
      %convert_element_type3A_1940 = arith.extui %gt3A_1939 : vector<16x20x512xi1> to vector<16x20x512xi32>
      %reduce_sum3A_1941 = arith.constant dense<0> : vector<16x20xi32>
      %reduce_sum3A_1942 = vector.multi_reduction <add>, %convert_element_type3A_1940, %reduce_sum3A_1941 [2] : vector<16x20x512xi32> to vector<16x20xi32>
      %broadcast_in_dim3A_1943 = vector.shape_cast %reduce_sum3A_1942 : vector<16x20xi32> to vector<16x20x1xi32>
      %le3A_1944 = arith.constant 63 : i32
      %le3A_1945 = vector.broadcast %le3A_1944 : i32 to vector<16x20x1xi32>
      %le3A_1946 = arith.cmpi sle, %broadcast_in_dim3A_1943, %le3A_1945 : vector<16x20x1xi32>
      %add3A_1947 = arith.constant 1 : i32
      %add3A_1948 = vector.broadcast %add3A_1947 : i32 to vector<16x20x1xi32>
      %add3A_1949 = arith.addi %add3A_1937, %add3A_1948 : vector<16x20x1xi32>
      %select_n3A_1950 = arith.select %le3A_1946, %select_n3A_1893, %add3A_1949 : vector<16x20x1xi1>, vector<16x20x1xi32>
      %reduce_max3A_1951 = arith.constant dense<0xFF800000> : vector<16xf32>
      %reduce_max3A_1952 = vector.multi_reduction <maximumf>, %select_n3A_1920, %reduce_max3A_1951 [1] : vector<16x512xf32> to vector<16xf32>
      %broadcast_in_dim3A_1953 = vector.shape_cast %reduce_max3A_1952 : vector<16xf32> to vector<16x1xf32>
      %reduce_max3A_1954 = arith.constant dense<0xFF800000> : vector<16xf32>
      %reduce_max3A_1955 = vector.multi_reduction <maximumf>, %select_n3A_1925, %reduce_max3A_1954 [1] : vector<16x512xf32> to vector<16xf32>
      %broadcast_in_dim3A_1956 = vector.shape_cast %reduce_max3A_1955 : vector<16xf32> to vector<16x1xf32>
      %eq3A_1957 = vector.broadcast %broadcast_in_dim3A_1953 : vector<16x1xf32> to vector<16x512xf32>
      %eq3A_1958 = arith.cmpf oeq, %select_n3A_1920, %eq3A_1957 : vector<16x512xf32>
      %jit3A_1959 = arith.constant 1073741824 : i32
      %broadcast_in_dim3A_1960 = vector.broadcast %jit3A_1959 : i32 to vector<16x512xi32>
      %select_n3A_1961 = arith.select %eq3A_1958, %iota3A, %broadcast_in_dim3A_1960 : vector<16x512xi1>, vector<16x512xi32>
      %reduce_min3A_1962 = arith.constant dense<2147483647> : vector<16xi32>
      %reduce_min3A_1963 = vector.multi_reduction <minsi>, %select_n3A_1961, %reduce_min3A_1962 [1] : vector<16x512xi32> to vector<16xi32>
      %broadcast_in_dim3A_1964 = vector.shape_cast %reduce_min3A_1963 : vector<16xi32> to vector<16x1xi32>
      %eq3A_1965 = vector.broadcast %broadcast_in_dim3A_1956 : vector<16x1xf32> to vector<16x512xf32>
      %eq3A_1966 = arith.cmpf oeq, %select_n3A_1925, %eq3A_1965 : vector<16x512xf32>
      %jit3A_1967 = arith.constant 1073741824 : i32
      %broadcast_in_dim3A_1968 = vector.broadcast %jit3A_1967 : i32 to vector<16x512xi32>
      %select_n3A_1969 = arith.select %eq3A_1966, %iota3A, %broadcast_in_dim3A_1968 : vector<16x512xi1>, vector<16x512xi32>
      %reduce_min3A_1970 = arith.constant dense<2147483647> : vector<16xi32>
      %reduce_min3A_1971 = vector.multi_reduction <minsi>, %select_n3A_1969, %reduce_min3A_1970 [1] : vector<16x512xi32> to vector<16xi32>
      %broadcast_in_dim3A_1972 = vector.shape_cast %reduce_min3A_1971 : vector<16xi32> to vector<16x1xi32>
      %eq3A_1973 = vector.broadcast %broadcast_in_dim3A_1964 : vector<16x1xi32> to vector<16x512xi32>
      %eq3A_1974 = arith.cmpi eq, %iota3A, %eq3A_1973 : vector<16x512xi32>
      %jit3A_1975 = arith.constant 0xFF800000 : f32
      %broadcast_in_dim3A_1976 = vector.broadcast %jit3A_1975 : f32 to vector<16x512xf32>
      %select_n3A_1977 = arith.select %eq3A_1974, %broadcast_in_dim3A_1976, %select_n3A_1920 : vector<16x512xi1>, vector<16x512xf32>
      %eq3A_1978 = vector.broadcast %broadcast_in_dim3A_1972 : vector<16x1xi32> to vector<16x512xi32>
      %eq3A_1979 = arith.cmpi eq, %iota3A, %eq3A_1978 : vector<16x512xi32>
      %jit3A_1980 = arith.constant 0xFF800000 : f32
      %broadcast_in_dim3A_1981 = vector.broadcast %jit3A_1980 : f32 to vector<16x512xf32>
      %select_n3A_1982 = arith.select %eq3A_1979, %broadcast_in_dim3A_1981, %select_n3A_1925 : vector<16x512xi1>, vector<16x512xf32>
      %reduce_max3A_1983 = arith.constant dense<0xFF800000> : vector<16xf32>
      %reduce_max3A_1984 = vector.multi_reduction <maximumf>, %select_n3A_1977, %reduce_max3A_1983 [1] : vector<16x512xf32> to vector<16xf32>
      %broadcast_in_dim3A_1985 = vector.shape_cast %reduce_max3A_1984 : vector<16xf32> to vector<16x1xf32>
      %reduce_max3A_1986 = arith.constant dense<0xFF800000> : vector<16xf32>
      %reduce_max3A_1987 = vector.multi_reduction <maximumf>, %select_n3A_1982, %reduce_max3A_1986 [1] : vector<16x512xf32> to vector<16xf32>
      %broadcast_in_dim3A_1988 = vector.shape_cast %reduce_max3A_1987 : vector<16xf32> to vector<16x1xf32>
      %eq3A_1989 = vector.broadcast %broadcast_in_dim3A_1985 : vector<16x1xf32> to vector<16x512xf32>
      %eq3A_1990 = arith.cmpf oeq, %select_n3A_1977, %eq3A_1989 : vector<16x512xf32>
      %jit3A_1991 = arith.constant 1073741824 : i32
      %broadcast_in_dim3A_1992 = vector.broadcast %jit3A_1991 : i32 to vector<16x512xi32>
      %select_n3A_1993 = arith.select %eq3A_1990, %iota3A, %broadcast_in_dim3A_1992 : vector<16x512xi1>, vector<16x512xi32>
      %reduce_min3A_1994 = arith.constant dense<2147483647> : vector<16xi32>
      %reduce_min3A_1995 = vector.multi_reduction <minsi>, %select_n3A_1993, %reduce_min3A_1994 [1] : vector<16x512xi32> to vector<16xi32>
      %broadcast_in_dim3A_1996 = vector.shape_cast %reduce_min3A_1995 : vector<16xi32> to vector<16x1xi32>
      %eq3A_1997 = vector.broadcast %broadcast_in_dim3A_1988 : vector<16x1xf32> to vector<16x512xf32>
      %eq3A_1998 = arith.cmpf oeq, %select_n3A_1982, %eq3A_1997 : vector<16x512xf32>
      %jit3A_1999 = arith.constant 1073741824 : i32
      %broadcast_in_dim3A_2000 = vector.broadcast %jit3A_1999 : i32 to vector<16x512xi32>
      %select_n3A_2001 = arith.select %eq3A_1998, %iota3A, %broadcast_in_dim3A_2000 : vector<16x512xi1>, vector<16x512xi32>
      %reduce_min3A_2002 = arith.constant dense<2147483647> : vector<16xi32>
      %reduce_min3A_2003 = vector.multi_reduction <minsi>, %select_n3A_2001, %reduce_min3A_2002 [1] : vector<16x512xi32> to vector<16xi32>
      %broadcast_in_dim3A_2004 = vector.shape_cast %reduce_min3A_2003 : vector<16xi32> to vector<16x1xi32>
      %eq3A_2005 = vector.broadcast %broadcast_in_dim3A_1996 : vector<16x1xi32> to vector<16x512xi32>
      %eq3A_2006 = arith.cmpi eq, %iota3A, %eq3A_2005 : vector<16x512xi32>
      %jit3A_2007 = arith.constant 0xFF800000 : f32
      %broadcast_in_dim3A_2008 = vector.broadcast %jit3A_2007 : f32 to vector<16x512xf32>
      %select_n3A_2009 = arith.select %eq3A_2006, %broadcast_in_dim3A_2008, %select_n3A_1977 : vector<16x512xi1>, vector<16x512xf32>
      %eq3A_2010 = vector.broadcast %broadcast_in_dim3A_2004 : vector<16x1xi32> to vector<16x512xi32>
      %eq3A_2011 = arith.cmpi eq, %iota3A, %eq3A_2010 : vector<16x512xi32>
      %jit3A_2012 = arith.constant 0xFF800000 : f32
      %broadcast_in_dim3A_2013 = vector.broadcast %jit3A_2012 : f32 to vector<16x512xf32>
      %select_n3A_2014 = arith.select %eq3A_2011, %broadcast_in_dim3A_2013, %select_n3A_1982 : vector<16x512xi1>, vector<16x512xf32>
      %reduce_max3A_2015 = arith.constant dense<0xFF800000> : vector<16xf32>
      %reduce_max3A_2016 = vector.multi_reduction <maximumf>, %select_n3A_2009, %reduce_max3A_2015 [1] : vector<16x512xf32> to vector<16xf32>
      %broadcast_in_dim3A_2017 = vector.shape_cast %reduce_max3A_2016 : vector<16xf32> to vector<16x1xf32>
      %reduce_max3A_2018 = arith.constant dense<0xFF800000> : vector<16xf32>
      %reduce_max3A_2019 = vector.multi_reduction <maximumf>, %select_n3A_2014, %reduce_max3A_2018 [1] : vector<16x512xf32> to vector<16xf32>
      %broadcast_in_dim3A_2020 = vector.shape_cast %reduce_max3A_2019 : vector<16xf32> to vector<16x1xf32>
      %eq3A_2021 = vector.broadcast %broadcast_in_dim3A_2017 : vector<16x1xf32> to vector<16x512xf32>
      %eq3A_2022 = arith.cmpf oeq, %select_n3A_2009, %eq3A_2021 : vector<16x512xf32>
      %jit3A_2023 = arith.constant 1073741824 : i32
      %broadcast_in_dim3A_2024 = vector.broadcast %jit3A_2023 : i32 to vector<16x512xi32>
      %select_n3A_2025 = arith.select %eq3A_2022, %iota3A, %broadcast_in_dim3A_2024 : vector<16x512xi1>, vector<16x512xi32>
      %reduce_min3A_2026 = arith.constant dense<2147483647> : vector<16xi32>
      %reduce_min3A_2027 = vector.multi_reduction <minsi>, %select_n3A_2025, %reduce_min3A_2026 [1] : vector<16x512xi32> to vector<16xi32>
      %broadcast_in_dim3A_2028 = vector.shape_cast %reduce_min3A_2027 : vector<16xi32> to vector<16x1xi32>
      %eq3A_2029 = vector.broadcast %broadcast_in_dim3A_2020 : vector<16x1xf32> to vector<16x512xf32>
      %eq3A_2030 = arith.cmpf oeq, %select_n3A_2014, %eq3A_2029 : vector<16x512xf32>
      %jit3A_2031 = arith.constant 1073741824 : i32
      %broadcast_in_dim3A_2032 = vector.broadcast %jit3A_2031 : i32 to vector<16x512xi32>
      %select_n3A_2033 = arith.select %eq3A_2030, %iota3A, %broadcast_in_dim3A_2032 : vector<16x512xi1>, vector<16x512xi32>
      %reduce_min3A_2034 = arith.constant dense<2147483647> : vector<16xi32>
      %reduce_min3A_2035 = vector.multi_reduction <minsi>, %select_n3A_2033, %reduce_min3A_2034 [1] : vector<16x512xi32> to vector<16xi32>
      %broadcast_in_dim3A_2036 = vector.shape_cast %reduce_min3A_2035 : vector<16xi32> to vector<16x1xi32>
      %eq3A_2037 = vector.broadcast %broadcast_in_dim3A_2028 : vector<16x1xi32> to vector<16x512xi32>
      %eq3A_2038 = arith.cmpi eq, %iota3A, %eq3A_2037 : vector<16x512xi32>
      %jit3A_2039 = arith.constant 0xFF800000 : f32
      %broadcast_in_dim3A_2040 = vector.broadcast %jit3A_2039 : f32 to vector<16x512xf32>
      %select_n3A_2041 = arith.select %eq3A_2038, %broadcast_in_dim3A_2040, %select_n3A_2009 : vector<16x512xi1>, vector<16x512xf32>
      %eq3A_2042 = vector.broadcast %broadcast_in_dim3A_2036 : vector<16x1xi32> to vector<16x512xi32>
      %eq3A_2043 = arith.cmpi eq, %iota3A, %eq3A_2042 : vector<16x512xi32>
      %jit3A_2044 = arith.constant 0xFF800000 : f32
      %broadcast_in_dim3A_2045 = vector.broadcast %jit3A_2044 : f32 to vector<16x512xf32>
      %select_n3A_2046 = arith.select %eq3A_2043, %broadcast_in_dim3A_2045, %select_n3A_2014 : vector<16x512xi1>, vector<16x512xf32>
      %reduce_max3A_2047 = arith.constant dense<0xFF800000> : vector<16xf32>
      %reduce_max3A_2048 = vector.multi_reduction <maximumf>, %select_n3A_2041, %reduce_max3A_2047 [1] : vector<16x512xf32> to vector<16xf32>
      %broadcast_in_dim3A_2049 = vector.shape_cast %reduce_max3A_2048 : vector<16xf32> to vector<16x1xf32>
      %reduce_max3A_2050 = arith.constant dense<0xFF800000> : vector<16xf32>
      %reduce_max3A_2051 = vector.multi_reduction <maximumf>, %select_n3A_2046, %reduce_max3A_2050 [1] : vector<16x512xf32> to vector<16xf32>
      %broadcast_in_dim3A_2052 = vector.shape_cast %reduce_max3A_2051 : vector<16xf32> to vector<16x1xf32>
      %eq3A_2053 = vector.broadcast %broadcast_in_dim3A_2049 : vector<16x1xf32> to vector<16x512xf32>
      %eq3A_2054 = arith.cmpf oeq, %select_n3A_2041, %eq3A_2053 : vector<16x512xf32>
      %jit3A_2055 = arith.constant 1073741824 : i32
      %broadcast_in_dim3A_2056 = vector.broadcast %jit3A_2055 : i32 to vector<16x512xi32>
      %select_n3A_2057 = arith.select %eq3A_2054, %iota3A, %broadcast_in_dim3A_2056 : vector<16x512xi1>, vector<16x512xi32>
      %reduce_min3A_2058 = arith.constant dense<2147483647> : vector<16xi32>
      %reduce_min3A_2059 = vector.multi_reduction <minsi>, %select_n3A_2057, %reduce_min3A_2058 [1] : vector<16x512xi32> to vector<16xi32>
      %broadcast_in_dim3A_2060 = vector.shape_cast %reduce_min3A_2059 : vector<16xi32> to vector<16x1xi32>
      %eq3A_2061 = vector.broadcast %broadcast_in_dim3A_2052 : vector<16x1xf32> to vector<16x512xf32>
      %eq3A_2062 = arith.cmpf oeq, %select_n3A_2046, %eq3A_2061 : vector<16x512xf32>
      %jit3A_2063 = arith.constant 1073741824 : i32
      %broadcast_in_dim3A_2064 = vector.broadcast %jit3A_2063 : i32 to vector<16x512xi32>
      %select_n3A_2065 = arith.select %eq3A_2062, %iota3A, %broadcast_in_dim3A_2064 : vector<16x512xi1>, vector<16x512xi32>
      %reduce_min3A_2066 = arith.constant dense<2147483647> : vector<16xi32>
      %reduce_min3A_2067 = vector.multi_reduction <minsi>, %select_n3A_2065, %reduce_min3A_2066 [1] : vector<16x512xi32> to vector<16xi32>
      %broadcast_in_dim3A_2068 = vector.shape_cast %reduce_min3A_2067 : vector<16xi32> to vector<16x1xi32>
      %eq3A_2069 = vector.broadcast %broadcast_in_dim3A_2060 : vector<16x1xi32> to vector<16x512xi32>
      %eq3A_2070 = arith.cmpi eq, %iota3A, %eq3A_2069 : vector<16x512xi32>
      %jit3A_2071 = arith.constant 0xFF800000 : f32
      %broadcast_in_dim3A_2072 = vector.broadcast %jit3A_2071 : f32 to vector<16x512xf32>
      %select_n3A_2073 = arith.select %eq3A_2070, %broadcast_in_dim3A_2072, %select_n3A_2041 : vector<16x512xi1>, vector<16x512xf32>
      %eq3A_2074 = vector.broadcast %broadcast_in_dim3A_2068 : vector<16x1xi32> to vector<16x512xi32>
      %eq3A_2075 = arith.cmpi eq, %iota3A, %eq3A_2074 : vector<16x512xi32>
      %jit3A_2076 = arith.constant 0xFF800000 : f32
      %broadcast_in_dim3A_2077 = vector.broadcast %jit3A_2076 : f32 to vector<16x512xf32>
      %select_n3A_2078 = arith.select %eq3A_2075, %broadcast_in_dim3A_2077, %select_n3A_2046 : vector<16x512xi1>, vector<16x512xf32>
      %reduce_max3A_2079 = arith.constant dense<0xFF800000> : vector<16xf32>
      %reduce_max3A_2080 = vector.multi_reduction <maximumf>, %select_n3A_2073, %reduce_max3A_2079 [1] : vector<16x512xf32> to vector<16xf32>
      %broadcast_in_dim3A_2081 = vector.shape_cast %reduce_max3A_2080 : vector<16xf32> to vector<16x1xf32>
      %reduce_max3A_2082 = arith.constant dense<0xFF800000> : vector<16xf32>
      %reduce_max3A_2083 = vector.multi_reduction <maximumf>, %select_n3A_2078, %reduce_max3A_2082 [1] : vector<16x512xf32> to vector<16xf32>
      %broadcast_in_dim3A_2084 = vector.shape_cast %reduce_max3A_2083 : vector<16xf32> to vector<16x1xf32>
      %eq3A_2085 = vector.broadcast %broadcast_in_dim3A_2081 : vector<16x1xf32> to vector<16x512xf32>
      %eq3A_2086 = arith.cmpf oeq, %select_n3A_2073, %eq3A_2085 : vector<16x512xf32>
      %jit3A_2087 = arith.constant 1073741824 : i32
      %broadcast_in_dim3A_2088 = vector.broadcast %jit3A_2087 : i32 to vector<16x512xi32>
      %select_n3A_2089 = arith.select %eq3A_2086, %iota3A, %broadcast_in_dim3A_2088 : vector<16x512xi1>, vector<16x512xi32>
      %reduce_min3A_2090 = arith.constant dense<2147483647> : vector<16xi32>
      %reduce_min3A_2091 = vector.multi_reduction <minsi>, %select_n3A_2089, %reduce_min3A_2090 [1] : vector<16x512xi32> to vector<16xi32>
      %broadcast_in_dim3A_2092 = vector.shape_cast %reduce_min3A_2091 : vector<16xi32> to vector<16x1xi32>
      %eq3A_2093 = vector.broadcast %broadcast_in_dim3A_2084 : vector<16x1xf32> to vector<16x512xf32>
      %eq3A_2094 = arith.cmpf oeq, %select_n3A_2078, %eq3A_2093 : vector<16x512xf32>
      %jit3A_2095 = arith.constant 1073741824 : i32
      %broadcast_in_dim3A_2096 = vector.broadcast %jit3A_2095 : i32 to vector<16x512xi32>
      %select_n3A_2097 = arith.select %eq3A_2094, %iota3A, %broadcast_in_dim3A_2096 : vector<16x512xi1>, vector<16x512xi32>
      %reduce_min3A_2098 = arith.constant dense<2147483647> : vector<16xi32>
      %reduce_min3A_2099 = vector.multi_reduction <minsi>, %select_n3A_2097, %reduce_min3A_2098 [1] : vector<16x512xi32> to vector<16xi32>
      %broadcast_in_dim3A_2100 = vector.shape_cast %reduce_min3A_2099 : vector<16xi32> to vector<16x1xi32>
      %eq3A_2101 = vector.broadcast %broadcast_in_dim3A_2092 : vector<16x1xi32> to vector<16x512xi32>
      %eq3A_2102 = arith.cmpi eq, %iota3A, %eq3A_2101 : vector<16x512xi32>
      %jit3A_2103 = arith.constant 0xFF800000 : f32
      %broadcast_in_dim3A_2104 = vector.broadcast %jit3A_2103 : f32 to vector<16x512xf32>
      %select_n3A_2105 = arith.select %eq3A_2102, %broadcast_in_dim3A_2104, %select_n3A_2073 : vector<16x512xi1>, vector<16x512xf32>
      %eq3A_2106 = vector.broadcast %broadcast_in_dim3A_2100 : vector<16x1xi32> to vector<16x512xi32>
      %eq3A_2107 = arith.cmpi eq, %iota3A, %eq3A_2106 : vector<16x512xi32>
      %jit3A_2108 = arith.constant 0xFF800000 : f32
      %broadcast_in_dim3A_2109 = vector.broadcast %jit3A_2108 : f32 to vector<16x512xf32>
      %select_n3A_2110 = arith.select %eq3A_2107, %broadcast_in_dim3A_2109, %select_n3A_2078 : vector<16x512xi1>, vector<16x512xf32>
      %reduce_max3A_2111 = arith.constant dense<0xFF800000> : vector<16xf32>
      %reduce_max3A_2112 = vector.multi_reduction <maximumf>, %select_n3A_2105, %reduce_max3A_2111 [1] : vector<16x512xf32> to vector<16xf32>
      %broadcast_in_dim3A_2113 = vector.shape_cast %reduce_max3A_2112 : vector<16xf32> to vector<16x1xf32>
      %reduce_max3A_2114 = arith.constant dense<0xFF800000> : vector<16xf32>
      %reduce_max3A_2115 = vector.multi_reduction <maximumf>, %select_n3A_2110, %reduce_max3A_2114 [1] : vector<16x512xf32> to vector<16xf32>
      %broadcast_in_dim3A_2116 = vector.shape_cast %reduce_max3A_2115 : vector<16xf32> to vector<16x1xf32>
      %eq3A_2117 = vector.broadcast %broadcast_in_dim3A_2113 : vector<16x1xf32> to vector<16x512xf32>
      %eq3A_2118 = arith.cmpf oeq, %select_n3A_2105, %eq3A_2117 : vector<16x512xf32>
      %jit3A_2119 = arith.constant 1073741824 : i32
      %broadcast_in_dim3A_2120 = vector.broadcast %jit3A_2119 : i32 to vector<16x512xi32>
      %select_n3A_2121 = arith.select %eq3A_2118, %iota3A, %broadcast_in_dim3A_2120 : vector<16x512xi1>, vector<16x512xi32>
      %reduce_min3A_2122 = arith.constant dense<2147483647> : vector<16xi32>
      %reduce_min3A_2123 = vector.multi_reduction <minsi>, %select_n3A_2121, %reduce_min3A_2122 [1] : vector<16x512xi32> to vector<16xi32>
      %broadcast_in_dim3A_2124 = vector.shape_cast %reduce_min3A_2123 : vector<16xi32> to vector<16x1xi32>
      %eq3A_2125 = vector.broadcast %broadcast_in_dim3A_2116 : vector<16x1xf32> to vector<16x512xf32>
      %eq3A_2126 = arith.cmpf oeq, %select_n3A_2110, %eq3A_2125 : vector<16x512xf32>
      %jit3A_2127 = arith.constant 1073741824 : i32
      %broadcast_in_dim3A_2128 = vector.broadcast %jit3A_2127 : i32 to vector<16x512xi32>
      %select_n3A_2129 = arith.select %eq3A_2126, %iota3A, %broadcast_in_dim3A_2128 : vector<16x512xi1>, vector<16x512xi32>
      %reduce_min3A_2130 = arith.constant dense<2147483647> : vector<16xi32>
      %reduce_min3A_2131 = vector.multi_reduction <minsi>, %select_n3A_2129, %reduce_min3A_2130 [1] : vector<16x512xi32> to vector<16xi32>
      %broadcast_in_dim3A_2132 = vector.shape_cast %reduce_min3A_2131 : vector<16xi32> to vector<16x1xi32>
      %eq3A_2133 = vector.broadcast %broadcast_in_dim3A_2124 : vector<16x1xi32> to vector<16x512xi32>
      %eq3A_2134 = arith.cmpi eq, %iota3A, %eq3A_2133 : vector<16x512xi32>
      %jit3A_2135 = arith.constant 0xFF800000 : f32
      %broadcast_in_dim3A_2136 = vector.broadcast %jit3A_2135 : f32 to vector<16x512xf32>
      %select_n3A_2137 = arith.select %eq3A_2134, %broadcast_in_dim3A_2136, %select_n3A_2105 : vector<16x512xi1>, vector<16x512xf32>
      %eq3A_2138 = vector.broadcast %broadcast_in_dim3A_2132 : vector<16x1xi32> to vector<16x512xi32>
      %eq3A_2139 = arith.cmpi eq, %iota3A, %eq3A_2138 : vector<16x512xi32>
      %jit3A_2140 = arith.constant 0xFF800000 : f32
      %broadcast_in_dim3A_2141 = vector.broadcast %jit3A_2140 : f32 to vector<16x512xf32>
      %select_n3A_2142 = arith.select %eq3A_2139, %broadcast_in_dim3A_2141, %select_n3A_2110 : vector<16x512xi1>, vector<16x512xf32>
      %reduce_max3A_2143 = arith.constant dense<0xFF800000> : vector<16xf32>
      %reduce_max3A_2144 = vector.multi_reduction <maximumf>, %select_n3A_2137, %reduce_max3A_2143 [1] : vector<16x512xf32> to vector<16xf32>
      %broadcast_in_dim3A_2145 = vector.shape_cast %reduce_max3A_2144 : vector<16xf32> to vector<16x1xf32>
      %reduce_max3A_2146 = arith.constant dense<0xFF800000> : vector<16xf32>
      %reduce_max3A_2147 = vector.multi_reduction <maximumf>, %select_n3A_2142, %reduce_max3A_2146 [1] : vector<16x512xf32> to vector<16xf32>
      %broadcast_in_dim3A_2148 = vector.shape_cast %reduce_max3A_2147 : vector<16xf32> to vector<16x1xf32>
      %eq3A_2149 = vector.broadcast %broadcast_in_dim3A_2145 : vector<16x1xf32> to vector<16x512xf32>
      %eq3A_2150 = arith.cmpf oeq, %select_n3A_2137, %eq3A_2149 : vector<16x512xf32>
      %jit3A_2151 = arith.constant 1073741824 : i32
      %broadcast_in_dim3A_2152 = vector.broadcast %jit3A_2151 : i32 to vector<16x512xi32>
      %select_n3A_2153 = arith.select %eq3A_2150, %iota3A, %broadcast_in_dim3A_2152 : vector<16x512xi1>, vector<16x512xi32>
      %reduce_min3A_2154 = arith.constant dense<2147483647> : vector<16xi32>
      %reduce_min3A_2155 = vector.multi_reduction <minsi>, %select_n3A_2153, %reduce_min3A_2154 [1] : vector<16x512xi32> to vector<16xi32>
      %broadcast_in_dim3A_2156 = vector.shape_cast %reduce_min3A_2155 : vector<16xi32> to vector<16x1xi32>
      %eq3A_2157 = vector.broadcast %broadcast_in_dim3A_2148 : vector<16x1xf32> to vector<16x512xf32>
      %eq3A_2158 = arith.cmpf oeq, %select_n3A_2142, %eq3A_2157 : vector<16x512xf32>
      %jit3A_2159 = arith.constant 1073741824 : i32
      %broadcast_in_dim3A_2160 = vector.broadcast %jit3A_2159 : i32 to vector<16x512xi32>
      %select_n3A_2161 = arith.select %eq3A_2158, %iota3A, %broadcast_in_dim3A_2160 : vector<16x512xi1>, vector<16x512xi32>
      %reduce_min3A_2162 = arith.constant dense<2147483647> : vector<16xi32>
      %reduce_min3A_2163 = vector.multi_reduction <minsi>, %select_n3A_2161, %reduce_min3A_2162 [1] : vector<16x512xi32> to vector<16xi32>
      %broadcast_in_dim3A_2164 = vector.shape_cast %reduce_min3A_2163 : vector<16xi32> to vector<16x1xi32>
      %eq3A_2165 = vector.broadcast %broadcast_in_dim3A_2156 : vector<16x1xi32> to vector<16x512xi32>
      %eq3A_2166 = arith.cmpi eq, %iota3A, %eq3A_2165 : vector<16x512xi32>
      %jit3A_2167 = arith.constant 0xFF800000 : f32
      %broadcast_in_dim3A_2168 = vector.broadcast %jit3A_2167 : f32 to vector<16x512xf32>
      %select_n3A_2169 = arith.select %eq3A_2166, %broadcast_in_dim3A_2168, %select_n3A_2137 : vector<16x512xi1>, vector<16x512xf32>
      %eq3A_2170 = vector.broadcast %broadcast_in_dim3A_2164 : vector<16x1xi32> to vector<16x512xi32>
      %eq3A_2171 = arith.cmpi eq, %iota3A, %eq3A_2170 : vector<16x512xi32>
      %jit3A_2172 = arith.constant 0xFF800000 : f32
      %broadcast_in_dim3A_2173 = vector.broadcast %jit3A_2172 : f32 to vector<16x512xf32>
      %select_n3A_2174 = arith.select %eq3A_2171, %broadcast_in_dim3A_2173, %select_n3A_2142 : vector<16x512xi1>, vector<16x512xf32>
      %reduce_max3A_2175 = arith.constant dense<0xFF800000> : vector<16xf32>
      %reduce_max3A_2176 = vector.multi_reduction <maximumf>, %select_n3A_2169, %reduce_max3A_2175 [1] : vector<16x512xf32> to vector<16xf32>
      %broadcast_in_dim3A_2177 = vector.shape_cast %reduce_max3A_2176 : vector<16xf32> to vector<16x1xf32>
      %reduce_max3A_2178 = arith.constant dense<0xFF800000> : vector<16xf32>
      %reduce_max3A_2179 = vector.multi_reduction <maximumf>, %select_n3A_2174, %reduce_max3A_2178 [1] : vector<16x512xf32> to vector<16xf32>
      %broadcast_in_dim3A_2180 = vector.shape_cast %reduce_max3A_2179 : vector<16xf32> to vector<16x1xf32>
      %eq3A_2181 = vector.broadcast %broadcast_in_dim3A_2177 : vector<16x1xf32> to vector<16x512xf32>
      %eq3A_2182 = arith.cmpf oeq, %select_n3A_2169, %eq3A_2181 : vector<16x512xf32>
      %jit3A_2183 = arith.constant 1073741824 : i32
      %broadcast_in_dim3A_2184 = vector.broadcast %jit3A_2183 : i32 to vector<16x512xi32>
      %select_n3A_2185 = arith.select %eq3A_2182, %iota3A, %broadcast_in_dim3A_2184 : vector<16x512xi1>, vector<16x512xi32>
      %reduce_min3A_2186 = arith.constant dense<2147483647> : vector<16xi32>
      %reduce_min3A_2187 = vector.multi_reduction <minsi>, %select_n3A_2185, %reduce_min3A_2186 [1] : vector<16x512xi32> to vector<16xi32>
      %broadcast_in_dim3A_2188 = vector.shape_cast %reduce_min3A_2187 : vector<16xi32> to vector<16x1xi32>
      %eq3A_2189 = vector.broadcast %broadcast_in_dim3A_2180 : vector<16x1xf32> to vector<16x512xf32>
      %eq3A_2190 = arith.cmpf oeq, %select_n3A_2174, %eq3A_2189 : vector<16x512xf32>
      %jit3A_2191 = arith.constant 1073741824 : i32
      %broadcast_in_dim3A_2192 = vector.broadcast %jit3A_2191 : i32 to vector<16x512xi32>
      %select_n3A_2193 = arith.select %eq3A_2190, %iota3A, %broadcast_in_dim3A_2192 : vector<16x512xi1>, vector<16x512xi32>
      %reduce_min3A_2194 = arith.constant dense<2147483647> : vector<16xi32>
      %reduce_min3A_2195 = vector.multi_reduction <minsi>, %select_n3A_2193, %reduce_min3A_2194 [1] : vector<16x512xi32> to vector<16xi32>
      %broadcast_in_dim3A_2196 = vector.shape_cast %reduce_min3A_2195 : vector<16xi32> to vector<16x1xi32>
      %eq3A_2197 = vector.broadcast %broadcast_in_dim3A_2188 : vector<16x1xi32> to vector<16x512xi32>
      %eq3A_2198 = arith.cmpi eq, %iota3A, %eq3A_2197 : vector<16x512xi32>
      %jit3A_2199 = arith.constant 0xFF800000 : f32
      %broadcast_in_dim3A_2200 = vector.broadcast %jit3A_2199 : f32 to vector<16x512xf32>
      %select_n3A_2201 = arith.select %eq3A_2198, %broadcast_in_dim3A_2200, %select_n3A_2169 : vector<16x512xi1>, vector<16x512xf32>
      %eq3A_2202 = vector.broadcast %broadcast_in_dim3A_2196 : vector<16x1xi32> to vector<16x512xi32>
      %eq3A_2203 = arith.cmpi eq, %iota3A, %eq3A_2202 : vector<16x512xi32>
      %jit3A_2204 = arith.constant 0xFF800000 : f32
      %broadcast_in_dim3A_2205 = vector.broadcast %jit3A_2204 : f32 to vector<16x512xf32>
      %select_n3A_2206 = arith.select %eq3A_2203, %broadcast_in_dim3A_2205, %select_n3A_2174 : vector<16x512xi1>, vector<16x512xf32>
      %reduce_max3A_2207 = arith.constant dense<0xFF800000> : vector<16xf32>
      %reduce_max3A_2208 = vector.multi_reduction <maximumf>, %select_n3A_2201, %reduce_max3A_2207 [1] : vector<16x512xf32> to vector<16xf32>
      %broadcast_in_dim3A_2209 = vector.shape_cast %reduce_max3A_2208 : vector<16xf32> to vector<16x1xf32>
      %reduce_max3A_2210 = arith.constant dense<0xFF800000> : vector<16xf32>
      %reduce_max3A_2211 = vector.multi_reduction <maximumf>, %select_n3A_2206, %reduce_max3A_2210 [1] : vector<16x512xf32> to vector<16xf32>
      %broadcast_in_dim3A_2212 = vector.shape_cast %reduce_max3A_2211 : vector<16xf32> to vector<16x1xf32>
      %eq3A_2213 = vector.broadcast %broadcast_in_dim3A_2209 : vector<16x1xf32> to vector<16x512xf32>
      %eq3A_2214 = arith.cmpf oeq, %select_n3A_2201, %eq3A_2213 : vector<16x512xf32>
      %jit3A_2215 = arith.constant 1073741824 : i32
      %broadcast_in_dim3A_2216 = vector.broadcast %jit3A_2215 : i32 to vector<16x512xi32>
      %select_n3A_2217 = arith.select %eq3A_2214, %iota3A, %broadcast_in_dim3A_2216 : vector<16x512xi1>, vector<16x512xi32>
      %reduce_min3A_2218 = arith.constant dense<2147483647> : vector<16xi32>
      %reduce_min3A_2219 = vector.multi_reduction <minsi>, %select_n3A_2217, %reduce_min3A_2218 [1] : vector<16x512xi32> to vector<16xi32>
      %broadcast_in_dim3A_2220 = vector.shape_cast %reduce_min3A_2219 : vector<16xi32> to vector<16x1xi32>
      %eq3A_2221 = vector.broadcast %broadcast_in_dim3A_2212 : vector<16x1xf32> to vector<16x512xf32>
      %eq3A_2222 = arith.cmpf oeq, %select_n3A_2206, %eq3A_2221 : vector<16x512xf32>
      %jit3A_2223 = arith.constant 1073741824 : i32
      %broadcast_in_dim3A_2224 = vector.broadcast %jit3A_2223 : i32 to vector<16x512xi32>
      %select_n3A_2225 = arith.select %eq3A_2222, %iota3A, %broadcast_in_dim3A_2224 : vector<16x512xi1>, vector<16x512xi32>
      %reduce_min3A_2226 = arith.constant dense<2147483647> : vector<16xi32>
      %reduce_min3A_2227 = vector.multi_reduction <minsi>, %select_n3A_2225, %reduce_min3A_2226 [1] : vector<16x512xi32> to vector<16xi32>
      %broadcast_in_dim3A_2228 = vector.shape_cast %reduce_min3A_2227 : vector<16xi32> to vector<16x1xi32>
      %eq3A_2229 = vector.broadcast %broadcast_in_dim3A_2220 : vector<16x1xi32> to vector<16x512xi32>
      %eq3A_2230 = arith.cmpi eq, %iota3A, %eq3A_2229 : vector<16x512xi32>
      %jit3A_2231 = arith.constant 0xFF800000 : f32
      %broadcast_in_dim3A_2232 = vector.broadcast %jit3A_2231 : f32 to vector<16x512xf32>
      %select_n3A_2233 = arith.select %eq3A_2230, %broadcast_in_dim3A_2232, %select_n3A_2201 : vector<16x512xi1>, vector<16x512xf32>
      %eq3A_2234 = vector.broadcast %broadcast_in_dim3A_2228 : vector<16x1xi32> to vector<16x512xi32>
      %eq3A_2235 = arith.cmpi eq, %iota3A, %eq3A_2234 : vector<16x512xi32>
      %jit3A_2236 = arith.constant 0xFF800000 : f32
      %broadcast_in_dim3A_2237 = vector.broadcast %jit3A_2236 : f32 to vector<16x512xf32>
      %select_n3A_2238 = arith.select %eq3A_2235, %broadcast_in_dim3A_2237, %select_n3A_2206 : vector<16x512xi1>, vector<16x512xf32>
      %reduce_max3A_2239 = arith.constant dense<0xFF800000> : vector<16xf32>
      %reduce_max3A_2240 = vector.multi_reduction <maximumf>, %select_n3A_2233, %reduce_max3A_2239 [1] : vector<16x512xf32> to vector<16xf32>
      %broadcast_in_dim3A_2241 = vector.shape_cast %reduce_max3A_2240 : vector<16xf32> to vector<16x1xf32>
      %reduce_max3A_2242 = arith.constant dense<0xFF800000> : vector<16xf32>
      %reduce_max3A_2243 = vector.multi_reduction <maximumf>, %select_n3A_2238, %reduce_max3A_2242 [1] : vector<16x512xf32> to vector<16xf32>
      %broadcast_in_dim3A_2244 = vector.shape_cast %reduce_max3A_2243 : vector<16xf32> to vector<16x1xf32>
      %eq3A_2245 = vector.broadcast %broadcast_in_dim3A_2241 : vector<16x1xf32> to vector<16x512xf32>
      %eq3A_2246 = arith.cmpf oeq, %select_n3A_2233, %eq3A_2245 : vector<16x512xf32>
      %jit3A_2247 = arith.constant 1073741824 : i32
      %broadcast_in_dim3A_2248 = vector.broadcast %jit3A_2247 : i32 to vector<16x512xi32>
      %select_n3A_2249 = arith.select %eq3A_2246, %iota3A, %broadcast_in_dim3A_2248 : vector<16x512xi1>, vector<16x512xi32>
      %reduce_min3A_2250 = arith.constant dense<2147483647> : vector<16xi32>
      %reduce_min3A_2251 = vector.multi_reduction <minsi>, %select_n3A_2249, %reduce_min3A_2250 [1] : vector<16x512xi32> to vector<16xi32>
      %broadcast_in_dim3A_2252 = vector.shape_cast %reduce_min3A_2251 : vector<16xi32> to vector<16x1xi32>
      %eq3A_2253 = vector.broadcast %broadcast_in_dim3A_2244 : vector<16x1xf32> to vector<16x512xf32>
      %eq3A_2254 = arith.cmpf oeq, %select_n3A_2238, %eq3A_2253 : vector<16x512xf32>
      %jit3A_2255 = arith.constant 1073741824 : i32
      %broadcast_in_dim3A_2256 = vector.broadcast %jit3A_2255 : i32 to vector<16x512xi32>
      %select_n3A_2257 = arith.select %eq3A_2254, %iota3A, %broadcast_in_dim3A_2256 : vector<16x512xi1>, vector<16x512xi32>
      %reduce_min3A_2258 = arith.constant dense<2147483647> : vector<16xi32>
      %reduce_min3A_2259 = vector.multi_reduction <minsi>, %select_n3A_2257, %reduce_min3A_2258 [1] : vector<16x512xi32> to vector<16xi32>
      %broadcast_in_dim3A_2260 = vector.shape_cast %reduce_min3A_2259 : vector<16xi32> to vector<16x1xi32>
      %eq3A_2261 = vector.broadcast %broadcast_in_dim3A_2252 : vector<16x1xi32> to vector<16x512xi32>
      %eq3A_2262 = arith.cmpi eq, %iota3A, %eq3A_2261 : vector<16x512xi32>
      %jit3A_2263 = arith.constant 0xFF800000 : f32
      %broadcast_in_dim3A_2264 = vector.broadcast %jit3A_2263 : f32 to vector<16x512xf32>
      %select_n3A_2265 = arith.select %eq3A_2262, %broadcast_in_dim3A_2264, %select_n3A_2233 : vector<16x512xi1>, vector<16x512xf32>
      %eq3A_2266 = vector.broadcast %broadcast_in_dim3A_2260 : vector<16x1xi32> to vector<16x512xi32>
      %eq3A_2267 = arith.cmpi eq, %iota3A, %eq3A_2266 : vector<16x512xi32>
      %jit3A_2268 = arith.constant 0xFF800000 : f32
      %broadcast_in_dim3A_2269 = vector.broadcast %jit3A_2268 : f32 to vector<16x512xf32>
      %select_n3A_2270 = arith.select %eq3A_2267, %broadcast_in_dim3A_2269, %select_n3A_2238 : vector<16x512xi1>, vector<16x512xf32>
      %reduce_max3A_2271 = arith.constant dense<0xFF800000> : vector<16xf32>
      %reduce_max3A_2272 = vector.multi_reduction <maximumf>, %select_n3A_2265, %reduce_max3A_2271 [1] : vector<16x512xf32> to vector<16xf32>
      %broadcast_in_dim3A_2273 = vector.shape_cast %reduce_max3A_2272 : vector<16xf32> to vector<16x1xf32>
      %reduce_max3A_2274 = arith.constant dense<0xFF800000> : vector<16xf32>
      %reduce_max3A_2275 = vector.multi_reduction <maximumf>, %select_n3A_2270, %reduce_max3A_2274 [1] : vector<16x512xf32> to vector<16xf32>
      %broadcast_in_dim3A_2276 = vector.shape_cast %reduce_max3A_2275 : vector<16xf32> to vector<16x1xf32>
      %eq3A_2277 = vector.broadcast %broadcast_in_dim3A_2273 : vector<16x1xf32> to vector<16x512xf32>
      %eq3A_2278 = arith.cmpf oeq, %select_n3A_2265, %eq3A_2277 : vector<16x512xf32>
      %jit3A_2279 = arith.constant 1073741824 : i32
      %broadcast_in_dim3A_2280 = vector.broadcast %jit3A_2279 : i32 to vector<16x512xi32>
      %select_n3A_2281 = arith.select %eq3A_2278, %iota3A, %broadcast_in_dim3A_2280 : vector<16x512xi1>, vector<16x512xi32>
      %reduce_min3A_2282 = arith.constant dense<2147483647> : vector<16xi32>
      %reduce_min3A_2283 = vector.multi_reduction <minsi>, %select_n3A_2281, %reduce_min3A_2282 [1] : vector<16x512xi32> to vector<16xi32>
      %broadcast_in_dim3A_2284 = vector.shape_cast %reduce_min3A_2283 : vector<16xi32> to vector<16x1xi32>
      %eq3A_2285 = vector.broadcast %broadcast_in_dim3A_2276 : vector<16x1xf32> to vector<16x512xf32>
      %eq3A_2286 = arith.cmpf oeq, %select_n3A_2270, %eq3A_2285 : vector<16x512xf32>
      %jit3A_2287 = arith.constant 1073741824 : i32
      %broadcast_in_dim3A_2288 = vector.broadcast %jit3A_2287 : i32 to vector<16x512xi32>
      %select_n3A_2289 = arith.select %eq3A_2286, %iota3A, %broadcast_in_dim3A_2288 : vector<16x512xi1>, vector<16x512xi32>
      %reduce_min3A_2290 = arith.constant dense<2147483647> : vector<16xi32>
      %reduce_min3A_2291 = vector.multi_reduction <minsi>, %select_n3A_2289, %reduce_min3A_2290 [1] : vector<16x512xi32> to vector<16xi32>
      %broadcast_in_dim3A_2292 = vector.shape_cast %reduce_min3A_2291 : vector<16xi32> to vector<16x1xi32>
      %eq3A_2293 = vector.broadcast %broadcast_in_dim3A_2284 : vector<16x1xi32> to vector<16x512xi32>
      %eq3A_2294 = arith.cmpi eq, %iota3A, %eq3A_2293 : vector<16x512xi32>
      %jit3A_2295 = arith.constant 0xFF800000 : f32
      %broadcast_in_dim3A_2296 = vector.broadcast %jit3A_2295 : f32 to vector<16x512xf32>
      %select_n3A_2297 = arith.select %eq3A_2294, %broadcast_in_dim3A_2296, %select_n3A_2265 : vector<16x512xi1>, vector<16x512xf32>
      %eq3A_2298 = vector.broadcast %broadcast_in_dim3A_2292 : vector<16x1xi32> to vector<16x512xi32>
      %eq3A_2299 = arith.cmpi eq, %iota3A, %eq3A_2298 : vector<16x512xi32>
      %jit3A_2300 = arith.constant 0xFF800000 : f32
      %broadcast_in_dim3A_2301 = vector.broadcast %jit3A_2300 : f32 to vector<16x512xf32>
      %select_n3A_2302 = arith.select %eq3A_2299, %broadcast_in_dim3A_2301, %select_n3A_2270 : vector<16x512xi1>, vector<16x512xf32>
      %reduce_max3A_2303 = arith.constant dense<0xFF800000> : vector<16xf32>
      %reduce_max3A_2304 = vector.multi_reduction <maximumf>, %select_n3A_2297, %reduce_max3A_2303 [1] : vector<16x512xf32> to vector<16xf32>
      %broadcast_in_dim3A_2305 = vector.shape_cast %reduce_max3A_2304 : vector<16xf32> to vector<16x1xf32>
      %reduce_max3A_2306 = arith.constant dense<0xFF800000> : vector<16xf32>
      %reduce_max3A_2307 = vector.multi_reduction <maximumf>, %select_n3A_2302, %reduce_max3A_2306 [1] : vector<16x512xf32> to vector<16xf32>
      %broadcast_in_dim3A_2308 = vector.shape_cast %reduce_max3A_2307 : vector<16xf32> to vector<16x1xf32>
      %eq3A_2309 = vector.broadcast %broadcast_in_dim3A_2305 : vector<16x1xf32> to vector<16x512xf32>
      %eq3A_2310 = arith.cmpf oeq, %select_n3A_2297, %eq3A_2309 : vector<16x512xf32>
      %jit3A_2311 = arith.constant 1073741824 : i32
      %broadcast_in_dim3A_2312 = vector.broadcast %jit3A_2311 : i32 to vector<16x512xi32>
      %select_n3A_2313 = arith.select %eq3A_2310, %iota3A, %broadcast_in_dim3A_2312 : vector<16x512xi1>, vector<16x512xi32>
      %reduce_min3A_2314 = arith.constant dense<2147483647> : vector<16xi32>
      %reduce_min3A_2315 = vector.multi_reduction <minsi>, %select_n3A_2313, %reduce_min3A_2314 [1] : vector<16x512xi32> to vector<16xi32>
      %broadcast_in_dim3A_2316 = vector.shape_cast %reduce_min3A_2315 : vector<16xi32> to vector<16x1xi32>
      %eq3A_2317 = vector.broadcast %broadcast_in_dim3A_2308 : vector<16x1xf32> to vector<16x512xf32>
      %eq3A_2318 = arith.cmpf oeq, %select_n3A_2302, %eq3A_2317 : vector<16x512xf32>
      %jit3A_2319 = arith.constant 1073741824 : i32
      %broadcast_in_dim3A_2320 = vector.broadcast %jit3A_2319 : i32 to vector<16x512xi32>
      %select_n3A_2321 = arith.select %eq3A_2318, %iota3A, %broadcast_in_dim3A_2320 : vector<16x512xi1>, vector<16x512xi32>
      %reduce_min3A_2322 = arith.constant dense<2147483647> : vector<16xi32>
      %reduce_min3A_2323 = vector.multi_reduction <minsi>, %select_n3A_2321, %reduce_min3A_2322 [1] : vector<16x512xi32> to vector<16xi32>
      %broadcast_in_dim3A_2324 = vector.shape_cast %reduce_min3A_2323 : vector<16xi32> to vector<16x1xi32>
      %eq3A_2325 = vector.broadcast %broadcast_in_dim3A_2316 : vector<16x1xi32> to vector<16x512xi32>
      %eq3A_2326 = arith.cmpi eq, %iota3A, %eq3A_2325 : vector<16x512xi32>
      %jit3A_2327 = arith.constant 0xFF800000 : f32
      %broadcast_in_dim3A_2328 = vector.broadcast %jit3A_2327 : f32 to vector<16x512xf32>
      %select_n3A_2329 = arith.select %eq3A_2326, %broadcast_in_dim3A_2328, %select_n3A_2297 : vector<16x512xi1>, vector<16x512xf32>
      %eq3A_2330 = vector.broadcast %broadcast_in_dim3A_2324 : vector<16x1xi32> to vector<16x512xi32>
      %eq3A_2331 = arith.cmpi eq, %iota3A, %eq3A_2330 : vector<16x512xi32>
      %jit3A_2332 = arith.constant 0xFF800000 : f32
      %broadcast_in_dim3A_2333 = vector.broadcast %jit3A_2332 : f32 to vector<16x512xf32>
      %select_n3A_2334 = arith.select %eq3A_2331, %broadcast_in_dim3A_2333, %select_n3A_2302 : vector<16x512xi1>, vector<16x512xf32>
      %reduce_max3A_2335 = arith.constant dense<0xFF800000> : vector<16xf32>
      %reduce_max3A_2336 = vector.multi_reduction <maximumf>, %select_n3A_2329, %reduce_max3A_2335 [1] : vector<16x512xf32> to vector<16xf32>
      %broadcast_in_dim3A_2337 = vector.shape_cast %reduce_max3A_2336 : vector<16xf32> to vector<16x1xf32>
      %reduce_max3A_2338 = arith.constant dense<0xFF800000> : vector<16xf32>
      %reduce_max3A_2339 = vector.multi_reduction <maximumf>, %select_n3A_2334, %reduce_max3A_2338 [1] : vector<16x512xf32> to vector<16xf32>
      %broadcast_in_dim3A_2340 = vector.shape_cast %reduce_max3A_2339 : vector<16xf32> to vector<16x1xf32>
      %eq3A_2341 = vector.broadcast %broadcast_in_dim3A_2337 : vector<16x1xf32> to vector<16x512xf32>
      %eq3A_2342 = arith.cmpf oeq, %select_n3A_2329, %eq3A_2341 : vector<16x512xf32>
      %jit3A_2343 = arith.constant 1073741824 : i32
      %broadcast_in_dim3A_2344 = vector.broadcast %jit3A_2343 : i32 to vector<16x512xi32>
      %select_n3A_2345 = arith.select %eq3A_2342, %iota3A, %broadcast_in_dim3A_2344 : vector<16x512xi1>, vector<16x512xi32>
      %reduce_min3A_2346 = arith.constant dense<2147483647> : vector<16xi32>
      %reduce_min3A_2347 = vector.multi_reduction <minsi>, %select_n3A_2345, %reduce_min3A_2346 [1] : vector<16x512xi32> to vector<16xi32>
      %broadcast_in_dim3A_2348 = vector.shape_cast %reduce_min3A_2347 : vector<16xi32> to vector<16x1xi32>
      %eq3A_2349 = vector.broadcast %broadcast_in_dim3A_2340 : vector<16x1xf32> to vector<16x512xf32>
      %eq3A_2350 = arith.cmpf oeq, %select_n3A_2334, %eq3A_2349 : vector<16x512xf32>
      %jit3A_2351 = arith.constant 1073741824 : i32
      %broadcast_in_dim3A_2352 = vector.broadcast %jit3A_2351 : i32 to vector<16x512xi32>
      %select_n3A_2353 = arith.select %eq3A_2350, %iota3A, %broadcast_in_dim3A_2352 : vector<16x512xi1>, vector<16x512xi32>
      %reduce_min3A_2354 = arith.constant dense<2147483647> : vector<16xi32>
      %reduce_min3A_2355 = vector.multi_reduction <minsi>, %select_n3A_2353, %reduce_min3A_2354 [1] : vector<16x512xi32> to vector<16xi32>
      %broadcast_in_dim3A_2356 = vector.shape_cast %reduce_min3A_2355 : vector<16xi32> to vector<16x1xi32>
      %eq3A_2357 = vector.broadcast %broadcast_in_dim3A_2348 : vector<16x1xi32> to vector<16x512xi32>
      %eq3A_2358 = arith.cmpi eq, %iota3A, %eq3A_2357 : vector<16x512xi32>
      %jit3A_2359 = arith.constant 0xFF800000 : f32
      %broadcast_in_dim3A_2360 = vector.broadcast %jit3A_2359 : f32 to vector<16x512xf32>
      %select_n3A_2361 = arith.select %eq3A_2358, %broadcast_in_dim3A_2360, %select_n3A_2329 : vector<16x512xi1>, vector<16x512xf32>
      %eq3A_2362 = vector.broadcast %broadcast_in_dim3A_2356 : vector<16x1xi32> to vector<16x512xi32>
      %eq3A_2363 = arith.cmpi eq, %iota3A, %eq3A_2362 : vector<16x512xi32>
      %jit3A_2364 = arith.constant 0xFF800000 : f32
      %broadcast_in_dim3A_2365 = vector.broadcast %jit3A_2364 : f32 to vector<16x512xf32>
      %select_n3A_2366 = arith.select %eq3A_2363, %broadcast_in_dim3A_2365, %select_n3A_2334 : vector<16x512xi1>, vector<16x512xf32>
      %reduce_max3A_2367 = arith.constant dense<0xFF800000> : vector<16xf32>
      %reduce_max3A_2368 = vector.multi_reduction <maximumf>, %select_n3A_2361, %reduce_max3A_2367 [1] : vector<16x512xf32> to vector<16xf32>
      %broadcast_in_dim3A_2369 = vector.shape_cast %reduce_max3A_2368 : vector<16xf32> to vector<16x1xf32>
      %reduce_max3A_2370 = arith.constant dense<0xFF800000> : vector<16xf32>
      %reduce_max3A_2371 = vector.multi_reduction <maximumf>, %select_n3A_2366, %reduce_max3A_2370 [1] : vector<16x512xf32> to vector<16xf32>
      %broadcast_in_dim3A_2372 = vector.shape_cast %reduce_max3A_2371 : vector<16xf32> to vector<16x1xf32>
      %eq3A_2373 = vector.broadcast %broadcast_in_dim3A_2369 : vector<16x1xf32> to vector<16x512xf32>
      %eq3A_2374 = arith.cmpf oeq, %select_n3A_2361, %eq3A_2373 : vector<16x512xf32>
      %jit3A_2375 = arith.constant 1073741824 : i32
      %broadcast_in_dim3A_2376 = vector.broadcast %jit3A_2375 : i32 to vector<16x512xi32>
      %select_n3A_2377 = arith.select %eq3A_2374, %iota3A, %broadcast_in_dim3A_2376 : vector<16x512xi1>, vector<16x512xi32>
      %reduce_min3A_2378 = arith.constant dense<2147483647> : vector<16xi32>
      %reduce_min3A_2379 = vector.multi_reduction <minsi>, %select_n3A_2377, %reduce_min3A_2378 [1] : vector<16x512xi32> to vector<16xi32>
      %broadcast_in_dim3A_2380 = vector.shape_cast %reduce_min3A_2379 : vector<16xi32> to vector<16x1xi32>
      %eq3A_2381 = vector.broadcast %broadcast_in_dim3A_2372 : vector<16x1xf32> to vector<16x512xf32>
      %eq3A_2382 = arith.cmpf oeq, %select_n3A_2366, %eq3A_2381 : vector<16x512xf32>
      %jit3A_2383 = arith.constant 1073741824 : i32
      %broadcast_in_dim3A_2384 = vector.broadcast %jit3A_2383 : i32 to vector<16x512xi32>
      %select_n3A_2385 = arith.select %eq3A_2382, %iota3A, %broadcast_in_dim3A_2384 : vector<16x512xi1>, vector<16x512xi32>
      %reduce_min3A_2386 = arith.constant dense<2147483647> : vector<16xi32>
      %reduce_min3A_2387 = vector.multi_reduction <minsi>, %select_n3A_2385, %reduce_min3A_2386 [1] : vector<16x512xi32> to vector<16xi32>
      %broadcast_in_dim3A_2388 = vector.shape_cast %reduce_min3A_2387 : vector<16xi32> to vector<16x1xi32>
      %eq3A_2389 = vector.broadcast %broadcast_in_dim3A_2380 : vector<16x1xi32> to vector<16x512xi32>
      %eq3A_2390 = arith.cmpi eq, %iota3A, %eq3A_2389 : vector<16x512xi32>
      %jit3A_2391 = arith.constant 0xFF800000 : f32
      %broadcast_in_dim3A_2392 = vector.broadcast %jit3A_2391 : f32 to vector<16x512xf32>
      %select_n3A_2393 = arith.select %eq3A_2390, %broadcast_in_dim3A_2392, %select_n3A_2361 : vector<16x512xi1>, vector<16x512xf32>
      %eq3A_2394 = vector.broadcast %broadcast_in_dim3A_2388 : vector<16x1xi32> to vector<16x512xi32>
      %eq3A_2395 = arith.cmpi eq, %iota3A, %eq3A_2394 : vector<16x512xi32>
      %jit3A_2396 = arith.constant 0xFF800000 : f32
      %broadcast_in_dim3A_2397 = vector.broadcast %jit3A_2396 : f32 to vector<16x512xf32>
      %select_n3A_2398 = arith.select %eq3A_2395, %broadcast_in_dim3A_2397, %select_n3A_2366 : vector<16x512xi1>, vector<16x512xf32>
      %reduce_max3A_2399 = arith.constant dense<0xFF800000> : vector<16xf32>
      %reduce_max3A_2400 = vector.multi_reduction <maximumf>, %select_n3A_2393, %reduce_max3A_2399 [1] : vector<16x512xf32> to vector<16xf32>
      %broadcast_in_dim3A_2401 = vector.shape_cast %reduce_max3A_2400 : vector<16xf32> to vector<16x1xf32>
      %reduce_max3A_2402 = arith.constant dense<0xFF800000> : vector<16xf32>
      %reduce_max3A_2403 = vector.multi_reduction <maximumf>, %select_n3A_2398, %reduce_max3A_2402 [1] : vector<16x512xf32> to vector<16xf32>
      %broadcast_in_dim3A_2404 = vector.shape_cast %reduce_max3A_2403 : vector<16xf32> to vector<16x1xf32>
      %eq3A_2405 = vector.broadcast %broadcast_in_dim3A_2401 : vector<16x1xf32> to vector<16x512xf32>
      %eq3A_2406 = arith.cmpf oeq, %select_n3A_2393, %eq3A_2405 : vector<16x512xf32>
      %jit3A_2407 = arith.constant 1073741824 : i32
      %broadcast_in_dim3A_2408 = vector.broadcast %jit3A_2407 : i32 to vector<16x512xi32>
      %select_n3A_2409 = arith.select %eq3A_2406, %iota3A, %broadcast_in_dim3A_2408 : vector<16x512xi1>, vector<16x512xi32>
      %reduce_min3A_2410 = arith.constant dense<2147483647> : vector<16xi32>
      %reduce_min3A_2411 = vector.multi_reduction <minsi>, %select_n3A_2409, %reduce_min3A_2410 [1] : vector<16x512xi32> to vector<16xi32>
      %broadcast_in_dim3A_2412 = vector.shape_cast %reduce_min3A_2411 : vector<16xi32> to vector<16x1xi32>
      %eq3A_2413 = vector.broadcast %broadcast_in_dim3A_2404 : vector<16x1xf32> to vector<16x512xf32>
      %eq3A_2414 = arith.cmpf oeq, %select_n3A_2398, %eq3A_2413 : vector<16x512xf32>
      %jit3A_2415 = arith.constant 1073741824 : i32
      %broadcast_in_dim3A_2416 = vector.broadcast %jit3A_2415 : i32 to vector<16x512xi32>
      %select_n3A_2417 = arith.select %eq3A_2414, %iota3A, %broadcast_in_dim3A_2416 : vector<16x512xi1>, vector<16x512xi32>
      %reduce_min3A_2418 = arith.constant dense<2147483647> : vector<16xi32>
      %reduce_min3A_2419 = vector.multi_reduction <minsi>, %select_n3A_2417, %reduce_min3A_2418 [1] : vector<16x512xi32> to vector<16xi32>
      %broadcast_in_dim3A_2420 = vector.shape_cast %reduce_min3A_2419 : vector<16xi32> to vector<16x1xi32>
      %eq3A_2421 = vector.broadcast %broadcast_in_dim3A_2412 : vector<16x1xi32> to vector<16x512xi32>
      %eq3A_2422 = arith.cmpi eq, %iota3A, %eq3A_2421 : vector<16x512xi32>
      %jit3A_2423 = arith.constant 0xFF800000 : f32
      %broadcast_in_dim3A_2424 = vector.broadcast %jit3A_2423 : f32 to vector<16x512xf32>
      %select_n3A_2425 = arith.select %eq3A_2422, %broadcast_in_dim3A_2424, %select_n3A_2393 : vector<16x512xi1>, vector<16x512xf32>
      %eq3A_2426 = vector.broadcast %broadcast_in_dim3A_2420 : vector<16x1xi32> to vector<16x512xi32>
      %eq3A_2427 = arith.cmpi eq, %iota3A, %eq3A_2426 : vector<16x512xi32>
      %jit3A_2428 = arith.constant 0xFF800000 : f32
      %broadcast_in_dim3A_2429 = vector.broadcast %jit3A_2428 : f32 to vector<16x512xf32>
      %select_n3A_2430 = arith.select %eq3A_2427, %broadcast_in_dim3A_2429, %select_n3A_2398 : vector<16x512xi1>, vector<16x512xf32>
      %reduce_max3A_2431 = arith.constant dense<0xFF800000> : vector<16xf32>
      %reduce_max3A_2432 = vector.multi_reduction <maximumf>, %select_n3A_2425, %reduce_max3A_2431 [1] : vector<16x512xf32> to vector<16xf32>
      %broadcast_in_dim3A_2433 = vector.shape_cast %reduce_max3A_2432 : vector<16xf32> to vector<16x1xf32>
      %reduce_max3A_2434 = arith.constant dense<0xFF800000> : vector<16xf32>
      %reduce_max3A_2435 = vector.multi_reduction <maximumf>, %select_n3A_2430, %reduce_max3A_2434 [1] : vector<16x512xf32> to vector<16xf32>
      %broadcast_in_dim3A_2436 = vector.shape_cast %reduce_max3A_2435 : vector<16xf32> to vector<16x1xf32>
      %eq3A_2437 = vector.broadcast %broadcast_in_dim3A_2433 : vector<16x1xf32> to vector<16x512xf32>
      %eq3A_2438 = arith.cmpf oeq, %select_n3A_2425, %eq3A_2437 : vector<16x512xf32>
      %jit3A_2439 = arith.constant 1073741824 : i32
      %broadcast_in_dim3A_2440 = vector.broadcast %jit3A_2439 : i32 to vector<16x512xi32>
      %select_n3A_2441 = arith.select %eq3A_2438, %iota3A, %broadcast_in_dim3A_2440 : vector<16x512xi1>, vector<16x512xi32>
      %reduce_min3A_2442 = arith.constant dense<2147483647> : vector<16xi32>
      %reduce_min3A_2443 = vector.multi_reduction <minsi>, %select_n3A_2441, %reduce_min3A_2442 [1] : vector<16x512xi32> to vector<16xi32>
      %broadcast_in_dim3A_2444 = vector.shape_cast %reduce_min3A_2443 : vector<16xi32> to vector<16x1xi32>
      %eq3A_2445 = vector.broadcast %broadcast_in_dim3A_2436 : vector<16x1xf32> to vector<16x512xf32>
      %eq3A_2446 = arith.cmpf oeq, %select_n3A_2430, %eq3A_2445 : vector<16x512xf32>
      %jit3A_2447 = arith.constant 1073741824 : i32
      %broadcast_in_dim3A_2448 = vector.broadcast %jit3A_2447 : i32 to vector<16x512xi32>
      %select_n3A_2449 = arith.select %eq3A_2446, %iota3A, %broadcast_in_dim3A_2448 : vector<16x512xi1>, vector<16x512xi32>
      %reduce_min3A_2450 = arith.constant dense<2147483647> : vector<16xi32>
      %reduce_min3A_2451 = vector.multi_reduction <minsi>, %select_n3A_2449, %reduce_min3A_2450 [1] : vector<16x512xi32> to vector<16xi32>
      %broadcast_in_dim3A_2452 = vector.shape_cast %reduce_min3A_2451 : vector<16xi32> to vector<16x1xi32>
      %eq3A_2453 = vector.broadcast %broadcast_in_dim3A_2444 : vector<16x1xi32> to vector<16x512xi32>
      %eq3A_2454 = arith.cmpi eq, %iota3A, %eq3A_2453 : vector<16x512xi32>
      %jit3A_2455 = arith.constant 0xFF800000 : f32
      %broadcast_in_dim3A_2456 = vector.broadcast %jit3A_2455 : f32 to vector<16x512xf32>
      %select_n3A_2457 = arith.select %eq3A_2454, %broadcast_in_dim3A_2456, %select_n3A_2425 : vector<16x512xi1>, vector<16x512xf32>
      %eq3A_2458 = vector.broadcast %broadcast_in_dim3A_2452 : vector<16x1xi32> to vector<16x512xi32>
      %eq3A_2459 = arith.cmpi eq, %iota3A, %eq3A_2458 : vector<16x512xi32>
      %jit3A_2460 = arith.constant 0xFF800000 : f32
      %broadcast_in_dim3A_2461 = vector.broadcast %jit3A_2460 : f32 to vector<16x512xf32>
      %select_n3A_2462 = arith.select %eq3A_2459, %broadcast_in_dim3A_2461, %select_n3A_2430 : vector<16x512xi1>, vector<16x512xf32>
      %reduce_max3A_2463 = arith.constant dense<0xFF800000> : vector<16xf32>
      %reduce_max3A_2464 = vector.multi_reduction <maximumf>, %select_n3A_2457, %reduce_max3A_2463 [1] : vector<16x512xf32> to vector<16xf32>
      %broadcast_in_dim3A_2465 = vector.shape_cast %reduce_max3A_2464 : vector<16xf32> to vector<16x1xf32>
      %reduce_max3A_2466 = arith.constant dense<0xFF800000> : vector<16xf32>
      %reduce_max3A_2467 = vector.multi_reduction <maximumf>, %select_n3A_2462, %reduce_max3A_2466 [1] : vector<16x512xf32> to vector<16xf32>
      %broadcast_in_dim3A_2468 = vector.shape_cast %reduce_max3A_2467 : vector<16xf32> to vector<16x1xf32>
      %eq3A_2469 = vector.broadcast %broadcast_in_dim3A_2465 : vector<16x1xf32> to vector<16x512xf32>
      %eq3A_2470 = arith.cmpf oeq, %select_n3A_2457, %eq3A_2469 : vector<16x512xf32>
      %jit3A_2471 = arith.constant 1073741824 : i32
      %broadcast_in_dim3A_2472 = vector.broadcast %jit3A_2471 : i32 to vector<16x512xi32>
      %select_n3A_2473 = arith.select %eq3A_2470, %iota3A, %broadcast_in_dim3A_2472 : vector<16x512xi1>, vector<16x512xi32>
      %reduce_min3A_2474 = arith.constant dense<2147483647> : vector<16xi32>
      %reduce_min3A_2475 = vector.multi_reduction <minsi>, %select_n3A_2473, %reduce_min3A_2474 [1] : vector<16x512xi32> to vector<16xi32>
      %broadcast_in_dim3A_2476 = vector.shape_cast %reduce_min3A_2475 : vector<16xi32> to vector<16x1xi32>
      %eq3A_2477 = vector.broadcast %broadcast_in_dim3A_2468 : vector<16x1xf32> to vector<16x512xf32>
      %eq3A_2478 = arith.cmpf oeq, %select_n3A_2462, %eq3A_2477 : vector<16x512xf32>
      %jit3A_2479 = arith.constant 1073741824 : i32
      %broadcast_in_dim3A_2480 = vector.broadcast %jit3A_2479 : i32 to vector<16x512xi32>
      %select_n3A_2481 = arith.select %eq3A_2478, %iota3A, %broadcast_in_dim3A_2480 : vector<16x512xi1>, vector<16x512xi32>
      %reduce_min3A_2482 = arith.constant dense<2147483647> : vector<16xi32>
      %reduce_min3A_2483 = vector.multi_reduction <minsi>, %select_n3A_2481, %reduce_min3A_2482 [1] : vector<16x512xi32> to vector<16xi32>
      %broadcast_in_dim3A_2484 = vector.shape_cast %reduce_min3A_2483 : vector<16xi32> to vector<16x1xi32>
      %eq3A_2485 = vector.broadcast %broadcast_in_dim3A_2476 : vector<16x1xi32> to vector<16x512xi32>
      %eq3A_2486 = arith.cmpi eq, %iota3A, %eq3A_2485 : vector<16x512xi32>
      %jit3A_2487 = arith.constant 0xFF800000 : f32
      %broadcast_in_dim3A_2488 = vector.broadcast %jit3A_2487 : f32 to vector<16x512xf32>
      %select_n3A_2489 = arith.select %eq3A_2486, %broadcast_in_dim3A_2488, %select_n3A_2457 : vector<16x512xi1>, vector<16x512xf32>
      %eq3A_2490 = vector.broadcast %broadcast_in_dim3A_2484 : vector<16x1xi32> to vector<16x512xi32>
      %eq3A_2491 = arith.cmpi eq, %iota3A, %eq3A_2490 : vector<16x512xi32>
      %jit3A_2492 = arith.constant 0xFF800000 : f32
      %broadcast_in_dim3A_2493 = vector.broadcast %jit3A_2492 : f32 to vector<16x512xf32>
      %select_n3A_2494 = arith.select %eq3A_2491, %broadcast_in_dim3A_2493, %select_n3A_2462 : vector<16x512xi1>, vector<16x512xf32>
      %reduce_max3A_2495 = arith.constant dense<0xFF800000> : vector<16xf32>
      %reduce_max3A_2496 = vector.multi_reduction <maximumf>, %select_n3A_2489, %reduce_max3A_2495 [1] : vector<16x512xf32> to vector<16xf32>
      %broadcast_in_dim3A_2497 = vector.shape_cast %reduce_max3A_2496 : vector<16xf32> to vector<16x1xf32>
      %reduce_max3A_2498 = arith.constant dense<0xFF800000> : vector<16xf32>
      %reduce_max3A_2499 = vector.multi_reduction <maximumf>, %select_n3A_2494, %reduce_max3A_2498 [1] : vector<16x512xf32> to vector<16xf32>
      %broadcast_in_dim3A_2500 = vector.shape_cast %reduce_max3A_2499 : vector<16xf32> to vector<16x1xf32>
      %eq3A_2501 = vector.broadcast %broadcast_in_dim3A_2497 : vector<16x1xf32> to vector<16x512xf32>
      %eq3A_2502 = arith.cmpf oeq, %select_n3A_2489, %eq3A_2501 : vector<16x512xf32>
      %jit3A_2503 = arith.constant 1073741824 : i32
      %broadcast_in_dim3A_2504 = vector.broadcast %jit3A_2503 : i32 to vector<16x512xi32>
      %select_n3A_2505 = arith.select %eq3A_2502, %iota3A, %broadcast_in_dim3A_2504 : vector<16x512xi1>, vector<16x512xi32>
      %reduce_min3A_2506 = arith.constant dense<2147483647> : vector<16xi32>
      %reduce_min3A_2507 = vector.multi_reduction <minsi>, %select_n3A_2505, %reduce_min3A_2506 [1] : vector<16x512xi32> to vector<16xi32>
      %broadcast_in_dim3A_2508 = vector.shape_cast %reduce_min3A_2507 : vector<16xi32> to vector<16x1xi32>
      %eq3A_2509 = vector.broadcast %broadcast_in_dim3A_2500 : vector<16x1xf32> to vector<16x512xf32>
      %eq3A_2510 = arith.cmpf oeq, %select_n3A_2494, %eq3A_2509 : vector<16x512xf32>
      %jit3A_2511 = arith.constant 1073741824 : i32
      %broadcast_in_dim3A_2512 = vector.broadcast %jit3A_2511 : i32 to vector<16x512xi32>
      %select_n3A_2513 = arith.select %eq3A_2510, %iota3A, %broadcast_in_dim3A_2512 : vector<16x512xi1>, vector<16x512xi32>
      %reduce_min3A_2514 = arith.constant dense<2147483647> : vector<16xi32>
      %reduce_min3A_2515 = vector.multi_reduction <minsi>, %select_n3A_2513, %reduce_min3A_2514 [1] : vector<16x512xi32> to vector<16xi32>
      %broadcast_in_dim3A_2516 = vector.shape_cast %reduce_min3A_2515 : vector<16xi32> to vector<16x1xi32>
      %eq3A_2517 = vector.broadcast %broadcast_in_dim3A_2508 : vector<16x1xi32> to vector<16x512xi32>
      %eq3A_2518 = arith.cmpi eq, %iota3A, %eq3A_2517 : vector<16x512xi32>
      %jit3A_2519 = arith.constant 0xFF800000 : f32
      %broadcast_in_dim3A_2520 = vector.broadcast %jit3A_2519 : f32 to vector<16x512xf32>
      %select_n3A_2521 = arith.select %eq3A_2518, %broadcast_in_dim3A_2520, %select_n3A_2489 : vector<16x512xi1>, vector<16x512xf32>
      %eq3A_2522 = vector.broadcast %broadcast_in_dim3A_2516 : vector<16x1xi32> to vector<16x512xi32>
      %eq3A_2523 = arith.cmpi eq, %iota3A, %eq3A_2522 : vector<16x512xi32>
      %jit3A_2524 = arith.constant 0xFF800000 : f32
      %broadcast_in_dim3A_2525 = vector.broadcast %jit3A_2524 : f32 to vector<16x512xf32>
      %select_n3A_2526 = arith.select %eq3A_2523, %broadcast_in_dim3A_2525, %select_n3A_2494 : vector<16x512xi1>, vector<16x512xf32>
      %reduce_max3A_2527 = arith.constant dense<0xFF800000> : vector<16xf32>
      %reduce_max3A_2528 = vector.multi_reduction <maximumf>, %select_n3A_2521, %reduce_max3A_2527 [1] : vector<16x512xf32> to vector<16xf32>
      %broadcast_in_dim3A_2529 = vector.shape_cast %reduce_max3A_2528 : vector<16xf32> to vector<16x1xf32>
      %reduce_max3A_2530 = arith.constant dense<0xFF800000> : vector<16xf32>
      %reduce_max3A_2531 = vector.multi_reduction <maximumf>, %select_n3A_2526, %reduce_max3A_2530 [1] : vector<16x512xf32> to vector<16xf32>
      %broadcast_in_dim3A_2532 = vector.shape_cast %reduce_max3A_2531 : vector<16xf32> to vector<16x1xf32>
      %eq3A_2533 = vector.broadcast %broadcast_in_dim3A_2529 : vector<16x1xf32> to vector<16x512xf32>
      %eq3A_2534 = arith.cmpf oeq, %select_n3A_2521, %eq3A_2533 : vector<16x512xf32>
      %jit3A_2535 = arith.constant 1073741824 : i32
      %broadcast_in_dim3A_2536 = vector.broadcast %jit3A_2535 : i32 to vector<16x512xi32>
      %select_n3A_2537 = arith.select %eq3A_2534, %iota3A, %broadcast_in_dim3A_2536 : vector<16x512xi1>, vector<16x512xi32>
      %reduce_min3A_2538 = arith.constant dense<2147483647> : vector<16xi32>
      %reduce_min3A_2539 = vector.multi_reduction <minsi>, %select_n3A_2537, %reduce_min3A_2538 [1] : vector<16x512xi32> to vector<16xi32>
      %broadcast_in_dim3A_2540 = vector.shape_cast %reduce_min3A_2539 : vector<16xi32> to vector<16x1xi32>
      %eq3A_2541 = vector.broadcast %broadcast_in_dim3A_2532 : vector<16x1xf32> to vector<16x512xf32>
      %eq3A_2542 = arith.cmpf oeq, %select_n3A_2526, %eq3A_2541 : vector<16x512xf32>
      %jit3A_2543 = arith.constant 1073741824 : i32
      %broadcast_in_dim3A_2544 = vector.broadcast %jit3A_2543 : i32 to vector<16x512xi32>
      %select_n3A_2545 = arith.select %eq3A_2542, %iota3A, %broadcast_in_dim3A_2544 : vector<16x512xi1>, vector<16x512xi32>
      %reduce_min3A_2546 = arith.constant dense<2147483647> : vector<16xi32>
      %reduce_min3A_2547 = vector.multi_reduction <minsi>, %select_n3A_2545, %reduce_min3A_2546 [1] : vector<16x512xi32> to vector<16xi32>
      %broadcast_in_dim3A_2548 = vector.shape_cast %reduce_min3A_2547 : vector<16xi32> to vector<16x1xi32>
      %eq3A_2549 = vector.broadcast %broadcast_in_dim3A_2540 : vector<16x1xi32> to vector<16x512xi32>
      %eq3A_2550 = arith.cmpi eq, %iota3A, %eq3A_2549 : vector<16x512xi32>
      %jit3A_2551 = arith.constant 0xFF800000 : f32
      %broadcast_in_dim3A_2552 = vector.broadcast %jit3A_2551 : f32 to vector<16x512xf32>
      %select_n3A_2553 = arith.select %eq3A_2550, %broadcast_in_dim3A_2552, %select_n3A_2521 : vector<16x512xi1>, vector<16x512xf32>
      %eq3A_2554 = vector.broadcast %broadcast_in_dim3A_2548 : vector<16x1xi32> to vector<16x512xi32>
      %eq3A_2555 = arith.cmpi eq, %iota3A, %eq3A_2554 : vector<16x512xi32>
      %jit3A_2556 = arith.constant 0xFF800000 : f32
      %broadcast_in_dim3A_2557 = vector.broadcast %jit3A_2556 : f32 to vector<16x512xf32>
      %select_n3A_2558 = arith.select %eq3A_2555, %broadcast_in_dim3A_2557, %select_n3A_2526 : vector<16x512xi1>, vector<16x512xf32>
      %reduce_max3A_2559 = arith.constant dense<0xFF800000> : vector<16xf32>
      %reduce_max3A_2560 = vector.multi_reduction <maximumf>, %select_n3A_2553, %reduce_max3A_2559 [1] : vector<16x512xf32> to vector<16xf32>
      %broadcast_in_dim3A_2561 = vector.shape_cast %reduce_max3A_2560 : vector<16xf32> to vector<16x1xf32>
      %reduce_max3A_2562 = arith.constant dense<0xFF800000> : vector<16xf32>
      %reduce_max3A_2563 = vector.multi_reduction <maximumf>, %select_n3A_2558, %reduce_max3A_2562 [1] : vector<16x512xf32> to vector<16xf32>
      %broadcast_in_dim3A_2564 = vector.shape_cast %reduce_max3A_2563 : vector<16xf32> to vector<16x1xf32>
      %eq3A_2565 = vector.broadcast %broadcast_in_dim3A_2561 : vector<16x1xf32> to vector<16x512xf32>
      %eq3A_2566 = arith.cmpf oeq, %select_n3A_2553, %eq3A_2565 : vector<16x512xf32>
      %jit3A_2567 = arith.constant 1073741824 : i32
      %broadcast_in_dim3A_2568 = vector.broadcast %jit3A_2567 : i32 to vector<16x512xi32>
      %select_n3A_2569 = arith.select %eq3A_2566, %iota3A, %broadcast_in_dim3A_2568 : vector<16x512xi1>, vector<16x512xi32>
      %reduce_min3A_2570 = arith.constant dense<2147483647> : vector<16xi32>
      %reduce_min3A_2571 = vector.multi_reduction <minsi>, %select_n3A_2569, %reduce_min3A_2570 [1] : vector<16x512xi32> to vector<16xi32>
      %broadcast_in_dim3A_2572 = vector.shape_cast %reduce_min3A_2571 : vector<16xi32> to vector<16x1xi32>
      %eq3A_2573 = vector.broadcast %broadcast_in_dim3A_2564 : vector<16x1xf32> to vector<16x512xf32>
      %eq3A_2574 = arith.cmpf oeq, %select_n3A_2558, %eq3A_2573 : vector<16x512xf32>
      %jit3A_2575 = arith.constant 1073741824 : i32
      %broadcast_in_dim3A_2576 = vector.broadcast %jit3A_2575 : i32 to vector<16x512xi32>
      %select_n3A_2577 = arith.select %eq3A_2574, %iota3A, %broadcast_in_dim3A_2576 : vector<16x512xi1>, vector<16x512xi32>
      %reduce_min3A_2578 = arith.constant dense<2147483647> : vector<16xi32>
      %reduce_min3A_2579 = vector.multi_reduction <minsi>, %select_n3A_2577, %reduce_min3A_2578 [1] : vector<16x512xi32> to vector<16xi32>
      %broadcast_in_dim3A_2580 = vector.shape_cast %reduce_min3A_2579 : vector<16xi32> to vector<16x1xi32>
      %eq3A_2581 = vector.broadcast %broadcast_in_dim3A_2572 : vector<16x1xi32> to vector<16x512xi32>
      %eq3A_2582 = arith.cmpi eq, %iota3A, %eq3A_2581 : vector<16x512xi32>
      %jit3A_2583 = arith.constant 0xFF800000 : f32
      %broadcast_in_dim3A_2584 = vector.broadcast %jit3A_2583 : f32 to vector<16x512xf32>
      %select_n3A_2585 = arith.select %eq3A_2582, %broadcast_in_dim3A_2584, %select_n3A_2553 : vector<16x512xi1>, vector<16x512xf32>
      %eq3A_2586 = vector.broadcast %broadcast_in_dim3A_2580 : vector<16x1xi32> to vector<16x512xi32>
      %eq3A_2587 = arith.cmpi eq, %iota3A, %eq3A_2586 : vector<16x512xi32>
      %jit3A_2588 = arith.constant 0xFF800000 : f32
      %broadcast_in_dim3A_2589 = vector.broadcast %jit3A_2588 : f32 to vector<16x512xf32>
      %select_n3A_2590 = arith.select %eq3A_2587, %broadcast_in_dim3A_2589, %select_n3A_2558 : vector<16x512xi1>, vector<16x512xf32>
      %reduce_max3A_2591 = arith.constant dense<0xFF800000> : vector<16xf32>
      %reduce_max3A_2592 = vector.multi_reduction <maximumf>, %select_n3A_2585, %reduce_max3A_2591 [1] : vector<16x512xf32> to vector<16xf32>
      %broadcast_in_dim3A_2593 = vector.shape_cast %reduce_max3A_2592 : vector<16xf32> to vector<16x1xf32>
      %reduce_max3A_2594 = arith.constant dense<0xFF800000> : vector<16xf32>
      %reduce_max3A_2595 = vector.multi_reduction <maximumf>, %select_n3A_2590, %reduce_max3A_2594 [1] : vector<16x512xf32> to vector<16xf32>
      %broadcast_in_dim3A_2596 = vector.shape_cast %reduce_max3A_2595 : vector<16xf32> to vector<16x1xf32>
      %eq3A_2597 = vector.broadcast %broadcast_in_dim3A_2593 : vector<16x1xf32> to vector<16x512xf32>
      %eq3A_2598 = arith.cmpf oeq, %select_n3A_2585, %eq3A_2597 : vector<16x512xf32>
      %jit3A_2599 = arith.constant 1073741824 : i32
      %broadcast_in_dim3A_2600 = vector.broadcast %jit3A_2599 : i32 to vector<16x512xi32>
      %select_n3A_2601 = arith.select %eq3A_2598, %iota3A, %broadcast_in_dim3A_2600 : vector<16x512xi1>, vector<16x512xi32>
      %reduce_min3A_2602 = arith.constant dense<2147483647> : vector<16xi32>
      %reduce_min3A_2603 = vector.multi_reduction <minsi>, %select_n3A_2601, %reduce_min3A_2602 [1] : vector<16x512xi32> to vector<16xi32>
      %broadcast_in_dim3A_2604 = vector.shape_cast %reduce_min3A_2603 : vector<16xi32> to vector<16x1xi32>
      %eq3A_2605 = vector.broadcast %broadcast_in_dim3A_2596 : vector<16x1xf32> to vector<16x512xf32>
      %eq3A_2606 = arith.cmpf oeq, %select_n3A_2590, %eq3A_2605 : vector<16x512xf32>
      %jit3A_2607 = arith.constant 1073741824 : i32
      %broadcast_in_dim3A_2608 = vector.broadcast %jit3A_2607 : i32 to vector<16x512xi32>
      %select_n3A_2609 = arith.select %eq3A_2606, %iota3A, %broadcast_in_dim3A_2608 : vector<16x512xi1>, vector<16x512xi32>
      %reduce_min3A_2610 = arith.constant dense<2147483647> : vector<16xi32>
      %reduce_min3A_2611 = vector.multi_reduction <minsi>, %select_n3A_2609, %reduce_min3A_2610 [1] : vector<16x512xi32> to vector<16xi32>
      %broadcast_in_dim3A_2612 = vector.shape_cast %reduce_min3A_2611 : vector<16xi32> to vector<16x1xi32>
      %eq3A_2613 = vector.broadcast %broadcast_in_dim3A_2604 : vector<16x1xi32> to vector<16x512xi32>
      %eq3A_2614 = arith.cmpi eq, %iota3A, %eq3A_2613 : vector<16x512xi32>
      %jit3A_2615 = arith.constant 0xFF800000 : f32
      %broadcast_in_dim3A_2616 = vector.broadcast %jit3A_2615 : f32 to vector<16x512xf32>
      %select_n3A_2617 = arith.select %eq3A_2614, %broadcast_in_dim3A_2616, %select_n3A_2585 : vector<16x512xi1>, vector<16x512xf32>
      %eq3A_2618 = vector.broadcast %broadcast_in_dim3A_2612 : vector<16x1xi32> to vector<16x512xi32>
      %eq3A_2619 = arith.cmpi eq, %iota3A, %eq3A_2618 : vector<16x512xi32>
      %jit3A_2620 = arith.constant 0xFF800000 : f32
      %broadcast_in_dim3A_2621 = vector.broadcast %jit3A_2620 : f32 to vector<16x512xf32>
      %select_n3A_2622 = arith.select %eq3A_2619, %broadcast_in_dim3A_2621, %select_n3A_2590 : vector<16x512xi1>, vector<16x512xf32>
      %reduce_max3A_2623 = arith.constant dense<0xFF800000> : vector<16xf32>
      %reduce_max3A_2624 = vector.multi_reduction <maximumf>, %select_n3A_2617, %reduce_max3A_2623 [1] : vector<16x512xf32> to vector<16xf32>
      %broadcast_in_dim3A_2625 = vector.shape_cast %reduce_max3A_2624 : vector<16xf32> to vector<16x1xf32>
      %reduce_max3A_2626 = arith.constant dense<0xFF800000> : vector<16xf32>
      %reduce_max3A_2627 = vector.multi_reduction <maximumf>, %select_n3A_2622, %reduce_max3A_2626 [1] : vector<16x512xf32> to vector<16xf32>
      %broadcast_in_dim3A_2628 = vector.shape_cast %reduce_max3A_2627 : vector<16xf32> to vector<16x1xf32>
      %eq3A_2629 = vector.broadcast %broadcast_in_dim3A_2625 : vector<16x1xf32> to vector<16x512xf32>
      %eq3A_2630 = arith.cmpf oeq, %select_n3A_2617, %eq3A_2629 : vector<16x512xf32>
      %jit3A_2631 = arith.constant 1073741824 : i32
      %broadcast_in_dim3A_2632 = vector.broadcast %jit3A_2631 : i32 to vector<16x512xi32>
      %select_n3A_2633 = arith.select %eq3A_2630, %iota3A, %broadcast_in_dim3A_2632 : vector<16x512xi1>, vector<16x512xi32>
      %reduce_min3A_2634 = arith.constant dense<2147483647> : vector<16xi32>
      %reduce_min3A_2635 = vector.multi_reduction <minsi>, %select_n3A_2633, %reduce_min3A_2634 [1] : vector<16x512xi32> to vector<16xi32>
      %broadcast_in_dim3A_2636 = vector.shape_cast %reduce_min3A_2635 : vector<16xi32> to vector<16x1xi32>
      %eq3A_2637 = vector.broadcast %broadcast_in_dim3A_2628 : vector<16x1xf32> to vector<16x512xf32>
      %eq3A_2638 = arith.cmpf oeq, %select_n3A_2622, %eq3A_2637 : vector<16x512xf32>
      %jit3A_2639 = arith.constant 1073741824 : i32
      %broadcast_in_dim3A_2640 = vector.broadcast %jit3A_2639 : i32 to vector<16x512xi32>
      %select_n3A_2641 = arith.select %eq3A_2638, %iota3A, %broadcast_in_dim3A_2640 : vector<16x512xi1>, vector<16x512xi32>
      %reduce_min3A_2642 = arith.constant dense<2147483647> : vector<16xi32>
      %reduce_min3A_2643 = vector.multi_reduction <minsi>, %select_n3A_2641, %reduce_min3A_2642 [1] : vector<16x512xi32> to vector<16xi32>
      %broadcast_in_dim3A_2644 = vector.shape_cast %reduce_min3A_2643 : vector<16xi32> to vector<16x1xi32>
      %eq3A_2645 = vector.broadcast %broadcast_in_dim3A_2636 : vector<16x1xi32> to vector<16x512xi32>
      %eq3A_2646 = arith.cmpi eq, %iota3A, %eq3A_2645 : vector<16x512xi32>
      %jit3A_2647 = arith.constant 0xFF800000 : f32
      %broadcast_in_dim3A_2648 = vector.broadcast %jit3A_2647 : f32 to vector<16x512xf32>
      %select_n3A_2649 = arith.select %eq3A_2646, %broadcast_in_dim3A_2648, %select_n3A_2617 : vector<16x512xi1>, vector<16x512xf32>
      %eq3A_2650 = vector.broadcast %broadcast_in_dim3A_2644 : vector<16x1xi32> to vector<16x512xi32>
      %eq3A_2651 = arith.cmpi eq, %iota3A, %eq3A_2650 : vector<16x512xi32>
      %jit3A_2652 = arith.constant 0xFF800000 : f32
      %broadcast_in_dim3A_2653 = vector.broadcast %jit3A_2652 : f32 to vector<16x512xf32>
      %select_n3A_2654 = arith.select %eq3A_2651, %broadcast_in_dim3A_2653, %select_n3A_2622 : vector<16x512xi1>, vector<16x512xf32>
      %reduce_max3A_2655 = arith.constant dense<0xFF800000> : vector<16xf32>
      %reduce_max3A_2656 = vector.multi_reduction <maximumf>, %select_n3A_2649, %reduce_max3A_2655 [1] : vector<16x512xf32> to vector<16xf32>
      %broadcast_in_dim3A_2657 = vector.shape_cast %reduce_max3A_2656 : vector<16xf32> to vector<16x1xf32>
      %reduce_max3A_2658 = arith.constant dense<0xFF800000> : vector<16xf32>
      %reduce_max3A_2659 = vector.multi_reduction <maximumf>, %select_n3A_2654, %reduce_max3A_2658 [1] : vector<16x512xf32> to vector<16xf32>
      %broadcast_in_dim3A_2660 = vector.shape_cast %reduce_max3A_2659 : vector<16xf32> to vector<16x1xf32>
      %eq3A_2661 = vector.broadcast %broadcast_in_dim3A_2657 : vector<16x1xf32> to vector<16x512xf32>
      %eq3A_2662 = arith.cmpf oeq, %select_n3A_2649, %eq3A_2661 : vector<16x512xf32>
      %jit3A_2663 = arith.constant 1073741824 : i32
      %broadcast_in_dim3A_2664 = vector.broadcast %jit3A_2663 : i32 to vector<16x512xi32>
      %select_n3A_2665 = arith.select %eq3A_2662, %iota3A, %broadcast_in_dim3A_2664 : vector<16x512xi1>, vector<16x512xi32>
      %reduce_min3A_2666 = arith.constant dense<2147483647> : vector<16xi32>
      %reduce_min3A_2667 = vector.multi_reduction <minsi>, %select_n3A_2665, %reduce_min3A_2666 [1] : vector<16x512xi32> to vector<16xi32>
      %broadcast_in_dim3A_2668 = vector.shape_cast %reduce_min3A_2667 : vector<16xi32> to vector<16x1xi32>
      %eq3A_2669 = vector.broadcast %broadcast_in_dim3A_2660 : vector<16x1xf32> to vector<16x512xf32>
      %eq3A_2670 = arith.cmpf oeq, %select_n3A_2654, %eq3A_2669 : vector<16x512xf32>
      %jit3A_2671 = arith.constant 1073741824 : i32
      %broadcast_in_dim3A_2672 = vector.broadcast %jit3A_2671 : i32 to vector<16x512xi32>
      %select_n3A_2673 = arith.select %eq3A_2670, %iota3A, %broadcast_in_dim3A_2672 : vector<16x512xi1>, vector<16x512xi32>
      %reduce_min3A_2674 = arith.constant dense<2147483647> : vector<16xi32>
      %reduce_min3A_2675 = vector.multi_reduction <minsi>, %select_n3A_2673, %reduce_min3A_2674 [1] : vector<16x512xi32> to vector<16xi32>
      %broadcast_in_dim3A_2676 = vector.shape_cast %reduce_min3A_2675 : vector<16xi32> to vector<16x1xi32>
      %eq3A_2677 = vector.broadcast %broadcast_in_dim3A_2668 : vector<16x1xi32> to vector<16x512xi32>
      %eq3A_2678 = arith.cmpi eq, %iota3A, %eq3A_2677 : vector<16x512xi32>
      %jit3A_2679 = arith.constant 0xFF800000 : f32
      %broadcast_in_dim3A_2680 = vector.broadcast %jit3A_2679 : f32 to vector<16x512xf32>
      %select_n3A_2681 = arith.select %eq3A_2678, %broadcast_in_dim3A_2680, %select_n3A_2649 : vector<16x512xi1>, vector<16x512xf32>
      %eq3A_2682 = vector.broadcast %broadcast_in_dim3A_2676 : vector<16x1xi32> to vector<16x512xi32>
      %eq3A_2683 = arith.cmpi eq, %iota3A, %eq3A_2682 : vector<16x512xi32>
      %jit3A_2684 = arith.constant 0xFF800000 : f32
      %broadcast_in_dim3A_2685 = vector.broadcast %jit3A_2684 : f32 to vector<16x512xf32>
      %select_n3A_2686 = arith.select %eq3A_2683, %broadcast_in_dim3A_2685, %select_n3A_2654 : vector<16x512xi1>, vector<16x512xf32>
      %reduce_max3A_2687 = arith.constant dense<0xFF800000> : vector<16xf32>
      %reduce_max3A_2688 = vector.multi_reduction <maximumf>, %select_n3A_2681, %reduce_max3A_2687 [1] : vector<16x512xf32> to vector<16xf32>
      %broadcast_in_dim3A_2689 = vector.shape_cast %reduce_max3A_2688 : vector<16xf32> to vector<16x1xf32>
      %reduce_max3A_2690 = arith.constant dense<0xFF800000> : vector<16xf32>
      %reduce_max3A_2691 = vector.multi_reduction <maximumf>, %select_n3A_2686, %reduce_max3A_2690 [1] : vector<16x512xf32> to vector<16xf32>
      %broadcast_in_dim3A_2692 = vector.shape_cast %reduce_max3A_2691 : vector<16xf32> to vector<16x1xf32>
      %eq3A_2693 = vector.broadcast %broadcast_in_dim3A_2689 : vector<16x1xf32> to vector<16x512xf32>
      %eq3A_2694 = arith.cmpf oeq, %select_n3A_2681, %eq3A_2693 : vector<16x512xf32>
      %jit3A_2695 = arith.constant 1073741824 : i32
      %broadcast_in_dim3A_2696 = vector.broadcast %jit3A_2695 : i32 to vector<16x512xi32>
      %select_n3A_2697 = arith.select %eq3A_2694, %iota3A, %broadcast_in_dim3A_2696 : vector<16x512xi1>, vector<16x512xi32>
      %reduce_min3A_2698 = arith.constant dense<2147483647> : vector<16xi32>
      %reduce_min3A_2699 = vector.multi_reduction <minsi>, %select_n3A_2697, %reduce_min3A_2698 [1] : vector<16x512xi32> to vector<16xi32>
      %broadcast_in_dim3A_2700 = vector.shape_cast %reduce_min3A_2699 : vector<16xi32> to vector<16x1xi32>
      %eq3A_2701 = vector.broadcast %broadcast_in_dim3A_2692 : vector<16x1xf32> to vector<16x512xf32>
      %eq3A_2702 = arith.cmpf oeq, %select_n3A_2686, %eq3A_2701 : vector<16x512xf32>
      %jit3A_2703 = arith.constant 1073741824 : i32
      %broadcast_in_dim3A_2704 = vector.broadcast %jit3A_2703 : i32 to vector<16x512xi32>
      %select_n3A_2705 = arith.select %eq3A_2702, %iota3A, %broadcast_in_dim3A_2704 : vector<16x512xi1>, vector<16x512xi32>
      %reduce_min3A_2706 = arith.constant dense<2147483647> : vector<16xi32>
      %reduce_min3A_2707 = vector.multi_reduction <minsi>, %select_n3A_2705, %reduce_min3A_2706 [1] : vector<16x512xi32> to vector<16xi32>
      %broadcast_in_dim3A_2708 = vector.shape_cast %reduce_min3A_2707 : vector<16xi32> to vector<16x1xi32>
      %eq3A_2709 = vector.broadcast %broadcast_in_dim3A_2700 : vector<16x1xi32> to vector<16x512xi32>
      %eq3A_2710 = arith.cmpi eq, %iota3A, %eq3A_2709 : vector<16x512xi32>
      %jit3A_2711 = arith.constant 0xFF800000 : f32
      %broadcast_in_dim3A_2712 = vector.broadcast %jit3A_2711 : f32 to vector<16x512xf32>
      %select_n3A_2713 = arith.select %eq3A_2710, %broadcast_in_dim3A_2712, %select_n3A_2681 : vector<16x512xi1>, vector<16x512xf32>
      %eq3A_2714 = vector.broadcast %broadcast_in_dim3A_2708 : vector<16x1xi32> to vector<16x512xi32>
      %eq3A_2715 = arith.cmpi eq, %iota3A, %eq3A_2714 : vector<16x512xi32>
      %jit3A_2716 = arith.constant 0xFF800000 : f32
      %broadcast_in_dim3A_2717 = vector.broadcast %jit3A_2716 : f32 to vector<16x512xf32>
      %select_n3A_2718 = arith.select %eq3A_2715, %broadcast_in_dim3A_2717, %select_n3A_2686 : vector<16x512xi1>, vector<16x512xf32>
      %reduce_max3A_2719 = arith.constant dense<0xFF800000> : vector<16xf32>
      %reduce_max3A_2720 = vector.multi_reduction <maximumf>, %select_n3A_2713, %reduce_max3A_2719 [1] : vector<16x512xf32> to vector<16xf32>
      %broadcast_in_dim3A_2721 = vector.shape_cast %reduce_max3A_2720 : vector<16xf32> to vector<16x1xf32>
      %reduce_max3A_2722 = arith.constant dense<0xFF800000> : vector<16xf32>
      %reduce_max3A_2723 = vector.multi_reduction <maximumf>, %select_n3A_2718, %reduce_max3A_2722 [1] : vector<16x512xf32> to vector<16xf32>
      %broadcast_in_dim3A_2724 = vector.shape_cast %reduce_max3A_2723 : vector<16xf32> to vector<16x1xf32>
      %eq3A_2725 = vector.broadcast %broadcast_in_dim3A_2721 : vector<16x1xf32> to vector<16x512xf32>
      %eq3A_2726 = arith.cmpf oeq, %select_n3A_2713, %eq3A_2725 : vector<16x512xf32>
      %jit3A_2727 = arith.constant 1073741824 : i32
      %broadcast_in_dim3A_2728 = vector.broadcast %jit3A_2727 : i32 to vector<16x512xi32>
      %select_n3A_2729 = arith.select %eq3A_2726, %iota3A, %broadcast_in_dim3A_2728 : vector<16x512xi1>, vector<16x512xi32>
      %reduce_min3A_2730 = arith.constant dense<2147483647> : vector<16xi32>
      %reduce_min3A_2731 = vector.multi_reduction <minsi>, %select_n3A_2729, %reduce_min3A_2730 [1] : vector<16x512xi32> to vector<16xi32>
      %broadcast_in_dim3A_2732 = vector.shape_cast %reduce_min3A_2731 : vector<16xi32> to vector<16x1xi32>
      %eq3A_2733 = vector.broadcast %broadcast_in_dim3A_2724 : vector<16x1xf32> to vector<16x512xf32>
      %eq3A_2734 = arith.cmpf oeq, %select_n3A_2718, %eq3A_2733 : vector<16x512xf32>
      %jit3A_2735 = arith.constant 1073741824 : i32
      %broadcast_in_dim3A_2736 = vector.broadcast %jit3A_2735 : i32 to vector<16x512xi32>
      %select_n3A_2737 = arith.select %eq3A_2734, %iota3A, %broadcast_in_dim3A_2736 : vector<16x512xi1>, vector<16x512xi32>
      %reduce_min3A_2738 = arith.constant dense<2147483647> : vector<16xi32>
      %reduce_min3A_2739 = vector.multi_reduction <minsi>, %select_n3A_2737, %reduce_min3A_2738 [1] : vector<16x512xi32> to vector<16xi32>
      %broadcast_in_dim3A_2740 = vector.shape_cast %reduce_min3A_2739 : vector<16xi32> to vector<16x1xi32>
      %eq3A_2741 = vector.broadcast %broadcast_in_dim3A_2732 : vector<16x1xi32> to vector<16x512xi32>
      %eq3A_2742 = arith.cmpi eq, %iota3A, %eq3A_2741 : vector<16x512xi32>
      %jit3A_2743 = arith.constant 0xFF800000 : f32
      %broadcast_in_dim3A_2744 = vector.broadcast %jit3A_2743 : f32 to vector<16x512xf32>
      %select_n3A_2745 = arith.select %eq3A_2742, %broadcast_in_dim3A_2744, %select_n3A_2713 : vector<16x512xi1>, vector<16x512xf32>
      %eq3A_2746 = vector.broadcast %broadcast_in_dim3A_2740 : vector<16x1xi32> to vector<16x512xi32>
      %eq3A_2747 = arith.cmpi eq, %iota3A, %eq3A_2746 : vector<16x512xi32>
      %jit3A_2748 = arith.constant 0xFF800000 : f32
      %broadcast_in_dim3A_2749 = vector.broadcast %jit3A_2748 : f32 to vector<16x512xf32>
      %select_n3A_2750 = arith.select %eq3A_2747, %broadcast_in_dim3A_2749, %select_n3A_2718 : vector<16x512xi1>, vector<16x512xf32>
      %reduce_max3A_2751 = arith.constant dense<0xFF800000> : vector<16xf32>
      %reduce_max3A_2752 = vector.multi_reduction <maximumf>, %select_n3A_2745, %reduce_max3A_2751 [1] : vector<16x512xf32> to vector<16xf32>
      %broadcast_in_dim3A_2753 = vector.shape_cast %reduce_max3A_2752 : vector<16xf32> to vector<16x1xf32>
      %reduce_max3A_2754 = arith.constant dense<0xFF800000> : vector<16xf32>
      %reduce_max3A_2755 = vector.multi_reduction <maximumf>, %select_n3A_2750, %reduce_max3A_2754 [1] : vector<16x512xf32> to vector<16xf32>
      %broadcast_in_dim3A_2756 = vector.shape_cast %reduce_max3A_2755 : vector<16xf32> to vector<16x1xf32>
      %eq3A_2757 = vector.broadcast %broadcast_in_dim3A_2753 : vector<16x1xf32> to vector<16x512xf32>
      %eq3A_2758 = arith.cmpf oeq, %select_n3A_2745, %eq3A_2757 : vector<16x512xf32>
      %jit3A_2759 = arith.constant 1073741824 : i32
      %broadcast_in_dim3A_2760 = vector.broadcast %jit3A_2759 : i32 to vector<16x512xi32>
      %select_n3A_2761 = arith.select %eq3A_2758, %iota3A, %broadcast_in_dim3A_2760 : vector<16x512xi1>, vector<16x512xi32>
      %reduce_min3A_2762 = arith.constant dense<2147483647> : vector<16xi32>
      %reduce_min3A_2763 = vector.multi_reduction <minsi>, %select_n3A_2761, %reduce_min3A_2762 [1] : vector<16x512xi32> to vector<16xi32>
      %broadcast_in_dim3A_2764 = vector.shape_cast %reduce_min3A_2763 : vector<16xi32> to vector<16x1xi32>
      %eq3A_2765 = vector.broadcast %broadcast_in_dim3A_2756 : vector<16x1xf32> to vector<16x512xf32>
      %eq3A_2766 = arith.cmpf oeq, %select_n3A_2750, %eq3A_2765 : vector<16x512xf32>
      %jit3A_2767 = arith.constant 1073741824 : i32
      %broadcast_in_dim3A_2768 = vector.broadcast %jit3A_2767 : i32 to vector<16x512xi32>
      %select_n3A_2769 = arith.select %eq3A_2766, %iota3A, %broadcast_in_dim3A_2768 : vector<16x512xi1>, vector<16x512xi32>
      %reduce_min3A_2770 = arith.constant dense<2147483647> : vector<16xi32>
      %reduce_min3A_2771 = vector.multi_reduction <minsi>, %select_n3A_2769, %reduce_min3A_2770 [1] : vector<16x512xi32> to vector<16xi32>
      %broadcast_in_dim3A_2772 = vector.shape_cast %reduce_min3A_2771 : vector<16xi32> to vector<16x1xi32>
      %eq3A_2773 = vector.broadcast %broadcast_in_dim3A_2764 : vector<16x1xi32> to vector<16x512xi32>
      %eq3A_2774 = arith.cmpi eq, %iota3A, %eq3A_2773 : vector<16x512xi32>
      %jit3A_2775 = arith.constant 0xFF800000 : f32
      %broadcast_in_dim3A_2776 = vector.broadcast %jit3A_2775 : f32 to vector<16x512xf32>
      %select_n3A_2777 = arith.select %eq3A_2774, %broadcast_in_dim3A_2776, %select_n3A_2745 : vector<16x512xi1>, vector<16x512xf32>
      %eq3A_2778 = vector.broadcast %broadcast_in_dim3A_2772 : vector<16x1xi32> to vector<16x512xi32>
      %eq3A_2779 = arith.cmpi eq, %iota3A, %eq3A_2778 : vector<16x512xi32>
      %jit3A_2780 = arith.constant 0xFF800000 : f32
      %broadcast_in_dim3A_2781 = vector.broadcast %jit3A_2780 : f32 to vector<16x512xf32>
      %select_n3A_2782 = arith.select %eq3A_2779, %broadcast_in_dim3A_2781, %select_n3A_2750 : vector<16x512xi1>, vector<16x512xf32>
      %reduce_max3A_2783 = arith.constant dense<0xFF800000> : vector<16xf32>
      %reduce_max3A_2784 = vector.multi_reduction <maximumf>, %select_n3A_2777, %reduce_max3A_2783 [1] : vector<16x512xf32> to vector<16xf32>
      %broadcast_in_dim3A_2785 = vector.shape_cast %reduce_max3A_2784 : vector<16xf32> to vector<16x1xf32>
      %reduce_max3A_2786 = arith.constant dense<0xFF800000> : vector<16xf32>
      %reduce_max3A_2787 = vector.multi_reduction <maximumf>, %select_n3A_2782, %reduce_max3A_2786 [1] : vector<16x512xf32> to vector<16xf32>
      %broadcast_in_dim3A_2788 = vector.shape_cast %reduce_max3A_2787 : vector<16xf32> to vector<16x1xf32>
      %eq3A_2789 = vector.broadcast %broadcast_in_dim3A_2785 : vector<16x1xf32> to vector<16x512xf32>
      %eq3A_2790 = arith.cmpf oeq, %select_n3A_2777, %eq3A_2789 : vector<16x512xf32>
      %jit3A_2791 = arith.constant 1073741824 : i32
      %broadcast_in_dim3A_2792 = vector.broadcast %jit3A_2791 : i32 to vector<16x512xi32>
      %select_n3A_2793 = arith.select %eq3A_2790, %iota3A, %broadcast_in_dim3A_2792 : vector<16x512xi1>, vector<16x512xi32>
      %reduce_min3A_2794 = arith.constant dense<2147483647> : vector<16xi32>
      %reduce_min3A_2795 = vector.multi_reduction <minsi>, %select_n3A_2793, %reduce_min3A_2794 [1] : vector<16x512xi32> to vector<16xi32>
      %broadcast_in_dim3A_2796 = vector.shape_cast %reduce_min3A_2795 : vector<16xi32> to vector<16x1xi32>
      %eq3A_2797 = vector.broadcast %broadcast_in_dim3A_2788 : vector<16x1xf32> to vector<16x512xf32>
      %eq3A_2798 = arith.cmpf oeq, %select_n3A_2782, %eq3A_2797 : vector<16x512xf32>
      %jit3A_2799 = arith.constant 1073741824 : i32
      %broadcast_in_dim3A_2800 = vector.broadcast %jit3A_2799 : i32 to vector<16x512xi32>
      %select_n3A_2801 = arith.select %eq3A_2798, %iota3A, %broadcast_in_dim3A_2800 : vector<16x512xi1>, vector<16x512xi32>
      %reduce_min3A_2802 = arith.constant dense<2147483647> : vector<16xi32>
      %reduce_min3A_2803 = vector.multi_reduction <minsi>, %select_n3A_2801, %reduce_min3A_2802 [1] : vector<16x512xi32> to vector<16xi32>
      %broadcast_in_dim3A_2804 = vector.shape_cast %reduce_min3A_2803 : vector<16xi32> to vector<16x1xi32>
      %eq3A_2805 = vector.broadcast %broadcast_in_dim3A_2796 : vector<16x1xi32> to vector<16x512xi32>
      %eq3A_2806 = arith.cmpi eq, %iota3A, %eq3A_2805 : vector<16x512xi32>
      %jit3A_2807 = arith.constant 0xFF800000 : f32
      %broadcast_in_dim3A_2808 = vector.broadcast %jit3A_2807 : f32 to vector<16x512xf32>
      %select_n3A_2809 = arith.select %eq3A_2806, %broadcast_in_dim3A_2808, %select_n3A_2777 : vector<16x512xi1>, vector<16x512xf32>
      %eq3A_2810 = vector.broadcast %broadcast_in_dim3A_2804 : vector<16x1xi32> to vector<16x512xi32>
      %eq3A_2811 = arith.cmpi eq, %iota3A, %eq3A_2810 : vector<16x512xi32>
      %jit3A_2812 = arith.constant 0xFF800000 : f32
      %broadcast_in_dim3A_2813 = vector.broadcast %jit3A_2812 : f32 to vector<16x512xf32>
      %select_n3A_2814 = arith.select %eq3A_2811, %broadcast_in_dim3A_2813, %select_n3A_2782 : vector<16x512xi1>, vector<16x512xf32>
      %reduce_max3A_2815 = arith.constant dense<0xFF800000> : vector<16xf32>
      %reduce_max3A_2816 = vector.multi_reduction <maximumf>, %select_n3A_2809, %reduce_max3A_2815 [1] : vector<16x512xf32> to vector<16xf32>
      %broadcast_in_dim3A_2817 = vector.shape_cast %reduce_max3A_2816 : vector<16xf32> to vector<16x1xf32>
      %reduce_max3A_2818 = arith.constant dense<0xFF800000> : vector<16xf32>
      %reduce_max3A_2819 = vector.multi_reduction <maximumf>, %select_n3A_2814, %reduce_max3A_2818 [1] : vector<16x512xf32> to vector<16xf32>
      %broadcast_in_dim3A_2820 = vector.shape_cast %reduce_max3A_2819 : vector<16xf32> to vector<16x1xf32>
      %eq3A_2821 = vector.broadcast %broadcast_in_dim3A_2817 : vector<16x1xf32> to vector<16x512xf32>
      %eq3A_2822 = arith.cmpf oeq, %select_n3A_2809, %eq3A_2821 : vector<16x512xf32>
      %jit3A_2823 = arith.constant 1073741824 : i32
      %broadcast_in_dim3A_2824 = vector.broadcast %jit3A_2823 : i32 to vector<16x512xi32>
      %select_n3A_2825 = arith.select %eq3A_2822, %iota3A, %broadcast_in_dim3A_2824 : vector<16x512xi1>, vector<16x512xi32>
      %reduce_min3A_2826 = arith.constant dense<2147483647> : vector<16xi32>
      %reduce_min3A_2827 = vector.multi_reduction <minsi>, %select_n3A_2825, %reduce_min3A_2826 [1] : vector<16x512xi32> to vector<16xi32>
      %broadcast_in_dim3A_2828 = vector.shape_cast %reduce_min3A_2827 : vector<16xi32> to vector<16x1xi32>
      %eq3A_2829 = vector.broadcast %broadcast_in_dim3A_2820 : vector<16x1xf32> to vector<16x512xf32>
      %eq3A_2830 = arith.cmpf oeq, %select_n3A_2814, %eq3A_2829 : vector<16x512xf32>
      %jit3A_2831 = arith.constant 1073741824 : i32
      %broadcast_in_dim3A_2832 = vector.broadcast %jit3A_2831 : i32 to vector<16x512xi32>
      %select_n3A_2833 = arith.select %eq3A_2830, %iota3A, %broadcast_in_dim3A_2832 : vector<16x512xi1>, vector<16x512xi32>
      %reduce_min3A_2834 = arith.constant dense<2147483647> : vector<16xi32>
      %reduce_min3A_2835 = vector.multi_reduction <minsi>, %select_n3A_2833, %reduce_min3A_2834 [1] : vector<16x512xi32> to vector<16xi32>
      %broadcast_in_dim3A_2836 = vector.shape_cast %reduce_min3A_2835 : vector<16xi32> to vector<16x1xi32>
      %eq3A_2837 = vector.broadcast %broadcast_in_dim3A_2828 : vector<16x1xi32> to vector<16x512xi32>
      %eq3A_2838 = arith.cmpi eq, %iota3A, %eq3A_2837 : vector<16x512xi32>
      %jit3A_2839 = arith.constant 0xFF800000 : f32
      %broadcast_in_dim3A_2840 = vector.broadcast %jit3A_2839 : f32 to vector<16x512xf32>
      %select_n3A_2841 = arith.select %eq3A_2838, %broadcast_in_dim3A_2840, %select_n3A_2809 : vector<16x512xi1>, vector<16x512xf32>
      %eq3A_2842 = vector.broadcast %broadcast_in_dim3A_2836 : vector<16x1xi32> to vector<16x512xi32>
      %eq3A_2843 = arith.cmpi eq, %iota3A, %eq3A_2842 : vector<16x512xi32>
      %jit3A_2844 = arith.constant 0xFF800000 : f32
      %broadcast_in_dim3A_2845 = vector.broadcast %jit3A_2844 : f32 to vector<16x512xf32>
      %select_n3A_2846 = arith.select %eq3A_2843, %broadcast_in_dim3A_2845, %select_n3A_2814 : vector<16x512xi1>, vector<16x512xf32>
      %reduce_max3A_2847 = arith.constant dense<0xFF800000> : vector<16xf32>
      %reduce_max3A_2848 = vector.multi_reduction <maximumf>, %select_n3A_2841, %reduce_max3A_2847 [1] : vector<16x512xf32> to vector<16xf32>
      %broadcast_in_dim3A_2849 = vector.shape_cast %reduce_max3A_2848 : vector<16xf32> to vector<16x1xf32>
      %reduce_max3A_2850 = arith.constant dense<0xFF800000> : vector<16xf32>
      %reduce_max3A_2851 = vector.multi_reduction <maximumf>, %select_n3A_2846, %reduce_max3A_2850 [1] : vector<16x512xf32> to vector<16xf32>
      %broadcast_in_dim3A_2852 = vector.shape_cast %reduce_max3A_2851 : vector<16xf32> to vector<16x1xf32>
      %eq3A_2853 = vector.broadcast %broadcast_in_dim3A_2849 : vector<16x1xf32> to vector<16x512xf32>
      %eq3A_2854 = arith.cmpf oeq, %select_n3A_2841, %eq3A_2853 : vector<16x512xf32>
      %jit3A_2855 = arith.constant 1073741824 : i32
      %broadcast_in_dim3A_2856 = vector.broadcast %jit3A_2855 : i32 to vector<16x512xi32>
      %select_n3A_2857 = arith.select %eq3A_2854, %iota3A, %broadcast_in_dim3A_2856 : vector<16x512xi1>, vector<16x512xi32>
      %reduce_min3A_2858 = arith.constant dense<2147483647> : vector<16xi32>
      %reduce_min3A_2859 = vector.multi_reduction <minsi>, %select_n3A_2857, %reduce_min3A_2858 [1] : vector<16x512xi32> to vector<16xi32>
      %broadcast_in_dim3A_2860 = vector.shape_cast %reduce_min3A_2859 : vector<16xi32> to vector<16x1xi32>
      %eq3A_2861 = vector.broadcast %broadcast_in_dim3A_2852 : vector<16x1xf32> to vector<16x512xf32>
      %eq3A_2862 = arith.cmpf oeq, %select_n3A_2846, %eq3A_2861 : vector<16x512xf32>
      %jit3A_2863 = arith.constant 1073741824 : i32
      %broadcast_in_dim3A_2864 = vector.broadcast %jit3A_2863 : i32 to vector<16x512xi32>
      %select_n3A_2865 = arith.select %eq3A_2862, %iota3A, %broadcast_in_dim3A_2864 : vector<16x512xi1>, vector<16x512xi32>
      %reduce_min3A_2866 = arith.constant dense<2147483647> : vector<16xi32>
      %reduce_min3A_2867 = vector.multi_reduction <minsi>, %select_n3A_2865, %reduce_min3A_2866 [1] : vector<16x512xi32> to vector<16xi32>
      %broadcast_in_dim3A_2868 = vector.shape_cast %reduce_min3A_2867 : vector<16xi32> to vector<16x1xi32>
      %eq3A_2869 = vector.broadcast %broadcast_in_dim3A_2860 : vector<16x1xi32> to vector<16x512xi32>
      %eq3A_2870 = arith.cmpi eq, %iota3A, %eq3A_2869 : vector<16x512xi32>
      %jit3A_2871 = arith.constant 0xFF800000 : f32
      %broadcast_in_dim3A_2872 = vector.broadcast %jit3A_2871 : f32 to vector<16x512xf32>
      %select_n3A_2873 = arith.select %eq3A_2870, %broadcast_in_dim3A_2872, %select_n3A_2841 : vector<16x512xi1>, vector<16x512xf32>
      %eq3A_2874 = vector.broadcast %broadcast_in_dim3A_2868 : vector<16x1xi32> to vector<16x512xi32>
      %eq3A_2875 = arith.cmpi eq, %iota3A, %eq3A_2874 : vector<16x512xi32>
      %jit3A_2876 = arith.constant 0xFF800000 : f32
      %broadcast_in_dim3A_2877 = vector.broadcast %jit3A_2876 : f32 to vector<16x512xf32>
      %select_n3A_2878 = arith.select %eq3A_2875, %broadcast_in_dim3A_2877, %select_n3A_2846 : vector<16x512xi1>, vector<16x512xf32>
      %reduce_max3A_2879 = arith.constant dense<0xFF800000> : vector<16xf32>
      %reduce_max3A_2880 = vector.multi_reduction <maximumf>, %select_n3A_2873, %reduce_max3A_2879 [1] : vector<16x512xf32> to vector<16xf32>
      %broadcast_in_dim3A_2881 = vector.shape_cast %reduce_max3A_2880 : vector<16xf32> to vector<16x1xf32>
      %reduce_max3A_2882 = arith.constant dense<0xFF800000> : vector<16xf32>
      %reduce_max3A_2883 = vector.multi_reduction <maximumf>, %select_n3A_2878, %reduce_max3A_2882 [1] : vector<16x512xf32> to vector<16xf32>
      %broadcast_in_dim3A_2884 = vector.shape_cast %reduce_max3A_2883 : vector<16xf32> to vector<16x1xf32>
      %eq3A_2885 = vector.broadcast %broadcast_in_dim3A_2881 : vector<16x1xf32> to vector<16x512xf32>
      %eq3A_2886 = arith.cmpf oeq, %select_n3A_2873, %eq3A_2885 : vector<16x512xf32>
      %jit3A_2887 = arith.constant 1073741824 : i32
      %broadcast_in_dim3A_2888 = vector.broadcast %jit3A_2887 : i32 to vector<16x512xi32>
      %select_n3A_2889 = arith.select %eq3A_2886, %iota3A, %broadcast_in_dim3A_2888 : vector<16x512xi1>, vector<16x512xi32>
      %reduce_min3A_2890 = arith.constant dense<2147483647> : vector<16xi32>
      %reduce_min3A_2891 = vector.multi_reduction <minsi>, %select_n3A_2889, %reduce_min3A_2890 [1] : vector<16x512xi32> to vector<16xi32>
      %broadcast_in_dim3A_2892 = vector.shape_cast %reduce_min3A_2891 : vector<16xi32> to vector<16x1xi32>
      %eq3A_2893 = vector.broadcast %broadcast_in_dim3A_2884 : vector<16x1xf32> to vector<16x512xf32>
      %eq3A_2894 = arith.cmpf oeq, %select_n3A_2878, %eq3A_2893 : vector<16x512xf32>
      %jit3A_2895 = arith.constant 1073741824 : i32
      %broadcast_in_dim3A_2896 = vector.broadcast %jit3A_2895 : i32 to vector<16x512xi32>
      %select_n3A_2897 = arith.select %eq3A_2894, %iota3A, %broadcast_in_dim3A_2896 : vector<16x512xi1>, vector<16x512xi32>
      %reduce_min3A_2898 = arith.constant dense<2147483647> : vector<16xi32>
      %reduce_min3A_2899 = vector.multi_reduction <minsi>, %select_n3A_2897, %reduce_min3A_2898 [1] : vector<16x512xi32> to vector<16xi32>
      %broadcast_in_dim3A_2900 = vector.shape_cast %reduce_min3A_2899 : vector<16xi32> to vector<16x1xi32>
      %eq3A_2901 = vector.broadcast %broadcast_in_dim3A_2892 : vector<16x1xi32> to vector<16x512xi32>
      %eq3A_2902 = arith.cmpi eq, %iota3A, %eq3A_2901 : vector<16x512xi32>
      %jit3A_2903 = arith.constant 0xFF800000 : f32
      %broadcast_in_dim3A_2904 = vector.broadcast %jit3A_2903 : f32 to vector<16x512xf32>
      %select_n3A_2905 = arith.select %eq3A_2902, %broadcast_in_dim3A_2904, %select_n3A_2873 : vector<16x512xi1>, vector<16x512xf32>
      %eq3A_2906 = vector.broadcast %broadcast_in_dim3A_2900 : vector<16x1xi32> to vector<16x512xi32>
      %eq3A_2907 = arith.cmpi eq, %iota3A, %eq3A_2906 : vector<16x512xi32>
      %jit3A_2908 = arith.constant 0xFF800000 : f32
      %broadcast_in_dim3A_2909 = vector.broadcast %jit3A_2908 : f32 to vector<16x512xf32>
      %select_n3A_2910 = arith.select %eq3A_2907, %broadcast_in_dim3A_2909, %select_n3A_2878 : vector<16x512xi1>, vector<16x512xf32>
      %reduce_max3A_2911 = arith.constant dense<0xFF800000> : vector<16xf32>
      %reduce_max3A_2912 = vector.multi_reduction <maximumf>, %select_n3A_2905, %reduce_max3A_2911 [1] : vector<16x512xf32> to vector<16xf32>
      %broadcast_in_dim3A_2913 = vector.shape_cast %reduce_max3A_2912 : vector<16xf32> to vector<16x1xf32>
      %reduce_max3A_2914 = arith.constant dense<0xFF800000> : vector<16xf32>
      %reduce_max3A_2915 = vector.multi_reduction <maximumf>, %select_n3A_2910, %reduce_max3A_2914 [1] : vector<16x512xf32> to vector<16xf32>
      %broadcast_in_dim3A_2916 = vector.shape_cast %reduce_max3A_2915 : vector<16xf32> to vector<16x1xf32>
      %eq3A_2917 = vector.broadcast %broadcast_in_dim3A_2913 : vector<16x1xf32> to vector<16x512xf32>
      %eq3A_2918 = arith.cmpf oeq, %select_n3A_2905, %eq3A_2917 : vector<16x512xf32>
      %jit3A_2919 = arith.constant 1073741824 : i32
      %broadcast_in_dim3A_2920 = vector.broadcast %jit3A_2919 : i32 to vector<16x512xi32>
      %select_n3A_2921 = arith.select %eq3A_2918, %iota3A, %broadcast_in_dim3A_2920 : vector<16x512xi1>, vector<16x512xi32>
      %reduce_min3A_2922 = arith.constant dense<2147483647> : vector<16xi32>
      %reduce_min3A_2923 = vector.multi_reduction <minsi>, %select_n3A_2921, %reduce_min3A_2922 [1] : vector<16x512xi32> to vector<16xi32>
      %broadcast_in_dim3A_2924 = vector.shape_cast %reduce_min3A_2923 : vector<16xi32> to vector<16x1xi32>
      %eq3A_2925 = vector.broadcast %broadcast_in_dim3A_2916 : vector<16x1xf32> to vector<16x512xf32>
      %eq3A_2926 = arith.cmpf oeq, %select_n3A_2910, %eq3A_2925 : vector<16x512xf32>
      %jit3A_2927 = arith.constant 1073741824 : i32
      %broadcast_in_dim3A_2928 = vector.broadcast %jit3A_2927 : i32 to vector<16x512xi32>
      %select_n3A_2929 = arith.select %eq3A_2926, %iota3A, %broadcast_in_dim3A_2928 : vector<16x512xi1>, vector<16x512xi32>
      %reduce_min3A_2930 = arith.constant dense<2147483647> : vector<16xi32>
      %reduce_min3A_2931 = vector.multi_reduction <minsi>, %select_n3A_2929, %reduce_min3A_2930 [1] : vector<16x512xi32> to vector<16xi32>
      %broadcast_in_dim3A_2932 = vector.shape_cast %reduce_min3A_2931 : vector<16xi32> to vector<16x1xi32>
      %eq3A_2933 = vector.broadcast %broadcast_in_dim3A_2924 : vector<16x1xi32> to vector<16x512xi32>
      %eq3A_2934 = arith.cmpi eq, %iota3A, %eq3A_2933 : vector<16x512xi32>
      %jit3A_2935 = arith.constant 0xFF800000 : f32
      %broadcast_in_dim3A_2936 = vector.broadcast %jit3A_2935 : f32 to vector<16x512xf32>
      %select_n3A_2937 = arith.select %eq3A_2934, %broadcast_in_dim3A_2936, %select_n3A_2905 : vector<16x512xi1>, vector<16x512xf32>
      %eq3A_2938 = vector.broadcast %broadcast_in_dim3A_2932 : vector<16x1xi32> to vector<16x512xi32>
      %eq3A_2939 = arith.cmpi eq, %iota3A, %eq3A_2938 : vector<16x512xi32>
      %jit3A_2940 = arith.constant 0xFF800000 : f32
      %broadcast_in_dim3A_2941 = vector.broadcast %jit3A_2940 : f32 to vector<16x512xf32>
      %select_n3A_2942 = arith.select %eq3A_2939, %broadcast_in_dim3A_2941, %select_n3A_2910 : vector<16x512xi1>, vector<16x512xf32>
      %reduce_max3A_2943 = arith.constant dense<0xFF800000> : vector<16xf32>
      %reduce_max3A_2944 = vector.multi_reduction <maximumf>, %select_n3A_2937, %reduce_max3A_2943 [1] : vector<16x512xf32> to vector<16xf32>
      %broadcast_in_dim3A_2945 = vector.shape_cast %reduce_max3A_2944 : vector<16xf32> to vector<16x1xf32>
      %reduce_max3A_2946 = arith.constant dense<0xFF800000> : vector<16xf32>
      %reduce_max3A_2947 = vector.multi_reduction <maximumf>, %select_n3A_2942, %reduce_max3A_2946 [1] : vector<16x512xf32> to vector<16xf32>
      %broadcast_in_dim3A_2948 = vector.shape_cast %reduce_max3A_2947 : vector<16xf32> to vector<16x1xf32>
      %eq3A_2949 = vector.broadcast %broadcast_in_dim3A_2945 : vector<16x1xf32> to vector<16x512xf32>
      %eq3A_2950 = arith.cmpf oeq, %select_n3A_2937, %eq3A_2949 : vector<16x512xf32>
      %jit3A_2951 = arith.constant 1073741824 : i32
      %broadcast_in_dim3A_2952 = vector.broadcast %jit3A_2951 : i32 to vector<16x512xi32>
      %select_n3A_2953 = arith.select %eq3A_2950, %iota3A, %broadcast_in_dim3A_2952 : vector<16x512xi1>, vector<16x512xi32>
      %reduce_min3A_2954 = arith.constant dense<2147483647> : vector<16xi32>
      %reduce_min3A_2955 = vector.multi_reduction <minsi>, %select_n3A_2953, %reduce_min3A_2954 [1] : vector<16x512xi32> to vector<16xi32>
      %broadcast_in_dim3A_2956 = vector.shape_cast %reduce_min3A_2955 : vector<16xi32> to vector<16x1xi32>
      %eq3A_2957 = vector.broadcast %broadcast_in_dim3A_2948 : vector<16x1xf32> to vector<16x512xf32>
      %eq3A_2958 = arith.cmpf oeq, %select_n3A_2942, %eq3A_2957 : vector<16x512xf32>
      %jit3A_2959 = arith.constant 1073741824 : i32
      %broadcast_in_dim3A_2960 = vector.broadcast %jit3A_2959 : i32 to vector<16x512xi32>
      %select_n3A_2961 = arith.select %eq3A_2958, %iota3A, %broadcast_in_dim3A_2960 : vector<16x512xi1>, vector<16x512xi32>
      %reduce_min3A_2962 = arith.constant dense<2147483647> : vector<16xi32>
      %reduce_min3A_2963 = vector.multi_reduction <minsi>, %select_n3A_2961, %reduce_min3A_2962 [1] : vector<16x512xi32> to vector<16xi32>
      %broadcast_in_dim3A_2964 = vector.shape_cast %reduce_min3A_2963 : vector<16xi32> to vector<16x1xi32>
      %eq3A_2965 = vector.broadcast %broadcast_in_dim3A_2964 : vector<16x1xi32> to vector<16x512xi32>
      %eq3A_2966 = arith.cmpi eq, %iota3A, %eq3A_2965 : vector<16x512xi32>
      %jit3A_2967 = arith.constant 0xFF800000 : f32
      %broadcast_in_dim3A_2968 = vector.broadcast %jit3A_2967 : f32 to vector<16x512xf32>
      %select_n3A_2969 = arith.select %eq3A_2966, %broadcast_in_dim3A_2968, %select_n3A_2942 : vector<16x512xi1>, vector<16x512xf32>
      %concatenate3A_2970 = tpu.concatenate %broadcast_in_dim3A_111, %broadcast_in_dim3A_167, %broadcast_in_dim3A_225, %broadcast_in_dim3A_283, %broadcast_in_dim3A_341, %broadcast_in_dim3A_399, %broadcast_in_dim3A_457, %broadcast_in_dim3A_515, %broadcast_in_dim3A_573, %broadcast_in_dim3A_631, %broadcast_in_dim3A_689, %broadcast_in_dim3A_747, %broadcast_in_dim3A_805, %broadcast_in_dim3A_863, %broadcast_in_dim3A_921, %broadcast_in_dim3A_979, %broadcast_in_dim3A_1037, %broadcast_in_dim3A_1095, %broadcast_in_dim3A_1153, %broadcast_in_dim3A_1211, %broadcast_in_dim3A_1269, %broadcast_in_dim3A_1327, %broadcast_in_dim3A_1385, %broadcast_in_dim3A_1443, %broadcast_in_dim3A_1501, %broadcast_in_dim3A_1559, %broadcast_in_dim3A_1617, %broadcast_in_dim3A_1675, %broadcast_in_dim3A_1733, %broadcast_in_dim3A_1791, %broadcast_in_dim3A_1849, %broadcast_in_dim3A_1907, %broadcast_in_dim3A_1964, %broadcast_in_dim3A_1996, %broadcast_in_dim3A_2028, %broadcast_in_dim3A_2060, %broadcast_in_dim3A_2092, %broadcast_in_dim3A_2124, %broadcast_in_dim3A_2156, %broadcast_in_dim3A_2188, %broadcast_in_dim3A_2220, %broadcast_in_dim3A_2252, %broadcast_in_dim3A_2284, %broadcast_in_dim3A_2316, %broadcast_in_dim3A_2348, %broadcast_in_dim3A_2380, %broadcast_in_dim3A_2412, %broadcast_in_dim3A_2444, %broadcast_in_dim3A_2476, %broadcast_in_dim3A_2508, %broadcast_in_dim3A_2540, %broadcast_in_dim3A_2572, %broadcast_in_dim3A_2604, %broadcast_in_dim3A_2636, %broadcast_in_dim3A_2668, %broadcast_in_dim3A_2700, %broadcast_in_dim3A_2732, %broadcast_in_dim3A_2764, %broadcast_in_dim3A_2796, %broadcast_in_dim3A_2828, %broadcast_in_dim3A_2860, %broadcast_in_dim3A_2892, %broadcast_in_dim3A_2924, %broadcast_in_dim3A_2956 in 1 : vector<16x1xi32>, vector<16x1xi32>, vector<16x1xi32>, vector<16x1xi32>, vector<16x1xi32>, vector<16x1xi32>, vector<16x1xi32>, vector<16x1xi32>, vector<16x1xi32>, vector<16x1xi32>, vector<16x1xi32>, vector<16x1xi32>, vector<16x1xi32>, vector<16x1xi32>, vector<16x1xi32>, vector<16x1xi32>, vector<16x1xi32>, vector<16x1xi32>, vector<16x1xi32>, vector<16x1xi32>, vector<16x1xi32>, vector<16x1xi32>, vector<16x1xi32>, vector<16x1xi32>, vector<16x1xi32>, vector<16x1xi32>, vector<16x1xi32>, vector<16x1xi32>, vector<16x1xi32>, vector<16x1xi32>, vector<16x1xi32>, vector<16x1xi32>, vector<16x1xi32>, vector<16x1xi32>, vector<16x1xi32>, vector<16x1xi32>, vector<16x1xi32>, vector<16x1xi32>, vector<16x1xi32>, vector<16x1xi32>, vector<16x1xi32>, vector<16x1xi32>, vector<16x1xi32>, vector<16x1xi32>, vector<16x1xi32>, vector<16x1xi32>, vector<16x1xi32>, vector<16x1xi32>, vector<16x1xi32>, vector<16x1xi32>, vector<16x1xi32>, vector<16x1xi32>, vector<16x1xi32>, vector<16x1xi32>, vector<16x1xi32>, vector<16x1xi32>, vector<16x1xi32>, vector<16x1xi32>, vector<16x1xi32>, vector<16x1xi32>, vector<16x1xi32>, vector<16x1xi32>, vector<16x1xi32>, vector<16x1xi32> -> vector<16x64xi32>
      %concatenate3A_2971 = tpu.concatenate %broadcast_in_dim3A_119, %broadcast_in_dim3A_175, %broadcast_in_dim3A_233, %broadcast_in_dim3A_291, %broadcast_in_dim3A_349, %broadcast_in_dim3A_407, %broadcast_in_dim3A_465, %broadcast_in_dim3A_523, %broadcast_in_dim3A_581, %broadcast_in_dim3A_639, %broadcast_in_dim3A_697, %broadcast_in_dim3A_755, %broadcast_in_dim3A_813, %broadcast_in_dim3A_871, %broadcast_in_dim3A_929, %broadcast_in_dim3A_987, %broadcast_in_dim3A_1045, %broadcast_in_dim3A_1103, %broadcast_in_dim3A_1161, %broadcast_in_dim3A_1219, %broadcast_in_dim3A_1277, %broadcast_in_dim3A_1335, %broadcast_in_dim3A_1393, %broadcast_in_dim3A_1451, %broadcast_in_dim3A_1509, %broadcast_in_dim3A_1567, %broadcast_in_dim3A_1625, %broadcast_in_dim3A_1683, %broadcast_in_dim3A_1741, %broadcast_in_dim3A_1799, %broadcast_in_dim3A_1857, %broadcast_in_dim3A_1915, %broadcast_in_dim3A_1972, %broadcast_in_dim3A_2004, %broadcast_in_dim3A_2036, %broadcast_in_dim3A_2068, %broadcast_in_dim3A_2100, %broadcast_in_dim3A_2132, %broadcast_in_dim3A_2164, %broadcast_in_dim3A_2196, %broadcast_in_dim3A_2228, %broadcast_in_dim3A_2260, %broadcast_in_dim3A_2292, %broadcast_in_dim3A_2324, %broadcast_in_dim3A_2356, %broadcast_in_dim3A_2388, %broadcast_in_dim3A_2420, %broadcast_in_dim3A_2452, %broadcast_in_dim3A_2484, %broadcast_in_dim3A_2516, %broadcast_in_dim3A_2548, %broadcast_in_dim3A_2580, %broadcast_in_dim3A_2612, %broadcast_in_dim3A_2644, %broadcast_in_dim3A_2676, %broadcast_in_dim3A_2708, %broadcast_in_dim3A_2740, %broadcast_in_dim3A_2772, %broadcast_in_dim3A_2804, %broadcast_in_dim3A_2836, %broadcast_in_dim3A_2868, %broadcast_in_dim3A_2900, %broadcast_in_dim3A_2932, %broadcast_in_dim3A_2964 in 1 : vector<16x1xi32>, vector<16x1xi32>, vector<16x1xi32>, vector<16x1xi32>, vector<16x1xi32>, vector<16x1xi32>, vector<16x1xi32>, vector<16x1xi32>, vector<16x1xi32>, vector<16x1xi32>, vector<16x1xi32>, vector<16x1xi32>, vector<16x1xi32>, vector<16x1xi32>, vector<16x1xi32>, vector<16x1xi32>, vector<16x1xi32>, vector<16x1xi32>, vector<16x1xi32>, vector<16x1xi32>, vector<16x1xi32>, vector<16x1xi32>, vector<16x1xi32>, vector<16x1xi32>, vector<16x1xi32>, vector<16x1xi32>, vector<16x1xi32>, vector<16x1xi32>, vector<16x1xi32>, vector<16x1xi32>, vector<16x1xi32>, vector<16x1xi32>, vector<16x1xi32>, vector<16x1xi32>, vector<16x1xi32>, vector<16x1xi32>, vector<16x1xi32>, vector<16x1xi32>, vector<16x1xi32>, vector<16x1xi32>, vector<16x1xi32>, vector<16x1xi32>, vector<16x1xi32>, vector<16x1xi32>, vector<16x1xi32>, vector<16x1xi32>, vector<16x1xi32>, vector<16x1xi32>, vector<16x1xi32>, vector<16x1xi32>, vector<16x1xi32>, vector<16x1xi32>, vector<16x1xi32>, vector<16x1xi32>, vector<16x1xi32>, vector<16x1xi32>, vector<16x1xi32>, vector<16x1xi32>, vector<16x1xi32>, vector<16x1xi32>, vector<16x1xi32>, vector<16x1xi32>, vector<16x1xi32>, vector<16x1xi32> -> vector<16x64xi32>
      %eq3A_2972 = arith.constant 0xFF800000 : f32
      %eq3A_2973 = vector.broadcast %eq3A_2972 : f32 to vector<16x512xf32>
      %eq3A_2974 = arith.cmpf oeq, %select_n3A_2969, %eq3A_2973 : vector<16x512xf32>
      %convert_element_type3A_2975 = arith.extui %eq3A_2974 : vector<16x512xi1> to vector<16x512xi32>
      %convert_element_type3A_2976 = arith.sitofp %convert_element_type3A_2975 : vector<16x512xi32> to vector<16x512xf32>
      %broadcast_in_dim3A_2977 = vector.shape_cast %convert_element_type3A_2976 : vector<16x512xf32> to vector<16x1x512xf32>
      %mul3A_2978 = vector.broadcast %broadcast_in_dim3A_2977 : vector<16x1x512xf32> to vector<16x20x512xf32>
      %mul3A_2979 = arith.mulf %get3A_88, %mul3A_2978 : vector<16x20x512xf32>
      %reduce_sum3A_2980 = arith.constant dense<0.000000e+00> : vector<16x20xf32>
      %reduce_sum3A_2981 = vector.multi_reduction <add>, %mul3A_2979, %reduce_sum3A_2980 [2] : vector<16x20x512xf32> to vector<16x20xf32>
      %div3A = arith.constant 6.400000e+01 : f32
      %div3A_2982 = vector.broadcast %div3A : f32 to vector<16x20xf32>
      %div3A_2983 = arith.divf %reduce_sum3A_2981, %div3A_2982 : vector<16x20xf32>
      %ge3A_2984 = arith.constant 0 : i32
      %ge3A_2985 = vector.broadcast %ge3A_2984 : i32 to vector<16x20x1xi32>
      %ge3A_2986 = arith.cmpi sge, %select_n3A_1950, %ge3A_2985 : vector<16x20x1xi32>
      %xor3A_2987 = arith.constant 2147483647 : i32
      %xor3A_2988 = vector.broadcast %xor3A_2987 : i32 to vector<16x20x1xi32>
      %xor3A_2989 = arith.xori %select_n3A_1950, %xor3A_2988 : vector<16x20x1xi32>
      %select_n3A_2990 = arith.select %ge3A_2986, %select_n3A_1950, %xor3A_2989 : vector<16x20x1xi1>, vector<16x20x1xi32>
      %bitcast_convert_type3A_2991 = tpu.bitcast %select_n3A_2990 : vector<16x20x1xi32> -> vector<16x20x1xf32>
      %gt3A_2992 = vector.broadcast %select_n3A_1950 : vector<16x20x1xi32> to vector<16x20x512xi32>
      %gt3A_2993 = arith.cmpi sgt, %select_n3A, %gt3A_2992 : vector<16x20x512xi32>
      %convert_element_type3A_2994 = arith.extui %gt3A_2993 : vector<16x20x512xi1> to vector<16x20x512xi32>
      %convert_element_type3A_2995 = arith.sitofp %convert_element_type3A_2994 : vector<16x20x512xi32> to vector<16x20x512xf32>
      %reduce_sum3A_2996 = arith.constant dense<0.000000e+00> : vector<16x20xf32>
      %reduce_sum3A_2997 = vector.multi_reduction <add>, %convert_element_type3A_2995, %reduce_sum3A_2996 [2] : vector<16x20x512xf32> to vector<16x20xf32>
      %broadcast_in_dim3A_2998 = vector.shape_cast %reduce_sum3A_2997 : vector<16x20xf32> to vector<16x20x1xf32>
      %jit3A_2999 = arith.constant 0.000000e+00 : f32
      %broadcast_in_dim3A_3000 = vector.broadcast %jit3A_2999 : f32 to vector<16x20x512xf32>
      %select_n3A_3001 = arith.select %gt3A_2993, %get3A_88, %broadcast_in_dim3A_3000 : vector<16x20x512xi1>, vector<16x20x512xf32>
      %reduce_sum3A_3002 = arith.constant dense<0.000000e+00> : vector<16x20xf32>
      %reduce_sum3A_3003 = vector.multi_reduction <add>, %select_n3A_3001, %reduce_sum3A_3002 [2] : vector<16x20x512xf32> to vector<16x20xf32>
      %broadcast_in_dim3A_3004 = vector.shape_cast %reduce_sum3A_3003 : vector<16x20xf32> to vector<16x20x1xf32>
      %sub3A_3005 = arith.constant 6.400000e+01 : f32
      %sub3A_3006 = vector.broadcast %sub3A_3005 : f32 to vector<16x20x1xf32>
      %sub3A_3007 = arith.subf %sub3A_3006, %broadcast_in_dim3A_2998 : vector<16x20x1xf32>
      %mul3A_3008 = arith.mulf %sub3A_3007, %bitcast_convert_type3A_2991 : vector<16x20x1xf32>
      %add3A_3009 = arith.addf %broadcast_in_dim3A_3004, %mul3A_3008 : vector<16x20x1xf32>
      %div3A_3010 = arith.constant 6.400000e+01 : f32
      %div3A_3011 = vector.broadcast %div3A_3010 : f32 to vector<16x20x1xf32>
      %div3A_3012 = arith.divf %add3A_3009, %div3A_3011 : vector<16x20x1xf32>
      %squeeze3A_3013 = vector.shape_cast %div3A_3012 : vector<16x20x1xf32> to vector<16x20xf32>
      %reduce_max3A_3014 = arith.constant dense<0xFF800000> : vector<16xf32>
      %reduce_max3A_3015 = vector.multi_reduction <maximumf>, %squeeze3A_3013, %reduce_max3A_3014 [1] : vector<16x20xf32> to vector<16xf32>
      %broadcast_in_dim3A_3016 = vector.shape_cast %reduce_max3A_3015 : vector<16xf32> to vector<16x1xf32>
      %sub3A_3017 = vector.broadcast %broadcast_in_dim3A_3016 : vector<16x1xf32> to vector<16x20xf32>
      %sub3A_3018 = arith.subf %squeeze3A_3013, %sub3A_3017 : vector<16x20xf32>
      %exp3A = math.exp %sub3A_3018 : vector<16x20xf32>
      %reduce_sum3A_3019 = arith.constant dense<0.000000e+00> : vector<16xf32>
      %reduce_sum3A_3020 = vector.multi_reduction <add>, %exp3A, %reduce_sum3A_3019 [1] : vector<16x20xf32> to vector<16xf32>
      %broadcast_in_dim3A_3021 = vector.shape_cast %reduce_sum3A_3020 : vector<16xf32> to vector<16x1xf32>
      %div3A_3022 = vector.broadcast %broadcast_in_dim3A_3021 : vector<16x1xf32> to vector<16x20xf32>
      %div3A_3023 = arith.divf %exp3A, %div3A_3022 : vector<16x20xf32>
      %swap3A_3024 = arith.constant 0 : index
      %swap3A_3025 = arith.constant 0 : index
      %swap3A_3026 = vector.load %arg11[%swap3A_3024, %swap3A_3025] : memref<16x20xf32, #tpu.memory_space<vmem>>, vector<16x20xf32>
      tpu.vector_store %arg11[%swap3A_3024, %swap3A_3025], %div3A_3023 {strides = array<i32>} : memref<16x20xf32, #tpu.memory_space<vmem>>, vector<16x20xf32>,
      %reduce_max3A_3027 = arith.constant dense<0xFF800000> : vector<16xf32>
      %reduce_max3A_3028 = vector.multi_reduction <maximumf>, %div3A_2983, %reduce_max3A_3027 [1] : vector<16x20xf32> to vector<16xf32>
      %broadcast_in_dim3A_3029 = vector.shape_cast %reduce_max3A_3028 : vector<16xf32> to vector<16x1xf32>
      %sub3A_3030 = vector.broadcast %broadcast_in_dim3A_3029 : vector<16x1xf32> to vector<16x20xf32>
      %sub3A_3031 = arith.subf %div3A_2983, %sub3A_3030 : vector<16x20xf32>
      %exp3A_3032 = math.exp %sub3A_3031 : vector<16x20xf32>
      %reduce_sum3A_3033 = arith.constant dense<0.000000e+00> : vector<16xf32>
      %reduce_sum3A_3034 = vector.multi_reduction <add>, %exp3A_3032, %reduce_sum3A_3033 [1] : vector<16x20xf32> to vector<16xf32>
      %broadcast_in_dim3A_3035 = vector.shape_cast %reduce_sum3A_3034 : vector<16xf32> to vector<16x1xf32>
      %div3A_3036 = vector.broadcast %broadcast_in_dim3A_3035 : vector<16x1xf32> to vector<16x20xf32>
      %div3A_3037 = arith.divf %exp3A_3032, %div3A_3036 : vector<16x20xf32>
      %swap3A_3038 = arith.constant 0 : index
      %swap3A_3039 = arith.constant 0 : index
      %swap3A_3040 = vector.load %arg12[%swap3A_3038, %swap3A_3039] : memref<16x20xf32, #tpu.memory_space<vmem>>, vector<16x20xf32>
      tpu.vector_store %arg12[%swap3A_3038, %swap3A_3039], %div3A_3037 {strides = array<i32>} : memref<16x20xf32, #tpu.memory_space<vmem>>, vector<16x20xf32>,
      %iota3A_3041 = tpu.iota {dimensions = array<i32: 0>} : vector<16x1xi32>
      %mul3A_3042 = arith.constant 512 : i32
      %mul3A_3043 = vector.broadcast %mul3A_3042 : i32 to vector<16x1xi32>
      %mul3A_3044 = arith.muli %iota3A_3041, %mul3A_3043 : vector<16x1xi32>
      %add3A_3045 = vector.broadcast %mul3A_3044 : vector<16x1xi32> to vector<16x64xi32>
      %add3A_3046 = arith.addi %concatenate3A_2970, %add3A_3045 : vector<16x64xi32>
      %add3A_3047 = vector.broadcast %mul3A_3044 : vector<16x1xi32> to vector<16x64xi32>
      %add3A_3048 = arith.addi %concatenate3A_2971, %add3A_3047 : vector<16x64xi32>
      %concatenate3A_3049 = tpu.concatenate %add3A_3046, %add3A_3048 in 0 : vector<16x64xi32>, vector<16x64xi32> -> vector<32x64xi32>
      %swap3A_3050 = arith.constant 0 : index
      %swap3A_3051 = arith.constant 0 : index
      %swap3A_3052 = vector.load %arg10[%swap3A_3050, %swap3A_3051] : memref<32x64xi32, #tpu.memory_space<vmem>>, vector<32x64xi32>
      tpu.vector_store %arg10[%swap3A_3050, %swap3A_3051], %concatenate3A_3049 {strides = array<i32>} : memref<32x64xi32, #tpu.memory_space<vmem>>, vector<32x64xi32>,
    } else {
    }
    return
  }
  func.func @transform_0(%arg0: i32, %arg1: i32) -> (i32, i32, i32) {
    %c0_i32 = arith.constant 0 : i32
    %c0_i32_0 = arith.constant 0 : i32
    %c0_i32_1 = arith.constant 0 : i32
    return %arg1, %c0_i32, %c0_i32_0 : i32, i32, i32
  }
  func.func @transform_1(%arg0: i32, %arg1: i32) -> (i32, i32, i32) {
    %c0_i32 = arith.constant 0 : i32
    %c0_i32_0 = arith.constant 0 : i32
    %c0_i32_1 = arith.constant 0 : i32
    return %c0_i32, %c0_i32_0, %arg0 : i32, i32, i32
  }
  func.func @transform_2(%arg0: i32, %arg1: i32) -> (i32, i32) {
    %c0_i32 = arith.constant 0 : i32
    %c0_i32_0 = arith.constant 0 : i32
    return %c0_i32, %arg0 : i32, i32
  }
  func.func @transform_3(%arg0: i32, %arg1: i32) -> (i32, i32) {
    %c0_i32 = arith.constant 0 : i32
    %c0_i32_0 = arith.constant 0 : i32
    return %arg0, %c0_i32 : i32, i32
  }
  func.func @transform_4(%arg0: i32, %arg1: i32) -> (i32, i32, i32) {
    %c0_i32 = arith.constant 0 : i32
    %c0_i32_0 = arith.constant 0 : i32
    return %arg1, %c0_i32, %arg0 : i32, i32, i32
  }
  func.func @transform_5(%arg0: i32, %arg1: i32) -> (i32, i32, i32) {
    %c0_i32 = arith.constant 0 : i32
    %c0_i32_0 = arith.constant 0 : i32
    %c0_i32_1 = arith.constant 0 : i32
    %c0_i32_2 = arith.constant 0 : i32
    return %c0_i32, %c0_i32_0, %c0_i32_1 : i32, i32, i32
  }
  func.func @transform_6(%arg0: i32, %arg1: i32) -> (i32, i32, i32) {
    %c0_i32 = arith.constant 0 : i32
    %c0_i32_0 = arith.constant 0 : i32
    %c0_i32_1 = arith.constant 0 : i32
    %c0_i32_2 = arith.constant 0 : i32
    return %c0_i32, %c0_i32_0, %c0_i32_1 : i32, i32, i32
  }
  func.func @transform_7(%arg0: i32, %arg1: i32) -> (i32, i32, i32) {
    %c0_i32 = arith.constant 0 : i32
    %c0_i32_0 = arith.constant 0 : i32
    %c0_i32_1 = arith.constant 0 : i32
    %c0_i32_2 = arith.constant 0 : i32
    return %c0_i32, %c0_i32_0, %c0_i32_1 : i32, i32, i32
  }
  func.func @transform_8(%arg0: i32, %arg1: i32) -> (i32, i32) {
    %c0_i32 = arith.constant 0 : i32
    %c0_i32_0 = arith.constant 0 : i32
    %c0_i32_1 = arith.constant 0 : i32
    return %c0_i32, %c0_i32_0 : i32, i32
  }
  func.func @transform_9(%arg0: i32, %arg1: i32) -> (i32, i32) {
    %c0_i32 = arith.constant 0 : i32
    %c0_i32_0 = arith.constant 0 : i32
    %c0_i32_1 = arith.constant 0 : i32
    return %c0_i32, %c0_i32_0 : i32, i32
  }
  func.func @transform_10(%arg0: i32, %arg1: i32) -> (i32, i32) {
    %c0_i32 = arith.constant 0 : i32
    %c0_i32_0 = arith.constant 0 : i32
    %c0_i32_1 = arith.constant 0 : i32
    return %c0_i32, %c0_i32_0 : i32, i32
  }
}

</mosaic_0001>

<sc_bundles>
// kernel: kernel.4.cloned.1.call-start
scs
__scs_entry_jumppad:
0x0: {  	(pc) =	sbr.rel $0x88, $3  }
0x1: {  	(tag) =	ssettag $0x0;
	lr =	simm.s32 $0x1  }
0x2: {  	[smem:$0x3F9D] =	sst lr;
	_ =	strace $0xD0000000  }
0x3: {  	_ = 	snop  }
0x4: {  	_ = 	snop  }
0x5: {  	_ = 	snop  }
0x6: {  	_ = 	snop  }
0x7: {  	_ = 	snop  }
__scs_overlays_trampoline_lowered:
0x8: {  	[smem:$0x3FAC] =	sst s0  }
0x9: {  	[smem:$0x3FAD] =	sst s1  }
0xa: {  	[smem:$0x3FAE] =	sst s2  }
0xb: {  	[smem:$0x3FAF] =	sst s3  }
0xc: {  	[smem:$0x3FB0] =	sst s4  }
0xd: {  	[smem:$0x3FB1] =	sst s5  }
0xe: {  	[smem:$0x3FB2] =	sst s6  }
0xf: {  	[smem:$0x3FB3] =	sst s7  }
0x10: {  	[smem:$0x3FB4] =	sst s8  }
0x11: {  	[smem:$0x3FB5] =	sst s9;
	s0 =	simm.s32 @!p0 $0x0  }
0x12: {  	s1 =	sld [smem:$0x3F9B];
	s0 =	simm.s32 @p0 $0x1  }
0x13: {  	[smem:$0x3FB6] =	sst s0;
	s0 =	simm.s32 @!p1 $0x0  }
0x14: {  	s2 =	sld [smem:$0x3F9A];
	s0 =	simm.s32 @p1 $0x1  }
0x15: {  	[smem:$0x3FB7] =	sst s0;
	s0 =	simm.s32 @!p2 $0x0  }
0x16: {  	s3 =	sld [smem:$0x3FDB];
	s0 =	simm.s32 @p2 $0x1  }
0x17: {  	s4 =	simm.s32 $0x1BF5;
	[smem:$0x3FB9] =	sst s0  }
0x18: {  	s0 =	sld [smem:$0x3F9C];
	_ =	swait.ge [sflag:s4], $0x0  }
0x19: {  	s7 =	sld [smem:$0x3F9D]  }
0x1a: {  	s8 =	sadd.s32 $0xFFFFE003, lr  }
0x1b: {  	s9 =	sadd.s32 $0xFFFFFEF7, lr;
	s5 =	simm.s32 $0xFFFFFFFF;
	p2 =	slt.u32 s8, $0xFFFFF086  }
0x1c: {  	p1 =	slt.u32 s9, $0xF7A;
	s5 =	simm.s32 @!p2 $0x0  }
0x1d: {  	s5 =	simm.s32 @p1 $0x1;
	p0 =	seq.s32 s7, s2  }
0x1e: {  	s7 =	smul.u32 @!p0 $0xF7A, s2;
	p2 =	seq.s32 @!p0 s5, $0x0  }
0x1f: {  	s9 =	smul.u32 $0xF7A, s1;
	s8 =	simm.s32 @!p0 $0x1BF5;
	p2 =	por !p2, p0  }
0x20: {  	[sflag:s8] =	ssyncset.s32 @!p0 $0xFFFFF086;
	s6 =	sadd.s32 @!p0 s3, s7;
	s7 =	simm.s32 @!p0 $0x108  }
0x21: {  	s3 =	sadd.s32 s3, s9;
	s6 =	sadd.s32 @!p0 $0x88, s6;
	s7 =	simm.s32 @p2 $0x1082  }
0x22: {  	[simem:s7], [sflag:s8] =	dma.local @!p0 [hbm:s6], $0xF7A  }
0x23: {  	s9 =	sor.u32 $0xD0000000, s2;
	s6 =	simm.s32 $0x108;
	_ =	swait.ge @!p0 [sflag:s8], $0x0  }
0x24: {  	s3 =	sadd.s32 $0x88, s3;
	s6 =	simm.s32 @!p1 $0x1082;
	[sflag:s4] =	ssyncset.s32 $0xFFFFF086  }
0x25: {  	[simem:s6], [sflag:s4] =	dma.local [hbm:s3], $0xF7A  }
0x26: {  	[smem:$0x3F9D] =	sst s1;
	(tag) =	ssettag s2;
	_ =	strace s9  }
0x27: {  	s1 =	sld [smem:$0x3FAD]  }
0x28: {  	s2 =	sld [smem:$0x3FAE]  }
0x29: {  	s4 =	sld [smem:$0x3FB0]  }
0x2a: {  	p0 =	seq.s32 s5, $0x0;
	s5 =	sld [smem:$0x3FB1]  }
0x2b: {  	s6 =	sld [smem:$0x3FB2]  }
0x2c: {  	s7 =	sld [smem:$0x3FB3]  }
0x2d: {  	s3 =	simm.s32 $0x108;
	s8 =	sld [smem:$0x3FB4]  }
0x2e: {  	s3 =	simm.s32 @!p0 $0x1082;
	s9 =	sld [smem:$0x3FB5]  }
0x2f: {  	lr =	sadd.s32 s0, s3;
	s0 =	sld [smem:$0x3FAC]  }
0x30: {  	s3 =	sld [smem:$0x3FAF]  }
0x31: {  	[smem:$0x3FB8] =	sst s10  }
0x32: {  	s10 =	sld [smem:$0x3FB6];
	_ =	sdelay $0x3  }
0x33: {  	p0 =	seq.s32 s10, $0x1;
	s10 =	sld [smem:$0x3FB8];
	_ =	sdelay $0x3  }
0x34: {  	[smem:$0x3FB8] =	sst s10  }
0x35: {  	s10 =	sld [smem:$0x3FB7];
	_ =	sdelay $0x3  }
0x36: {  	p1 =	seq.s32 s10, $0x1;
	s10 =	sld [smem:$0x3FB8];
	_ =	sdelay $0x3  }
0x37: {  	[smem:$0x3FB8] =	sst s10  }
0x38: {  	s10 =	sld [smem:$0x3FB9]  }
0x39: {  	_ = 	snop;
	(pc) =	sbr.ind lr, $3  }
0x3a: {  	_ = 	snop  }
0x3b: {  	_ = 	snop  }
0x3c: {  	p2 =	seq.s32 s10, $0x1;
	s10 =	sld [smem:$0x3FB8]  }
0x3d: {  	_ =	shalt  }
0x3e: {  	_ =	shalt  }
0x3f: {  	_ =	shalt  }
0x40: {  	_ =	shalt  }
0x41: {  	_ =	shalt  }
0x42: {  	_ =	shalt  }
0x43: {  	_ =	shalt  }
0x44: {  	_ =	shalt  }
0x45: {  	_ =	shalt  }
0x46: {  	_ =	shalt  }
0x47: {  	_ =	shalt  }
0x48: {  	_ =	shalt  }
0x49: {  	_ =	shalt  }
0x4a: {  	_ =	shalt  }
0x4b: {  	_ =	shalt  }
0x4c: {  	_ =	shalt  }
0x4d: {  	_ =	shalt  }
0x4e: {  	_ =	shalt  }
0x4f: {  	_ =	shalt  }
0x50: {  	_ =	shalt  }
0x51: {  	_ =	shalt  }
0x52: {  	_ =	shalt  }
0x53: {  	_ =	shalt  }
0x54: {  	_ =	shalt  }
0x55: {  	_ =	shalt  }
0x56: {  	_ =	shalt  }
0x57: {  	_ =	shalt  }
0x58: {  	_ =	shalt  }
0x59: {  	_ =	shalt  }
0x5a: {  	_ =	shalt  }
0x5b: {  	_ =	shalt  }
0x5c: {  	_ =	shalt  }
0x5d: {  	_ =	shalt  }
0x5e: {  	_ =	shalt  }
0x5f: {  	_ =	shalt  }
0x60: {  	_ =	shalt  }
0x61: {  	_ =	shalt  }
0x62: {  	_ =	shalt  }
0x63: {  	_ =	shalt  }
0x64: {  	_ =	shalt  }
0x65: {  	_ =	shalt  }
0x66: {  	_ =	shalt  }
0x67: {  	_ =	shalt  }
0x68: {  	_ =	shalt  }
0x69: {  	_ =	shalt  }
0x6a: {  	_ =	shalt  }
0x6b: {  	_ =	shalt  }
0x6c: {  	_ =	shalt  }
0x6d: {  	_ =	shalt  }
0x6e: {  	_ =	shalt  }
0x6f: {  	_ =	shalt  }
0x70: {  	_ =	shalt  }
0x71: {  	_ =	shalt  }
0x72: {  	_ =	shalt  }
0x73: {  	_ =	shalt  }
0x74: {  	_ =	shalt  }
0x75: {  	_ =	shalt  }
0x76: {  	_ =	shalt  }
0x77: {  	_ =	shalt  }
0x78: {  	_ =	shalt  }
0x79: {  	_ =	shalt  }
0x7a: {  	_ =	shalt  }
0x7b: {  	_ =	shalt  }
0x7c: {  	_ =	shalt  }
0x7d: {  	_ =	shalt  }
0x7e: {  	_ =	shalt  }
0x7f: {  	_ =	shalt  }
0x80: {  	_ =	shalt  }
0x81: {  	_ =	shalt  }
0x82: {  	_ =	shalt  }
0x83: {  	_ =	shalt  }
0x84: {  	_ =	shalt  }
0x85: {  	_ =	shalt  }
0x86: {  	_ =	shalt  }
0x87: {  	_ =	shalt  }
.Lfunc_end0:
.L_simem_size_0:
called_computation_lowered:
.L_overlay_start_0:
0x88: {  	s2 =	sld [smem:$0x3FD9]  }
0x89: {  	s3 =	sld [smem:$0x3FFE];
	_ =	sdelay $0x1  }
0x8a: {  	s1 =	srdreg.scid  }
0x8b: {  	s0 =	sand.u32 $0x1, s1  }
0x8c: {  	s14 =	sshll.u32 s0, $0xA;
	s2 =	sadd.s32 s3, s2  }
0x8d: {  	s2 =	sadd.s32 s2, s14  }
0x8e: {  	[smem:$0x3FC4] =	sst s2  }
0x8f: {  	_ = 	snop  }
0x90: {  	s2 =	sld [smem:$0x3FD0];
	_ =	sdelay $0x2  }
0x91: {  	s15 =	simm.s32 $0xA;
	s4 =	simm.s32 $0x10  }
0x92: {  	[smem:s4], [sflag:s15] =	dma.local [hbm:s2], $0x1  }
0x93: {  	_ =	swait.eq [sflag:s15], $0x1  }
0x94: {  	s16 =	sld [smem:$0x12];
	[sflag:s15] =	ssyncset.done $0x0  }
0x95: {  	s17 =	sld [smem:$0x13];
	[sflag:s15] =	ssyncadd.s32 $0xFFFFFFFF  }
0x96: {  	s18 =	sld [smem:$0x14];
	(tm) =	ssettm $0x1  }
0x97: {  	s5 =	sld [smem:$0x3FFB];
	_ =	sdelay $0x3  }
0x98: {  	_ =	strace s5  }
0x99: {  	s5 =	sld [smem:$0x3FFC];
	_ =	sdelay $0x3  }
0x9a: {  	_ =	strace s5  }
0x9b: {  	s5 =	sld [smem:$0x3FFD];
	_ =	sdelay $0x3  }
0x9c: {  	_ =	strace s5  }
0x9d: {  	_ =	strace $0x8FFFFFFF  }
0x9e: {  	s19 =	sld [smem:$0x3FDB];
	_ =	sdelay $0x1  }
0x9f: {  	s6 =	simm.s32 $_scs_section_size  }
0xa0: {  	s7 =	simm.s32 $_size__tile_overlayer_lowered;
	s8 =	simm.s32 $_tile_overlayer_lowered  }
0xa1: {  	s22 =	simm.s32 $0x1BFF;
	s21 =	sshll.u32 s8, $0x1;
	s5 =	sadd.s32 s6, s19  }
0xa2: {  	s9 =	simm.s32 $0x0;
	s20 =	sshll.u32 s7, $0x1;
	s7 =	sadd.s32 s21, s5  }
0xa3: {  	[timem:s9], [sflag:s22] =	dma.local [hbm:s7], s20  }
0xa4: {  	_ =	swait.ge [sflag:s22], s20  }
0xa5: {  	s6 =	ssub.s32 $0x0, s20;
	[sflag:s22] =	ssyncset.done $0x0  }
0xa6: {  	[sflag:s22] =	ssyncadd.s32 s6;
	_ =	sdelay $0x1  }
0xa7: {  	s23 =	simm.s32 $0x1B8B  }
0xa8: {  	_ =	swait.ge [sflag:s23], $0x1  }
0xa9: {  	[sflag:s23] =	ssyncset.done $0x0  }
0xaa: {  	s25 =	simm.s32 $0x1B8E;
	s24 =	sld [smem:$0x3FFE];
	[sflag:s23] =	ssyncadd.s32 $0xFFFFFFFF  }
0xab: {  	s26 =	simm.s32 $execute0_lowered;
	[smem:$0x3FD2] =	sst s25  }
0xac: {  	s7 =	sshll.u32 s26, $0x1;
	_ =	strace $0x80000046;
	[dreg:$0x1] =	wrdreg $0xFFFFFFFF  }
0xad: {  	s28 =	simm.s32 $_size_execute0_lowered;
	s5 =	sadd.s32 s5, s7;
	[dreg:$0x0] =	wrdreg $0x0  }
0xae: {  	s7 =	sshll.u32 s28, $0x1;
	[dreg:$0x2] =	wrdreg s5  }
0xaf: {  	[dreg:$0x3] =	wrdreg s7  }
0xb0: {  	[dreg:$0x4] =	wrdreg $0xC0  }
0xb1: {  	_ =	task [dreg:s9], $0x5FFFF  }
0xb2: {  	[dreg:$0x1] =	wrdreg $0xFFFFFFFF  }
0xb3: {  	[dreg:$0x0] =	wrdreg $0x60  }
0xb4: {  	[dreg:$0x2] =	wrdreg s18  }
0xb5: {  	[dreg:$0x3] =	wrdreg s24  }
0xb6: {  	[dreg:$0x4] =	wrdreg s16  }
0xb7: {  	[dreg:$0x5] =	wrdreg s17  }
0xb8: {  	[dreg:$0x6] =	wrdreg $0x9  }
0xb9: {  	_ =	task.clear_ibuf [dreg:s9], $0x7FFFF;
	_ =	strace $0x90000046  }
0xba: {  	s29 =	simm.s32 $0x9;
	_ =	strace $0x80000048  }
0xbb: {  	_ =	swait.ge [sflag:s29], $0x1  }
0xbc: {  	[sflag:s29] =	ssyncadd.s32 $0xFFFFFFFF  }
0xbd: {  	_ =	strace $0x90000048  }
0xbe: {  	_ =	sfence  }
0xbf: {  	s30 =	sld [smem:$0x0];
	_ =	sdelay $0x2  }
0xc0: {  	s31 =	sshll.u32 s1, $0xD;
	s1 =	sshrl.u32 s1, $0x2  }
0xc1: {  	s3 =	sand.u32 $0x4000, s31;
	s1 =	sadd.s32 s1, s30  }
0xc2: {  	s0 =	sor.u32 s3, s0;
	s1 =	sshll.u32 s1, $0x11  }
0xc3: {  	s0 =	sor.u32 s1, s0  }
0xc4: {  	s0 =	sadd.s32 $0x8F2B, s0  }
0xc5: {  	[sflag:s0] =	ssyncadd.remote.s32 $0x1  }
0xc6: {  	_ =	sfence.sel $0xFFFF  }
0xc7: {  	[dreg:$0x0] =	wrdreg $0xFFFFFFFF;
	(pc) =	sbr.abs _section_cstart, $3  }
0xc8: {  	[dreg:$0x1] =	wrdreg $0xFFFFFFFF  }
0xc9: {  	_ =	task.clear_ibuf [dreg:s9], $0x2FFFF;
	_ =	strace $0x9FFFFFFF  }
0xca: {  	(tm) =	ssettm $0x7FFFFFFF  }
0xcb: {  	_ =	shalt  }
tec
execute0_lowered:
.L_overlay_start_1:
0x0: {  	(tag) =	ssettag $0x1  }
0x1: {  	s1 =	rddreg [dreg:$0x0]  }
0x2: {  	s2 =	rddreg [dreg:$0x1]  }
0x3: {  	s12 =	rddreg [dreg:$0x2];
	s3 =	srdreg.scid  }
0x4: {  	s0 =	stileid.u32;
	s13 =	rddreg [dreg:$0x3];
	s28 =	simm.s32 $0x6080  }
0x5: {  	s29 =	simm.s32 $0x6880;
	s30 =	simm.s32 $0x7080;
	s31 =	simm.s32 $0x7880  }
0x6: {  	s4 =	sand.u32 $0x1, s3;
	s5 =	sshll.u32 s0, $0x1;
	s3 =	simm.s32 $0x0  }
0x7: {  	p0 =	slt.u32 s0, $0x8;
	s6 =	sadd.s32 $0x300, s1;
	s7 =	sadd.s32 $0x400, s1  }
0x8: {  	s8 =	sadd.s32 $0x500, s1;
	s9 =	sadd.s32 $0x600, s1;
	s10 =	sadd.s32 $0x700, s1  }
0x9: {  	s14 =	sor.u32 s4, s5;
	[smem:$0x7FF] =	sst s3;
	s4 =	ssub.s32 $0x2, s4  }
0xa: {  	s5 =	sshll.u32 s14, $0x4;
	_ =	strace $0x80000047;
	s21 =	sshrl.u32 s4, $0x1  }
0xb: {  	s16 =	sshll.u32 s14, $0x11;
	s14 =	sshll.u32 s14, $0xE;
	s2 =	sadd.s32 s5, s2  }
0xc: {  	s15 =	ssub.s32 s4, s21;
	s4 =	sadd.s32 $0x100, s1;
	s5 =	sadd.s32 $0x200, s1  }
0xd: {  	s11 =	sadd.s32 $0xFFE00000, s16;
	s23 =	sadd.s32 $0xFFE08000, s16;
	s19 =	sadd.s32 $0xFFE10000, s16  }
0xe: {  	s26 =	sadd.s32 $0xFFE18000, s16;
	s14 =	sadd.s32 s12, s14;
	s21 =	simm.s32 $0x3080  }
0xf: {  	s22 =	sadd.s32 $0xE1200, s2;
	s11 =	sshrl.u32 s11, $0x3;
	s17 =	sadd.s32 $0xE1202, s2  }
0x10: {  	s24 =	sadd.s32 $0xE1204, s2;
	s25 =	sshrl.u32 s19, $0x3;
	[dreg:$0x8] =	wrdreg s22  }
0x11: {  	s2 =	sadd.s32 $0xE1206, s2;
	s16 =	sadd.s32 $0x1000, s14;
	[dreg:$0x5] =	wrdreg s17  }
0x12: {  	s19 =	simm.s32 $0x2080;
	s18 =	sadd.s32 s13, s11;
	[dreg:$0x6] =	wrdreg s24  }
0x13: {  	s11 =	sshrl.u32 s23, $0x3;
	[dreg:$0x7] =	wrdreg s2;
	s2 =	sshrl.u32 s26, $0x3  }
0x14: {  	s17 =	simm.s32 $0x1080;
	s22 =	simm.s32 $0x3880;
	s23 =	simm.s32 $0x4080  }
0x15: {  	s24 =	simm.s32 $0x4880;
	s26 =	simm.s32 $0x5880;
	s20 =	sadd.s32 s13, s11  }
0x16: {  	s11 =	sadd.s32 s13, s25;
	s18 =	smov.u32 @p0 s14;
	s12 =	sadd.s32 s13, s2  }
0x17: {  	s2 =	sadd.s32 $0x2000, s14;
	s14 =	sadd.s32 $0x3000, s14;
	s13 =	smax.u32 s15, $0x1  }
0x18: {  	s15 =	simm.s32 $0x80;
	s25 =	simm.s32 $0x5080;
	[dreg:$0x9] =	wrdreg s18  }
0x19: {  	v2 =	vlaneseq.u32;
	s20 =	smov.u32 @p0 s16;
	s11 =	smov.u32 @p0 s2;
	s12 =	smov.u32 @p0 s14  }
0x1a: {  	vm0 =	vmmov $0xffff;
	v1 =	vshrl.u32 v2, $0x3;
	s14 =	simm.s32 $0x2;
	s16 =	simm.s32 $0x880;
	s18 =	simm.s32 $0x1880  }
0x1b: {  	v0 =	vand.u32 $0x7, v2;
	v2 =	vor.u32 $0x8, v2;
	v1 =	vmul.u32 $0x8, v1;
	s2 =	simm.s32 $0x1;
	[dreg:$0xa] =	wrdreg s20;
	s20 =	simm.s32 $0x2880  }
.LBB2_1:
0x1c: {  	s0 =	rddreg [dreg:$0x8]  }
0x1d: {  	[tilespmem:s3], [sflag:$0x2] =	stream.linear.gather [hbm4b:s0+s3], $0x10, $0x38;
	[tilespmem:$0x8080] =	vst v63  }
0x1e: {  	_ =	swait.ge [sflag:s14], $0x10  }
0x1f: {  	[sflag:s14] =	ssyncset.done $0x0  }
0x20: {  	[sflag:s14] =	ssyncadd.s32 $0xFFFFFFF0  }
0x21: {  	v3 =	vld [tilespmem:$0x0];
	_ =	sdelay $0x4  }
0x22: {  	v4 =	vshll.u32 v3, $0x4  }
0x23: {  	v3 =	vand.u32 $0x7, v3;
	v4 =	vand.u32 $0xFFFFFF80, v4  }
0x24: {  	v3 =	vor.u32 v3, v4  }
0x25: {  	v4 =	vperm.xlane v3, v0;
	_ =	sdelay $0x1  }
0x26: {  	v4 =	vadd.s32 v1, v4;
	_ =	sdelay $0x4  }
0x27: {  	[tilespmem:s15], [sflag:$0x1] =	stream.indirect_vreg.gather [hbm4b:s1+s3], $0x80, v4, vm0, $0xb8;
	[tilespmem:$0x8080] =	vst v63  }
0x28: {  	_ = 	snop  }
0x29: {  	[tilespmem:s16], [sflag:$0x1] =	stream.indirect_vreg.gather [hbm4b:s4+s3], $0x80, v4, vm0, $0xb8;
	[tilespmem:$0x8080] =	vst v63  }
0x2a: {  	_ = 	snop  }
0x2b: {  	[tilespmem:s17], [sflag:$0x1] =	stream.indirect_vreg.gather [hbm4b:s5+s3], $0x80, v4, vm0, $0xb8;
	[tilespmem:$0x8080] =	vst v63  }
0x2c: {  	_ = 	snop  }
0x2d: {  	[tilespmem:s18], [sflag:$0x1] =	stream.indirect_vreg.gather [hbm4b:s6+s3], $0x80, v4, vm0, $0xb8;
	[tilespmem:$0x8080] =	vst v63  }
0x2e: {  	_ = 	snop  }
0x2f: {  	[tilespmem:s19], [sflag:$0x1] =	stream.indirect_vreg.gather [hbm4b:s7+s3], $0x80, v4, vm0, $0xb8;
	[tilespmem:$0x8080] =	vst v63  }
0x30: {  	v3 =	vperm.xlane v3, v2  }
0x31: {  	[tilespmem:s20], [sflag:$0x1] =	stream.indirect_vreg.gather [hbm4b:s8+s3], $0x80, v4, vm0, $0xb8;
	[tilespmem:$0x8080] =	vst v63  }
0x32: {  	v3 =	vadd.s32 v1, v3  }
0x33: {  	[tilespmem:s21], [sflag:$0x1] =	stream.indirect_vreg.gather [hbm4b:s9+s3], $0x80, v4, vm0, $0xb8;
	[tilespmem:$0x8080] =	vst v63  }
0x34: {  	_ = 	snop  }
0x35: {  	[tilespmem:s22], [sflag:$0x1] =	stream.indirect_vreg.gather [hbm4b:s10+s3], $0x80, v4, vm0, $0xb8;
	[tilespmem:$0x8080] =	vst v63  }
0x36: {  	_ = 	snop  }
0x37: {  	[tilespmem:s23], [sflag:$0x1] =	stream.indirect_vreg.gather [hbm4b:s1+s3], $0x80, v3, vm0, $0xb8;
	[tilespmem:$0x8080] =	vst v63  }
0x38: {  	_ = 	snop  }
0x39: {  	[tilespmem:s24], [sflag:$0x1] =	stream.indirect_vreg.gather [hbm4b:s4+s3], $0x80, v3, vm0, $0xb8;
	[tilespmem:$0x8080] =	vst v63  }
0x3a: {  	_ = 	snop  }
0x3b: {  	[tilespmem:s25], [sflag:$0x1] =	stream.indirect_vreg.gather [hbm4b:s5+s3], $0x80, v3, vm0, $0xb8;
	[tilespmem:$0x8080] =	vst v63  }
0x3c: {  	_ = 	snop  }
0x3d: {  	[tilespmem:s26], [sflag:$0x1] =	stream.indirect_vreg.gather [hbm4b:s6+s3], $0x80, v3, vm0, $0xb8;
	[tilespmem:$0x8080] =	vst v63  }
0x3e: {  	_ = 	snop  }
0x3f: {  	[tilespmem:s28], [sflag:$0x1] =	stream.indirect_vreg.gather [hbm4b:s7+s3], $0x80, v3, vm0, $0xb8;
	[tilespmem:$0x8080] =	vst v63  }
0x40: {  	_ = 	snop  }
0x41: {  	[tilespmem:s29], [sflag:$0x1] =	stream.indirect_vreg.gather [hbm4b:s8+s3], $0x80, v3, vm0, $0xb8;
	[tilespmem:$0x8080] =	vst v63  }
0x42: {  	_ = 	snop  }
0x43: {  	[tilespmem:s30], [sflag:$0x1] =	stream.indirect_vreg.gather [hbm4b:s9+s3], $0x80, v3, vm0, $0xb8;
	[tilespmem:$0x8080] =	vst v63  }
0x44: {  	_ = 	snop  }
0x45: {  	[tilespmem:s31], [sflag:$0x1] =	stream.indirect_vreg.gather [hbm4b:s10+s3], $0x80, v3, vm0, $0xb8;
	[tilespmem:$0x8080] =	vst v63  }
0x46: {  	_ =	swait.ge [sflag:s2], $0x8000  }
0x47: {  	[sflag:s2] =	ssyncset.done $0x0  }
0x48: {  	s0 =	rddreg [dreg:$0x9];
	[sflag:s2] =	ssyncadd.s32 $0xFFFF8000  }
0x49: {  	[hbm4b:s0+s3] =	stream.linear.scatter [tilespmem:s15], [sflag:$0x2], $0x8000, $0x38;
	[tilespmem:$0x8080] =	vst v63  }
0x4a: {  	_ =	swait.ge [sflag:s14], $0x8000  }
0x4b: {  	[sflag:s14] =	ssyncset.done $0x0  }
0x4c: {  	s0 =	rddreg [dreg:$0x5];
	[sflag:s14] =	ssyncadd.s32 $0xFFFF8000  }
0x4d: {  	[tilespmem:s3], [sflag:$0x2] =	stream.linear.gather [hbm4b:s0+s3], $0x10, $0x38;
	[tilespmem:$0x8080] =	vst v63  }
0x4e: {  	_ =	swait.ge [sflag:s14], $0x10  }
0x4f: {  	[sflag:s14] =	ssyncset.done $0x0  }
0x50: {  	[sflag:s14] =	ssyncadd.s32 $0xFFFFFFF0  }
0x51: {  	v3 =	vld [tilespmem:$0x0];
	_ =	sdelay $0x4  }
0x52: {  	v61 =	vshll.u32 v3, $0x4  }
0x53: {  	v3 =	vand.u32 $0x7, v3;
	v4 =	vand.u32 $0xFFFFFF80, v61  }
0x54: {  	v3 =	vor.u32 v3, v4  }
0x55: {  	v4 =	vperm.xlane v3, v0;
	_ =	sdelay $0x1  }
0x56: {  	v4 =	vadd.s32 v1, v4;
	_ =	sdelay $0x4  }
0x57: {  	[tilespmem:s15], [sflag:$0x1] =	stream.indirect_vreg.gather [hbm4b:s1+s3], $0x80, v4, vm0, $0xb8;
	[tilespmem:$0x8080] =	vst v63  }
0x58: {  	_ = 	snop  }
0x59: {  	[tilespmem:s16], [sflag:$0x1] =	stream.indirect_vreg.gather [hbm4b:s4+s3], $0x80, v4, vm0, $0xb8;
	[tilespmem:$0x8080] =	vst v63  }
0x5a: {  	_ = 	snop  }
0x5b: {  	[tilespmem:s17], [sflag:$0x1] =	stream.indirect_vreg.gather [hbm4b:s5+s3], $0x80, v4, vm0, $0xb8;
	[tilespmem:$0x8080] =	vst v63  }
0x5c: {  	_ = 	snop  }
0x5d: {  	[tilespmem:s18], [sflag:$0x1] =	stream.indirect_vreg.gather [hbm4b:s6+s3], $0x80, v4, vm0, $0xb8;
	[tilespmem:$0x8080] =	vst v63  }
0x5e: {  	_ = 	snop  }
0x5f: {  	[tilespmem:s19], [sflag:$0x1] =	stream.indirect_vreg.gather [hbm4b:s7+s3], $0x80, v4, vm0, $0xb8;
	[tilespmem:$0x8080] =	vst v63  }
0x60: {  	v3 =	vperm.xlane v3, v2  }
0x61: {  	[tilespmem:s20], [sflag:$0x1] =	stream.indirect_vreg.gather [hbm4b:s8+s3], $0x80, v4, vm0, $0xb8;
	[tilespmem:$0x8080] =	vst v63  }
0x62: {  	v3 =	vadd.s32 v1, v3  }
0x63: {  	[tilespmem:s21], [sflag:$0x1] =	stream.indirect_vreg.gather [hbm4b:s9+s3], $0x80, v4, vm0, $0xb8;
	[tilespmem:$0x8080] =	vst v63  }
0x64: {  	_ = 	snop  }
0x65: {  	[tilespmem:s22], [sflag:$0x1] =	stream.indirect_vreg.gather [hbm4b:s10+s3], $0x80, v4, vm0, $0xb8;
	[tilespmem:$0x8080] =	vst v63  }
0x66: {  	_ = 	snop  }
0x67: {  	[tilespmem:s23], [sflag:$0x1] =	stream.indirect_vreg.gather [hbm4b:s1+s3], $0x80, v3, vm0, $0xb8;
	[tilespmem:$0x8080] =	vst v63  }
0x68: {  	_ = 	snop  }
0x69: {  	[tilespmem:s24], [sflag:$0x1] =	stream.indirect_vreg.gather [hbm4b:s4+s3], $0x80, v3, vm0, $0xb8;
	[tilespmem:$0x8080] =	vst v63  }
0x6a: {  	_ = 	snop  }
0x6b: {  	[tilespmem:s25], [sflag:$0x1] =	stream.indirect_vreg.gather [hbm4b:s5+s3], $0x80, v3, vm0, $0xb8;
	[tilespmem:$0x8080] =	vst v63  }
0x6c: {  	_ = 	snop  }
0x6d: {  	[tilespmem:s26], [sflag:$0x1] =	stream.indirect_vreg.gather [hbm4b:s6+s3], $0x80, v3, vm0, $0xb8;
	[tilespmem:$0x8080] =	vst v63  }
0x6e: {  	_ = 	snop  }
0x6f: {  	[tilespmem:s28], [sflag:$0x1] =	stream.indirect_vreg.gather [hbm4b:s7+s3], $0x80, v3, vm0, $0xb8;
	[tilespmem:$0x8080] =	vst v63  }
0x70: {  	_ = 	snop  }
0x71: {  	[tilespmem:s29], [sflag:$0x1] =	stream.indirect_vreg.gather [hbm4b:s8+s3], $0x80, v3, vm0, $0xb8;
	[tilespmem:$0x8080] =	vst v63  }
0x72: {  	_ = 	snop  }
0x73: {  	[tilespmem:s30], [sflag:$0x1] =	stream.indirect_vreg.gather [hbm4b:s9+s3], $0x80, v3, vm0, $0xb8;
	[tilespmem:$0x8080] =	vst v63  }
0x74: {  	_ = 	snop  }
0x75: {  	[tilespmem:s31], [sflag:$0x1] =	stream.indirect_vreg.gather [hbm4b:s10+s3], $0x80, v3, vm0, $0xb8;
	[tilespmem:$0x8080] =	vst v63  }
0x76: {  	_ =	swait.ge [sflag:s2], $0x8000  }
0x77: {  	[sflag:s2] =	ssyncset.done $0x0  }
0x78: {  	s0 =	rddreg [dreg:$0xa];
	[sflag:s2] =	ssyncadd.s32 $0xFFFF8000  }
0x79: {  	[hbm4b:s0+s3] =	stream.linear.scatter [tilespmem:s15], [sflag:$0x2], $0x8000, $0x38;
	[tilespmem:$0x8080] =	vst v63  }
0x7a: {  	_ =	swait.ge [sflag:s14], $0x8000  }
0x7b: {  	[sflag:s14] =	ssyncset.done $0x0  }
0x7c: {  	s0 =	rddreg [dreg:$0x6];
	[sflag:s14] =	ssyncadd.s32 $0xFFFF8000  }
0x7d: {  	[tilespmem:s3], [sflag:$0x2] =	stream.linear.gather [hbm4b:s0+s3], $0x10, $0x38;
	[tilespmem:$0x8080] =	vst v63  }
0x7e: {  	_ =	swait.ge [sflag:s14], $0x10  }
0x7f: {  	[sflag:s14] =	ssyncset.done $0x0  }
0x80: {  	[sflag:s14] =	ssyncadd.s32 $0xFFFFFFF0  }
0x81: {  	v3 =	vld [tilespmem:$0x0];
	_ =	sdelay $0x4  }
0x82: {  	v62 =	vshll.u32 v3, $0x4  }
0x83: {  	v3 =	vand.u32 $0x7, v3;
	v4 =	vand.u32 $0xFFFFFF80, v62  }
0x84: {  	v3 =	vor.u32 v3, v4  }
0x85: {  	v4 =	vperm.xlane v3, v0;
	_ =	sdelay $0x1  }
0x86: {  	v4 =	vadd.s32 v1, v4;
	_ =	sdelay $0x4  }
0x87: {  	[tilespmem:s15], [sflag:$0x1] =	stream.indirect_vreg.gather [hbm4b:s1+s3], $0x80, v4, vm0, $0xb8;
	[tilespmem:$0x8080] =	vst v63  }
0x88: {  	_ = 	snop  }
0x89: {  	[tilespmem:s16], [sflag:$0x1] =	stream.indirect_vreg.gather [hbm4b:s4+s3], $0x80, v4, vm0, $0xb8;
	[tilespmem:$0x8080] =	vst v63  }
0x8a: {  	_ = 	snop  }
0x8b: {  	[tilespmem:s17], [sflag:$0x1] =	stream.indirect_vreg.gather [hbm4b:s5+s3], $0x80, v4, vm0, $0xb8;
	[tilespmem:$0x8080] =	vst v63  }
0x8c: {  	_ = 	snop  }
0x8d: {  	[tilespmem:s18], [sflag:$0x1] =	stream.indirect_vreg.gather [hbm4b:s6+s3], $0x80, v4, vm0, $0xb8;
	[tilespmem:$0x8080] =	vst v63  }
0x8e: {  	_ = 	snop  }
0x8f: {  	[tilespmem:s19], [sflag:$0x1] =	stream.indirect_vreg.gather [hbm4b:s7+s3], $0x80, v4, vm0, $0xb8;
	[tilespmem:$0x8080] =	vst v63  }
0x90: {  	v3 =	vperm.xlane v3, v2  }
0x91: {  	[tilespmem:s20], [sflag:$0x1] =	stream.indirect_vreg.gather [hbm4b:s8+s3], $0x80, v4, vm0, $0xb8;
	[tilespmem:$0x8080] =	vst v63  }
0x92: {  	v3 =	vadd.s32 v1, v3  }
0x93: {  	[tilespmem:s21], [sflag:$0x1] =	stream.indirect_vreg.gather [hbm4b:s9+s3], $0x80, v4, vm0, $0xb8;
	[tilespmem:$0x8080] =	vst v63  }
0x94: {  	_ = 	snop  }
0x95: {  	[tilespmem:s22], [sflag:$0x1] =	stream.indirect_vreg.gather [hbm4b:s10+s3], $0x80, v4, vm0, $0xb8;
	[tilespmem:$0x8080] =	vst v63  }
0x96: {  	_ = 	snop  }
0x97: {  	[tilespmem:s23], [sflag:$0x1] =	stream.indirect_vreg.gather [hbm4b:s1+s3], $0x80, v3, vm0, $0xb8;
	[tilespmem:$0x8080] =	vst v63  }
0x98: {  	_ = 	snop  }
0x99: {  	[tilespmem:s24], [sflag:$0x1] =	stream.indirect_vreg.gather [hbm4b:s4+s3], $0x80, v3, vm0, $0xb8;
	[tilespmem:$0x8080] =	vst v63  }
0x9a: {  	_ = 	snop  }
0x9b: {  	[tilespmem:s25], [sflag:$0x1] =	stream.indirect_vreg.gather [hbm4b:s5+s3], $0x80, v3, vm0, $0xb8;
	[tilespmem:$0x8080] =	vst v63  }
0x9c: {  	_ = 	snop  }
0x9d: {  	[tilespmem:s26], [sflag:$0x1] =	stream.indirect_vreg.gather [hbm4b:s6+s3], $0x80, v3, vm0, $0xb8;
	[tilespmem:$0x8080] =	vst v63  }
0x9e: {  	_ = 	snop  }
0x9f: {  	[tilespmem:s28], [sflag:$0x1] =	stream.indirect_vreg.gather [hbm4b:s7+s3], $0x80, v3, vm0, $0xb8;
	[tilespmem:$0x8080] =	vst v63  }
0xa0: {  	_ = 	snop  }
0xa1: {  	[tilespmem:s29], [sflag:$0x1] =	stream.indirect_vreg.gather [hbm4b:s8+s3], $0x80, v3, vm0, $0xb8;
	[tilespmem:$0x8080] =	vst v63  }
0xa2: {  	_ = 	snop  }
0xa3: {  	[tilespmem:s30], [sflag:$0x1] =	stream.indirect_vreg.gather [hbm4b:s9+s3], $0x80, v3, vm0, $0xb8;
	[tilespmem:$0x8080] =	vst v63  }
0xa4: {  	_ = 	snop  }
0xa5: {  	[tilespmem:s31], [sflag:$0x1] =	stream.indirect_vreg.gather [hbm4b:s10+s3], $0x80, v3, vm0, $0xb8;
	[tilespmem:$0x8080] =	vst v63  }
0xa6: {  	_ =	swait.ge [sflag:s2], $0x8000  }
0xa7: {  	[sflag:s2] =	ssyncset.done $0x0  }
0xa8: {  	[sflag:s2] =	ssyncadd.s32 $0xFFFF8000  }
0xa9: {  	[hbm4b:s11+s3] =	stream.linear.scatter [tilespmem:s15], [sflag:$0x2], $0x8000, $0x38;
	[tilespmem:$0x8080] =	vst v63  }
0xaa: {  	_ =	swait.ge [sflag:s14], $0x8000  }
0xab: {  	[sflag:s14] =	ssyncset.done $0x0  }
0xac: {  	s0 =	rddreg [dreg:$0x7];
	[sflag:s14] =	ssyncadd.s32 $0xFFFF8000  }
0xad: {  	[tilespmem:s3], [sflag:$0x2] =	stream.linear.gather [hbm4b:s0+s3], $0x10, $0x38;
	[tilespmem:$0x8080] =	vst v63  }
0xae: {  	_ =	swait.ge [sflag:s14], $0x10  }
0xaf: {  	[sflag:s14] =	ssyncset.done $0x0  }
0xb0: {  	[sflag:s14] =	ssyncadd.s32 $0xFFFFFFF0  }
0xb1: {  	v3 =	vld [tilespmem:$0x0];
	_ =	sdelay $0x4  }
0xb2: {  	v63 =	vshll.u32 v3, $0x4  }
0xb3: {  	v3 =	vand.u32 $0x7, v3;
	v4 =	vand.u32 $0xFFFFFF80, v63  }
0xb4: {  	v3 =	vor.u32 v3, v4  }
0xb5: {  	v4 =	vperm.xlane v3, v0;
	_ =	sdelay $0x1  }
0xb6: {  	v4 =	vadd.s32 v1, v4;
	_ =	sdelay $0x4  }
0xb7: {  	[tilespmem:s15], [sflag:$0x1] =	stream.indirect_vreg.gather [hbm4b:s1+s3], $0x80, v4, vm0, $0xb8;
	[tilespmem:$0x8080] =	vst v63  }
0xb8: {  	_ = 	snop  }
0xb9: {  	[tilespmem:s16], [sflag:$0x1] =	stream.indirect_vreg.gather [hbm4b:s4+s3], $0x80, v4, vm0, $0xb8;
	[tilespmem:$0x8080] =	vst v63  }
0xba: {  	_ = 	snop  }
0xbb: {  	[tilespmem:s17], [sflag:$0x1] =	stream.indirect_vreg.gather [hbm4b:s5+s3], $0x80, v4, vm0, $0xb8;
	[tilespmem:$0x8080] =	vst v63  }
0xbc: {  	_ = 	snop  }
0xbd: {  	[tilespmem:s18], [sflag:$0x1] =	stream.indirect_vreg.gather [hbm4b:s6+s3], $0x80, v4, vm0, $0xb8;
	[tilespmem:$0x8080] =	vst v63  }
0xbe: {  	_ = 	snop  }
0xbf: {  	[tilespmem:s19], [sflag:$0x1] =	stream.indirect_vreg.gather [hbm4b:s7+s3], $0x80, v4, vm0, $0xb8;
	[tilespmem:$0x8080] =	vst v63  }
0xc0: {  	v3 =	vperm.xlane v3, v2  }
0xc1: {  	[tilespmem:s20], [sflag:$0x1] =	stream.indirect_vreg.gather [hbm4b:s8+s3], $0x80, v4, vm0, $0xb8;
	[tilespmem:$0x8080] =	vst v63  }
0xc2: {  	v3 =	vadd.s32 v1, v3  }
0xc3: {  	[tilespmem:s21], [sflag:$0x1] =	stream.indirect_vreg.gather [hbm4b:s9+s3], $0x80, v4, vm0, $0xb8;
	[tilespmem:$0x8080] =	vst v63  }
0xc4: {  	_ = 	snop  }
0xc5: {  	[tilespmem:s22], [sflag:$0x1] =	stream.indirect_vreg.gather [hbm4b:s10+s3], $0x80, v4, vm0, $0xb8;
	[tilespmem:$0x8080] =	vst v63  }
0xc6: {  	_ = 	snop  }
0xc7: {  	[tilespmem:s23], [sflag:$0x1] =	stream.indirect_vreg.gather [hbm4b:s1+s3], $0x80, v3, vm0, $0xb8;
	[tilespmem:$0x8080] =	vst v63  }
0xc8: {  	_ = 	snop  }
0xc9: {  	[tilespmem:s24], [sflag:$0x1] =	stream.indirect_vreg.gather [hbm4b:s4+s3], $0x80, v3, vm0, $0xb8;
	[tilespmem:$0x8080] =	vst v63  }
0xca: {  	_ = 	snop  }
0xcb: {  	[tilespmem:s25], [sflag:$0x1] =	stream.indirect_vreg.gather [hbm4b:s5+s3], $0x80, v3, vm0, $0xb8;
	[tilespmem:$0x8080] =	vst v63  }
0xcc: {  	_ = 	snop  }
0xcd: {  	[tilespmem:s26], [sflag:$0x1] =	stream.indirect_vreg.gather [hbm4b:s6+s3], $0x80, v3, vm0, $0xb8;
	[tilespmem:$0x8080] =	vst v63  }
0xce: {  	_ = 	snop  }
0xcf: {  	[tilespmem:s28], [sflag:$0x1] =	stream.indirect_vreg.gather [hbm4b:s7+s3], $0x80, v3, vm0, $0xb8;
	[tilespmem:$0x8080] =	vst v63  }
0xd0: {  	_ = 	snop  }
0xd1: {  	[tilespmem:s29], [sflag:$0x1] =	stream.indirect_vreg.gather [hbm4b:s8+s3], $0x80, v3, vm0, $0xb8;
	[tilespmem:$0x8080] =	vst v63  }
0xd2: {  	_ = 	snop  }
0xd3: {  	[tilespmem:s30], [sflag:$0x1] =	stream.indirect_vreg.gather [hbm4b:s9+s3], $0x80, v3, vm0, $0xb8;
	[tilespmem:$0x8080] =	vst v63  }
0xd4: {  	_ = 	snop  }
0xd5: {  	[tilespmem:s31], [sflag:$0x1] =	stream.indirect_vreg.gather [hbm4b:s10+s3], $0x80, v3, vm0, $0xb8;
	[tilespmem:$0x8080] =	vst v63  }
0xd6: {  	_ =	swait.ge [sflag:s2], $0x8000  }
0xd7: {  	p0 =	sne.s32 s13, $0x1;
	[sflag:s2] =	ssyncset.done $0x0  }
.Ltmp0:
0xd8: {  	[sflag:s2] =	ssyncadd.s32 $0xFFFF8000;
	(pc) =	sbr.rel @p0 .LBB2_1-.Ltmp0, $4  }
0xd9: {  	[hbm4b:s12+s3] =	stream.linear.scatter [tilespmem:s15], [sflag:$0x2], $0x8000, $0x38;
	[tilespmem:$0x8080] =	vst v63  }
0xda: {  	_ =	swait.ge [sflag:s14], $0x8000  }
0xdb: {  	[sflag:s14] =	ssyncset.done $0x0  }
0xdc: {  	s13 =	sadd.s32 $0xFFFFFFFF, s13;
	[sflag:s14] =	ssyncadd.s32 $0xFFFF8000  }
0xdd: {  	_ =	sfence.sel $0x180000  }
0xde: {  	[bflag:$0x0] =	sbarrier.arrive $0xFFFF  }
0xdf: {  	_ =	strace $0x90000047  }
0xe0: {  	s0 =	stileid.u32;
	[bflag:$0x2] =	sbarrier.arrive $0xFFFF  }
0xe1: {  	p0 =	sne.s32 s0, $0x0;
	s0 =	rddreg [dreg:$0x4]  }
0xe2: {  	s0 =	sadd.s32 @!p0 $0x100000, s0  }
0xe3: {  	[sflag:s0] =	ssyncadd.tile.s32 @!p0 $0x1;
	_ =	shalt  }
.Lfunc_end2:
_tile_overlayer_lowered:
.L_overlay_start_2:
0xe4: {  	(tag) =	ssettag $0x2  }
0xe5: {  	s0 =	rddreg [dreg:$0x0];
	s2 =	stileid.u32  }
0xe6: {  	s1 =	rddreg [dreg:$0x1];
	p0 =	sne.s32 s2, $0x0  }
0xe7: {  	s3 =	rddreg [dreg:$0x2];
	[bflag:$0x3] =	sbarrier.arrive $0xFFFF;
	s2 =	simm.s32 @!p0 $0x1C02  }
0xe8: {  	[timem:s3], [sflag:s2] =	dma.local @!p0 [hbm:s0], s1  }
0xe9: {  	s0 =	simm.s32 @!p0 $0x2  }
0xea: {  	_ =	swait.ge @!p0 [sflag:s0], s1  }
0xeb: {  	s1 =	ssub.s32 @!p0 $0x0, s1;
	[sflag:s0] =	ssyncset.done @!p0 $0x0  }
0xec: {  	[sflag:s0] =	ssyncadd.s32 @!p0 s1  }
0xed: {  	[bflag:$0x3] =	sbarrier.arrive $0xFFFF  }
0xee: {  	_ =	shalt  }

</sc_bundles>
